<compile_context>
chip_gen: v7x
topology: tpu7x:2x2x1
jax: 0.10.2.dev20260603
libtpu: 0.0.44.dev20260713+nightly
codegen_flags: <defaults>
</compile_context>

<pallas_src>
import functools

import numpy as np
import jax
import jax.numpy as jnp
from jax import lax
from jax.experimental import pallas as pl
from jax.experimental.pallas import tpu as pltpu
from jax.experimental.pallas import tpu_sc as plsc

_NS = 32
_SH = 9
_WN = _NS * _SH
_NCLS = 14
_NPROT = 50000
_NPHARM = 10000
_NTAB = _NPROT + _NPHARM
_E1 = 320000
_E2 = 128000
_NE_ALL = 2 * _E1 + 2 * _E2

_EB = 2560
_NW = 32
_GC = 1000
_SCC = 80

_R_NP = np.zeros((_NS, _WN), np.float32)
for _i in range(_NS):
    _R_NP[_i, _i * _SH:(_i + 1) * _SH] = 1.0
_S_NP = np.zeros((_SH, _WN), np.float32)
for _j in range(_SH):
    _S_NP[_j, _j::_SH] = 1.0

_S3, _S5, _S15 = 3.0 ** 0.5, 5.0 ** 0.5, 15.0 ** 0.5
_C_NP = np.zeros((9, 9), np.float32)
_C_NP[1, 1] = _S3
_C_NP[2, 2] = _S3
_C_NP[0, 3] = _S3
_C_NP[6, 4] = _S15
_C_NP[7, 5] = _S15
_C_NP[5, 6] = 1.5 * _S5
_C_NP[8, 7] = _S15
_C_NP[3, 8] = 0.5 * _S15
_C_NP[4, 8] = -0.5 * _S15
_E_NP = np.zeros((9,), np.float32)
_E_NP[0] = 1.0
_E_NP[6] = -0.5 * _S5
_CS_NP = _C_NP @ _S_NP
_ES_NP = (_E_NP @ _S_NP).reshape(1, _WN)


def _pharm_body(x_ref, w1_ref, b1_ref, w2_ref, b2_ref, o_ref):
    h = jnp.maximum(x_ref[...] @ w1_ref[...] + b1_ref[...], 0.0)
    o_ref[...] = h @ w2_ref[...] + b2_ref[...]


def _pharm_call(x, w1, b1, w2, b2):
    return pl.pallas_call(
        _pharm_body,
        out_shape=jax.ShapeDtypeStruct((_NPHARM, _NS), jnp.float32),
    )(x, w1, b1, w2, b2)


def _prot_body(idx_ref, tab_ref, w_ref, b_ref, o_ref):
    t2 = jnp.maximum(tab_ref[...], 0.0) @ w_ref[...] + b_ref[...]
    idx = idx_ref[...]
    onehot = (idx == lax.broadcasted_iota(jnp.int32, (idx.shape[0], _NCLS), 1)
              ).astype(jnp.float32)
    o_ref[...] = onehot @ t2


def _prot_call(idx2d, tab, w, b):
    blk = 10000
    return pl.pallas_call(
        _prot_body,
        grid=(_NPROT // blk,),
        in_specs=[
            pl.BlockSpec((blk, 1), lambda i: (i, 0)),
            pl.BlockSpec((_NCLS, _NS), lambda i: (0, 0)),
            pl.BlockSpec((_NS, _NS), lambda i: (0, 0)),
            pl.BlockSpec((1, _NS), lambda i: (0, 0)),
        ],
        out_specs=pl.BlockSpec((blk, _NS), lambda i: (i, 0)),
        out_shape=jax.ShapeDtypeStruct((_NPROT, _NS), jnp.float32),
    )(idx2d, tab, w, b)


@functools.lru_cache(maxsize=None)
def _sc_mesh():
    return plsc.VectorSubcoreMesh(core_axis_name="c", subcore_axis_name="s")


@functools.lru_cache(maxsize=None)
def _sc_gather_kernel():
    @functools.partial(
        pl.kernel,
        out_type=jax.ShapeDtypeStruct((_NE_ALL, _NS), jnp.float32),
        mesh=_sc_mesh(),
        scratch_types=[
            pltpu.VMEM((_E1 // _NW,), jnp.int32),
            pltpu.VMEM((2, _GC, _NS), jnp.float32),
            pltpu.SemaphoreType.DMA,
            pltpu.SemaphoreType.DMA,
            pltpu.SemaphoreType.DMA,
            pltpu.SemaphoreType.DMA,
        ],
        compiler_params=pltpu.CompilerParams(use_tc_tiling_on_sc=False),
    )
    def _sc_gather(prot_hbm, pharm_hbm, i1_hbm, i2_hbm, i3_hbm, i4_hbm,
                   out_hbm, idx_v, rows_v, sg0, sg1, sw0, sw1):
        wid = lax.axis_index("s") * 2 + lax.axis_index("c")
        sg = (sg0, sg1)
        sw = (sw0, sw1)

        def seg(tab_hbm, idx_hbm, n, out_base):
            per = n // _NW
            nb = per // _GC
            base = wid * per
            pltpu.sync_copy(idx_hbm.at[pl.ds(base, per)],
                            idx_v.at[pl.ds(0, per)])
            g = pltpu.async_copy(tab_hbm.at[idx_v.at[pl.ds(0, _GC)]],
                                 rows_v.at[0], sg[0])
            prev_w = None
            for j in range(nb):
                g.wait()
                if prev_w is not None:
                    prev_w.wait()
                if j + 1 < nb:
                    g = pltpu.async_copy(
                        tab_hbm.at[idx_v.at[pl.ds((j + 1) * _GC, _GC)]],
                        rows_v.at[(j + 1) % 2], sg[(j + 1) % 2])
                prev_w = pltpu.async_copy(
                    rows_v.at[j % 2],
                    out_hbm.at[pl.ds(out_base + base + j * _GC, _GC),
                               pl.ds(0, _NS)],
                    sw[j % 2])
            prev_w.wait()

        seg(prot_hbm, i1_hbm, _E1, 0)
        seg(pharm_hbm, i2_hbm, _E1, _E1)
        seg(pharm_hbm, i3_hbm, _E2, 2 * _E1)
        seg(pharm_hbm, i4_hbm, _E2, 2 * _E1 + _E2)

    return _sc_gather


def _edge_body(vt_ref, xs_ref, xd_ref, dw1_ref, db1_ref, dw2_ref, db2_ref,
               cw1_ref, cb1_ref, cw2_ref, cb2_ref, r_ref, cs_ref, es_ref,
               off_ref, p_ref, o_ref, *, B):
    bf = jnp.bfloat16
    dot = functools.partial(jax.lax.dot, preferred_element_type=jnp.float32)
    dot0 = lambda a, b: lax.dot_general(
        a, b, (((0,), (0,)), ((), ())), preferred_element_type=jnp.float32)

    vt = vt_ref[...]
    ss = jnp.sum(vt * vt, axis=0, keepdims=True)
    rinv = lax.rsqrt(ss + 1e-12)
    dist = ss * rinv
    u = vt * rinv
    ur = jnp.concatenate([u[1:3], u[0:1]], axis=0)
    mono = jnp.concatenate([u, u * u, u * ur], axis=0)
    sh_tile = dot0(mono.astype(bf), cs_ref[...].astype(bf)) + es_ref[...]

    step = 6.0 / 49.0
    dd = dist - off_ref[...]
    g = jnp.exp((-0.5 / (step * step)) * dd * dd)
    hd = jnp.maximum(dot0(dw1_ref[...], g) + db1_ref[...], 0.0)

    cw1 = cw1_ref[...]
    dcw = dot(dw2_ref[...], cw1[0:_NS])
    bfold = cb1_ref[...] + dot(db2_ref[...], cw1[0:_NS])
    xs = xs_ref[...].astype(bf)
    hid = jnp.maximum(
        dot0(hd.astype(bf), dcw.astype(bf))
        + dot(xs, cw1[_NS:2 * _NS].astype(bf))
        + dot(xd_ref[...].astype(bf), cw1[2 * _NS:].astype(bf))
        + bfold, 0.0)
    w = dot(hid.astype(bf), cw2_ref[...].astype(bf)) + cb2_ref[...]
    m = dot(xs, r_ref[...].astype(bf)) * sh_tile * w
    o_ref[...] = dot(m.astype(bf), p_ref[...].astype(bf))


def _edge_conv(gath, vec_t, xs_off, xd_off, n_edges,
               dw1, db1, dw2, db2, cw1, cb1, cw2, cb2, rmat, csmat, esmat,
               offmat, p32):
    B = _EB
    nb = n_edges // B
    full = lambda shape: pl.BlockSpec(shape, lambda i: (0, 0))
    return pl.pallas_call(
        functools.partial(_edge_body, B=B),
        grid=(nb,),
        in_specs=[
            pl.BlockSpec((3, B), lambda i: (0, i)),
            pl.BlockSpec((B, _NS), lambda i, o=xs_off: (i + o, 0)),
            pl.BlockSpec((B, _NS), lambda i, o=xd_off: (i + o, 0)),
            full((50, _NS)), full((_NS, 1)), full((_NS, _NS)), full((1, _NS)),
            full((3 * _NS, 3 * _NS)), full((1, 3 * _NS)),
            full((3 * _NS, _WN)), full((1, _WN)),
            full((_NS, _WN)), full((_SH, _WN)), full((1, _WN)),
            full((50, B)),
            full((_WN, _NS)),
        ],
        out_specs=pl.BlockSpec((B, _NS), lambda i: (i, 0)),
        out_shape=jax.ShapeDtypeStruct((n_edges, _NS), jnp.float32),
    )(vec_t, gath, gath, dw1, db1, dw2, db2, cw1, cb1, cw2, cb2,
      rmat, csmat, esmat, offmat, p32)


_SCT = 1000


@functools.lru_cache(maxsize=None)
def _sc_scatter_kernel(n_edges):
    per = n_edges // _NW
    nb = per // _SCT

    @functools.partial(
        pl.kernel,
        out_type=jax.ShapeDtypeStruct((2, _NPHARM, _NS), jnp.float32),
        mesh=_sc_mesh(),
        scratch_types=[
            pltpu.VMEM_SHARED((_NPHARM, _NS), jnp.float32),
            pltpu.VMEM((nb, _SCT), jnp.int32),
            pltpu.VMEM((2, _SCT, _NS), jnp.float32),
            pltpu.SemaphoreType.DMA,
            pltpu.SemaphoreType.DMA,
            pltpu.SemaphoreType.DMA,
            pltpu.SemaphoreType.DMA,
        ],
        compiler_params=pltpu.CompilerParams(use_tc_tiling_on_sc=False),
    )
    def _sc_scatter(y_hbm, d_hbm, zeros_hbm, out_hbm, acc, idx_v, rows_v,
                    si0, si1, sr0, sr1):
        c = lax.axis_index("c")
        s = lax.axis_index("s")
        wid = s * 2 + c
        rows_per = _NPHARM // 16
        pltpu.sync_copy(zeros_hbm.at[pl.ds(s * rows_per, rows_per)],
                        acc.at[pl.ds(s * rows_per, rows_per)])
        plsc.subcore_barrier()
        base = wid * per
        si = (si0, si1)
        sr = (sr0, sr1)
        hi = pltpu.async_copy(d_hbm.at[pl.ds(base, _SCT)], idx_v.at[0], si[0])
        hr = pltpu.async_copy(y_hbm.at[pl.ds(base, _SCT), pl.ds(0, _NS)],
                              rows_v.at[0], sr[0])
        for j in range(nb):
            hi.wait()
            hr.wait()
            if j + 1 < nb:
                off = base + (j + 1) * _SCT
                hi = pltpu.async_copy(d_hbm.at[pl.ds(off, _SCT)],
                                      idx_v.at[j + 1], si[(j + 1) % 2])
                hr = pltpu.async_copy(y_hbm.at[pl.ds(off, _SCT),
                                               pl.ds(0, _NS)],
                                      rows_v.at[(j + 1) % 2], sr[(j + 1) % 2])
            pltpu.sync_copy(rows_v.at[j % 2], acc.at[idx_v.at[j]], add=True)
        plsc.subcore_barrier()
        pltpu.sync_copy(acc.at[pl.ds(s * rows_per, rows_per)],
                        out_hbm.at[c, pl.ds(s * rows_per, rows_per)])

    return _sc_scatter


def _fin_body(a1_ref, a2_ref, hp_ref, w1_ref, w2_ref, o_ref):
    new = (a1_ref[0] + a1_ref[1]) + (a2_ref[0] + a2_ref[1]) + hp_ref[...]
    o_ref[...] = jnp.maximum(new @ w1_ref[...], 0.0) @ w2_ref[...]


def _fin_call(acc1, acc2, h_pharm, w1, w2):
    return pl.pallas_call(
        _fin_body,
        out_shape=jax.ShapeDtypeStruct((_NPHARM, 1), jnp.float32),
    )(acc1, acc2, h_pharm, w1, w2)


def kernel(x_prot, x_pharm, pp_src, pp_dst, ppp_edge_index, edge_vec_pp,
           edge_vec_ppp, prot_emb_table, prot_lin_W, prot_lin_b,
           pharm_W1, pharm_b1, pharm_W2, pharm_b2,
           epp_W1, epp_b1, epp_W2, epp_b2,
           epr_W1, epr_b1, epr_W2, epr_b2,
           cpp_W1, cpp_b1, cpp_W2, cpp_b2, cpp_P,
           crev_W1, crev_b1, crev_W2, crev_b2, crev_P,
           cppp_W1, cppp_b1, cppp_W2, cppp_b2, cppp_P,
           fin_W1, fin_W2):
    row = lambda v: v.reshape(1, -1)
    h_pharm = _pharm_call(x_pharm, pharm_W1, row(pharm_b1),
                          pharm_W2, row(pharm_b2))
    h_prot = _prot_call(x_prot.astype(jnp.int32).reshape(_NPROT, 1),
                        prot_emb_table, prot_lin_W, row(prot_lin_b))

    src1 = pp_src.astype(jnp.int32)
    dst1 = pp_dst.astype(jnp.int32)
    src2 = ppp_edge_index[0].astype(jnp.int32)
    dst2 = ppp_edge_index[1].astype(jnp.int32)
    gath = _sc_gather_kernel()(h_prot, h_pharm, src1, dst1, src2, dst2)

    rmat = jnp.asarray(_R_NP)
    csmat = jnp.asarray(_CS_NP)
    esmat = jnp.asarray(_ES_NP)
    offmat = jnp.asarray(np.broadcast_to(
        np.linspace(0.0, 6.0, 50, dtype=np.float32).reshape(50, 1),
        (50, _EB)).copy())
    col = lambda v: v.reshape(-1, 1)
    y1 = _edge_conv(gath, edge_vec_pp.T, 0, _E1 // _EB, _E1,
                    epr_W1, col(epr_b1), epr_W2, row(epr_b2),
                    cpp_W1, row(cpp_b1), cpp_W2, row(cpp_b2),
                    rmat, csmat, esmat, offmat, cpp_P[:, :_NS])
    y2 = _edge_conv(gath, edge_vec_ppp.T, 2 * _E1 // _EB,
                    2 * _E1 // _EB + _E2 // _EB, _E2,
                    epp_W1, col(epp_b1), epp_W2, row(epp_b2),
                    cppp_W1, row(cppp_b1), cppp_W2, row(cppp_b2),
                    rmat, csmat, esmat, offmat, cppp_P[:, :_NS])

    zeros = jnp.zeros((_NPHARM, _NS), jnp.float32)
    acc1 = _sc_scatter_kernel(_E1)(y1, dst1, zeros)
    acc2 = _sc_scatter_kernel(_E2)(y2, dst2, zeros)
    return _fin_call(acc1, acc2, h_pharm, fin_W1, fin_W2)

# --- scband reference (transcript-rebuilt; emitter-appended) ---
"""Pipeline reference for scband-se3-nn-78271484002961 (READ-ONLY COPY).

The authoritative reference and input builder live on the scoring server;
editing this copy changes nothing except your own understanding.
"""

import jax, jax.numpy as jnp
import numpy as np

NS = 32
NV = 8
SH_DIM = 9
OUT_DIM = NS + NV * 3 + NV * 5
WN = NS * SH_DIM
N_PROT = 50000
N_PHARM = 10000
E1 = 320000
E2 = 128000


def _mlp(x, W1, b1, W2, b2):
    return jnp.maximum(x @ W1 + b1, 0.0) @ W2 + b2


def _gauss(dist):
    offset = jnp.linspace(0.0, 6.0, 50)
    coeff = -0.5 / (offset[1] - offset[0]) ** 2
    d = dist[:, None] - offset[None, :]
    return jnp.exp(coeff * d * d)


def _sh(vec):
    n = jnp.sqrt(jnp.sum(vec * vec, axis=-1, keepdims=True) + 1e-12)
    u = vec / n
    x, y, z = u[:, 0], u[:, 1], u[:, 2]
    s3 = 3.0 ** 0.5
    s5 = 5.0 ** 0.5
    s15 = 15.0 ** 0.5
    return jnp.stack([jnp.ones_like(x), s3 * y, s3 * z, s3 * x, s15 * x * y, s15 * y * z, 0.5 * s5 * (3.0 * z * z - 1.0), s15 * x * z, 0.5 * s15 * (x * x - y * y)], axis=-1)


def _conv(h_src, h_dst, src, dst, sh, demb, W1, b1, W2, b2, P, n_out):
    xs = h_src[src][:, :NS]
    xd = h_dst[dst][:, :NS]
    ea = jnp.concatenate([demb, xs, xd], axis=1)
    w = _mlp(ea, W1, b1, W2, b2).reshape(-1, NS, SH_DIM)
    m = (xs[:, :, None] * sh[:, None, :] * w).reshape(-1, WN)
    return jax.ops.segment_sum(m @ P, dst, num_segments=n_out)


def _forward(fl, ints):
    h_prot = jnp.maximum(fl['prot_emb_table'][ints['x_prot']], 0.0) @ fl['prot_lin_W'] + fl['prot_lin_b']
    h_pharm = _mlp(fl['x_pharm'], fl['pharm_W1'], fl['pharm_b1'], fl['pharm_W2'], fl['pharm_b2'])
    vpp = fl['edge_vec_pp']
    vppp = fl['edge_vec_ppp']
    sh_pp = _sh(vpp)
    sh_rev = _sh(-vpp)
    sh_ppp = _sh(vppp)
    dpp = jnp.sqrt(jnp.sum(vpp * vpp, axis=1) + 1e-12)
    dppp = jnp.sqrt(jnp.sum(vppp * vppp, axis=1) + 1e-12)
    demb_pp = _mlp(_gauss(dpp), fl['epr_W1'], fl['epr_b1'], fl['epr_W2'], fl['epr_b2'])
    demb_ppp = _mlp(_gauss(dppp), fl['epp_W1'], fl['epp_b1'], fl['epp_W2'], fl['epp_b2'])
    src = ints['pp_src']
    dst = ints['pp_dst']
    ppp = ints['ppp_edge_index']
    out_p1 = _conv(h_prot, h_pharm, src, dst, sh_pp, demb_pp, fl['cpp_W1'], fl['cpp_b1'], fl['cpp_W2'], fl['cpp_b2'], fl['cpp_P'], N_PHARM)
    out_p2 = _conv(h_pharm, h_pharm, ppp[0], ppp[1], sh_ppp, demb_ppp, fl['cppp_W1'], fl['cppp_b1'], fl['cppp_W2'], fl['cppp_b2'], fl['cppp_P'], N_PHARM)
    out_prot = _conv(h_pharm, h_prot, dst, src, sh_rev, demb_pp, fl['crev_W1'], fl['crev_b1'], fl['crev_W2'], fl['crev_b2'], fl['crev_P'], N_PROT)
    new_pharm = out_p1 + out_p2 + jnp.pad(h_pharm, ((0, 0), (0, OUT_DIM - NS)))
    new_prot = out_prot + jnp.pad(h_prot, ((0, 0), (0, OUT_DIM - NS)))
    scores = jnp.maximum(new_pharm[:, :NS] @ fl['fin_W1'], 0.0) @ fl['fin_W2']
    return scores


def setup_inputs(seed: int = 0):
    key = jax.random.key(seed)
    ks = jax.random.split(key, 48)
    d = {}
    d['x_prot'] = jax.random.randint(ks[0], (N_PROT,), 0, 14)
    d['x_pharm'] = jax.random.normal(ks[1], (N_PHARM, NS), dtype=jnp.float32)
    d['pp_src'] = jax.random.randint(ks[2], (E1,), 0, N_PROT)
    d['pp_dst'] = jax.random.randint(ks[3], (E1,), 0, N_PHARM)
    d['ppp_edge_index'] = jax.random.randint(ks[4], (2, E2), 0, N_PHARM)
    d['edge_vec_pp'] = jax.random.normal(ks[5], (E1, 3), dtype=jnp.float32)
    d['edge_vec_ppp'] = jax.random.normal(ks[6], (E2, 3), dtype=jnp.float32)
    i = [7]
    def p(shape):
        out = 0.1 * jax.random.normal(ks[i[0]], shape, dtype=jnp.float32)
        i[0] += 1
        return out
    d['prot_emb_table'] = p((14, NS))
    d['prot_lin_W'] = p((NS, NS))
    d['prot_lin_b'] = p((NS,))
    d['pharm_W1'] = p((NS, NS))
    d['pharm_b1'] = p((NS,))
    d['pharm_W2'] = p((NS, NS))
    d['pharm_b2'] = p((NS,))
    d['epp_W1'] = p((50, NS))
    d['epp_b1'] = p((NS,))
    d['epp_W2'] = p((NS, NS))
    d['epp_b2'] = p((NS,))
    d['epr_W1'] = p((50, NS))
    d['epr_b1'] = p((NS,))
    d['epr_W2'] = p((NS, NS))
    d['epr_b2'] = p((NS,))
    for t in ('cpp', 'crev', 'cppp'):
        d[t + '_W1'] = p((3 * NS, 3 * NS))
        d[t + '_b1'] = p((3 * NS,))
        d[t + '_W2'] = p((3 * NS, WN))
        d[t + '_b2'] = p((WN,))
        d[t + '_P'] = p((WN, OUT_DIM))
    d['fin_W1'] = p((NS, NS))
    d['fin_W2'] = p((NS, 1))
    return d


def reference(x_prot, x_pharm, pp_src, pp_dst, ppp_edge_index, edge_vec_pp,
              edge_vec_ppp, prot_emb_table, prot_lin_W, prot_lin_b,
              pharm_W1, pharm_b1, pharm_W2, pharm_b2,
              epp_W1, epp_b1, epp_W2, epp_b2,
              epr_W1, epr_b1, epr_W2, epr_b2,
              cpp_W1, cpp_b1, cpp_W2, cpp_b2, cpp_P,
              crev_W1, crev_b1, crev_W2, crev_b2, crev_P,
              cppp_W1, cppp_b1, cppp_W2, cppp_b2, cppp_P,
              fin_W1, fin_W2):
    ints = {'x_prot': x_prot, 'pp_src': pp_src, 'pp_dst': pp_dst,
            'ppp_edge_index': ppp_edge_index}
    fl = {'x_pharm': x_pharm, 'edge_vec_pp': edge_vec_pp,
          'edge_vec_ppp': edge_vec_ppp, 'prot_emb_table': prot_emb_table,
          'prot_lin_W': prot_lin_W, 'prot_lin_b': prot_lin_b,
          'pharm_W1': pharm_W1, 'pharm_b1': pharm_b1,
          'pharm_W2': pharm_W2, 'pharm_b2': pharm_b2,
          'epp_W1': epp_W1, 'epp_b1': epp_b1, 'epp_W2': epp_W2, 'epp_b2': epp_b2,
          'epr_W1': epr_W1, 'epr_b1': epr_b1, 'epr_W2': epr_W2, 'epr_b2': epr_b2,
          'cpp_W1': cpp_W1, 'cpp_b1': cpp_b1, 'cpp_W2': cpp_W2,
          'cpp_b2': cpp_b2, 'cpp_P': cpp_P,
          'crev_W1': crev_W1, 'crev_b1': crev_b1, 'crev_W2': crev_W2,
          'crev_b2': crev_b2, 'crev_P': crev_P,
          'cppp_W1': cppp_W1, 'cppp_b1': cppp_b1, 'cppp_W2': cppp_W2,
          'cppp_b2': cppp_b2, 'cppp_P': cppp_P,
          'fin_W1': fin_W1, 'fin_W2': fin_W2}
    return _forward(fl, ints)

if __name__ == "__main__":
    import jax
    _d = setup_inputs()
    print(jax.jit(kernel)(*tuple(_d.values())))

</pallas_src>

<mosaic_0001>
#map = affine_map<(d0, d1) -> (0, 0)>
#map1 = affine_map<(d0, d1) -> (0)>
#map2 = affine_map<(d0, d1) -> (0, 0, 0)>
module attributes {stable_mosaic.version = 14 : i64} {
  func.func @_sc_scatter(%arg0: i32, %arg1: i32, %arg2: memref<128000x32xf32, #tpu.memory_space<hbm>>, %arg3: memref<128000xi32, #tpu.memory_space<hbm>>, %arg4: memref<10000x32xf32, #tpu.memory_space<hbm>>, %arg5: memref<2x10000x32xf32, #tpu.memory_space<hbm>>, %arg6: memref<10000x32xf32, #tpu.memory_space<vmem_shared>>, %arg7: memref<4x1000xi32, #tpu.memory_space<vmem>>, %arg8: memref<2x1000x32xf32, #tpu.memory_space<vmem>>, %arg9: memref<!tpu.dma_semaphore, #tpu.memory_space<semaphore_mem>>, %arg10: memref<!tpu.dma_semaphore, #tpu.memory_space<semaphore_mem>>, %arg11: memref<!tpu.dma_semaphore, #tpu.memory_space<semaphore_mem>>, %arg12: memref<!tpu.dma_semaphore, #tpu.memory_space<semaphore_mem>>) attributes {dimension_semantics = [#tpu.dimension_semantics<core_parallel>, #tpu.dimension_semantics<subcore_parallel>], iteration_bounds = array<i64: 2, 16>, scalar_prefetch = 0 : i64, scratch_operands = 7 : i64, tpu.core_type = #tpu.core_type<sc_vector_subcore>, window_params = [{transform_indices = #map}, {transform_indices = #map1}, {transform_indices = #map}, {transform_indices = #map2}]} {
    %mul3A = arith.constant 2 : i32
    %mul3A_0 = arith.muli %arg1, %mul3A : i32
    %add3A = arith.addi %mul3A_0, %arg0 : i32
    %mul3A_1 = arith.constant 625 : i32
    %mul3A_2 = arith.muli %arg1, %mul3A_1 : i32
    %mul3A_3 = arith.constant 625 : i32
    %mul3A_4 = arith.muli %arg1, %mul3A_3 : i32
    "tpu.region"() ({
      %run_scoped3A_199 = tpu.sem_alloc : memref<!tpu.dma_semaphore, #tpu.memory_space<semaphore_mem>>
      %dma_start3A_200 = arith.constant 0 : i32
      %dma_start3A_201 = tpu.memref_slice %arg6[%mul3A_4, %dma_start3A_200] : memref<10000x32xf32, #tpu.memory_space<vmem_shared>> -> memref<625x32xf32, #tpu.memory_space<vmem_shared>>
      %dma_start3A_202 = arith.constant 0 : i32
      %dma_start3A_203 = tpu.memref_slice %arg4[%mul3A_2, %dma_start3A_202] : memref<10000x32xf32, #tpu.memory_space<hbm>> -> memref<625x32xf32, #tpu.memory_space<hbm>>
      tpu.enqueue_dma source(%dma_start3A_203 : memref<625x32xf32, #tpu.memory_space<hbm>>) target(%dma_start3A_201 : memref<625x32xf32, #tpu.memory_space<vmem_shared>>) target_semaphore(%run_scoped3A_199 : memref<!tpu.dma_semaphore, #tpu.memory_space<semaphore_mem>>)
      %dma_wait3A_204 = arith.constant 0 : i32
      %dma_wait3A_205 = tpu.memref_slice %arg6[%mul3A_4, %dma_wait3A_204] : memref<10000x32xf32, #tpu.memory_space<vmem_shared>> -> memref<625x32xf32, #tpu.memory_space<vmem_shared>>
      %dma_wait3A_206 = arith.constant 0 : i32
      %dma_wait3A_207 = tpu.memref_slice %arg4[%mul3A_2, %dma_wait3A_206] : memref<10000x32xf32, #tpu.memory_space<hbm>> -> memref<625x32xf32, #tpu.memory_space<hbm>>
      tpu.wait_dma2 semaphore(%run_scoped3A_199 : memref<!tpu.dma_semaphore, #tpu.memory_space<semaphore_mem>>) src(%dma_wait3A_207 : memref<625x32xf32, #tpu.memory_space<hbm>>) dst(%dma_wait3A_205 : memref<625x32xf32, #tpu.memory_space<vmem_shared>>)
      tpu.yield
    }) : () -> ()
    %barrier3A = arith.constant 0 : index
    tpu.barrier barrier_id(%barrier3A)
    %mul3A_5 = arith.constant 4000 : i32
    %mul3A_6 = arith.muli %add3A, %mul3A_5 : i32
    %dma_start3A = arith.constant 0 : i32
    %dma_start3A_7 = arith.constant 0 : i32
    %dma_start3A_8 = tpu.memref_slice %arg7[%dma_start3A, %dma_start3A_7] : memref<4x1000xi32, #tpu.memory_space<vmem>> -> memref<1x1000xi32, #tpu.memory_space<vmem>>
    %dma_start3A_9 = tpu.memref_squeeze %dma_start3A_8 : memref<1x1000xi32, #tpu.memory_space<vmem>> -> memref<1000xi32, #tpu.memory_space<vmem>>
    %dma_start3A_10 = tpu.memref_slice %arg3[%mul3A_6] : memref<128000xi32, #tpu.memory_space<hbm>> -> memref<1000xi32, #tpu.memory_space<hbm>>
    %dma_start3A_11 = arith.constant 0 : i32
    %dma_start3A_12 = tpu.memref_slice %arg7[%dma_start3A, %dma_start3A_11] : memref<4x1000xi32, #tpu.memory_space<vmem>> -> memref<1x1000xi32, #tpu.memory_space<vmem>>
    %dma_start3A_13 = tpu.memref_squeeze %dma_start3A_12 : memref<1x1000xi32, #tpu.memory_space<vmem>> -> memref<1000xi32, #tpu.memory_space<vmem>>
    %dma_start3A_14 = tpu.memref_slice %arg3[%mul3A_6] : memref<128000xi32, #tpu.memory_space<hbm>> -> memref<1000xi32, #tpu.memory_space<hbm>>
    tpu.enqueue_dma source(%dma_start3A_14 : memref<1000xi32, #tpu.memory_space<hbm>>) target(%dma_start3A_13 : memref<1000xi32, #tpu.memory_space<vmem>>) target_semaphore(%arg9 : memref<!tpu.dma_semaphore, #tpu.memory_space<semaphore_mem>>)
    %dma_start3A_15 = arith.constant 0 : i32
    %dma_start3A_16 = arith.constant 0 : i32
    %dma_start3A_17 = arith.constant 0 : i32
    %dma_start3A_18 = tpu.memref_slice %arg8[%dma_start3A_15, %dma_start3A_16, %dma_start3A_17] : memref<2x1000x32xf32, #tpu.memory_space<vmem>> -> memref<1x1000x32xf32, #tpu.memory_space<vmem>>
    %dma_start3A_19 = tpu.memref_squeeze %dma_start3A_18 : memref<1x1000x32xf32, #tpu.memory_space<vmem>> -> memref<1000x32xf32, #tpu.memory_space<vmem>>
    %dma_start3A_20 = arith.constant 0 : i32
    %dma_start3A_21 = tpu.memref_slice %arg2[%mul3A_6, %dma_start3A_20] : memref<128000x32xf32, #tpu.memory_space<hbm>> -> memref<1000x32xf32, #tpu.memory_space<hbm>>
    %dma_start3A_22 = arith.constant 0 : i32
    %dma_start3A_23 = arith.constant 0 : i32
    %dma_start3A_24 = tpu.memref_slice %arg8[%dma_start3A_15, %dma_start3A_22, %dma_start3A_23] : memref<2x1000x32xf32, #tpu.memory_space<vmem>> -> memref<1x1000x32xf32, #tpu.memory_space<vmem>>
    %dma_start3A_25 = tpu.memref_squeeze %dma_start3A_24 : memref<1x1000x32xf32, #tpu.memory_space<vmem>> -> memref<1000x32xf32, #tpu.memory_space<vmem>>
    %dma_start3A_26 = arith.constant 0 : i32
    %dma_start3A_27 = tpu.memref_slice %arg2[%mul3A_6, %dma_start3A_26] : memref<128000x32xf32, #tpu.memory_space<hbm>> -> memref<1000x32xf32, #tpu.memory_space<hbm>>
    tpu.enqueue_dma source(%dma_start3A_27 : memref<1000x32xf32, #tpu.memory_space<hbm>>) target(%dma_start3A_25 : memref<1000x32xf32, #tpu.memory_space<vmem>>) target_semaphore(%arg11 : memref<!tpu.dma_semaphore, #tpu.memory_space<semaphore_mem>>)
    %dma_wait3A = arith.constant 0 : i32
    %dma_wait3A_28 = arith.constant 0 : i32
    %dma_wait3A_29 = tpu.memref_slice %arg7[%dma_wait3A, %dma_wait3A_28] : memref<4x1000xi32, #tpu.memory_space<vmem>> -> memref<1x1000xi32, #tpu.memory_space<vmem>>
    %dma_wait3A_30 = tpu.memref_squeeze %dma_wait3A_29 : memref<1x1000xi32, #tpu.memory_space<vmem>> -> memref<1000xi32, #tpu.memory_space<vmem>>
    %dma_wait3A_31 = tpu.memref_slice %arg3[%mul3A_6] : memref<128000xi32, #tpu.memory_space<hbm>> -> memref<1000xi32, #tpu.memory_space<hbm>>
    %dma_wait3A_32 = arith.constant 0 : i32
    %dma_wait3A_33 = tpu.memref_slice %arg7[%dma_wait3A, %dma_wait3A_32] : memref<4x1000xi32, #tpu.memory_space<vmem>> -> memref<1x1000xi32, #tpu.memory_space<vmem>>
    %dma_wait3A_34 = tpu.memref_squeeze %dma_wait3A_33 : memref<1x1000xi32, #tpu.memory_space<vmem>> -> memref<1000xi32, #tpu.memory_space<vmem>>
    %dma_wait3A_35 = tpu.memref_slice %arg3[%mul3A_6] : memref<128000xi32, #tpu.memory_space<hbm>> -> memref<1000xi32, #tpu.memory_space<hbm>>
    tpu.wait_dma2 semaphore(%arg9 : memref<!tpu.dma_semaphore, #tpu.memory_space<semaphore_mem>>) src(%dma_wait3A_35 : memref<1000xi32, #tpu.memory_space<hbm>>) dst(%dma_wait3A_34 : memref<1000xi32, #tpu.memory_space<vmem>>)
    %dma_wait3A_36 = arith.constant 0 : i32
    %dma_wait3A_37 = arith.constant 0 : i32
    %dma_wait3A_38 = arith.constant 0 : i32
    %dma_wait3A_39 = tpu.memref_slice %arg8[%dma_wait3A_36, %dma_wait3A_37, %dma_wait3A_38] : memref<2x1000x32xf32, #tpu.memory_space<vmem>> -> memref<1x1000x32xf32, #tpu.memory_space<vmem>>
    %dma_wait3A_40 = tpu.memref_squeeze %dma_wait3A_39 : memref<1x1000x32xf32, #tpu.memory_space<vmem>> -> memref<1000x32xf32, #tpu.memory_space<vmem>>
    %dma_wait3A_41 = arith.constant 0 : i32
    %dma_wait3A_42 = tpu.memref_slice %arg2[%mul3A_6, %dma_wait3A_41] : memref<128000x32xf32, #tpu.memory_space<hbm>> -> memref<1000x32xf32, #tpu.memory_space<hbm>>
    %dma_wait3A_43 = arith.constant 0 : i32
    %dma_wait3A_44 = arith.constant 0 : i32
    %dma_wait3A_45 = tpu.memref_slice %arg8[%dma_wait3A_36, %dma_wait3A_43, %dma_wait3A_44] : memref<2x1000x32xf32, #tpu.memory_space<vmem>> -> memref<1x1000x32xf32, #tpu.memory_space<vmem>>
    %dma_wait3A_46 = tpu.memref_squeeze %dma_wait3A_45 : memref<1x1000x32xf32, #tpu.memory_space<vmem>> -> memref<1000x32xf32, #tpu.memory_space<vmem>>
    %dma_wait3A_47 = arith.constant 0 : i32
    %dma_wait3A_48 = tpu.memref_slice %arg2[%mul3A_6, %dma_wait3A_47] : memref<128000x32xf32, #tpu.memory_space<hbm>> -> memref<1000x32xf32, #tpu.memory_space<hbm>>
    tpu.wait_dma2 semaphore(%arg11 : memref<!tpu.dma_semaphore, #tpu.memory_space<semaphore_mem>>) src(%dma_wait3A_48 : memref<1000x32xf32, #tpu.memory_space<hbm>>) dst(%dma_wait3A_46 : memref<1000x32xf32, #tpu.memory_space<vmem>>)
    %add3A_49 = arith.constant 1000 : i32
    %add3A_50 = arith.addi %mul3A_6, %add3A_49 : i32
    %dma_start3A_51 = arith.constant 1 : i32
    %dma_start3A_52 = arith.constant 0 : i32
    %dma_start3A_53 = tpu.memref_slice %arg7[%dma_start3A_51, %dma_start3A_52] : memref<4x1000xi32, #tpu.memory_space<vmem>> -> memref<1x1000xi32, #tpu.memory_space<vmem>>
    %dma_start3A_54 = tpu.memref_squeeze %dma_start3A_53 : memref<1x1000xi32, #tpu.memory_space<vmem>> -> memref<1000xi32, #tpu.memory_space<vmem>>
    %dma_start3A_55 = tpu.memref_slice %arg3[%add3A_50] : memref<128000xi32, #tpu.memory_space<hbm>> -> memref<1000xi32, #tpu.memory_space<hbm>>
    %dma_start3A_56 = arith.constant 0 : i32
    %dma_start3A_57 = tpu.memref_slice %arg7[%dma_start3A_51, %dma_start3A_56] : memref<4x1000xi32, #tpu.memory_space<vmem>> -> memref<1x1000xi32, #tpu.memory_space<vmem>>
    %dma_start3A_58 = tpu.memref_squeeze %dma_start3A_57 : memref<1x1000xi32, #tpu.memory_space<vmem>> -> memref<1000xi32, #tpu.memory_space<vmem>>
    %dma_start3A_59 = tpu.memref_slice %arg3[%add3A_50] : memref<128000xi32, #tpu.memory_space<hbm>> -> memref<1000xi32, #tpu.memory_space<hbm>>
    tpu.enqueue_dma source(%dma_start3A_59 : memref<1000xi32, #tpu.memory_space<hbm>>) target(%dma_start3A_58 : memref<1000xi32, #tpu.memory_space<vmem>>) target_semaphore(%arg10 : memref<!tpu.dma_semaphore, #tpu.memory_space<semaphore_mem>>)
    %dma_start3A_60 = arith.constant 1 : i32
    %dma_start3A_61 = arith.constant 0 : i32
    %dma_start3A_62 = arith.constant 0 : i32
    %dma_start3A_63 = tpu.memref_slice %arg8[%dma_start3A_60, %dma_start3A_61, %dma_start3A_62] : memref<2x1000x32xf32, #tpu.memory_space<vmem>> -> memref<1x1000x32xf32, #tpu.memory_space<vmem>>
    %dma_start3A_64 = tpu.memref_squeeze %dma_start3A_63 : memref<1x1000x32xf32, #tpu.memory_space<vmem>> -> memref<1000x32xf32, #tpu.memory_space<vmem>>
    %dma_start3A_65 = arith.constant 0 : i32
    %dma_start3A_66 = tpu.memref_slice %arg2[%add3A_50, %dma_start3A_65] : memref<128000x32xf32, #tpu.memory_space<hbm>> -> memref<1000x32xf32, #tpu.memory_space<hbm>>
    %dma_start3A_67 = arith.constant 0 : i32
    %dma_start3A_68 = arith.constant 0 : i32
    %dma_start3A_69 = tpu.memref_slice %arg8[%dma_start3A_60, %dma_start3A_67, %dma_start3A_68] : memref<2x1000x32xf32, #tpu.memory_space<vmem>> -> memref<1x1000x32xf32, #tpu.memory_space<vmem>>
    %dma_start3A_70 = tpu.memref_squeeze %dma_start3A_69 : memref<1x1000x32xf32, #tpu.memory_space<vmem>> -> memref<1000x32xf32, #tpu.memory_space<vmem>>
    %dma_start3A_71 = arith.constant 0 : i32
    %dma_start3A_72 = tpu.memref_slice %arg2[%add3A_50, %dma_start3A_71] : memref<128000x32xf32, #tpu.memory_space<hbm>> -> memref<1000x32xf32, #tpu.memory_space<hbm>>
    tpu.enqueue_dma source(%dma_start3A_72 : memref<1000x32xf32, #tpu.memory_space<hbm>>) target(%dma_start3A_70 : memref<1000x32xf32, #tpu.memory_space<vmem>>) target_semaphore(%arg12 : memref<!tpu.dma_semaphore, #tpu.memory_space<semaphore_mem>>)
    %run_scoped3A = arith.constant 0 : i32
    %run_scoped3A_73 = arith.constant 0 : i32
    "tpu.region"() ({
      %run_scoped3A_199 = tpu.sem_alloc : memref<!tpu.dma_semaphore, #tpu.memory_space<semaphore_mem>>
      %dma_start3A_200 = arith.constant 0 : i32
      %dma_start3A_201 = arith.constant 0 : i32
      %dma_start3A_202 = tpu.memref_slice %arg8[%run_scoped3A, %dma_start3A_200, %dma_start3A_201] : memref<2x1000x32xf32, #tpu.memory_space<vmem>> -> memref<1x1000x32xf32, #tpu.memory_space<vmem>>
      %dma_start3A_203 = tpu.memref_squeeze %dma_start3A_202 : memref<1x1000x32xf32, #tpu.memory_space<vmem>> -> memref<1000x32xf32, #tpu.memory_space<vmem>>
      %dma_start3A_204 = arith.constant 0 : i32
      %dma_start3A_205 = tpu.memref_slice %arg7[%run_scoped3A_73, %dma_start3A_204] : memref<4x1000xi32, #tpu.memory_space<vmem>> -> memref<1x1000xi32, #tpu.memory_space<vmem>>
      %dma_start3A_206 = tpu.memref_squeeze %dma_start3A_205 : memref<1x1000xi32, #tpu.memory_space<vmem>> -> memref<1000xi32, #tpu.memory_space<vmem>>
      %dma_start3A_207 = arith.constant 0 : i32
      %dma_start3A_208 = arith.constant 0 : i32
      %dma_start3A_209 = tpu.memref_slice %arg6[%dma_start3A_207, %dma_start3A_208] : memref<10000x32xf32, #tpu.memory_space<vmem_shared>> -> memref<10000x32xf32, #tpu.memory_space<vmem_shared>>
      tpu.enqueue_indirect_dma source(%dma_start3A_203 : memref<1000x32xf32, #tpu.memory_space<vmem>>) target(%dma_start3A_209 : memref<10000x32xf32, #tpu.memory_space<vmem_shared>>) offsets(%dma_start3A_206 : memref<1000xi32, #tpu.memory_space<vmem>>) semaphore(%run_scoped3A_199 : memref<!tpu.dma_semaphore, #tpu.memory_space<semaphore_mem>>) {add = true}
      %dma_wait3A_210 = arith.constant 0 : i32
      %dma_wait3A_211 = arith.constant 0 : i32
      %dma_wait3A_212 = tpu.memref_slice %arg8[%run_scoped3A, %dma_wait3A_210, %dma_wait3A_211] : memref<2x1000x32xf32, #tpu.memory_space<vmem>> -> memref<1x1000x32xf32, #tpu.memory_space<vmem>>
      %dma_wait3A_213 = tpu.memref_squeeze %dma_wait3A_212 : memref<1x1000x32xf32, #tpu.memory_space<vmem>> -> memref<1000x32xf32, #tpu.memory_space<vmem>>
      %dma_wait3A_214 = arith.constant 0 : i32
      %dma_wait3A_215 = tpu.memref_slice %arg7[%run_scoped3A_73, %dma_wait3A_214] : memref<4x1000xi32, #tpu.memory_space<vmem>> -> memref<1x1000xi32, #tpu.memory_space<vmem>>
      %dma_wait3A_216 = tpu.memref_squeeze %dma_wait3A_215 : memref<1x1000xi32, #tpu.memory_space<vmem>> -> memref<1000xi32, #tpu.memory_space<vmem>>
      %dma_wait3A_217 = arith.constant 0 : i32
      %dma_wait3A_218 = arith.constant 0 : i32
      %dma_wait3A_219 = tpu.memref_slice %arg6[%dma_wait3A_217, %dma_wait3A_218] : memref<10000x32xf32, #tpu.memory_space<vmem_shared>> -> memref<10000x32xf32, #tpu.memory_space<vmem_shared>>
      tpu.wait_indirect_dma semaphore(%run_scoped3A_199 : memref<!tpu.dma_semaphore, #tpu.memory_space<semaphore_mem>>) src(%dma_wait3A_213 : memref<1000x32xf32, #tpu.memory_space<vmem>>) dst(%dma_wait3A_219 : memref<10000x32xf32, #tpu.memory_space<vmem_shared>>)
      tpu.yield
    }) : () -> ()
    %dma_wait3A_74 = arith.constant 1 : i32
    %dma_wait3A_75 = arith.constant 0 : i32
    %dma_wait3A_76 = tpu.memref_slice %arg7[%dma_wait3A_74, %dma_wait3A_75] : memref<4x1000xi32, #tpu.memory_space<vmem>> -> memref<1x1000xi32, #tpu.memory_space<vmem>>
    %dma_wait3A_77 = tpu.memref_squeeze %dma_wait3A_76 : memref<1x1000xi32, #tpu.memory_space<vmem>> -> memref<1000xi32, #tpu.memory_space<vmem>>
    %dma_wait3A_78 = tpu.memref_slice %arg3[%add3A_50] : memref<128000xi32, #tpu.memory_space<hbm>> -> memref<1000xi32, #tpu.memory_space<hbm>>
    %dma_wait3A_79 = arith.constant 0 : i32
    %dma_wait3A_80 = tpu.memref_slice %arg7[%dma_wait3A_74, %dma_wait3A_79] : memref<4x1000xi32, #tpu.memory_space<vmem>> -> memref<1x1000xi32, #tpu.memory_space<vmem>>
    %dma_wait3A_81 = tpu.memref_squeeze %dma_wait3A_80 : memref<1x1000xi32, #tpu.memory_space<vmem>> -> memref<1000xi32, #tpu.memory_space<vmem>>
    %dma_wait3A_82 = tpu.memref_slice %arg3[%add3A_50] : memref<128000xi32, #tpu.memory_space<hbm>> -> memref<1000xi32, #tpu.memory_space<hbm>>
    tpu.wait_dma2 semaphore(%arg10 : memref<!tpu.dma_semaphore, #tpu.memory_space<semaphore_mem>>) src(%dma_wait3A_82 : memref<1000xi32, #tpu.memory_space<hbm>>) dst(%dma_wait3A_81 : memref<1000xi32, #tpu.memory_space<vmem>>)
    %dma_wait3A_83 = arith.constant 1 : i32
    %dma_wait3A_84 = arith.constant 0 : i32
    %dma_wait3A_85 = arith.constant 0 : i32
    %dma_wait3A_86 = tpu.memref_slice %arg8[%dma_wait3A_83, %dma_wait3A_84, %dma_wait3A_85] : memref<2x1000x32xf32, #tpu.memory_space<vmem>> -> memref<1x1000x32xf32, #tpu.memory_space<vmem>>
    %dma_wait3A_87 = tpu.memref_squeeze %dma_wait3A_86 : memref<1x1000x32xf32, #tpu.memory_space<vmem>> -> memref<1000x32xf32, #tpu.memory_space<vmem>>
    %dma_wait3A_88 = arith.constant 0 : i32
    %dma_wait3A_89 = tpu.memref_slice %arg2[%add3A_50, %dma_wait3A_88] : memref<128000x32xf32, #tpu.memory_space<hbm>> -> memref<1000x32xf32, #tpu.memory_space<hbm>>
    %dma_wait3A_90 = arith.constant 0 : i32
    %dma_wait3A_91 = arith.constant 0 : i32
    %dma_wait3A_92 = tpu.memref_slice %arg8[%dma_wait3A_83, %dma_wait3A_90, %dma_wait3A_91] : memref<2x1000x32xf32, #tpu.memory_space<vmem>> -> memref<1x1000x32xf32, #tpu.memory_space<vmem>>
    %dma_wait3A_93 = tpu.memref_squeeze %dma_wait3A_92 : memref<1x1000x32xf32, #tpu.memory_space<vmem>> -> memref<1000x32xf32, #tpu.memory_space<vmem>>
    %dma_wait3A_94 = arith.constant 0 : i32
    %dma_wait3A_95 = tpu.memref_slice %arg2[%add3A_50, %dma_wait3A_94] : memref<128000x32xf32, #tpu.memory_space<hbm>> -> memref<1000x32xf32, #tpu.memory_space<hbm>>
    tpu.wait_dma2 semaphore(%arg12 : memref<!tpu.dma_semaphore, #tpu.memory_space<semaphore_mem>>) src(%dma_wait3A_95 : memref<1000x32xf32, #tpu.memory_space<hbm>>) dst(%dma_wait3A_93 : memref<1000x32xf32, #tpu.memory_space<vmem>>)
    %add3A_96 = arith.constant 2000 : i32
    %add3A_97 = arith.addi %mul3A_6, %add3A_96 : i32
    %dma_start3A_98 = arith.constant 2 : i32
    %dma_start3A_99 = arith.constant 0 : i32
    %dma_start3A_100 = tpu.memref_slice %arg7[%dma_start3A_98, %dma_start3A_99] : memref<4x1000xi32, #tpu.memory_space<vmem>> -> memref<1x1000xi32, #tpu.memory_space<vmem>>
    %dma_start3A_101 = tpu.memref_squeeze %dma_start3A_100 : memref<1x1000xi32, #tpu.memory_space<vmem>> -> memref<1000xi32, #tpu.memory_space<vmem>>
    %dma_start3A_102 = tpu.memref_slice %arg3[%add3A_97] : memref<128000xi32, #tpu.memory_space<hbm>> -> memref<1000xi32, #tpu.memory_space<hbm>>
    %dma_start3A_103 = arith.constant 0 : i32
    %dma_start3A_104 = tpu.memref_slice %arg7[%dma_start3A_98, %dma_start3A_103] : memref<4x1000xi32, #tpu.memory_space<vmem>> -> memref<1x1000xi32, #tpu.memory_space<vmem>>
    %dma_start3A_105 = tpu.memref_squeeze %dma_start3A_104 : memref<1x1000xi32, #tpu.memory_space<vmem>> -> memref<1000xi32, #tpu.memory_space<vmem>>
    %dma_start3A_106 = tpu.memref_slice %arg3[%add3A_97] : memref<128000xi32, #tpu.memory_space<hbm>> -> memref<1000xi32, #tpu.memory_space<hbm>>
    tpu.enqueue_dma source(%dma_start3A_106 : memref<1000xi32, #tpu.memory_space<hbm>>) target(%dma_start3A_105 : memref<1000xi32, #tpu.memory_space<vmem>>) target_semaphore(%arg9 : memref<!tpu.dma_semaphore, #tpu.memory_space<semaphore_mem>>)
    %dma_start3A_107 = arith.constant 0 : i32
    %dma_start3A_108 = arith.constant 0 : i32
    %dma_start3A_109 = arith.constant 0 : i32
    %dma_start3A_110 = tpu.memref_slice %arg8[%dma_start3A_107, %dma_start3A_108, %dma_start3A_109] : memref<2x1000x32xf32, #tpu.memory_space<vmem>> -> memref<1x1000x32xf32, #tpu.memory_space<vmem>>
    %dma_start3A_111 = tpu.memref_squeeze %dma_start3A_110 : memref<1x1000x32xf32, #tpu.memory_space<vmem>> -> memref<1000x32xf32, #tpu.memory_space<vmem>>
    %dma_start3A_112 = arith.constant 0 : i32
    %dma_start3A_113 = tpu.memref_slice %arg2[%add3A_97, %dma_start3A_112] : memref<128000x32xf32, #tpu.memory_space<hbm>> -> memref<1000x32xf32, #tpu.memory_space<hbm>>
    %dma_start3A_114 = arith.constant 0 : i32
    %dma_start3A_115 = arith.constant 0 : i32
    %dma_start3A_116 = tpu.memref_slice %arg8[%dma_start3A_107, %dma_start3A_114, %dma_start3A_115] : memref<2x1000x32xf32, #tpu.memory_space<vmem>> -> memref<1x1000x32xf32, #tpu.memory_space<vmem>>
    %dma_start3A_117 = tpu.memref_squeeze %dma_start3A_116 : memref<1x1000x32xf32, #tpu.memory_space<vmem>> -> memref<1000x32xf32, #tpu.memory_space<vmem>>
    %dma_start3A_118 = arith.constant 0 : i32
    %dma_start3A_119 = tpu.memref_slice %arg2[%add3A_97, %dma_start3A_118] : memref<128000x32xf32, #tpu.memory_space<hbm>> -> memref<1000x32xf32, #tpu.memory_space<hbm>>
    tpu.enqueue_dma source(%dma_start3A_119 : memref<1000x32xf32, #tpu.memory_space<hbm>>) target(%dma_start3A_117 : memref<1000x32xf32, #tpu.memory_space<vmem>>) target_semaphore(%arg11 : memref<!tpu.dma_semaphore, #tpu.memory_space<semaphore_mem>>)
    %run_scoped3A_120 = arith.constant 1 : i32
    %run_scoped3A_121 = arith.constant 1 : i32
    "tpu.region"() ({
      %run_scoped3A_199 = tpu.sem_alloc : memref<!tpu.dma_semaphore, #tpu.memory_space<semaphore_mem>>
      %dma_start3A_200 = arith.constant 0 : i32
      %dma_start3A_201 = arith.constant 0 : i32
      %dma_start3A_202 = tpu.memref_slice %arg8[%run_scoped3A_120, %dma_start3A_200, %dma_start3A_201] : memref<2x1000x32xf32, #tpu.memory_space<vmem>> -> memref<1x1000x32xf32, #tpu.memory_space<vmem>>
      %dma_start3A_203 = tpu.memref_squeeze %dma_start3A_202 : memref<1x1000x32xf32, #tpu.memory_space<vmem>> -> memref<1000x32xf32, #tpu.memory_space<vmem>>
      %dma_start3A_204 = arith.constant 0 : i32
      %dma_start3A_205 = tpu.memref_slice %arg7[%run_scoped3A_121, %dma_start3A_204] : memref<4x1000xi32, #tpu.memory_space<vmem>> -> memref<1x1000xi32, #tpu.memory_space<vmem>>
      %dma_start3A_206 = tpu.memref_squeeze %dma_start3A_205 : memref<1x1000xi32, #tpu.memory_space<vmem>> -> memref<1000xi32, #tpu.memory_space<vmem>>
      %dma_start3A_207 = arith.constant 0 : i32
      %dma_start3A_208 = arith.constant 0 : i32
      %dma_start3A_209 = tpu.memref_slice %arg6[%dma_start3A_207, %dma_start3A_208] : memref<10000x32xf32, #tpu.memory_space<vmem_shared>> -> memref<10000x32xf32, #tpu.memory_space<vmem_shared>>
      tpu.enqueue_indirect_dma source(%dma_start3A_203 : memref<1000x32xf32, #tpu.memory_space<vmem>>) target(%dma_start3A_209 : memref<10000x32xf32, #tpu.memory_space<vmem_shared>>) offsets(%dma_start3A_206 : memref<1000xi32, #tpu.memory_space<vmem>>) semaphore(%run_scoped3A_199 : memref<!tpu.dma_semaphore, #tpu.memory_space<semaphore_mem>>) {add = true}
      %dma_wait3A_210 = arith.constant 0 : i32
      %dma_wait3A_211 = arith.constant 0 : i32
      %dma_wait3A_212 = tpu.memref_slice %arg8[%run_scoped3A_120, %dma_wait3A_210, %dma_wait3A_211] : memref<2x1000x32xf32, #tpu.memory_space<vmem>> -> memref<1x1000x32xf32, #tpu.memory_space<vmem>>
      %dma_wait3A_213 = tpu.memref_squeeze %dma_wait3A_212 : memref<1x1000x32xf32, #tpu.memory_space<vmem>> -> memref<1000x32xf32, #tpu.memory_space<vmem>>
      %dma_wait3A_214 = arith.constant 0 : i32
      %dma_wait3A_215 = tpu.memref_slice %arg7[%run_scoped3A_121, %dma_wait3A_214] : memref<4x1000xi32, #tpu.memory_space<vmem>> -> memref<1x1000xi32, #tpu.memory_space<vmem>>
      %dma_wait3A_216 = tpu.memref_squeeze %dma_wait3A_215 : memref<1x1000xi32, #tpu.memory_space<vmem>> -> memref<1000xi32, #tpu.memory_space<vmem>>
      %dma_wait3A_217 = arith.constant 0 : i32
      %dma_wait3A_218 = arith.constant 0 : i32
      %dma_wait3A_219 = tpu.memref_slice %arg6[%dma_wait3A_217, %dma_wait3A_218] : memref<10000x32xf32, #tpu.memory_space<vmem_shared>> -> memref<10000x32xf32, #tpu.memory_space<vmem_shared>>
      tpu.wait_indirect_dma semaphore(%run_scoped3A_199 : memref<!tpu.dma_semaphore, #tpu.memory_space<semaphore_mem>>) src(%dma_wait3A_213 : memref<1000x32xf32, #tpu.memory_space<vmem>>) dst(%dma_wait3A_219 : memref<10000x32xf32, #tpu.memory_space<vmem_shared>>)
      tpu.yield
    }) : () -> ()
    %dma_wait3A_122 = arith.constant 2 : i32
    %dma_wait3A_123 = arith.constant 0 : i32
    %dma_wait3A_124 = tpu.memref_slice %arg7[%dma_wait3A_122, %dma_wait3A_123] : memref<4x1000xi32, #tpu.memory_space<vmem>> -> memref<1x1000xi32, #tpu.memory_space<vmem>>
    %dma_wait3A_125 = tpu.memref_squeeze %dma_wait3A_124 : memref<1x1000xi32, #tpu.memory_space<vmem>> -> memref<1000xi32, #tpu.memory_space<vmem>>
    %dma_wait3A_126 = tpu.memref_slice %arg3[%add3A_97] : memref<128000xi32, #tpu.memory_space<hbm>> -> memref<1000xi32, #tpu.memory_space<hbm>>
    %dma_wait3A_127 = arith.constant 0 : i32
    %dma_wait3A_128 = tpu.memref_slice %arg7[%dma_wait3A_122, %dma_wait3A_127] : memref<4x1000xi32, #tpu.memory_space<vmem>> -> memref<1x1000xi32, #tpu.memory_space<vmem>>
    %dma_wait3A_129 = tpu.memref_squeeze %dma_wait3A_128 : memref<1x1000xi32, #tpu.memory_space<vmem>> -> memref<1000xi32, #tpu.memory_space<vmem>>
    %dma_wait3A_130 = tpu.memref_slice %arg3[%add3A_97] : memref<128000xi32, #tpu.memory_space<hbm>> -> memref<1000xi32, #tpu.memory_space<hbm>>
    tpu.wait_dma2 semaphore(%arg9 : memref<!tpu.dma_semaphore, #tpu.memory_space<semaphore_mem>>) src(%dma_wait3A_130 : memref<1000xi32, #tpu.memory_space<hbm>>) dst(%dma_wait3A_129 : memref<1000xi32, #tpu.memory_space<vmem>>)
    %dma_wait3A_131 = arith.constant 0 : i32
    %dma_wait3A_132 = arith.constant 0 : i32
    %dma_wait3A_133 = arith.constant 0 : i32
    %dma_wait3A_134 = tpu.memref_slice %arg8[%dma_wait3A_131, %dma_wait3A_132, %dma_wait3A_133] : memref<2x1000x32xf32, #tpu.memory_space<vmem>> -> memref<1x1000x32xf32, #tpu.memory_space<vmem>>
    %dma_wait3A_135 = tpu.memref_squeeze %dma_wait3A_134 : memref<1x1000x32xf32, #tpu.memory_space<vmem>> -> memref<1000x32xf32, #tpu.memory_space<vmem>>
    %dma_wait3A_136 = arith.constant 0 : i32
    %dma_wait3A_137 = tpu.memref_slice %arg2[%add3A_97, %dma_wait3A_136] : memref<128000x32xf32, #tpu.memory_space<hbm>> -> memref<1000x32xf32, #tpu.memory_space<hbm>>
    %dma_wait3A_138 = arith.constant 0 : i32
    %dma_wait3A_139 = arith.constant 0 : i32
    %dma_wait3A_140 = tpu.memref_slice %arg8[%dma_wait3A_131, %dma_wait3A_138, %dma_wait3A_139] : memref<2x1000x32xf32, #tpu.memory_space<vmem>> -> memref<1x1000x32xf32, #tpu.memory_space<vmem>>
    %dma_wait3A_141 = tpu.memref_squeeze %dma_wait3A_140 : memref<1x1000x32xf32, #tpu.memory_space<vmem>> -> memref<1000x32xf32, #tpu.memory_space<vmem>>
    %dma_wait3A_142 = arith.constant 0 : i32
    %dma_wait3A_143 = tpu.memref_slice %arg2[%add3A_97, %dma_wait3A_142] : memref<128000x32xf32, #tpu.memory_space<hbm>> -> memref<1000x32xf32, #tpu.memory_space<hbm>>
    tpu.wait_dma2 semaphore(%arg11 : memref<!tpu.dma_semaphore, #tpu.memory_space<semaphore_mem>>) src(%dma_wait3A_143 : memref<1000x32xf32, #tpu.memory_space<hbm>>) dst(%dma_wait3A_141 : memref<1000x32xf32, #tpu.memory_space<vmem>>)
    %add3A_144 = arith.constant 3000 : i32
    %add3A_145 = arith.addi %mul3A_6, %add3A_144 : i32
    %dma_start3A_146 = arith.constant 3 : i32
    %dma_start3A_147 = arith.constant 0 : i32
    %dma_start3A_148 = tpu.memref_slice %arg7[%dma_start3A_146, %dma_start3A_147] : memref<4x1000xi32, #tpu.memory_space<vmem>> -> memref<1x1000xi32, #tpu.memory_space<vmem>>
    %dma_start3A_149 = tpu.memref_squeeze %dma_start3A_148 : memref<1x1000xi32, #tpu.memory_space<vmem>> -> memref<1000xi32, #tpu.memory_space<vmem>>
    %dma_start3A_150 = tpu.memref_slice %arg3[%add3A_145] : memref<128000xi32, #tpu.memory_space<hbm>> -> memref<1000xi32, #tpu.memory_space<hbm>>
    %dma_start3A_151 = arith.constant 0 : i32
    %dma_start3A_152 = tpu.memref_slice %arg7[%dma_start3A_146, %dma_start3A_151] : memref<4x1000xi32, #tpu.memory_space<vmem>> -> memref<1x1000xi32, #tpu.memory_space<vmem>>
    %dma_start3A_153 = tpu.memref_squeeze %dma_start3A_152 : memref<1x1000xi32, #tpu.memory_space<vmem>> -> memref<1000xi32, #tpu.memory_space<vmem>>
    %dma_start3A_154 = tpu.memref_slice %arg3[%add3A_145] : memref<128000xi32, #tpu.memory_space<hbm>> -> memref<1000xi32, #tpu.memory_space<hbm>>
    tpu.enqueue_dma source(%dma_start3A_154 : memref<1000xi32, #tpu.memory_space<hbm>>) target(%dma_start3A_153 : memref<1000xi32, #tpu.memory_space<vmem>>) target_semaphore(%arg10 : memref<!tpu.dma_semaphore, #tpu.memory_space<semaphore_mem>>)
    %dma_start3A_155 = arith.constant 1 : i32
    %dma_start3A_156 = arith.constant 0 : i32
    %dma_start3A_157 = arith.constant 0 : i32
    %dma_start3A_158 = tpu.memref_slice %arg8[%dma_start3A_155, %dma_start3A_156, %dma_start3A_157] : memref<2x1000x32xf32, #tpu.memory_space<vmem>> -> memref<1x1000x32xf32, #tpu.memory_space<vmem>>
    %dma_start3A_159 = tpu.memref_squeeze %dma_start3A_158 : memref<1x1000x32xf32, #tpu.memory_space<vmem>> -> memref<1000x32xf32, #tpu.memory_space<vmem>>
    %dma_start3A_160 = arith.constant 0 : i32
    %dma_start3A_161 = tpu.memref_slice %arg2[%add3A_145, %dma_start3A_160] : memref<128000x32xf32, #tpu.memory_space<hbm>> -> memref<1000x32xf32, #tpu.memory_space<hbm>>
    %dma_start3A_162 = arith.constant 0 : i32
    %dma_start3A_163 = arith.constant 0 : i32
    %dma_start3A_164 = tpu.memref_slice %arg8[%dma_start3A_155, %dma_start3A_162, %dma_start3A_163] : memref<2x1000x32xf32, #tpu.memory_space<vmem>> -> memref<1x1000x32xf32, #tpu.memory_space<vmem>>
    %dma_start3A_165 = tpu.memref_squeeze %dma_start3A_164 : memref<1x1000x32xf32, #tpu.memory_space<vmem>> -> memref<1000x32xf32, #tpu.memory_space<vmem>>
    %dma_start3A_166 = arith.constant 0 : i32
    %dma_start3A_167 = tpu.memref_slice %arg2[%add3A_145, %dma_start3A_166] : memref<128000x32xf32, #tpu.memory_space<hbm>> -> memref<1000x32xf32, #tpu.memory_space<hbm>>
    tpu.enqueue_dma source(%dma_start3A_167 : memref<1000x32xf32, #tpu.memory_space<hbm>>) target(%dma_start3A_165 : memref<1000x32xf32, #tpu.memory_space<vmem>>) target_semaphore(%arg12 : memref<!tpu.dma_semaphore, #tpu.memory_space<semaphore_mem>>)
    %run_scoped3A_168 = arith.constant 0 : i32
    %run_scoped3A_169 = arith.constant 2 : i32
    "tpu.region"() ({
      %run_scoped3A_199 = tpu.sem_alloc : memref<!tpu.dma_semaphore, #tpu.memory_space<semaphore_mem>>
      %dma_start3A_200 = arith.constant 0 : i32
      %dma_start3A_201 = arith.constant 0 : i32
      %dma_start3A_202 = tpu.memref_slice %arg8[%run_scoped3A_168, %dma_start3A_200, %dma_start3A_201] : memref<2x1000x32xf32, #tpu.memory_space<vmem>> -> memref<1x1000x32xf32, #tpu.memory_space<vmem>>
      %dma_start3A_203 = tpu.memref_squeeze %dma_start3A_202 : memref<1x1000x32xf32, #tpu.memory_space<vmem>> -> memref<1000x32xf32, #tpu.memory_space<vmem>>
      %dma_start3A_204 = arith.constant 0 : i32
      %dma_start3A_205 = tpu.memref_slice %arg7[%run_scoped3A_169, %dma_start3A_204] : memref<4x1000xi32, #tpu.memory_space<vmem>> -> memref<1x1000xi32, #tpu.memory_space<vmem>>
      %dma_start3A_206 = tpu.memref_squeeze %dma_start3A_205 : memref<1x1000xi32, #tpu.memory_space<vmem>> -> memref<1000xi32, #tpu.memory_space<vmem>>
      %dma_start3A_207 = arith.constant 0 : i32
      %dma_start3A_208 = arith.constant 0 : i32
      %dma_start3A_209 = tpu.memref_slice %arg6[%dma_start3A_207, %dma_start3A_208] : memref<10000x32xf32, #tpu.memory_space<vmem_shared>> -> memref<10000x32xf32, #tpu.memory_space<vmem_shared>>
      tpu.enqueue_indirect_dma source(%dma_start3A_203 : memref<1000x32xf32, #tpu.memory_space<vmem>>) target(%dma_start3A_209 : memref<10000x32xf32, #tpu.memory_space<vmem_shared>>) offsets(%dma_start3A_206 : memref<1000xi32, #tpu.memory_space<vmem>>) semaphore(%run_scoped3A_199 : memref<!tpu.dma_semaphore, #tpu.memory_space<semaphore_mem>>) {add = true}
      %dma_wait3A_210 = arith.constant 0 : i32
      %dma_wait3A_211 = arith.constant 0 : i32
      %dma_wait3A_212 = tpu.memref_slice %arg8[%run_scoped3A_168, %dma_wait3A_210, %dma_wait3A_211] : memref<2x1000x32xf32, #tpu.memory_space<vmem>> -> memref<1x1000x32xf32, #tpu.memory_space<vmem>>
      %dma_wait3A_213 = tpu.memref_squeeze %dma_wait3A_212 : memref<1x1000x32xf32, #tpu.memory_space<vmem>> -> memref<1000x32xf32, #tpu.memory_space<vmem>>
      %dma_wait3A_214 = arith.constant 0 : i32
      %dma_wait3A_215 = tpu.memref_slice %arg7[%run_scoped3A_169, %dma_wait3A_214] : memref<4x1000xi32, #tpu.memory_space<vmem>> -> memref<1x1000xi32, #tpu.memory_space<vmem>>
      %dma_wait3A_216 = tpu.memref_squeeze %dma_wait3A_215 : memref<1x1000xi32, #tpu.memory_space<vmem>> -> memref<1000xi32, #tpu.memory_space<vmem>>
      %dma_wait3A_217 = arith.constant 0 : i32
      %dma_wait3A_218 = arith.constant 0 : i32
      %dma_wait3A_219 = tpu.memref_slice %arg6[%dma_wait3A_217, %dma_wait3A_218] : memref<10000x32xf32, #tpu.memory_space<vmem_shared>> -> memref<10000x32xf32, #tpu.memory_space<vmem_shared>>
      tpu.wait_indirect_dma semaphore(%run_scoped3A_199 : memref<!tpu.dma_semaphore, #tpu.memory_space<semaphore_mem>>) src(%dma_wait3A_213 : memref<1000x32xf32, #tpu.memory_space<vmem>>) dst(%dma_wait3A_219 : memref<10000x32xf32, #tpu.memory_space<vmem_shared>>)
      tpu.yield
    }) : () -> ()
    %dma_wait3A_170 = arith.constant 3 : i32
    %dma_wait3A_171 = arith.constant 0 : i32
    %dma_wait3A_172 = tpu.memref_slice %arg7[%dma_wait3A_170, %dma_wait3A_171] : memref<4x1000xi32, #tpu.memory_space<vmem>> -> memref<1x1000xi32, #tpu.memory_space<vmem>>
    %dma_wait3A_173 = tpu.memref_squeeze %dma_wait3A_172 : memref<1x1000xi32, #tpu.memory_space<vmem>> -> memref<1000xi32, #tpu.memory_space<vmem>>
    %dma_wait3A_174 = tpu.memref_slice %arg3[%add3A_145] : memref<128000xi32, #tpu.memory_space<hbm>> -> memref<1000xi32, #tpu.memory_space<hbm>>
    %dma_wait3A_175 = arith.constant 0 : i32
    %dma_wait3A_176 = tpu.memref_slice %arg7[%dma_wait3A_170, %dma_wait3A_175] : memref<4x1000xi32, #tpu.memory_space<vmem>> -> memref<1x1000xi32, #tpu.memory_space<vmem>>
    %dma_wait3A_177 = tpu.memref_squeeze %dma_wait3A_176 : memref<1x1000xi32, #tpu.memory_space<vmem>> -> memref<1000xi32, #tpu.memory_space<vmem>>
    %dma_wait3A_178 = tpu.memref_slice %arg3[%add3A_145] : memref<128000xi32, #tpu.memory_space<hbm>> -> memref<1000xi32, #tpu.memory_space<hbm>>
    tpu.wait_dma2 semaphore(%arg10 : memref<!tpu.dma_semaphore, #tpu.memory_space<semaphore_mem>>) src(%dma_wait3A_178 : memref<1000xi32, #tpu.memory_space<hbm>>) dst(%dma_wait3A_177 : memref<1000xi32, #tpu.memory_space<vmem>>)
    %dma_wait3A_179 = arith.constant 1 : i32
    %dma_wait3A_180 = arith.constant 0 : i32
    %dma_wait3A_181 = arith.constant 0 : i32
    %dma_wait3A_182 = tpu.memref_slice %arg8[%dma_wait3A_179, %dma_wait3A_180, %dma_wait3A_181] : memref<2x1000x32xf32, #tpu.memory_space<vmem>> -> memref<1x1000x32xf32, #tpu.memory_space<vmem>>
    %dma_wait3A_183 = tpu.memref_squeeze %dma_wait3A_182 : memref<1x1000x32xf32, #tpu.memory_space<vmem>> -> memref<1000x32xf32, #tpu.memory_space<vmem>>
    %dma_wait3A_184 = arith.constant 0 : i32
    %dma_wait3A_185 = tpu.memref_slice %arg2[%add3A_145, %dma_wait3A_184] : memref<128000x32xf32, #tpu.memory_space<hbm>> -> memref<1000x32xf32, #tpu.memory_space<hbm>>
    %dma_wait3A_186 = arith.constant 0 : i32
    %dma_wait3A_187 = arith.constant 0 : i32
    %dma_wait3A_188 = tpu.memref_slice %arg8[%dma_wait3A_179, %dma_wait3A_186, %dma_wait3A_187] : memref<2x1000x32xf32, #tpu.memory_space<vmem>> -> memref<1x1000x32xf32, #tpu.memory_space<vmem>>
    %dma_wait3A_189 = tpu.memref_squeeze %dma_wait3A_188 : memref<1x1000x32xf32, #tpu.memory_space<vmem>> -> memref<1000x32xf32, #tpu.memory_space<vmem>>
    %dma_wait3A_190 = arith.constant 0 : i32
    %dma_wait3A_191 = tpu.memref_slice %arg2[%add3A_145, %dma_wait3A_190] : memref<128000x32xf32, #tpu.memory_space<hbm>> -> memref<1000x32xf32, #tpu.memory_space<hbm>>
    tpu.wait_dma2 semaphore(%arg12 : memref<!tpu.dma_semaphore, #tpu.memory_space<semaphore_mem>>) src(%dma_wait3A_191 : memref<1000x32xf32, #tpu.memory_space<hbm>>) dst(%dma_wait3A_189 : memref<1000x32xf32, #tpu.memory_space<vmem>>)
    %run_scoped3A_192 = arith.constant 1 : i32
    %run_scoped3A_193 = arith.constant 3 : i32
    "tpu.region"() ({
      %run_scoped3A_199 = tpu.sem_alloc : memref<!tpu.dma_semaphore, #tpu.memory_space<semaphore_mem>>
      %dma_start3A_200 = arith.constant 0 : i32
      %dma_start3A_201 = arith.constant 0 : i32
      %dma_start3A_202 = tpu.memref_slice %arg8[%run_scoped3A_192, %dma_start3A_200, %dma_start3A_201] : memref<2x1000x32xf32, #tpu.memory_space<vmem>> -> memref<1x1000x32xf32, #tpu.memory_space<vmem>>
      %dma_start3A_203 = tpu.memref_squeeze %dma_start3A_202 : memref<1x1000x32xf32, #tpu.memory_space<vmem>> -> memref<1000x32xf32, #tpu.memory_space<vmem>>
      %dma_start3A_204 = arith.constant 0 : i32
      %dma_start3A_205 = tpu.memref_slice %arg7[%run_scoped3A_193, %dma_start3A_204] : memref<4x1000xi32, #tpu.memory_space<vmem>> -> memref<1x1000xi32, #tpu.memory_space<vmem>>
      %dma_start3A_206 = tpu.memref_squeeze %dma_start3A_205 : memref<1x1000xi32, #tpu.memory_space<vmem>> -> memref<1000xi32, #tpu.memory_space<vmem>>
      %dma_start3A_207 = arith.constant 0 : i32
      %dma_start3A_208 = arith.constant 0 : i32
      %dma_start3A_209 = tpu.memref_slice %arg6[%dma_start3A_207, %dma_start3A_208] : memref<10000x32xf32, #tpu.memory_space<vmem_shared>> -> memref<10000x32xf32, #tpu.memory_space<vmem_shared>>
      tpu.enqueue_indirect_dma source(%dma_start3A_203 : memref<1000x32xf32, #tpu.memory_space<vmem>>) target(%dma_start3A_209 : memref<10000x32xf32, #tpu.memory_space<vmem_shared>>) offsets(%dma_start3A_206 : memref<1000xi32, #tpu.memory_space<vmem>>) semaphore(%run_scoped3A_199 : memref<!tpu.dma_semaphore, #tpu.memory_space<semaphore_mem>>) {add = true}
      %dma_wait3A_210 = arith.constant 0 : i32
      %dma_wait3A_211 = arith.constant 0 : i32
      %dma_wait3A_212 = tpu.memref_slice %arg8[%run_scoped3A_192, %dma_wait3A_210, %dma_wait3A_211] : memref<2x1000x32xf32, #tpu.memory_space<vmem>> -> memref<1x1000x32xf32, #tpu.memory_space<vmem>>
      %dma_wait3A_213 = tpu.memref_squeeze %dma_wait3A_212 : memref<1x1000x32xf32, #tpu.memory_space<vmem>> -> memref<1000x32xf32, #tpu.memory_space<vmem>>
      %dma_wait3A_214 = arith.constant 0 : i32
      %dma_wait3A_215 = tpu.memref_slice %arg7[%run_scoped3A_193, %dma_wait3A_214] : memref<4x1000xi32, #tpu.memory_space<vmem>> -> memref<1x1000xi32, #tpu.memory_space<vmem>>
      %dma_wait3A_216 = tpu.memref_squeeze %dma_wait3A_215 : memref<1x1000xi32, #tpu.memory_space<vmem>> -> memref<1000xi32, #tpu.memory_space<vmem>>
      %dma_wait3A_217 = arith.constant 0 : i32
      %dma_wait3A_218 = arith.constant 0 : i32
      %dma_wait3A_219 = tpu.memref_slice %arg6[%dma_wait3A_217, %dma_wait3A_218] : memref<10000x32xf32, #tpu.memory_space<vmem_shared>> -> memref<10000x32xf32, #tpu.memory_space<vmem_shared>>
      tpu.wait_indirect_dma semaphore(%run_scoped3A_199 : memref<!tpu.dma_semaphore, #tpu.memory_space<semaphore_mem>>) src(%dma_wait3A_213 : memref<1000x32xf32, #tpu.memory_space<vmem>>) dst(%dma_wait3A_219 : memref<10000x32xf32, #tpu.memory_space<vmem_shared>>)
      tpu.yield
    }) : () -> ()
    %barrier3A_194 = arith.constant 0 : index
    tpu.barrier barrier_id(%barrier3A_194)
    %mul3A_195 = arith.constant 625 : i32
    %mul3A_196 = arith.muli %arg1, %mul3A_195 : i32
    %mul3A_197 = arith.constant 625 : i32
    %mul3A_198 = arith.muli %arg1, %mul3A_197 : i32
    "tpu.region"() ({
      %run_scoped3A_199 = tpu.sem_alloc : memref<!tpu.dma_semaphore, #tpu.memory_space<semaphore_mem>>
      %dma_start3A_200 = arith.constant 0 : i32
      %dma_start3A_201 = tpu.memref_slice %arg5[%arg0, %mul3A_198, %dma_start3A_200] : memref<2x10000x32xf32, #tpu.memory_space<hbm>> -> memref<1x625x32xf32, #tpu.memory_space<hbm>>
      %dma_start3A_202 = tpu.memref_squeeze %dma_start3A_201 : memref<1x625x32xf32, #tpu.memory_space<hbm>> -> memref<625x32xf32, #tpu.memory_space<hbm>>
      %dma_start3A_203 = arith.constant 0 : i32
      %dma_start3A_204 = tpu.memref_slice %arg6[%mul3A_196, %dma_start3A_203] : memref<10000x32xf32, #tpu.memory_space<vmem_shared>> -> memref<625x32xf32, #tpu.memory_space<vmem_shared>>
      tpu.enqueue_dma source(%dma_start3A_204 : memref<625x32xf32, #tpu.memory_space<vmem_shared>>) target(%dma_start3A_202 : memref<625x32xf32, #tpu.memory_space<hbm>>) target_semaphore(%run_scoped3A_199 : memref<!tpu.dma_semaphore, #tpu.memory_space<semaphore_mem>>)
      %dma_wait3A_205 = arith.constant 0 : i32
      %dma_wait3A_206 = tpu.memref_slice %arg5[%arg0, %mul3A_198, %dma_wait3A_205] : memref<2x10000x32xf32, #tpu.memory_space<hbm>> -> memref<1x625x32xf32, #tpu.memory_space<hbm>>
      %dma_wait3A_207 = tpu.memref_squeeze %dma_wait3A_206 : memref<1x625x32xf32, #tpu.memory_space<hbm>> -> memref<625x32xf32, #tpu.memory_space<hbm>>
      %dma_wait3A_208 = arith.constant 0 : i32
      %dma_wait3A_209 = tpu.memref_slice %arg6[%mul3A_196, %dma_wait3A_208] : memref<10000x32xf32, #tpu.memory_space<vmem_shared>> -> memref<625x32xf32, #tpu.memory_space<vmem_shared>>
      tpu.wait_dma2 semaphore(%run_scoped3A_199 : memref<!tpu.dma_semaphore, #tpu.memory_space<semaphore_mem>>) src(%dma_wait3A_209 : memref<625x32xf32, #tpu.memory_space<vmem_shared>>) dst(%dma_wait3A_207 : memref<625x32xf32, #tpu.memory_space<hbm>>)
      tpu.yield
    }) : () -> ()
    return
  }
}

#map = affine_map<(d0, d1) -> (0, 0)>
#map1 = affine_map<(d0, d1) -> (0)>
module attributes {stable_mosaic.version = 14 : i64} {
  func.func @_sc_gather(%arg0: i32, %arg1: i32, %arg2: memref<50000x32xf32, #tpu.memory_space<hbm>>, %arg3: memref<10000x32xf32, #tpu.memory_space<hbm>>, %arg4: memref<320000xi32, #tpu.memory_space<hbm>>, %arg5: memref<320000xi32, #tpu.memory_space<hbm>>, %arg6: memref<128000xi32, #tpu.memory_space<hbm>>, %arg7: memref<128000xi32, #tpu.memory_space<hbm>>, %arg8: memref<896000x32xf32, #tpu.memory_space<hbm>>, %arg9: memref<10000xi32, #tpu.memory_space<vmem>>, %arg10: memref<2x1000x32xf32, #tpu.memory_space<vmem>>, %arg11: memref<!tpu.dma_semaphore, #tpu.memory_space<semaphore_mem>>, %arg12: memref<!tpu.dma_semaphore, #tpu.memory_space<semaphore_mem>>, %arg13: memref<!tpu.dma_semaphore, #tpu.memory_space<semaphore_mem>>, %arg14: memref<!tpu.dma_semaphore, #tpu.memory_space<semaphore_mem>>) attributes {dimension_semantics = [#tpu.dimension_semantics<core_parallel>, #tpu.dimension_semantics<subcore_parallel>], iteration_bounds = array<i64: 2, 16>, scalar_prefetch = 0 : i64, scratch_operands = 6 : i64, tpu.core_type = #tpu.core_type<sc_vector_subcore>, window_params = [{transform_indices = #map}, {transform_indices = #map}, {transform_indices = #map1}, {transform_indices = #map1}, {transform_indices = #map1}, {transform_indices = #map1}, {transform_indices = #map}]} {
    %mul3A = arith.constant 2 : i32
    %mul3A_0 = arith.muli %arg1, %mul3A : i32
    %add3A = arith.addi %mul3A_0, %arg0 : i32
    %mul3A_1 = arith.constant 10000 : i32
    %mul3A_2 = arith.muli %add3A, %mul3A_1 : i32
    "tpu.region"() ({
      %run_scoped3A = tpu.sem_alloc : memref<!tpu.dma_semaphore, #tpu.memory_space<semaphore_mem>>
      %dma_start3A_1407 = arith.constant 0 : i32
      %dma_start3A_1408 = tpu.memref_slice %arg9[%dma_start3A_1407] : memref<10000xi32, #tpu.memory_space<vmem>> -> memref<10000xi32, #tpu.memory_space<vmem>>
      %dma_start3A_1409 = tpu.memref_slice %arg4[%mul3A_2] : memref<320000xi32, #tpu.memory_space<hbm>> -> memref<10000xi32, #tpu.memory_space<hbm>>
      %dma_start3A_1410 = arith.constant 0 : i32
      %dma_start3A_1411 = tpu.memref_slice %arg9[%dma_start3A_1410] : memref<10000xi32, #tpu.memory_space<vmem>> -> memref<10000xi32, #tpu.memory_space<vmem>>
      %dma_start3A_1412 = tpu.memref_slice %arg4[%mul3A_2] : memref<320000xi32, #tpu.memory_space<hbm>> -> memref<10000xi32, #tpu.memory_space<hbm>>
      tpu.enqueue_dma source(%dma_start3A_1412 : memref<10000xi32, #tpu.memory_space<hbm>>) target(%dma_start3A_1411 : memref<10000xi32, #tpu.memory_space<vmem>>) target_semaphore(%run_scoped3A : memref<!tpu.dma_semaphore, #tpu.memory_space<semaphore_mem>>)
      %dma_wait3A_1413 = arith.constant 0 : i32
      %dma_wait3A_1414 = tpu.memref_slice %arg9[%dma_wait3A_1413] : memref<10000xi32, #tpu.memory_space<vmem>> -> memref<10000xi32, #tpu.memory_space<vmem>>
      %dma_wait3A_1415 = tpu.memref_slice %arg4[%mul3A_2] : memref<320000xi32, #tpu.memory_space<hbm>> -> memref<10000xi32, #tpu.memory_space<hbm>>
      %dma_wait3A_1416 = arith.constant 0 : i32
      %dma_wait3A_1417 = tpu.memref_slice %arg9[%dma_wait3A_1416] : memref<10000xi32, #tpu.memory_space<vmem>> -> memref<10000xi32, #tpu.memory_space<vmem>>
      %dma_wait3A_1418 = tpu.memref_slice %arg4[%mul3A_2] : memref<320000xi32, #tpu.memory_space<hbm>> -> memref<10000xi32, #tpu.memory_space<hbm>>
      tpu.wait_dma2 semaphore(%run_scoped3A : memref<!tpu.dma_semaphore, #tpu.memory_space<semaphore_mem>>) src(%dma_wait3A_1418 : memref<10000xi32, #tpu.memory_space<hbm>>) dst(%dma_wait3A_1417 : memref<10000xi32, #tpu.memory_space<vmem>>)
      tpu.yield
    }) : () -> ()
    %dma_start3A = arith.constant 0 : i32
    %dma_start3A_3 = arith.constant 0 : i32
    %dma_start3A_4 = arith.constant 0 : i32
    %dma_start3A_5 = tpu.memref_slice %arg10[%dma_start3A, %dma_start3A_3, %dma_start3A_4] : memref<2x1000x32xf32, #tpu.memory_space<vmem>> -> memref<1x1000x32xf32, #tpu.memory_space<vmem>>
    %dma_start3A_6 = tpu.memref_squeeze %dma_start3A_5 : memref<1x1000x32xf32, #tpu.memory_space<vmem>> -> memref<1000x32xf32, #tpu.memory_space<vmem>>
    %dma_start3A_7 = arith.constant 0 : i32
    %dma_start3A_8 = tpu.memref_slice %arg9[%dma_start3A_7] : memref<10000xi32, #tpu.memory_space<vmem>> -> memref<1000xi32, #tpu.memory_space<vmem>>
    %dma_start3A_9 = arith.constant 0 : i32
    %dma_start3A_10 = arith.constant 0 : i32
    %dma_start3A_11 = tpu.memref_slice %arg2[%dma_start3A_9, %dma_start3A_10] : memref<50000x32xf32, #tpu.memory_space<hbm>> -> memref<50000x32xf32, #tpu.memory_space<hbm>>
    tpu.enqueue_indirect_dma source(%dma_start3A_11 : memref<50000x32xf32, #tpu.memory_space<hbm>>) target(%dma_start3A_6 : memref<1000x32xf32, #tpu.memory_space<vmem>>) offsets(%dma_start3A_8 : memref<1000xi32, #tpu.memory_space<vmem>>) semaphore(%arg11 : memref<!tpu.dma_semaphore, #tpu.memory_space<semaphore_mem>>)
    %dma_wait3A = arith.constant 0 : i32
    %dma_wait3A_12 = arith.constant 0 : i32
    %dma_wait3A_13 = arith.constant 0 : i32
    %dma_wait3A_14 = tpu.memref_slice %arg10[%dma_wait3A, %dma_wait3A_12, %dma_wait3A_13] : memref<2x1000x32xf32, #tpu.memory_space<vmem>> -> memref<1x1000x32xf32, #tpu.memory_space<vmem>>
    %dma_wait3A_15 = tpu.memref_squeeze %dma_wait3A_14 : memref<1x1000x32xf32, #tpu.memory_space<vmem>> -> memref<1000x32xf32, #tpu.memory_space<vmem>>
    %dma_wait3A_16 = arith.constant 0 : i32
    %dma_wait3A_17 = tpu.memref_slice %arg9[%dma_wait3A_16] : memref<10000xi32, #tpu.memory_space<vmem>> -> memref<1000xi32, #tpu.memory_space<vmem>>
    %dma_wait3A_18 = arith.constant 0 : i32
    %dma_wait3A_19 = arith.constant 0 : i32
    %dma_wait3A_20 = tpu.memref_slice %arg2[%dma_wait3A_18, %dma_wait3A_19] : memref<50000x32xf32, #tpu.memory_space<hbm>> -> memref<50000x32xf32, #tpu.memory_space<hbm>>
    tpu.wait_indirect_dma semaphore(%arg11 : memref<!tpu.dma_semaphore, #tpu.memory_space<semaphore_mem>>) src(%dma_wait3A_20 : memref<50000x32xf32, #tpu.memory_space<hbm>>) dst(%dma_wait3A_15 : memref<1000x32xf32, #tpu.memory_space<vmem>>)
    %dma_start3A_21 = arith.constant 1 : i32
    %dma_start3A_22 = arith.constant 0 : i32
    %dma_start3A_23 = arith.constant 0 : i32
    %dma_start3A_24 = tpu.memref_slice %arg10[%dma_start3A_21, %dma_start3A_22, %dma_start3A_23] : memref<2x1000x32xf32, #tpu.memory_space<vmem>> -> memref<1x1000x32xf32, #tpu.memory_space<vmem>>
    %dma_start3A_25 = tpu.memref_squeeze %dma_start3A_24 : memref<1x1000x32xf32, #tpu.memory_space<vmem>> -> memref<1000x32xf32, #tpu.memory_space<vmem>>
    %dma_start3A_26 = arith.constant 1000 : i32
    %dma_start3A_27 = tpu.memref_slice %arg9[%dma_start3A_26] : memref<10000xi32, #tpu.memory_space<vmem>> -> memref<1000xi32, #tpu.memory_space<vmem>>
    %dma_start3A_28 = arith.constant 0 : i32
    %dma_start3A_29 = arith.constant 0 : i32
    %dma_start3A_30 = tpu.memref_slice %arg2[%dma_start3A_28, %dma_start3A_29] : memref<50000x32xf32, #tpu.memory_space<hbm>> -> memref<50000x32xf32, #tpu.memory_space<hbm>>
    tpu.enqueue_indirect_dma source(%dma_start3A_30 : memref<50000x32xf32, #tpu.memory_space<hbm>>) target(%dma_start3A_25 : memref<1000x32xf32, #tpu.memory_space<vmem>>) offsets(%dma_start3A_27 : memref<1000xi32, #tpu.memory_space<vmem>>) semaphore(%arg12 : memref<!tpu.dma_semaphore, #tpu.memory_space<semaphore_mem>>)
    %add3A_31 = arith.constant 0 : i32
    %add3A_32 = arith.addi %add3A_31, %mul3A_2 : i32
    %add3A_33 = arith.constant 0 : i32
    %add3A_34 = arith.addi %add3A_32, %add3A_33 : i32
    %dma_start3A_35 = arith.constant 0 : i32
    %dma_start3A_36 = arith.constant 0 : i32
    %dma_start3A_37 = arith.constant 0 : i32
    %dma_start3A_38 = tpu.memref_slice %arg10[%dma_start3A_35, %dma_start3A_36, %dma_start3A_37] : memref<2x1000x32xf32, #tpu.memory_space<vmem>> -> memref<1x1000x32xf32, #tpu.memory_space<vmem>>
    %dma_start3A_39 = tpu.memref_squeeze %dma_start3A_38 : memref<1x1000x32xf32, #tpu.memory_space<vmem>> -> memref<1000x32xf32, #tpu.memory_space<vmem>>
    %dma_start3A_40 = arith.constant 0 : i32
    %dma_start3A_41 = tpu.memref_slice %arg8[%add3A_34, %dma_start3A_40] : memref<896000x32xf32, #tpu.memory_space<hbm>> -> memref<1000x32xf32, #tpu.memory_space<hbm>>
    %dma_start3A_42 = arith.constant 0 : i32
    %dma_start3A_43 = tpu.memref_slice %arg8[%add3A_34, %dma_start3A_42] : memref<896000x32xf32, #tpu.memory_space<hbm>> -> memref<1000x32xf32, #tpu.memory_space<hbm>>
    %dma_start3A_44 = arith.constant 0 : i32
    %dma_start3A_45 = arith.constant 0 : i32
    %dma_start3A_46 = tpu.memref_slice %arg10[%dma_start3A_35, %dma_start3A_44, %dma_start3A_45] : memref<2x1000x32xf32, #tpu.memory_space<vmem>> -> memref<1x1000x32xf32, #tpu.memory_space<vmem>>
    %dma_start3A_47 = tpu.memref_squeeze %dma_start3A_46 : memref<1x1000x32xf32, #tpu.memory_space<vmem>> -> memref<1000x32xf32, #tpu.memory_space<vmem>>
    tpu.enqueue_dma source(%dma_start3A_47 : memref<1000x32xf32, #tpu.memory_space<vmem>>) target(%dma_start3A_43 : memref<1000x32xf32, #tpu.memory_space<hbm>>) target_semaphore(%arg13 : memref<!tpu.dma_semaphore, #tpu.memory_space<semaphore_mem>>)
    %dma_wait3A_48 = arith.constant 1 : i32
    %dma_wait3A_49 = arith.constant 0 : i32
    %dma_wait3A_50 = arith.constant 0 : i32
    %dma_wait3A_51 = tpu.memref_slice %arg10[%dma_wait3A_48, %dma_wait3A_49, %dma_wait3A_50] : memref<2x1000x32xf32, #tpu.memory_space<vmem>> -> memref<1x1000x32xf32, #tpu.memory_space<vmem>>
    %dma_wait3A_52 = tpu.memref_squeeze %dma_wait3A_51 : memref<1x1000x32xf32, #tpu.memory_space<vmem>> -> memref<1000x32xf32, #tpu.memory_space<vmem>>
    %dma_wait3A_53 = arith.constant 1000 : i32
    %dma_wait3A_54 = tpu.memref_slice %arg9[%dma_wait3A_53] : memref<10000xi32, #tpu.memory_space<vmem>> -> memref<1000xi32, #tpu.memory_space<vmem>>
    %dma_wait3A_55 = arith.constant 0 : i32
    %dma_wait3A_56 = arith.constant 0 : i32
    %dma_wait3A_57 = tpu.memref_slice %arg2[%dma_wait3A_55, %dma_wait3A_56] : memref<50000x32xf32, #tpu.memory_space<hbm>> -> memref<50000x32xf32, #tpu.memory_space<hbm>>
    tpu.wait_indirect_dma semaphore(%arg12 : memref<!tpu.dma_semaphore, #tpu.memory_space<semaphore_mem>>) src(%dma_wait3A_57 : memref<50000x32xf32, #tpu.memory_space<hbm>>) dst(%dma_wait3A_52 : memref<1000x32xf32, #tpu.memory_space<vmem>>)
    %dma_wait3A_58 = arith.constant 0 : i32
    %dma_wait3A_59 = arith.constant 0 : i32
    %dma_wait3A_60 = arith.constant 0 : i32
    %dma_wait3A_61 = tpu.memref_slice %arg10[%dma_wait3A_58, %dma_wait3A_59, %dma_wait3A_60] : memref<2x1000x32xf32, #tpu.memory_space<vmem>> -> memref<1x1000x32xf32, #tpu.memory_space<vmem>>
    %dma_wait3A_62 = tpu.memref_squeeze %dma_wait3A_61 : memref<1x1000x32xf32, #tpu.memory_space<vmem>> -> memref<1000x32xf32, #tpu.memory_space<vmem>>
    %dma_wait3A_63 = arith.constant 0 : i32
    %dma_wait3A_64 = tpu.memref_slice %arg8[%add3A_34, %dma_wait3A_63] : memref<896000x32xf32, #tpu.memory_space<hbm>> -> memref<1000x32xf32, #tpu.memory_space<hbm>>
    %dma_wait3A_65 = arith.constant 0 : i32
    %dma_wait3A_66 = tpu.memref_slice %arg8[%add3A_34, %dma_wait3A_65] : memref<896000x32xf32, #tpu.memory_space<hbm>> -> memref<1000x32xf32, #tpu.memory_space<hbm>>
    %dma_wait3A_67 = arith.constant 0 : i32
    %dma_wait3A_68 = arith.constant 0 : i32
    %dma_wait3A_69 = tpu.memref_slice %arg10[%dma_wait3A_58, %dma_wait3A_67, %dma_wait3A_68] : memref<2x1000x32xf32, #tpu.memory_space<vmem>> -> memref<1x1000x32xf32, #tpu.memory_space<vmem>>
    %dma_wait3A_70 = tpu.memref_squeeze %dma_wait3A_69 : memref<1x1000x32xf32, #tpu.memory_space<vmem>> -> memref<1000x32xf32, #tpu.memory_space<vmem>>
    tpu.wait_dma2 semaphore(%arg13 : memref<!tpu.dma_semaphore, #tpu.memory_space<semaphore_mem>>) src(%dma_wait3A_70 : memref<1000x32xf32, #tpu.memory_space<vmem>>) dst(%dma_wait3A_66 : memref<1000x32xf32, #tpu.memory_space<hbm>>)
    %dma_start3A_71 = arith.constant 0 : i32
    %dma_start3A_72 = arith.constant 0 : i32
    %dma_start3A_73 = arith.constant 0 : i32
    %dma_start3A_74 = tpu.memref_slice %arg10[%dma_start3A_71, %dma_start3A_72, %dma_start3A_73] : memref<2x1000x32xf32, #tpu.memory_space<vmem>> -> memref<1x1000x32xf32, #tpu.memory_space<vmem>>
    %dma_start3A_75 = tpu.memref_squeeze %dma_start3A_74 : memref<1x1000x32xf32, #tpu.memory_space<vmem>> -> memref<1000x32xf32, #tpu.memory_space<vmem>>
    %dma_start3A_76 = arith.constant 2000 : i32
    %dma_start3A_77 = tpu.memref_slice %arg9[%dma_start3A_76] : memref<10000xi32, #tpu.memory_space<vmem>> -> memref<1000xi32, #tpu.memory_space<vmem>>
    %dma_start3A_78 = arith.constant 0 : i32
    %dma_start3A_79 = arith.constant 0 : i32
    %dma_start3A_80 = tpu.memref_slice %arg2[%dma_start3A_78, %dma_start3A_79] : memref<50000x32xf32, #tpu.memory_space<hbm>> -> memref<50000x32xf32, #tpu.memory_space<hbm>>
    tpu.enqueue_indirect_dma source(%dma_start3A_80 : memref<50000x32xf32, #tpu.memory_space<hbm>>) target(%dma_start3A_75 : memref<1000x32xf32, #tpu.memory_space<vmem>>) offsets(%dma_start3A_77 : memref<1000xi32, #tpu.memory_space<vmem>>) semaphore(%arg11 : memref<!tpu.dma_semaphore, #tpu.memory_space<semaphore_mem>>)
    %add3A_81 = arith.constant 0 : i32
    %add3A_82 = arith.addi %add3A_81, %mul3A_2 : i32
    %add3A_83 = arith.constant 1000 : i32
    %add3A_84 = arith.addi %add3A_82, %add3A_83 : i32
    %dma_start3A_85 = arith.constant 1 : i32
    %dma_start3A_86 = arith.constant 0 : i32
    %dma_start3A_87 = arith.constant 0 : i32
    %dma_start3A_88 = tpu.memref_slice %arg10[%dma_start3A_85, %dma_start3A_86, %dma_start3A_87] : memref<2x1000x32xf32, #tpu.memory_space<vmem>> -> memref<1x1000x32xf32, #tpu.memory_space<vmem>>
    %dma_start3A_89 = tpu.memref_squeeze %dma_start3A_88 : memref<1x1000x32xf32, #tpu.memory_space<vmem>> -> memref<1000x32xf32, #tpu.memory_space<vmem>>
    %dma_start3A_90 = arith.constant 0 : i32
    %dma_start3A_91 = tpu.memref_slice %arg8[%add3A_84, %dma_start3A_90] : memref<896000x32xf32, #tpu.memory_space<hbm>> -> memref<1000x32xf32, #tpu.memory_space<hbm>>
    %dma_start3A_92 = arith.constant 0 : i32
    %dma_start3A_93 = tpu.memref_slice %arg8[%add3A_84, %dma_start3A_92] : memref<896000x32xf32, #tpu.memory_space<hbm>> -> memref<1000x32xf32, #tpu.memory_space<hbm>>
    %dma_start3A_94 = arith.constant 0 : i32
    %dma_start3A_95 = arith.constant 0 : i32
    %dma_start3A_96 = tpu.memref_slice %arg10[%dma_start3A_85, %dma_start3A_94, %dma_start3A_95] : memref<2x1000x32xf32, #tpu.memory_space<vmem>> -> memref<1x1000x32xf32, #tpu.memory_space<vmem>>
    %dma_start3A_97 = tpu.memref_squeeze %dma_start3A_96 : memref<1x1000x32xf32, #tpu.memory_space<vmem>> -> memref<1000x32xf32, #tpu.memory_space<vmem>>
    tpu.enqueue_dma source(%dma_start3A_97 : memref<1000x32xf32, #tpu.memory_space<vmem>>) target(%dma_start3A_93 : memref<1000x32xf32, #tpu.memory_space<hbm>>) target_semaphore(%arg14 : memref<!tpu.dma_semaphore, #tpu.memory_space<semaphore_mem>>)
    %dma_wait3A_98 = arith.constant 0 : i32
    %dma_wait3A_99 = arith.constant 0 : i32
    %dma_wait3A_100 = arith.constant 0 : i32
    %dma_wait3A_101 = tpu.memref_slice %arg10[%dma_wait3A_98, %dma_wait3A_99, %dma_wait3A_100] : memref<2x1000x32xf32, #tpu.memory_space<vmem>> -> memref<1x1000x32xf32, #tpu.memory_space<vmem>>
    %dma_wait3A_102 = tpu.memref_squeeze %dma_wait3A_101 : memref<1x1000x32xf32, #tpu.memory_space<vmem>> -> memref<1000x32xf32, #tpu.memory_space<vmem>>
    %dma_wait3A_103 = arith.constant 2000 : i32
    %dma_wait3A_104 = tpu.memref_slice %arg9[%dma_wait3A_103] : memref<10000xi32, #tpu.memory_space<vmem>> -> memref<1000xi32, #tpu.memory_space<vmem>>
    %dma_wait3A_105 = arith.constant 0 : i32
    %dma_wait3A_106 = arith.constant 0 : i32
    %dma_wait3A_107 = tpu.memref_slice %arg2[%dma_wait3A_105, %dma_wait3A_106] : memref<50000x32xf32, #tpu.memory_space<hbm>> -> memref<50000x32xf32, #tpu.memory_space<hbm>>
    tpu.wait_indirect_dma semaphore(%arg11 : memref<!tpu.dma_semaphore, #tpu.memory_space<semaphore_mem>>) src(%dma_wait3A_107 : memref<50000x32xf32, #tpu.memory_space<hbm>>) dst(%dma_wait3A_102 : memref<1000x32xf32, #tpu.memory_space<vmem>>)
    %dma_wait3A_108 = arith.constant 1 : i32
    %dma_wait3A_109 = arith.constant 0 : i32
    %dma_wait3A_110 = arith.constant 0 : i32
    %dma_wait3A_111 = tpu.memref_slice %arg10[%dma_wait3A_108, %dma_wait3A_109, %dma_wait3A_110] : memref<2x1000x32xf32, #tpu.memory_space<vmem>> -> memref<1x1000x32xf32, #tpu.memory_space<vmem>>
    %dma_wait3A_112 = tpu.memref_squeeze %dma_wait3A_111 : memref<1x1000x32xf32, #tpu.memory_space<vmem>> -> memref<1000x32xf32, #tpu.memory_space<vmem>>
    %dma_wait3A_113 = arith.constant 0 : i32
    %dma_wait3A_114 = tpu.memref_slice %arg8[%add3A_84, %dma_wait3A_113] : memref<896000x32xf32, #tpu.memory_space<hbm>> -> memref<1000x32xf32, #tpu.memory_space<hbm>>
    %dma_wait3A_115 = arith.constant 0 : i32
    %dma_wait3A_116 = tpu.memref_slice %arg8[%add3A_84, %dma_wait3A_115] : memref<896000x32xf32, #tpu.memory_space<hbm>> -> memref<1000x32xf32, #tpu.memory_space<hbm>>
    %dma_wait3A_117 = arith.constant 0 : i32
    %dma_wait3A_118 = arith.constant 0 : i32
    %dma_wait3A_119 = tpu.memref_slice %arg10[%dma_wait3A_108, %dma_wait3A_117, %dma_wait3A_118] : memref<2x1000x32xf32, #tpu.memory_space<vmem>> -> memref<1x1000x32xf32, #tpu.memory_space<vmem>>
    %dma_wait3A_120 = tpu.memref_squeeze %dma_wait3A_119 : memref<1x1000x32xf32, #tpu.memory_space<vmem>> -> memref<1000x32xf32, #tpu.memory_space<vmem>>
    tpu.wait_dma2 semaphore(%arg14 : memref<!tpu.dma_semaphore, #tpu.memory_space<semaphore_mem>>) src(%dma_wait3A_120 : memref<1000x32xf32, #tpu.memory_space<vmem>>) dst(%dma_wait3A_116 : memref<1000x32xf32, #tpu.memory_space<hbm>>)
    %dma_start3A_121 = arith.constant 1 : i32
    %dma_start3A_122 = arith.constant 0 : i32
    %dma_start3A_123 = arith.constant 0 : i32
    %dma_start3A_124 = tpu.memref_slice %arg10[%dma_start3A_121, %dma_start3A_122, %dma_start3A_123] : memref<2x1000x32xf32, #tpu.memory_space<vmem>> -> memref<1x1000x32xf32, #tpu.memory_space<vmem>>
    %dma_start3A_125 = tpu.memref_squeeze %dma_start3A_124 : memref<1x1000x32xf32, #tpu.memory_space<vmem>> -> memref<1000x32xf32, #tpu.memory_space<vmem>>
    %dma_start3A_126 = arith.constant 3000 : i32
    %dma_start3A_127 = tpu.memref_slice %arg9[%dma_start3A_126] : memref<10000xi32, #tpu.memory_space<vmem>> -> memref<1000xi32, #tpu.memory_space<vmem>>
    %dma_start3A_128 = arith.constant 0 : i32
    %dma_start3A_129 = arith.constant 0 : i32
    %dma_start3A_130 = tpu.memref_slice %arg2[%dma_start3A_128, %dma_start3A_129] : memref<50000x32xf32, #tpu.memory_space<hbm>> -> memref<50000x32xf32, #tpu.memory_space<hbm>>
    tpu.enqueue_indirect_dma source(%dma_start3A_130 : memref<50000x32xf32, #tpu.memory_space<hbm>>) target(%dma_start3A_125 : memref<1000x32xf32, #tpu.memory_space<vmem>>) offsets(%dma_start3A_127 : memref<1000xi32, #tpu.memory_space<vmem>>) semaphore(%arg12 : memref<!tpu.dma_semaphore, #tpu.memory_space<semaphore_mem>>)
    %add3A_131 = arith.constant 0 : i32
    %add3A_132 = arith.addi %add3A_131, %mul3A_2 : i32
    %add3A_133 = arith.constant 2000 : i32
    %add3A_134 = arith.addi %add3A_132, %add3A_133 : i32
    %dma_start3A_135 = arith.constant 0 : i32
    %dma_start3A_136 = arith.constant 0 : i32
    %dma_start3A_137 = arith.constant 0 : i32
    %dma_start3A_138 = tpu.memref_slice %arg10[%dma_start3A_135, %dma_start3A_136, %dma_start3A_137] : memref<2x1000x32xf32, #tpu.memory_space<vmem>> -> memref<1x1000x32xf32, #tpu.memory_space<vmem>>
    %dma_start3A_139 = tpu.memref_squeeze %dma_start3A_138 : memref<1x1000x32xf32, #tpu.memory_space<vmem>> -> memref<1000x32xf32, #tpu.memory_space<vmem>>
    %dma_start3A_140 = arith.constant 0 : i32
    %dma_start3A_141 = tpu.memref_slice %arg8[%add3A_134, %dma_start3A_140] : memref<896000x32xf32, #tpu.memory_space<hbm>> -> memref<1000x32xf32, #tpu.memory_space<hbm>>
    %dma_start3A_142 = arith.constant 0 : i32
    %dma_start3A_143 = tpu.memref_slice %arg8[%add3A_134, %dma_start3A_142] : memref<896000x32xf32, #tpu.memory_space<hbm>> -> memref<1000x32xf32, #tpu.memory_space<hbm>>
    %dma_start3A_144 = arith.constant 0 : i32
    %dma_start3A_145 = arith.constant 0 : i32
    %dma_start3A_146 = tpu.memref_slice %arg10[%dma_start3A_135, %dma_start3A_144, %dma_start3A_145] : memref<2x1000x32xf32, #tpu.memory_space<vmem>> -> memref<1x1000x32xf32, #tpu.memory_space<vmem>>
    %dma_start3A_147 = tpu.memref_squeeze %dma_start3A_146 : memref<1x1000x32xf32, #tpu.memory_space<vmem>> -> memref<1000x32xf32, #tpu.memory_space<vmem>>
    tpu.enqueue_dma source(%dma_start3A_147 : memref<1000x32xf32, #tpu.memory_space<vmem>>) target(%dma_start3A_143 : memref<1000x32xf32, #tpu.memory_space<hbm>>) target_semaphore(%arg13 : memref<!tpu.dma_semaphore, #tpu.memory_space<semaphore_mem>>)
    %dma_wait3A_148 = arith.constant 1 : i32
    %dma_wait3A_149 = arith.constant 0 : i32
    %dma_wait3A_150 = arith.constant 0 : i32
    %dma_wait3A_151 = tpu.memref_slice %arg10[%dma_wait3A_148, %dma_wait3A_149, %dma_wait3A_150] : memref<2x1000x32xf32, #tpu.memory_space<vmem>> -> memref<1x1000x32xf32, #tpu.memory_space<vmem>>
    %dma_wait3A_152 = tpu.memref_squeeze %dma_wait3A_151 : memref<1x1000x32xf32, #tpu.memory_space<vmem>> -> memref<1000x32xf32, #tpu.memory_space<vmem>>
    %dma_wait3A_153 = arith.constant 3000 : i32
    %dma_wait3A_154 = tpu.memref_slice %arg9[%dma_wait3A_153] : memref<10000xi32, #tpu.memory_space<vmem>> -> memref<1000xi32, #tpu.memory_space<vmem>>
    %dma_wait3A_155 = arith.constant 0 : i32
    %dma_wait3A_156 = arith.constant 0 : i32
    %dma_wait3A_157 = tpu.memref_slice %arg2[%dma_wait3A_155, %dma_wait3A_156] : memref<50000x32xf32, #tpu.memory_space<hbm>> -> memref<50000x32xf32, #tpu.memory_space<hbm>>
    tpu.wait_indirect_dma semaphore(%arg12 : memref<!tpu.dma_semaphore, #tpu.memory_space<semaphore_mem>>) src(%dma_wait3A_157 : memref<50000x32xf32, #tpu.memory_space<hbm>>) dst(%dma_wait3A_152 : memref<1000x32xf32, #tpu.memory_space<vmem>>)
    %dma_wait3A_158 = arith.constant 0 : i32
    %dma_wait3A_159 = arith.constant 0 : i32
    %dma_wait3A_160 = arith.constant 0 : i32
    %dma_wait3A_161 = tpu.memref_slice %arg10[%dma_wait3A_158, %dma_wait3A_159, %dma_wait3A_160] : memref<2x1000x32xf32, #tpu.memory_space<vmem>> -> memref<1x1000x32xf32, #tpu.memory_space<vmem>>
    %dma_wait3A_162 = tpu.memref_squeeze %dma_wait3A_161 : memref<1x1000x32xf32, #tpu.memory_space<vmem>> -> memref<1000x32xf32, #tpu.memory_space<vmem>>
    %dma_wait3A_163 = arith.constant 0 : i32
    %dma_wait3A_164 = tpu.memref_slice %arg8[%add3A_134, %dma_wait3A_163] : memref<896000x32xf32, #tpu.memory_space<hbm>> -> memref<1000x32xf32, #tpu.memory_space<hbm>>
    %dma_wait3A_165 = arith.constant 0 : i32
    %dma_wait3A_166 = tpu.memref_slice %arg8[%add3A_134, %dma_wait3A_165] : memref<896000x32xf32, #tpu.memory_space<hbm>> -> memref<1000x32xf32, #tpu.memory_space<hbm>>
    %dma_wait3A_167 = arith.constant 0 : i32
    %dma_wait3A_168 = arith.constant 0 : i32
    %dma_wait3A_169 = tpu.memref_slice %arg10[%dma_wait3A_158, %dma_wait3A_167, %dma_wait3A_168] : memref<2x1000x32xf32, #tpu.memory_space<vmem>> -> memref<1x1000x32xf32, #tpu.memory_space<vmem>>
    %dma_wait3A_170 = tpu.memref_squeeze %dma_wait3A_169 : memref<1x1000x32xf32, #tpu.memory_space<vmem>> -> memref<1000x32xf32, #tpu.memory_space<vmem>>
    tpu.wait_dma2 semaphore(%arg13 : memref<!tpu.dma_semaphore, #tpu.memory_space<semaphore_mem>>) src(%dma_wait3A_170 : memref<1000x32xf32, #tpu.memory_space<vmem>>) dst(%dma_wait3A_166 : memref<1000x32xf32, #tpu.memory_space<hbm>>)
    %dma_start3A_171 = arith.constant 0 : i32
    %dma_start3A_172 = arith.constant 0 : i32
    %dma_start3A_173 = arith.constant 0 : i32
    %dma_start3A_174 = tpu.memref_slice %arg10[%dma_start3A_171, %dma_start3A_172, %dma_start3A_173] : memref<2x1000x32xf32, #tpu.memory_space<vmem>> -> memref<1x1000x32xf32, #tpu.memory_space<vmem>>
    %dma_start3A_175 = tpu.memref_squeeze %dma_start3A_174 : memref<1x1000x32xf32, #tpu.memory_space<vmem>> -> memref<1000x32xf32, #tpu.memory_space<vmem>>
    %dma_start3A_176 = arith.constant 4000 : i32
    %dma_start3A_177 = tpu.memref_slice %arg9[%dma_start3A_176] : memref<10000xi32, #tpu.memory_space<vmem>> -> memref<1000xi32, #tpu.memory_space<vmem>>
    %dma_start3A_178 = arith.constant 0 : i32
    %dma_start3A_179 = arith.constant 0 : i32
    %dma_start3A_180 = tpu.memref_slice %arg2[%dma_start3A_178, %dma_start3A_179] : memref<50000x32xf32, #tpu.memory_space<hbm>> -> memref<50000x32xf32, #tpu.memory_space<hbm>>
    tpu.enqueue_indirect_dma source(%dma_start3A_180 : memref<50000x32xf32, #tpu.memory_space<hbm>>) target(%dma_start3A_175 : memref<1000x32xf32, #tpu.memory_space<vmem>>) offsets(%dma_start3A_177 : memref<1000xi32, #tpu.memory_space<vmem>>) semaphore(%arg11 : memref<!tpu.dma_semaphore, #tpu.memory_space<semaphore_mem>>)
    %add3A_181 = arith.constant 0 : i32
    %add3A_182 = arith.addi %add3A_181, %mul3A_2 : i32
    %add3A_183 = arith.constant 3000 : i32
    %add3A_184 = arith.addi %add3A_182, %add3A_183 : i32
    %dma_start3A_185 = arith.constant 1 : i32
    %dma_start3A_186 = arith.constant 0 : i32
    %dma_start3A_187 = arith.constant 0 : i32
    %dma_start3A_188 = tpu.memref_slice %arg10[%dma_start3A_185, %dma_start3A_186, %dma_start3A_187] : memref<2x1000x32xf32, #tpu.memory_space<vmem>> -> memref<1x1000x32xf32, #tpu.memory_space<vmem>>
    %dma_start3A_189 = tpu.memref_squeeze %dma_start3A_188 : memref<1x1000x32xf32, #tpu.memory_space<vmem>> -> memref<1000x32xf32, #tpu.memory_space<vmem>>
    %dma_start3A_190 = arith.constant 0 : i32
    %dma_start3A_191 = tpu.memref_slice %arg8[%add3A_184, %dma_start3A_190] : memref<896000x32xf32, #tpu.memory_space<hbm>> -> memref<1000x32xf32, #tpu.memory_space<hbm>>
    %dma_start3A_192 = arith.constant 0 : i32
    %dma_start3A_193 = tpu.memref_slice %arg8[%add3A_184, %dma_start3A_192] : memref<896000x32xf32, #tpu.memory_space<hbm>> -> memref<1000x32xf32, #tpu.memory_space<hbm>>
    %dma_start3A_194 = arith.constant 0 : i32
    %dma_start3A_195 = arith.constant 0 : i32
    %dma_start3A_196 = tpu.memref_slice %arg10[%dma_start3A_185, %dma_start3A_194, %dma_start3A_195] : memref<2x1000x32xf32, #tpu.memory_space<vmem>> -> memref<1x1000x32xf32, #tpu.memory_space<vmem>>
    %dma_start3A_197 = tpu.memref_squeeze %dma_start3A_196 : memref<1x1000x32xf32, #tpu.memory_space<vmem>> -> memref<1000x32xf32, #tpu.memory_space<vmem>>
    tpu.enqueue_dma source(%dma_start3A_197 : memref<1000x32xf32, #tpu.memory_space<vmem>>) target(%dma_start3A_193 : memref<1000x32xf32, #tpu.memory_space<hbm>>) target_semaphore(%arg14 : memref<!tpu.dma_semaphore, #tpu.memory_space<semaphore_mem>>)
    %dma_wait3A_198 = arith.constant 0 : i32
    %dma_wait3A_199 = arith.constant 0 : i32
    %dma_wait3A_200 = arith.constant 0 : i32
    %dma_wait3A_201 = tpu.memref_slice %arg10[%dma_wait3A_198, %dma_wait3A_199, %dma_wait3A_200] : memref<2x1000x32xf32, #tpu.memory_space<vmem>> -> memref<1x1000x32xf32, #tpu.memory_space<vmem>>
    %dma_wait3A_202 = tpu.memref_squeeze %dma_wait3A_201 : memref<1x1000x32xf32, #tpu.memory_space<vmem>> -> memref<1000x32xf32, #tpu.memory_space<vmem>>
    %dma_wait3A_203 = arith.constant 4000 : i32
    %dma_wait3A_204 = tpu.memref_slice %arg9[%dma_wait3A_203] : memref<10000xi32, #tpu.memory_space<vmem>> -> memref<1000xi32, #tpu.memory_space<vmem>>
    %dma_wait3A_205 = arith.constant 0 : i32
    %dma_wait3A_206 = arith.constant 0 : i32
    %dma_wait3A_207 = tpu.memref_slice %arg2[%dma_wait3A_205, %dma_wait3A_206] : memref<50000x32xf32, #tpu.memory_space<hbm>> -> memref<50000x32xf32, #tpu.memory_space<hbm>>
    tpu.wait_indirect_dma semaphore(%arg11 : memref<!tpu.dma_semaphore, #tpu.memory_space<semaphore_mem>>) src(%dma_wait3A_207 : memref<50000x32xf32, #tpu.memory_space<hbm>>) dst(%dma_wait3A_202 : memref<1000x32xf32, #tpu.memory_space<vmem>>)
    %dma_wait3A_208 = arith.constant 1 : i32
    %dma_wait3A_209 = arith.constant 0 : i32
    %dma_wait3A_210 = arith.constant 0 : i32
    %dma_wait3A_211 = tpu.memref_slice %arg10[%dma_wait3A_208, %dma_wait3A_209, %dma_wait3A_210] : memref<2x1000x32xf32, #tpu.memory_space<vmem>> -> memref<1x1000x32xf32, #tpu.memory_space<vmem>>
    %dma_wait3A_212 = tpu.memref_squeeze %dma_wait3A_211 : memref<1x1000x32xf32, #tpu.memory_space<vmem>> -> memref<1000x32xf32, #tpu.memory_space<vmem>>
    %dma_wait3A_213 = arith.constant 0 : i32
    %dma_wait3A_214 = tpu.memref_slice %arg8[%add3A_184, %dma_wait3A_213] : memref<896000x32xf32, #tpu.memory_space<hbm>> -> memref<1000x32xf32, #tpu.memory_space<hbm>>
    %dma_wait3A_215 = arith.constant 0 : i32
    %dma_wait3A_216 = tpu.memref_slice %arg8[%add3A_184, %dma_wait3A_215] : memref<896000x32xf32, #tpu.memory_space<hbm>> -> memref<1000x32xf32, #tpu.memory_space<hbm>>
    %dma_wait3A_217 = arith.constant 0 : i32
    %dma_wait3A_218 = arith.constant 0 : i32
    %dma_wait3A_219 = tpu.memref_slice %arg10[%dma_wait3A_208, %dma_wait3A_217, %dma_wait3A_218] : memref<2x1000x32xf32, #tpu.memory_space<vmem>> -> memref<1x1000x32xf32, #tpu.memory_space<vmem>>
    %dma_wait3A_220 = tpu.memref_squeeze %dma_wait3A_219 : memref<1x1000x32xf32, #tpu.memory_space<vmem>> -> memref<1000x32xf32, #tpu.memory_space<vmem>>
    tpu.wait_dma2 semaphore(%arg14 : memref<!tpu.dma_semaphore, #tpu.memory_space<semaphore_mem>>) src(%dma_wait3A_220 : memref<1000x32xf32, #tpu.memory_space<vmem>>) dst(%dma_wait3A_216 : memref<1000x32xf32, #tpu.memory_space<hbm>>)
    %dma_start3A_221 = arith.constant 1 : i32
    %dma_start3A_222 = arith.constant 0 : i32
    %dma_start3A_223 = arith.constant 0 : i32
    %dma_start3A_224 = tpu.memref_slice %arg10[%dma_start3A_221, %dma_start3A_222, %dma_start3A_223] : memref<2x1000x32xf32, #tpu.memory_space<vmem>> -> memref<1x1000x32xf32, #tpu.memory_space<vmem>>
    %dma_start3A_225 = tpu.memref_squeeze %dma_start3A_224 : memref<1x1000x32xf32, #tpu.memory_space<vmem>> -> memref<1000x32xf32, #tpu.memory_space<vmem>>
    %dma_start3A_226 = arith.constant 5000 : i32
    %dma_start3A_227 = tpu.memref_slice %arg9[%dma_start3A_226] : memref<10000xi32, #tpu.memory_space<vmem>> -> memref<1000xi32, #tpu.memory_space<vmem>>
    %dma_start3A_228 = arith.constant 0 : i32
    %dma_start3A_229 = arith.constant 0 : i32
    %dma_start3A_230 = tpu.memref_slice %arg2[%dma_start3A_228, %dma_start3A_229] : memref<50000x32xf32, #tpu.memory_space<hbm>> -> memref<50000x32xf32, #tpu.memory_space<hbm>>
    tpu.enqueue_indirect_dma source(%dma_start3A_230 : memref<50000x32xf32, #tpu.memory_space<hbm>>) target(%dma_start3A_225 : memref<1000x32xf32, #tpu.memory_space<vmem>>) offsets(%dma_start3A_227 : memref<1000xi32, #tpu.memory_space<vmem>>) semaphore(%arg12 : memref<!tpu.dma_semaphore, #tpu.memory_space<semaphore_mem>>)
    %add3A_231 = arith.constant 0 : i32
    %add3A_232 = arith.addi %add3A_231, %mul3A_2 : i32
    %add3A_233 = arith.constant 4000 : i32
    %add3A_234 = arith.addi %add3A_232, %add3A_233 : i32
    %dma_start3A_235 = arith.constant 0 : i32
    %dma_start3A_236 = arith.constant 0 : i32
    %dma_start3A_237 = arith.constant 0 : i32
    %dma_start3A_238 = tpu.memref_slice %arg10[%dma_start3A_235, %dma_start3A_236, %dma_start3A_237] : memref<2x1000x32xf32, #tpu.memory_space<vmem>> -> memref<1x1000x32xf32, #tpu.memory_space<vmem>>
    %dma_start3A_239 = tpu.memref_squeeze %dma_start3A_238 : memref<1x1000x32xf32, #tpu.memory_space<vmem>> -> memref<1000x32xf32, #tpu.memory_space<vmem>>
    %dma_start3A_240 = arith.constant 0 : i32
    %dma_start3A_241 = tpu.memref_slice %arg8[%add3A_234, %dma_start3A_240] : memref<896000x32xf32, #tpu.memory_space<hbm>> -> memref<1000x32xf32, #tpu.memory_space<hbm>>
    %dma_start3A_242 = arith.constant 0 : i32
    %dma_start3A_243 = tpu.memref_slice %arg8[%add3A_234, %dma_start3A_242] : memref<896000x32xf32, #tpu.memory_space<hbm>> -> memref<1000x32xf32, #tpu.memory_space<hbm>>
    %dma_start3A_244 = arith.constant 0 : i32
    %dma_start3A_245 = arith.constant 0 : i32
    %dma_start3A_246 = tpu.memref_slice %arg10[%dma_start3A_235, %dma_start3A_244, %dma_start3A_245] : memref<2x1000x32xf32, #tpu.memory_space<vmem>> -> memref<1x1000x32xf32, #tpu.memory_space<vmem>>
    %dma_start3A_247 = tpu.memref_squeeze %dma_start3A_246 : memref<1x1000x32xf32, #tpu.memory_space<vmem>> -> memref<1000x32xf32, #tpu.memory_space<vmem>>
    tpu.enqueue_dma source(%dma_start3A_247 : memref<1000x32xf32, #tpu.memory_space<vmem>>) target(%dma_start3A_243 : memref<1000x32xf32, #tpu.memory_space<hbm>>) target_semaphore(%arg13 : memref<!tpu.dma_semaphore, #tpu.memory_space<semaphore_mem>>)
    %dma_wait3A_248 = arith.constant 1 : i32
    %dma_wait3A_249 = arith.constant 0 : i32
    %dma_wait3A_250 = arith.constant 0 : i32
    %dma_wait3A_251 = tpu.memref_slice %arg10[%dma_wait3A_248, %dma_wait3A_249, %dma_wait3A_250] : memref<2x1000x32xf32, #tpu.memory_space<vmem>> -> memref<1x1000x32xf32, #tpu.memory_space<vmem>>
    %dma_wait3A_252 = tpu.memref_squeeze %dma_wait3A_251 : memref<1x1000x32xf32, #tpu.memory_space<vmem>> -> memref<1000x32xf32, #tpu.memory_space<vmem>>
    %dma_wait3A_253 = arith.constant 5000 : i32
    %dma_wait3A_254 = tpu.memref_slice %arg9[%dma_wait3A_253] : memref<10000xi32, #tpu.memory_space<vmem>> -> memref<1000xi32, #tpu.memory_space<vmem>>
    %dma_wait3A_255 = arith.constant 0 : i32
    %dma_wait3A_256 = arith.constant 0 : i32
    %dma_wait3A_257 = tpu.memref_slice %arg2[%dma_wait3A_255, %dma_wait3A_256] : memref<50000x32xf32, #tpu.memory_space<hbm>> -> memref<50000x32xf32, #tpu.memory_space<hbm>>
    tpu.wait_indirect_dma semaphore(%arg12 : memref<!tpu.dma_semaphore, #tpu.memory_space<semaphore_mem>>) src(%dma_wait3A_257 : memref<50000x32xf32, #tpu.memory_space<hbm>>) dst(%dma_wait3A_252 : memref<1000x32xf32, #tpu.memory_space<vmem>>)
    %dma_wait3A_258 = arith.constant 0 : i32
    %dma_wait3A_259 = arith.constant 0 : i32
    %dma_wait3A_260 = arith.constant 0 : i32
    %dma_wait3A_261 = tpu.memref_slice %arg10[%dma_wait3A_258, %dma_wait3A_259, %dma_wait3A_260] : memref<2x1000x32xf32, #tpu.memory_space<vmem>> -> memref<1x1000x32xf32, #tpu.memory_space<vmem>>
    %dma_wait3A_262 = tpu.memref_squeeze %dma_wait3A_261 : memref<1x1000x32xf32, #tpu.memory_space<vmem>> -> memref<1000x32xf32, #tpu.memory_space<vmem>>
    %dma_wait3A_263 = arith.constant 0 : i32
    %dma_wait3A_264 = tpu.memref_slice %arg8[%add3A_234, %dma_wait3A_263] : memref<896000x32xf32, #tpu.memory_space<hbm>> -> memref<1000x32xf32, #tpu.memory_space<hbm>>
    %dma_wait3A_265 = arith.constant 0 : i32
    %dma_wait3A_266 = tpu.memref_slice %arg8[%add3A_234, %dma_wait3A_265] : memref<896000x32xf32, #tpu.memory_space<hbm>> -> memref<1000x32xf32, #tpu.memory_space<hbm>>
    %dma_wait3A_267 = arith.constant 0 : i32
    %dma_wait3A_268 = arith.constant 0 : i32
    %dma_wait3A_269 = tpu.memref_slice %arg10[%dma_wait3A_258, %dma_wait3A_267, %dma_wait3A_268] : memref<2x1000x32xf32, #tpu.memory_space<vmem>> -> memref<1x1000x32xf32, #tpu.memory_space<vmem>>
    %dma_wait3A_270 = tpu.memref_squeeze %dma_wait3A_269 : memref<1x1000x32xf32, #tpu.memory_space<vmem>> -> memref<1000x32xf32, #tpu.memory_space<vmem>>
    tpu.wait_dma2 semaphore(%arg13 : memref<!tpu.dma_semaphore, #tpu.memory_space<semaphore_mem>>) src(%dma_wait3A_270 : memref<1000x32xf32, #tpu.memory_space<vmem>>) dst(%dma_wait3A_266 : memref<1000x32xf32, #tpu.memory_space<hbm>>)
    %dma_start3A_271 = arith.constant 0 : i32
    %dma_start3A_272 = arith.constant 0 : i32
    %dma_start3A_273 = arith.constant 0 : i32
    %dma_start3A_274 = tpu.memref_slice %arg10[%dma_start3A_271, %dma_start3A_272, %dma_start3A_273] : memref<2x1000x32xf32, #tpu.memory_space<vmem>> -> memref<1x1000x32xf32, #tpu.memory_space<vmem>>
    %dma_start3A_275 = tpu.memref_squeeze %dma_start3A_274 : memref<1x1000x32xf32, #tpu.memory_space<vmem>> -> memref<1000x32xf32, #tpu.memory_space<vmem>>
    %dma_start3A_276 = arith.constant 6000 : i32
    %dma_start3A_277 = tpu.memref_slice %arg9[%dma_start3A_276] : memref<10000xi32, #tpu.memory_space<vmem>> -> memref<1000xi32, #tpu.memory_space<vmem>>
    %dma_start3A_278 = arith.constant 0 : i32
    %dma_start3A_279 = arith.constant 0 : i32
    %dma_start3A_280 = tpu.memref_slice %arg2[%dma_start3A_278, %dma_start3A_279] : memref<50000x32xf32, #tpu.memory_space<hbm>> -> memref<50000x32xf32, #tpu.memory_space<hbm>>
    tpu.enqueue_indirect_dma source(%dma_start3A_280 : memref<50000x32xf32, #tpu.memory_space<hbm>>) target(%dma_start3A_275 : memref<1000x32xf32, #tpu.memory_space<vmem>>) offsets(%dma_start3A_277 : memref<1000xi32, #tpu.memory_space<vmem>>) semaphore(%arg11 : memref<!tpu.dma_semaphore, #tpu.memory_space<semaphore_mem>>)
    %add3A_281 = arith.constant 0 : i32
    %add3A_282 = arith.addi %add3A_281, %mul3A_2 : i32
    %add3A_283 = arith.constant 5000 : i32
    %add3A_284 = arith.addi %add3A_282, %add3A_283 : i32
    %dma_start3A_285 = arith.constant 1 : i32
    %dma_start3A_286 = arith.constant 0 : i32
    %dma_start3A_287 = arith.constant 0 : i32
    %dma_start3A_288 = tpu.memref_slice %arg10[%dma_start3A_285, %dma_start3A_286, %dma_start3A_287] : memref<2x1000x32xf32, #tpu.memory_space<vmem>> -> memref<1x1000x32xf32, #tpu.memory_space<vmem>>
    %dma_start3A_289 = tpu.memref_squeeze %dma_start3A_288 : memref<1x1000x32xf32, #tpu.memory_space<vmem>> -> memref<1000x32xf32, #tpu.memory_space<vmem>>
    %dma_start3A_290 = arith.constant 0 : i32
    %dma_start3A_291 = tpu.memref_slice %arg8[%add3A_284, %dma_start3A_290] : memref<896000x32xf32, #tpu.memory_space<hbm>> -> memref<1000x32xf32, #tpu.memory_space<hbm>>
    %dma_start3A_292 = arith.constant 0 : i32
    %dma_start3A_293 = tpu.memref_slice %arg8[%add3A_284, %dma_start3A_292] : memref<896000x32xf32, #tpu.memory_space<hbm>> -> memref<1000x32xf32, #tpu.memory_space<hbm>>
    %dma_start3A_294 = arith.constant 0 : i32
    %dma_start3A_295 = arith.constant 0 : i32
    %dma_start3A_296 = tpu.memref_slice %arg10[%dma_start3A_285, %dma_start3A_294, %dma_start3A_295] : memref<2x1000x32xf32, #tpu.memory_space<vmem>> -> memref<1x1000x32xf32, #tpu.memory_space<vmem>>
    %dma_start3A_297 = tpu.memref_squeeze %dma_start3A_296 : memref<1x1000x32xf32, #tpu.memory_space<vmem>> -> memref<1000x32xf32, #tpu.memory_space<vmem>>
    tpu.enqueue_dma source(%dma_start3A_297 : memref<1000x32xf32, #tpu.memory_space<vmem>>) target(%dma_start3A_293 : memref<1000x32xf32, #tpu.memory_space<hbm>>) target_semaphore(%arg14 : memref<!tpu.dma_semaphore, #tpu.memory_space<semaphore_mem>>)
    %dma_wait3A_298 = arith.constant 0 : i32
    %dma_wait3A_299 = arith.constant 0 : i32
    %dma_wait3A_300 = arith.constant 0 : i32
    %dma_wait3A_301 = tpu.memref_slice %arg10[%dma_wait3A_298, %dma_wait3A_299, %dma_wait3A_300] : memref<2x1000x32xf32, #tpu.memory_space<vmem>> -> memref<1x1000x32xf32, #tpu.memory_space<vmem>>
    %dma_wait3A_302 = tpu.memref_squeeze %dma_wait3A_301 : memref<1x1000x32xf32, #tpu.memory_space<vmem>> -> memref<1000x32xf32, #tpu.memory_space<vmem>>
    %dma_wait3A_303 = arith.constant 6000 : i32
    %dma_wait3A_304 = tpu.memref_slice %arg9[%dma_wait3A_303] : memref<10000xi32, #tpu.memory_space<vmem>> -> memref<1000xi32, #tpu.memory_space<vmem>>
    %dma_wait3A_305 = arith.constant 0 : i32
    %dma_wait3A_306 = arith.constant 0 : i32
    %dma_wait3A_307 = tpu.memref_slice %arg2[%dma_wait3A_305, %dma_wait3A_306] : memref<50000x32xf32, #tpu.memory_space<hbm>> -> memref<50000x32xf32, #tpu.memory_space<hbm>>
    tpu.wait_indirect_dma semaphore(%arg11 : memref<!tpu.dma_semaphore, #tpu.memory_space<semaphore_mem>>) src(%dma_wait3A_307 : memref<50000x32xf32, #tpu.memory_space<hbm>>) dst(%dma_wait3A_302 : memref<1000x32xf32, #tpu.memory_space<vmem>>)
    %dma_wait3A_308 = arith.constant 1 : i32
    %dma_wait3A_309 = arith.constant 0 : i32
    %dma_wait3A_310 = arith.constant 0 : i32
    %dma_wait3A_311 = tpu.memref_slice %arg10[%dma_wait3A_308, %dma_wait3A_309, %dma_wait3A_310] : memref<2x1000x32xf32, #tpu.memory_space<vmem>> -> memref<1x1000x32xf32, #tpu.memory_space<vmem>>
    %dma_wait3A_312 = tpu.memref_squeeze %dma_wait3A_311 : memref<1x1000x32xf32, #tpu.memory_space<vmem>> -> memref<1000x32xf32, #tpu.memory_space<vmem>>
    %dma_wait3A_313 = arith.constant 0 : i32
    %dma_wait3A_314 = tpu.memref_slice %arg8[%add3A_284, %dma_wait3A_313] : memref<896000x32xf32, #tpu.memory_space<hbm>> -> memref<1000x32xf32, #tpu.memory_space<hbm>>
    %dma_wait3A_315 = arith.constant 0 : i32
    %dma_wait3A_316 = tpu.memref_slice %arg8[%add3A_284, %dma_wait3A_315] : memref<896000x32xf32, #tpu.memory_space<hbm>> -> memref<1000x32xf32, #tpu.memory_space<hbm>>
    %dma_wait3A_317 = arith.constant 0 : i32
    %dma_wait3A_318 = arith.constant 0 : i32
    %dma_wait3A_319 = tpu.memref_slice %arg10[%dma_wait3A_308, %dma_wait3A_317, %dma_wait3A_318] : memref<2x1000x32xf32, #tpu.memory_space<vmem>> -> memref<1x1000x32xf32, #tpu.memory_space<vmem>>
    %dma_wait3A_320 = tpu.memref_squeeze %dma_wait3A_319 : memref<1x1000x32xf32, #tpu.memory_space<vmem>> -> memref<1000x32xf32, #tpu.memory_space<vmem>>
    tpu.wait_dma2 semaphore(%arg14 : memref<!tpu.dma_semaphore, #tpu.memory_space<semaphore_mem>>) src(%dma_wait3A_320 : memref<1000x32xf32, #tpu.memory_space<vmem>>) dst(%dma_wait3A_316 : memref<1000x32xf32, #tpu.memory_space<hbm>>)
    %dma_start3A_321 = arith.constant 1 : i32
    %dma_start3A_322 = arith.constant 0 : i32
    %dma_start3A_323 = arith.constant 0 : i32
    %dma_start3A_324 = tpu.memref_slice %arg10[%dma_start3A_321, %dma_start3A_322, %dma_start3A_323] : memref<2x1000x32xf32, #tpu.memory_space<vmem>> -> memref<1x1000x32xf32, #tpu.memory_space<vmem>>
    %dma_start3A_325 = tpu.memref_squeeze %dma_start3A_324 : memref<1x1000x32xf32, #tpu.memory_space<vmem>> -> memref<1000x32xf32, #tpu.memory_space<vmem>>
    %dma_start3A_326 = arith.constant 7000 : i32
    %dma_start3A_327 = tpu.memref_slice %arg9[%dma_start3A_326] : memref<10000xi32, #tpu.memory_space<vmem>> -> memref<1000xi32, #tpu.memory_space<vmem>>
    %dma_start3A_328 = arith.constant 0 : i32
    %dma_start3A_329 = arith.constant 0 : i32
    %dma_start3A_330 = tpu.memref_slice %arg2[%dma_start3A_328, %dma_start3A_329] : memref<50000x32xf32, #tpu.memory_space<hbm>> -> memref<50000x32xf32, #tpu.memory_space<hbm>>
    tpu.enqueue_indirect_dma source(%dma_start3A_330 : memref<50000x32xf32, #tpu.memory_space<hbm>>) target(%dma_start3A_325 : memref<1000x32xf32, #tpu.memory_space<vmem>>) offsets(%dma_start3A_327 : memref<1000xi32, #tpu.memory_space<vmem>>) semaphore(%arg12 : memref<!tpu.dma_semaphore, #tpu.memory_space<semaphore_mem>>)
    %add3A_331 = arith.constant 0 : i32
    %add3A_332 = arith.addi %add3A_331, %mul3A_2 : i32
    %add3A_333 = arith.constant 6000 : i32
    %add3A_334 = arith.addi %add3A_332, %add3A_333 : i32
    %dma_start3A_335 = arith.constant 0 : i32
    %dma_start3A_336 = arith.constant 0 : i32
    %dma_start3A_337 = arith.constant 0 : i32
    %dma_start3A_338 = tpu.memref_slice %arg10[%dma_start3A_335, %dma_start3A_336, %dma_start3A_337] : memref<2x1000x32xf32, #tpu.memory_space<vmem>> -> memref<1x1000x32xf32, #tpu.memory_space<vmem>>
    %dma_start3A_339 = tpu.memref_squeeze %dma_start3A_338 : memref<1x1000x32xf32, #tpu.memory_space<vmem>> -> memref<1000x32xf32, #tpu.memory_space<vmem>>
    %dma_start3A_340 = arith.constant 0 : i32
    %dma_start3A_341 = tpu.memref_slice %arg8[%add3A_334, %dma_start3A_340] : memref<896000x32xf32, #tpu.memory_space<hbm>> -> memref<1000x32xf32, #tpu.memory_space<hbm>>
    %dma_start3A_342 = arith.constant 0 : i32
    %dma_start3A_343 = tpu.memref_slice %arg8[%add3A_334, %dma_start3A_342] : memref<896000x32xf32, #tpu.memory_space<hbm>> -> memref<1000x32xf32, #tpu.memory_space<hbm>>
    %dma_start3A_344 = arith.constant 0 : i32
    %dma_start3A_345 = arith.constant 0 : i32
    %dma_start3A_346 = tpu.memref_slice %arg10[%dma_start3A_335, %dma_start3A_344, %dma_start3A_345] : memref<2x1000x32xf32, #tpu.memory_space<vmem>> -> memref<1x1000x32xf32, #tpu.memory_space<vmem>>
    %dma_start3A_347 = tpu.memref_squeeze %dma_start3A_346 : memref<1x1000x32xf32, #tpu.memory_space<vmem>> -> memref<1000x32xf32, #tpu.memory_space<vmem>>
    tpu.enqueue_dma source(%dma_start3A_347 : memref<1000x32xf32, #tpu.memory_space<vmem>>) target(%dma_start3A_343 : memref<1000x32xf32, #tpu.memory_space<hbm>>) target_semaphore(%arg13 : memref<!tpu.dma_semaphore, #tpu.memory_space<semaphore_mem>>)
    %dma_wait3A_348 = arith.constant 1 : i32
    %dma_wait3A_349 = arith.constant 0 : i32
    %dma_wait3A_350 = arith.constant 0 : i32
    %dma_wait3A_351 = tpu.memref_slice %arg10[%dma_wait3A_348, %dma_wait3A_349, %dma_wait3A_350] : memref<2x1000x32xf32, #tpu.memory_space<vmem>> -> memref<1x1000x32xf32, #tpu.memory_space<vmem>>
    %dma_wait3A_352 = tpu.memref_squeeze %dma_wait3A_351 : memref<1x1000x32xf32, #tpu.memory_space<vmem>> -> memref<1000x32xf32, #tpu.memory_space<vmem>>
    %dma_wait3A_353 = arith.constant 7000 : i32
    %dma_wait3A_354 = tpu.memref_slice %arg9[%dma_wait3A_353] : memref<10000xi32, #tpu.memory_space<vmem>> -> memref<1000xi32, #tpu.memory_space<vmem>>
    %dma_wait3A_355 = arith.constant 0 : i32
    %dma_wait3A_356 = arith.constant 0 : i32
    %dma_wait3A_357 = tpu.memref_slice %arg2[%dma_wait3A_355, %dma_wait3A_356] : memref<50000x32xf32, #tpu.memory_space<hbm>> -> memref<50000x32xf32, #tpu.memory_space<hbm>>
    tpu.wait_indirect_dma semaphore(%arg12 : memref<!tpu.dma_semaphore, #tpu.memory_space<semaphore_mem>>) src(%dma_wait3A_357 : memref<50000x32xf32, #tpu.memory_space<hbm>>) dst(%dma_wait3A_352 : memref<1000x32xf32, #tpu.memory_space<vmem>>)
    %dma_wait3A_358 = arith.constant 0 : i32
    %dma_wait3A_359 = arith.constant 0 : i32
    %dma_wait3A_360 = arith.constant 0 : i32
    %dma_wait3A_361 = tpu.memref_slice %arg10[%dma_wait3A_358, %dma_wait3A_359, %dma_wait3A_360] : memref<2x1000x32xf32, #tpu.memory_space<vmem>> -> memref<1x1000x32xf32, #tpu.memory_space<vmem>>
    %dma_wait3A_362 = tpu.memref_squeeze %dma_wait3A_361 : memref<1x1000x32xf32, #tpu.memory_space<vmem>> -> memref<1000x32xf32, #tpu.memory_space<vmem>>
    %dma_wait3A_363 = arith.constant 0 : i32
    %dma_wait3A_364 = tpu.memref_slice %arg8[%add3A_334, %dma_wait3A_363] : memref<896000x32xf32, #tpu.memory_space<hbm>> -> memref<1000x32xf32, #tpu.memory_space<hbm>>
    %dma_wait3A_365 = arith.constant 0 : i32
    %dma_wait3A_366 = tpu.memref_slice %arg8[%add3A_334, %dma_wait3A_365] : memref<896000x32xf32, #tpu.memory_space<hbm>> -> memref<1000x32xf32, #tpu.memory_space<hbm>>
    %dma_wait3A_367 = arith.constant 0 : i32
    %dma_wait3A_368 = arith.constant 0 : i32
    %dma_wait3A_369 = tpu.memref_slice %arg10[%dma_wait3A_358, %dma_wait3A_367, %dma_wait3A_368] : memref<2x1000x32xf32, #tpu.memory_space<vmem>> -> memref<1x1000x32xf32, #tpu.memory_space<vmem>>
    %dma_wait3A_370 = tpu.memref_squeeze %dma_wait3A_369 : memref<1x1000x32xf32, #tpu.memory_space<vmem>> -> memref<1000x32xf32, #tpu.memory_space<vmem>>
    tpu.wait_dma2 semaphore(%arg13 : memref<!tpu.dma_semaphore, #tpu.memory_space<semaphore_mem>>) src(%dma_wait3A_370 : memref<1000x32xf32, #tpu.memory_space<vmem>>) dst(%dma_wait3A_366 : memref<1000x32xf32, #tpu.memory_space<hbm>>)
    %dma_start3A_371 = arith.constant 0 : i32
    %dma_start3A_372 = arith.constant 0 : i32
    %dma_start3A_373 = arith.constant 0 : i32
    %dma_start3A_374 = tpu.memref_slice %arg10[%dma_start3A_371, %dma_start3A_372, %dma_start3A_373] : memref<2x1000x32xf32, #tpu.memory_space<vmem>> -> memref<1x1000x32xf32, #tpu.memory_space<vmem>>
    %dma_start3A_375 = tpu.memref_squeeze %dma_start3A_374 : memref<1x1000x32xf32, #tpu.memory_space<vmem>> -> memref<1000x32xf32, #tpu.memory_space<vmem>>
    %dma_start3A_376 = arith.constant 8000 : i32
    %dma_start3A_377 = tpu.memref_slice %arg9[%dma_start3A_376] : memref<10000xi32, #tpu.memory_space<vmem>> -> memref<1000xi32, #tpu.memory_space<vmem>>
    %dma_start3A_378 = arith.constant 0 : i32
    %dma_start3A_379 = arith.constant 0 : i32
    %dma_start3A_380 = tpu.memref_slice %arg2[%dma_start3A_378, %dma_start3A_379] : memref<50000x32xf32, #tpu.memory_space<hbm>> -> memref<50000x32xf32, #tpu.memory_space<hbm>>
    tpu.enqueue_indirect_dma source(%dma_start3A_380 : memref<50000x32xf32, #tpu.memory_space<hbm>>) target(%dma_start3A_375 : memref<1000x32xf32, #tpu.memory_space<vmem>>) offsets(%dma_start3A_377 : memref<1000xi32, #tpu.memory_space<vmem>>) semaphore(%arg11 : memref<!tpu.dma_semaphore, #tpu.memory_space<semaphore_mem>>)
    %add3A_381 = arith.constant 0 : i32
    %add3A_382 = arith.addi %add3A_381, %mul3A_2 : i32
    %add3A_383 = arith.constant 7000 : i32
    %add3A_384 = arith.addi %add3A_382, %add3A_383 : i32
    %dma_start3A_385 = arith.constant 1 : i32
    %dma_start3A_386 = arith.constant 0 : i32
    %dma_start3A_387 = arith.constant 0 : i32
    %dma_start3A_388 = tpu.memref_slice %arg10[%dma_start3A_385, %dma_start3A_386, %dma_start3A_387] : memref<2x1000x32xf32, #tpu.memory_space<vmem>> -> memref<1x1000x32xf32, #tpu.memory_space<vmem>>
    %dma_start3A_389 = tpu.memref_squeeze %dma_start3A_388 : memref<1x1000x32xf32, #tpu.memory_space<vmem>> -> memref<1000x32xf32, #tpu.memory_space<vmem>>
    %dma_start3A_390 = arith.constant 0 : i32
    %dma_start3A_391 = tpu.memref_slice %arg8[%add3A_384, %dma_start3A_390] : memref<896000x32xf32, #tpu.memory_space<hbm>> -> memref<1000x32xf32, #tpu.memory_space<hbm>>
    %dma_start3A_392 = arith.constant 0 : i32
    %dma_start3A_393 = tpu.memref_slice %arg8[%add3A_384, %dma_start3A_392] : memref<896000x32xf32, #tpu.memory_space<hbm>> -> memref<1000x32xf32, #tpu.memory_space<hbm>>
    %dma_start3A_394 = arith.constant 0 : i32
    %dma_start3A_395 = arith.constant 0 : i32
    %dma_start3A_396 = tpu.memref_slice %arg10[%dma_start3A_385, %dma_start3A_394, %dma_start3A_395] : memref<2x1000x32xf32, #tpu.memory_space<vmem>> -> memref<1x1000x32xf32, #tpu.memory_space<vmem>>
    %dma_start3A_397 = tpu.memref_squeeze %dma_start3A_396 : memref<1x1000x32xf32, #tpu.memory_space<vmem>> -> memref<1000x32xf32, #tpu.memory_space<vmem>>
    tpu.enqueue_dma source(%dma_start3A_397 : memref<1000x32xf32, #tpu.memory_space<vmem>>) target(%dma_start3A_393 : memref<1000x32xf32, #tpu.memory_space<hbm>>) target_semaphore(%arg14 : memref<!tpu.dma_semaphore, #tpu.memory_space<semaphore_mem>>)
    %dma_wait3A_398 = arith.constant 0 : i32
    %dma_wait3A_399 = arith.constant 0 : i32
    %dma_wait3A_400 = arith.constant 0 : i32
    %dma_wait3A_401 = tpu.memref_slice %arg10[%dma_wait3A_398, %dma_wait3A_399, %dma_wait3A_400] : memref<2x1000x32xf32, #tpu.memory_space<vmem>> -> memref<1x1000x32xf32, #tpu.memory_space<vmem>>
    %dma_wait3A_402 = tpu.memref_squeeze %dma_wait3A_401 : memref<1x1000x32xf32, #tpu.memory_space<vmem>> -> memref<1000x32xf32, #tpu.memory_space<vmem>>
    %dma_wait3A_403 = arith.constant 8000 : i32
    %dma_wait3A_404 = tpu.memref_slice %arg9[%dma_wait3A_403] : memref<10000xi32, #tpu.memory_space<vmem>> -> memref<1000xi32, #tpu.memory_space<vmem>>
    %dma_wait3A_405 = arith.constant 0 : i32
    %dma_wait3A_406 = arith.constant 0 : i32
    %dma_wait3A_407 = tpu.memref_slice %arg2[%dma_wait3A_405, %dma_wait3A_406] : memref<50000x32xf32, #tpu.memory_space<hbm>> -> memref<50000x32xf32, #tpu.memory_space<hbm>>
    tpu.wait_indirect_dma semaphore(%arg11 : memref<!tpu.dma_semaphore, #tpu.memory_space<semaphore_mem>>) src(%dma_wait3A_407 : memref<50000x32xf32, #tpu.memory_space<hbm>>) dst(%dma_wait3A_402 : memref<1000x32xf32, #tpu.memory_space<vmem>>)
    %dma_wait3A_408 = arith.constant 1 : i32
    %dma_wait3A_409 = arith.constant 0 : i32
    %dma_wait3A_410 = arith.constant 0 : i32
    %dma_wait3A_411 = tpu.memref_slice %arg10[%dma_wait3A_408, %dma_wait3A_409, %dma_wait3A_410] : memref<2x1000x32xf32, #tpu.memory_space<vmem>> -> memref<1x1000x32xf32, #tpu.memory_space<vmem>>
    %dma_wait3A_412 = tpu.memref_squeeze %dma_wait3A_411 : memref<1x1000x32xf32, #tpu.memory_space<vmem>> -> memref<1000x32xf32, #tpu.memory_space<vmem>>
    %dma_wait3A_413 = arith.constant 0 : i32
    %dma_wait3A_414 = tpu.memref_slice %arg8[%add3A_384, %dma_wait3A_413] : memref<896000x32xf32, #tpu.memory_space<hbm>> -> memref<1000x32xf32, #tpu.memory_space<hbm>>
    %dma_wait3A_415 = arith.constant 0 : i32
    %dma_wait3A_416 = tpu.memref_slice %arg8[%add3A_384, %dma_wait3A_415] : memref<896000x32xf32, #tpu.memory_space<hbm>> -> memref<1000x32xf32, #tpu.memory_space<hbm>>
    %dma_wait3A_417 = arith.constant 0 : i32
    %dma_wait3A_418 = arith.constant 0 : i32
    %dma_wait3A_419 = tpu.memref_slice %arg10[%dma_wait3A_408, %dma_wait3A_417, %dma_wait3A_418] : memref<2x1000x32xf32, #tpu.memory_space<vmem>> -> memref<1x1000x32xf32, #tpu.memory_space<vmem>>
    %dma_wait3A_420 = tpu.memref_squeeze %dma_wait3A_419 : memref<1x1000x32xf32, #tpu.memory_space<vmem>> -> memref<1000x32xf32, #tpu.memory_space<vmem>>
    tpu.wait_dma2 semaphore(%arg14 : memref<!tpu.dma_semaphore, #tpu.memory_space<semaphore_mem>>) src(%dma_wait3A_420 : memref<1000x32xf32, #tpu.memory_space<vmem>>) dst(%dma_wait3A_416 : memref<1000x32xf32, #tpu.memory_space<hbm>>)
    %dma_start3A_421 = arith.constant 1 : i32
    %dma_start3A_422 = arith.constant 0 : i32
    %dma_start3A_423 = arith.constant 0 : i32
    %dma_start3A_424 = tpu.memref_slice %arg10[%dma_start3A_421, %dma_start3A_422, %dma_start3A_423] : memref<2x1000x32xf32, #tpu.memory_space<vmem>> -> memref<1x1000x32xf32, #tpu.memory_space<vmem>>
    %dma_start3A_425 = tpu.memref_squeeze %dma_start3A_424 : memref<1x1000x32xf32, #tpu.memory_space<vmem>> -> memref<1000x32xf32, #tpu.memory_space<vmem>>
    %dma_start3A_426 = arith.constant 9000 : i32
    %dma_start3A_427 = tpu.memref_slice %arg9[%dma_start3A_426] : memref<10000xi32, #tpu.memory_space<vmem>> -> memref<1000xi32, #tpu.memory_space<vmem>>
    %dma_start3A_428 = arith.constant 0 : i32
    %dma_start3A_429 = arith.constant 0 : i32
    %dma_start3A_430 = tpu.memref_slice %arg2[%dma_start3A_428, %dma_start3A_429] : memref<50000x32xf32, #tpu.memory_space<hbm>> -> memref<50000x32xf32, #tpu.memory_space<hbm>>
    tpu.enqueue_indirect_dma source(%dma_start3A_430 : memref<50000x32xf32, #tpu.memory_space<hbm>>) target(%dma_start3A_425 : memref<1000x32xf32, #tpu.memory_space<vmem>>) offsets(%dma_start3A_427 : memref<1000xi32, #tpu.memory_space<vmem>>) semaphore(%arg12 : memref<!tpu.dma_semaphore, #tpu.memory_space<semaphore_mem>>)
    %add3A_431 = arith.constant 0 : i32
    %add3A_432 = arith.addi %add3A_431, %mul3A_2 : i32
    %add3A_433 = arith.constant 8000 : i32
    %add3A_434 = arith.addi %add3A_432, %add3A_433 : i32
    %dma_start3A_435 = arith.constant 0 : i32
    %dma_start3A_436 = arith.constant 0 : i32
    %dma_start3A_437 = arith.constant 0 : i32
    %dma_start3A_438 = tpu.memref_slice %arg10[%dma_start3A_435, %dma_start3A_436, %dma_start3A_437] : memref<2x1000x32xf32, #tpu.memory_space<vmem>> -> memref<1x1000x32xf32, #tpu.memory_space<vmem>>
    %dma_start3A_439 = tpu.memref_squeeze %dma_start3A_438 : memref<1x1000x32xf32, #tpu.memory_space<vmem>> -> memref<1000x32xf32, #tpu.memory_space<vmem>>
    %dma_start3A_440 = arith.constant 0 : i32
    %dma_start3A_441 = tpu.memref_slice %arg8[%add3A_434, %dma_start3A_440] : memref<896000x32xf32, #tpu.memory_space<hbm>> -> memref<1000x32xf32, #tpu.memory_space<hbm>>
    %dma_start3A_442 = arith.constant 0 : i32
    %dma_start3A_443 = tpu.memref_slice %arg8[%add3A_434, %dma_start3A_442] : memref<896000x32xf32, #tpu.memory_space<hbm>> -> memref<1000x32xf32, #tpu.memory_space<hbm>>
    %dma_start3A_444 = arith.constant 0 : i32
    %dma_start3A_445 = arith.constant 0 : i32
    %dma_start3A_446 = tpu.memref_slice %arg10[%dma_start3A_435, %dma_start3A_444, %dma_start3A_445] : memref<2x1000x32xf32, #tpu.memory_space<vmem>> -> memref<1x1000x32xf32, #tpu.memory_space<vmem>>
    %dma_start3A_447 = tpu.memref_squeeze %dma_start3A_446 : memref<1x1000x32xf32, #tpu.memory_space<vmem>> -> memref<1000x32xf32, #tpu.memory_space<vmem>>
    tpu.enqueue_dma source(%dma_start3A_447 : memref<1000x32xf32, #tpu.memory_space<vmem>>) target(%dma_start3A_443 : memref<1000x32xf32, #tpu.memory_space<hbm>>) target_semaphore(%arg13 : memref<!tpu.dma_semaphore, #tpu.memory_space<semaphore_mem>>)
    %dma_wait3A_448 = arith.constant 1 : i32
    %dma_wait3A_449 = arith.constant 0 : i32
    %dma_wait3A_450 = arith.constant 0 : i32
    %dma_wait3A_451 = tpu.memref_slice %arg10[%dma_wait3A_448, %dma_wait3A_449, %dma_wait3A_450] : memref<2x1000x32xf32, #tpu.memory_space<vmem>> -> memref<1x1000x32xf32, #tpu.memory_space<vmem>>
    %dma_wait3A_452 = tpu.memref_squeeze %dma_wait3A_451 : memref<1x1000x32xf32, #tpu.memory_space<vmem>> -> memref<1000x32xf32, #tpu.memory_space<vmem>>
    %dma_wait3A_453 = arith.constant 9000 : i32
    %dma_wait3A_454 = tpu.memref_slice %arg9[%dma_wait3A_453] : memref<10000xi32, #tpu.memory_space<vmem>> -> memref<1000xi32, #tpu.memory_space<vmem>>
    %dma_wait3A_455 = arith.constant 0 : i32
    %dma_wait3A_456 = arith.constant 0 : i32
    %dma_wait3A_457 = tpu.memref_slice %arg2[%dma_wait3A_455, %dma_wait3A_456] : memref<50000x32xf32, #tpu.memory_space<hbm>> -> memref<50000x32xf32, #tpu.memory_space<hbm>>
    tpu.wait_indirect_dma semaphore(%arg12 : memref<!tpu.dma_semaphore, #tpu.memory_space<semaphore_mem>>) src(%dma_wait3A_457 : memref<50000x32xf32, #tpu.memory_space<hbm>>) dst(%dma_wait3A_452 : memref<1000x32xf32, #tpu.memory_space<vmem>>)
    %dma_wait3A_458 = arith.constant 0 : i32
    %dma_wait3A_459 = arith.constant 0 : i32
    %dma_wait3A_460 = arith.constant 0 : i32
    %dma_wait3A_461 = tpu.memref_slice %arg10[%dma_wait3A_458, %dma_wait3A_459, %dma_wait3A_460] : memref<2x1000x32xf32, #tpu.memory_space<vmem>> -> memref<1x1000x32xf32, #tpu.memory_space<vmem>>
    %dma_wait3A_462 = tpu.memref_squeeze %dma_wait3A_461 : memref<1x1000x32xf32, #tpu.memory_space<vmem>> -> memref<1000x32xf32, #tpu.memory_space<vmem>>
    %dma_wait3A_463 = arith.constant 0 : i32
    %dma_wait3A_464 = tpu.memref_slice %arg8[%add3A_434, %dma_wait3A_463] : memref<896000x32xf32, #tpu.memory_space<hbm>> -> memref<1000x32xf32, #tpu.memory_space<hbm>>
    %dma_wait3A_465 = arith.constant 0 : i32
    %dma_wait3A_466 = tpu.memref_slice %arg8[%add3A_434, %dma_wait3A_465] : memref<896000x32xf32, #tpu.memory_space<hbm>> -> memref<1000x32xf32, #tpu.memory_space<hbm>>
    %dma_wait3A_467 = arith.constant 0 : i32
    %dma_wait3A_468 = arith.constant 0 : i32
    %dma_wait3A_469 = tpu.memref_slice %arg10[%dma_wait3A_458, %dma_wait3A_467, %dma_wait3A_468] : memref<2x1000x32xf32, #tpu.memory_space<vmem>> -> memref<1x1000x32xf32, #tpu.memory_space<vmem>>
    %dma_wait3A_470 = tpu.memref_squeeze %dma_wait3A_469 : memref<1x1000x32xf32, #tpu.memory_space<vmem>> -> memref<1000x32xf32, #tpu.memory_space<vmem>>
    tpu.wait_dma2 semaphore(%arg13 : memref<!tpu.dma_semaphore, #tpu.memory_space<semaphore_mem>>) src(%dma_wait3A_470 : memref<1000x32xf32, #tpu.memory_space<vmem>>) dst(%dma_wait3A_466 : memref<1000x32xf32, #tpu.memory_space<hbm>>)
    %add3A_471 = arith.constant 0 : i32
    %add3A_472 = arith.addi %add3A_471, %mul3A_2 : i32
    %add3A_473 = arith.constant 9000 : i32
    %add3A_474 = arith.addi %add3A_472, %add3A_473 : i32
    %dma_start3A_475 = arith.constant 1 : i32
    %dma_start3A_476 = arith.constant 0 : i32
    %dma_start3A_477 = arith.constant 0 : i32
    %dma_start3A_478 = tpu.memref_slice %arg10[%dma_start3A_475, %dma_start3A_476, %dma_start3A_477] : memref<2x1000x32xf32, #tpu.memory_space<vmem>> -> memref<1x1000x32xf32, #tpu.memory_space<vmem>>
    %dma_start3A_479 = tpu.memref_squeeze %dma_start3A_478 : memref<1x1000x32xf32, #tpu.memory_space<vmem>> -> memref<1000x32xf32, #tpu.memory_space<vmem>>
    %dma_start3A_480 = arith.constant 0 : i32
    %dma_start3A_481 = tpu.memref_slice %arg8[%add3A_474, %dma_start3A_480] : memref<896000x32xf32, #tpu.memory_space<hbm>> -> memref<1000x32xf32, #tpu.memory_space<hbm>>
    %dma_start3A_482 = arith.constant 0 : i32
    %dma_start3A_483 = tpu.memref_slice %arg8[%add3A_474, %dma_start3A_482] : memref<896000x32xf32, #tpu.memory_space<hbm>> -> memref<1000x32xf32, #tpu.memory_space<hbm>>
    %dma_start3A_484 = arith.constant 0 : i32
    %dma_start3A_485 = arith.constant 0 : i32
    %dma_start3A_486 = tpu.memref_slice %arg10[%dma_start3A_475, %dma_start3A_484, %dma_start3A_485] : memref<2x1000x32xf32, #tpu.memory_space<vmem>> -> memref<1x1000x32xf32, #tpu.memory_space<vmem>>
    %dma_start3A_487 = tpu.memref_squeeze %dma_start3A_486 : memref<1x1000x32xf32, #tpu.memory_space<vmem>> -> memref<1000x32xf32, #tpu.memory_space<vmem>>
    tpu.enqueue_dma source(%dma_start3A_487 : memref<1000x32xf32, #tpu.memory_space<vmem>>) target(%dma_start3A_483 : memref<1000x32xf32, #tpu.memory_space<hbm>>) target_semaphore(%arg14 : memref<!tpu.dma_semaphore, #tpu.memory_space<semaphore_mem>>)
    %dma_wait3A_488 = arith.constant 1 : i32
    %dma_wait3A_489 = arith.constant 0 : i32
    %dma_wait3A_490 = arith.constant 0 : i32
    %dma_wait3A_491 = tpu.memref_slice %arg10[%dma_wait3A_488, %dma_wait3A_489, %dma_wait3A_490] : memref<2x1000x32xf32, #tpu.memory_space<vmem>> -> memref<1x1000x32xf32, #tpu.memory_space<vmem>>
    %dma_wait3A_492 = tpu.memref_squeeze %dma_wait3A_491 : memref<1x1000x32xf32, #tpu.memory_space<vmem>> -> memref<1000x32xf32, #tpu.memory_space<vmem>>
    %dma_wait3A_493 = arith.constant 0 : i32
    %dma_wait3A_494 = tpu.memref_slice %arg8[%add3A_474, %dma_wait3A_493] : memref<896000x32xf32, #tpu.memory_space<hbm>> -> memref<1000x32xf32, #tpu.memory_space<hbm>>
    %dma_wait3A_495 = arith.constant 0 : i32
    %dma_wait3A_496 = tpu.memref_slice %arg8[%add3A_474, %dma_wait3A_495] : memref<896000x32xf32, #tpu.memory_space<hbm>> -> memref<1000x32xf32, #tpu.memory_space<hbm>>
    %dma_wait3A_497 = arith.constant 0 : i32
    %dma_wait3A_498 = arith.constant 0 : i32
    %dma_wait3A_499 = tpu.memref_slice %arg10[%dma_wait3A_488, %dma_wait3A_497, %dma_wait3A_498] : memref<2x1000x32xf32, #tpu.memory_space<vmem>> -> memref<1x1000x32xf32, #tpu.memory_space<vmem>>
    %dma_wait3A_500 = tpu.memref_squeeze %dma_wait3A_499 : memref<1x1000x32xf32, #tpu.memory_space<vmem>> -> memref<1000x32xf32, #tpu.memory_space<vmem>>
    tpu.wait_dma2 semaphore(%arg14 : memref<!tpu.dma_semaphore, #tpu.memory_space<semaphore_mem>>) src(%dma_wait3A_500 : memref<1000x32xf32, #tpu.memory_space<vmem>>) dst(%dma_wait3A_496 : memref<1000x32xf32, #tpu.memory_space<hbm>>)
    %mul3A_501 = arith.constant 10000 : i32
    %mul3A_502 = arith.muli %add3A, %mul3A_501 : i32
    "tpu.region"() ({
      %run_scoped3A = tpu.sem_alloc : memref<!tpu.dma_semaphore, #tpu.memory_space<semaphore_mem>>
      %dma_start3A_1407 = arith.constant 0 : i32
      %dma_start3A_1408 = tpu.memref_slice %arg9[%dma_start3A_1407] : memref<10000xi32, #tpu.memory_space<vmem>> -> memref<10000xi32, #tpu.memory_space<vmem>>
      %dma_start3A_1409 = tpu.memref_slice %arg5[%mul3A_502] : memref<320000xi32, #tpu.memory_space<hbm>> -> memref<10000xi32, #tpu.memory_space<hbm>>
      %dma_start3A_1410 = arith.constant 0 : i32
      %dma_start3A_1411 = tpu.memref_slice %arg9[%dma_start3A_1410] : memref<10000xi32, #tpu.memory_space<vmem>> -> memref<10000xi32, #tpu.memory_space<vmem>>
      %dma_start3A_1412 = tpu.memref_slice %arg5[%mul3A_502] : memref<320000xi32, #tpu.memory_space<hbm>> -> memref<10000xi32, #tpu.memory_space<hbm>>
      tpu.enqueue_dma source(%dma_start3A_1412 : memref<10000xi32, #tpu.memory_space<hbm>>) target(%dma_start3A_1411 : memref<10000xi32, #tpu.memory_space<vmem>>) target_semaphore(%run_scoped3A : memref<!tpu.dma_semaphore, #tpu.memory_space<semaphore_mem>>)
      %dma_wait3A_1413 = arith.constant 0 : i32
      %dma_wait3A_1414 = tpu.memref_slice %arg9[%dma_wait3A_1413] : memref<10000xi32, #tpu.memory_space<vmem>> -> memref<10000xi32, #tpu.memory_space<vmem>>
      %dma_wait3A_1415 = tpu.memref_slice %arg5[%mul3A_502] : memref<320000xi32, #tpu.memory_space<hbm>> -> memref<10000xi32, #tpu.memory_space<hbm>>
      %dma_wait3A_1416 = arith.constant 0 : i32
      %dma_wait3A_1417 = tpu.memref_slice %arg9[%dma_wait3A_1416] : memref<10000xi32, #tpu.memory_space<vmem>> -> memref<10000xi32, #tpu.memory_space<vmem>>
      %dma_wait3A_1418 = tpu.memref_slice %arg5[%mul3A_502] : memref<320000xi32, #tpu.memory_space<hbm>> -> memref<10000xi32, #tpu.memory_space<hbm>>
      tpu.wait_dma2 semaphore(%run_scoped3A : memref<!tpu.dma_semaphore, #tpu.memory_space<semaphore_mem>>) src(%dma_wait3A_1418 : memref<10000xi32, #tpu.memory_space<hbm>>) dst(%dma_wait3A_1417 : memref<10000xi32, #tpu.memory_space<vmem>>)
      tpu.yield
    }) : () -> ()
    %dma_start3A_503 = arith.constant 0 : i32
    %dma_start3A_504 = arith.constant 0 : i32
    %dma_start3A_505 = arith.constant 0 : i32
    %dma_start3A_506 = tpu.memref_slice %arg10[%dma_start3A_503, %dma_start3A_504, %dma_start3A_505] : memref<2x1000x32xf32, #tpu.memory_space<vmem>> -> memref<1x1000x32xf32, #tpu.memory_space<vmem>>
    %dma_start3A_507 = tpu.memref_squeeze %dma_start3A_506 : memref<1x1000x32xf32, #tpu.memory_space<vmem>> -> memref<1000x32xf32, #tpu.memory_space<vmem>>
    %dma_start3A_508 = arith.constant 0 : i32
    %dma_start3A_509 = tpu.memref_slice %arg9[%dma_start3A_508] : memref<10000xi32, #tpu.memory_space<vmem>> -> memref<1000xi32, #tpu.memory_space<vmem>>
    %dma_start3A_510 = arith.constant 0 : i32
    %dma_start3A_511 = arith.constant 0 : i32
    %dma_start3A_512 = tpu.memref_slice %arg3[%dma_start3A_510, %dma_start3A_511] : memref<10000x32xf32, #tpu.memory_space<hbm>> -> memref<10000x32xf32, #tpu.memory_space<hbm>>
    tpu.enqueue_indirect_dma source(%dma_start3A_512 : memref<10000x32xf32, #tpu.memory_space<hbm>>) target(%dma_start3A_507 : memref<1000x32xf32, #tpu.memory_space<vmem>>) offsets(%dma_start3A_509 : memref<1000xi32, #tpu.memory_space<vmem>>) semaphore(%arg11 : memref<!tpu.dma_semaphore, #tpu.memory_space<semaphore_mem>>)
    %dma_wait3A_513 = arith.constant 0 : i32
    %dma_wait3A_514 = arith.constant 0 : i32
    %dma_wait3A_515 = arith.constant 0 : i32
    %dma_wait3A_516 = tpu.memref_slice %arg10[%dma_wait3A_513, %dma_wait3A_514, %dma_wait3A_515] : memref<2x1000x32xf32, #tpu.memory_space<vmem>> -> memref<1x1000x32xf32, #tpu.memory_space<vmem>>
    %dma_wait3A_517 = tpu.memref_squeeze %dma_wait3A_516 : memref<1x1000x32xf32, #tpu.memory_space<vmem>> -> memref<1000x32xf32, #tpu.memory_space<vmem>>
    %dma_wait3A_518 = arith.constant 0 : i32
    %dma_wait3A_519 = tpu.memref_slice %arg9[%dma_wait3A_518] : memref<10000xi32, #tpu.memory_space<vmem>> -> memref<1000xi32, #tpu.memory_space<vmem>>
    %dma_wait3A_520 = arith.constant 0 : i32
    %dma_wait3A_521 = arith.constant 0 : i32
    %dma_wait3A_522 = tpu.memref_slice %arg3[%dma_wait3A_520, %dma_wait3A_521] : memref<10000x32xf32, #tpu.memory_space<hbm>> -> memref<10000x32xf32, #tpu.memory_space<hbm>>
    tpu.wait_indirect_dma semaphore(%arg11 : memref<!tpu.dma_semaphore, #tpu.memory_space<semaphore_mem>>) src(%dma_wait3A_522 : memref<10000x32xf32, #tpu.memory_space<hbm>>) dst(%dma_wait3A_517 : memref<1000x32xf32, #tpu.memory_space<vmem>>)
    %dma_start3A_523 = arith.constant 1 : i32
    %dma_start3A_524 = arith.constant 0 : i32
    %dma_start3A_525 = arith.constant 0 : i32
    %dma_start3A_526 = tpu.memref_slice %arg10[%dma_start3A_523, %dma_start3A_524, %dma_start3A_525] : memref<2x1000x32xf32, #tpu.memory_space<vmem>> -> memref<1x1000x32xf32, #tpu.memory_space<vmem>>
    %dma_start3A_527 = tpu.memref_squeeze %dma_start3A_526 : memref<1x1000x32xf32, #tpu.memory_space<vmem>> -> memref<1000x32xf32, #tpu.memory_space<vmem>>
    %dma_start3A_528 = arith.constant 1000 : i32
    %dma_start3A_529 = tpu.memref_slice %arg9[%dma_start3A_528] : memref<10000xi32, #tpu.memory_space<vmem>> -> memref<1000xi32, #tpu.memory_space<vmem>>
    %dma_start3A_530 = arith.constant 0 : i32
    %dma_start3A_531 = arith.constant 0 : i32
    %dma_start3A_532 = tpu.memref_slice %arg3[%dma_start3A_530, %dma_start3A_531] : memref<10000x32xf32, #tpu.memory_space<hbm>> -> memref<10000x32xf32, #tpu.memory_space<hbm>>
    tpu.enqueue_indirect_dma source(%dma_start3A_532 : memref<10000x32xf32, #tpu.memory_space<hbm>>) target(%dma_start3A_527 : memref<1000x32xf32, #tpu.memory_space<vmem>>) offsets(%dma_start3A_529 : memref<1000xi32, #tpu.memory_space<vmem>>) semaphore(%arg12 : memref<!tpu.dma_semaphore, #tpu.memory_space<semaphore_mem>>)
    %add3A_533 = arith.constant 320000 : i32
    %add3A_534 = arith.addi %add3A_533, %mul3A_502 : i32
    %add3A_535 = arith.constant 0 : i32
    %add3A_536 = arith.addi %add3A_534, %add3A_535 : i32
    %dma_start3A_537 = arith.constant 0 : i32
    %dma_start3A_538 = arith.constant 0 : i32
    %dma_start3A_539 = arith.constant 0 : i32
    %dma_start3A_540 = tpu.memref_slice %arg10[%dma_start3A_537, %dma_start3A_538, %dma_start3A_539] : memref<2x1000x32xf32, #tpu.memory_space<vmem>> -> memref<1x1000x32xf32, #tpu.memory_space<vmem>>
    %dma_start3A_541 = tpu.memref_squeeze %dma_start3A_540 : memref<1x1000x32xf32, #tpu.memory_space<vmem>> -> memref<1000x32xf32, #tpu.memory_space<vmem>>
    %dma_start3A_542 = arith.constant 0 : i32
    %dma_start3A_543 = tpu.memref_slice %arg8[%add3A_536, %dma_start3A_542] : memref<896000x32xf32, #tpu.memory_space<hbm>> -> memref<1000x32xf32, #tpu.memory_space<hbm>>
    %dma_start3A_544 = arith.constant 0 : i32
    %dma_start3A_545 = tpu.memref_slice %arg8[%add3A_536, %dma_start3A_544] : memref<896000x32xf32, #tpu.memory_space<hbm>> -> memref<1000x32xf32, #tpu.memory_space<hbm>>
    %dma_start3A_546 = arith.constant 0 : i32
    %dma_start3A_547 = arith.constant 0 : i32
    %dma_start3A_548 = tpu.memref_slice %arg10[%dma_start3A_537, %dma_start3A_546, %dma_start3A_547] : memref<2x1000x32xf32, #tpu.memory_space<vmem>> -> memref<1x1000x32xf32, #tpu.memory_space<vmem>>
    %dma_start3A_549 = tpu.memref_squeeze %dma_start3A_548 : memref<1x1000x32xf32, #tpu.memory_space<vmem>> -> memref<1000x32xf32, #tpu.memory_space<vmem>>
    tpu.enqueue_dma source(%dma_start3A_549 : memref<1000x32xf32, #tpu.memory_space<vmem>>) target(%dma_start3A_545 : memref<1000x32xf32, #tpu.memory_space<hbm>>) target_semaphore(%arg13 : memref<!tpu.dma_semaphore, #tpu.memory_space<semaphore_mem>>)
    %dma_wait3A_550 = arith.constant 1 : i32
    %dma_wait3A_551 = arith.constant 0 : i32
    %dma_wait3A_552 = arith.constant 0 : i32
    %dma_wait3A_553 = tpu.memref_slice %arg10[%dma_wait3A_550, %dma_wait3A_551, %dma_wait3A_552] : memref<2x1000x32xf32, #tpu.memory_space<vmem>> -> memref<1x1000x32xf32, #tpu.memory_space<vmem>>
    %dma_wait3A_554 = tpu.memref_squeeze %dma_wait3A_553 : memref<1x1000x32xf32, #tpu.memory_space<vmem>> -> memref<1000x32xf32, #tpu.memory_space<vmem>>
    %dma_wait3A_555 = arith.constant 1000 : i32
    %dma_wait3A_556 = tpu.memref_slice %arg9[%dma_wait3A_555] : memref<10000xi32, #tpu.memory_space<vmem>> -> memref<1000xi32, #tpu.memory_space<vmem>>
    %dma_wait3A_557 = arith.constant 0 : i32
    %dma_wait3A_558 = arith.constant 0 : i32
    %dma_wait3A_559 = tpu.memref_slice %arg3[%dma_wait3A_557, %dma_wait3A_558] : memref<10000x32xf32, #tpu.memory_space<hbm>> -> memref<10000x32xf32, #tpu.memory_space<hbm>>
    tpu.wait_indirect_dma semaphore(%arg12 : memref<!tpu.dma_semaphore, #tpu.memory_space<semaphore_mem>>) src(%dma_wait3A_559 : memref<10000x32xf32, #tpu.memory_space<hbm>>) dst(%dma_wait3A_554 : memref<1000x32xf32, #tpu.memory_space<vmem>>)
    %dma_wait3A_560 = arith.constant 0 : i32
    %dma_wait3A_561 = arith.constant 0 : i32
    %dma_wait3A_562 = arith.constant 0 : i32
    %dma_wait3A_563 = tpu.memref_slice %arg10[%dma_wait3A_560, %dma_wait3A_561, %dma_wait3A_562] : memref<2x1000x32xf32, #tpu.memory_space<vmem>> -> memref<1x1000x32xf32, #tpu.memory_space<vmem>>
    %dma_wait3A_564 = tpu.memref_squeeze %dma_wait3A_563 : memref<1x1000x32xf32, #tpu.memory_space<vmem>> -> memref<1000x32xf32, #tpu.memory_space<vmem>>
    %dma_wait3A_565 = arith.constant 0 : i32
    %dma_wait3A_566 = tpu.memref_slice %arg8[%add3A_536, %dma_wait3A_565] : memref<896000x32xf32, #tpu.memory_space<hbm>> -> memref<1000x32xf32, #tpu.memory_space<hbm>>
    %dma_wait3A_567 = arith.constant 0 : i32
    %dma_wait3A_568 = tpu.memref_slice %arg8[%add3A_536, %dma_wait3A_567] : memref<896000x32xf32, #tpu.memory_space<hbm>> -> memref<1000x32xf32, #tpu.memory_space<hbm>>
    %dma_wait3A_569 = arith.constant 0 : i32
    %dma_wait3A_570 = arith.constant 0 : i32
    %dma_wait3A_571 = tpu.memref_slice %arg10[%dma_wait3A_560, %dma_wait3A_569, %dma_wait3A_570] : memref<2x1000x32xf32, #tpu.memory_space<vmem>> -> memref<1x1000x32xf32, #tpu.memory_space<vmem>>
    %dma_wait3A_572 = tpu.memref_squeeze %dma_wait3A_571 : memref<1x1000x32xf32, #tpu.memory_space<vmem>> -> memref<1000x32xf32, #tpu.memory_space<vmem>>
    tpu.wait_dma2 semaphore(%arg13 : memref<!tpu.dma_semaphore, #tpu.memory_space<semaphore_mem>>) src(%dma_wait3A_572 : memref<1000x32xf32, #tpu.memory_space<vmem>>) dst(%dma_wait3A_568 : memref<1000x32xf32, #tpu.memory_space<hbm>>)
    %dma_start3A_573 = arith.constant 0 : i32
    %dma_start3A_574 = arith.constant 0 : i32
    %dma_start3A_575 = arith.constant 0 : i32
    %dma_start3A_576 = tpu.memref_slice %arg10[%dma_start3A_573, %dma_start3A_574, %dma_start3A_575] : memref<2x1000x32xf32, #tpu.memory_space<vmem>> -> memref<1x1000x32xf32, #tpu.memory_space<vmem>>
    %dma_start3A_577 = tpu.memref_squeeze %dma_start3A_576 : memref<1x1000x32xf32, #tpu.memory_space<vmem>> -> memref<1000x32xf32, #tpu.memory_space<vmem>>
    %dma_start3A_578 = arith.constant 2000 : i32
    %dma_start3A_579 = tpu.memref_slice %arg9[%dma_start3A_578] : memref<10000xi32, #tpu.memory_space<vmem>> -> memref<1000xi32, #tpu.memory_space<vmem>>
    %dma_start3A_580 = arith.constant 0 : i32
    %dma_start3A_581 = arith.constant 0 : i32
    %dma_start3A_582 = tpu.memref_slice %arg3[%dma_start3A_580, %dma_start3A_581] : memref<10000x32xf32, #tpu.memory_space<hbm>> -> memref<10000x32xf32, #tpu.memory_space<hbm>>
    tpu.enqueue_indirect_dma source(%dma_start3A_582 : memref<10000x32xf32, #tpu.memory_space<hbm>>) target(%dma_start3A_577 : memref<1000x32xf32, #tpu.memory_space<vmem>>) offsets(%dma_start3A_579 : memref<1000xi32, #tpu.memory_space<vmem>>) semaphore(%arg11 : memref<!tpu.dma_semaphore, #tpu.memory_space<semaphore_mem>>)
    %add3A_583 = arith.constant 320000 : i32
    %add3A_584 = arith.addi %add3A_583, %mul3A_502 : i32
    %add3A_585 = arith.constant 1000 : i32
    %add3A_586 = arith.addi %add3A_584, %add3A_585 : i32
    %dma_start3A_587 = arith.constant 1 : i32
    %dma_start3A_588 = arith.constant 0 : i32
    %dma_start3A_589 = arith.constant 0 : i32
    %dma_start3A_590 = tpu.memref_slice %arg10[%dma_start3A_587, %dma_start3A_588, %dma_start3A_589] : memref<2x1000x32xf32, #tpu.memory_space<vmem>> -> memref<1x1000x32xf32, #tpu.memory_space<vmem>>
    %dma_start3A_591 = tpu.memref_squeeze %dma_start3A_590 : memref<1x1000x32xf32, #tpu.memory_space<vmem>> -> memref<1000x32xf32, #tpu.memory_space<vmem>>
    %dma_start3A_592 = arith.constant 0 : i32
    %dma_start3A_593 = tpu.memref_slice %arg8[%add3A_586, %dma_start3A_592] : memref<896000x32xf32, #tpu.memory_space<hbm>> -> memref<1000x32xf32, #tpu.memory_space<hbm>>
    %dma_start3A_594 = arith.constant 0 : i32
    %dma_start3A_595 = tpu.memref_slice %arg8[%add3A_586, %dma_start3A_594] : memref<896000x32xf32, #tpu.memory_space<hbm>> -> memref<1000x32xf32, #tpu.memory_space<hbm>>
    %dma_start3A_596 = arith.constant 0 : i32
    %dma_start3A_597 = arith.constant 0 : i32
    %dma_start3A_598 = tpu.memref_slice %arg10[%dma_start3A_587, %dma_start3A_596, %dma_start3A_597] : memref<2x1000x32xf32, #tpu.memory_space<vmem>> -> memref<1x1000x32xf32, #tpu.memory_space<vmem>>
    %dma_start3A_599 = tpu.memref_squeeze %dma_start3A_598 : memref<1x1000x32xf32, #tpu.memory_space<vmem>> -> memref<1000x32xf32, #tpu.memory_space<vmem>>
    tpu.enqueue_dma source(%dma_start3A_599 : memref<1000x32xf32, #tpu.memory_space<vmem>>) target(%dma_start3A_595 : memref<1000x32xf32, #tpu.memory_space<hbm>>) target_semaphore(%arg14 : memref<!tpu.dma_semaphore, #tpu.memory_space<semaphore_mem>>)
    %dma_wait3A_600 = arith.constant 0 : i32
    %dma_wait3A_601 = arith.constant 0 : i32
    %dma_wait3A_602 = arith.constant 0 : i32
    %dma_wait3A_603 = tpu.memref_slice %arg10[%dma_wait3A_600, %dma_wait3A_601, %dma_wait3A_602] : memref<2x1000x32xf32, #tpu.memory_space<vmem>> -> memref<1x1000x32xf32, #tpu.memory_space<vmem>>
    %dma_wait3A_604 = tpu.memref_squeeze %dma_wait3A_603 : memref<1x1000x32xf32, #tpu.memory_space<vmem>> -> memref<1000x32xf32, #tpu.memory_space<vmem>>
    %dma_wait3A_605 = arith.constant 2000 : i32
    %dma_wait3A_606 = tpu.memref_slice %arg9[%dma_wait3A_605] : memref<10000xi32, #tpu.memory_space<vmem>> -> memref<1000xi32, #tpu.memory_space<vmem>>
    %dma_wait3A_607 = arith.constant 0 : i32
    %dma_wait3A_608 = arith.constant 0 : i32
    %dma_wait3A_609 = tpu.memref_slice %arg3[%dma_wait3A_607, %dma_wait3A_608] : memref<10000x32xf32, #tpu.memory_space<hbm>> -> memref<10000x32xf32, #tpu.memory_space<hbm>>
    tpu.wait_indirect_dma semaphore(%arg11 : memref<!tpu.dma_semaphore, #tpu.memory_space<semaphore_mem>>) src(%dma_wait3A_609 : memref<10000x32xf32, #tpu.memory_space<hbm>>) dst(%dma_wait3A_604 : memref<1000x32xf32, #tpu.memory_space<vmem>>)
    %dma_wait3A_610 = arith.constant 1 : i32
    %dma_wait3A_611 = arith.constant 0 : i32
    %dma_wait3A_612 = arith.constant 0 : i32
    %dma_wait3A_613 = tpu.memref_slice %arg10[%dma_wait3A_610, %dma_wait3A_611, %dma_wait3A_612] : memref<2x1000x32xf32, #tpu.memory_space<vmem>> -> memref<1x1000x32xf32, #tpu.memory_space<vmem>>
    %dma_wait3A_614 = tpu.memref_squeeze %dma_wait3A_613 : memref<1x1000x32xf32, #tpu.memory_space<vmem>> -> memref<1000x32xf32, #tpu.memory_space<vmem>>
    %dma_wait3A_615 = arith.constant 0 : i32
    %dma_wait3A_616 = tpu.memref_slice %arg8[%add3A_586, %dma_wait3A_615] : memref<896000x32xf32, #tpu.memory_space<hbm>> -> memref<1000x32xf32, #tpu.memory_space<hbm>>
    %dma_wait3A_617 = arith.constant 0 : i32
    %dma_wait3A_618 = tpu.memref_slice %arg8[%add3A_586, %dma_wait3A_617] : memref<896000x32xf32, #tpu.memory_space<hbm>> -> memref<1000x32xf32, #tpu.memory_space<hbm>>
    %dma_wait3A_619 = arith.constant 0 : i32
    %dma_wait3A_620 = arith.constant 0 : i32
    %dma_wait3A_621 = tpu.memref_slice %arg10[%dma_wait3A_610, %dma_wait3A_619, %dma_wait3A_620] : memref<2x1000x32xf32, #tpu.memory_space<vmem>> -> memref<1x1000x32xf32, #tpu.memory_space<vmem>>
    %dma_wait3A_622 = tpu.memref_squeeze %dma_wait3A_621 : memref<1x1000x32xf32, #tpu.memory_space<vmem>> -> memref<1000x32xf32, #tpu.memory_space<vmem>>
    tpu.wait_dma2 semaphore(%arg14 : memref<!tpu.dma_semaphore, #tpu.memory_space<semaphore_mem>>) src(%dma_wait3A_622 : memref<1000x32xf32, #tpu.memory_space<vmem>>) dst(%dma_wait3A_618 : memref<1000x32xf32, #tpu.memory_space<hbm>>)
    %dma_start3A_623 = arith.constant 1 : i32
    %dma_start3A_624 = arith.constant 0 : i32
    %dma_start3A_625 = arith.constant 0 : i32
    %dma_start3A_626 = tpu.memref_slice %arg10[%dma_start3A_623, %dma_start3A_624, %dma_start3A_625] : memref<2x1000x32xf32, #tpu.memory_space<vmem>> -> memref<1x1000x32xf32, #tpu.memory_space<vmem>>
    %dma_start3A_627 = tpu.memref_squeeze %dma_start3A_626 : memref<1x1000x32xf32, #tpu.memory_space<vmem>> -> memref<1000x32xf32, #tpu.memory_space<vmem>>
    %dma_start3A_628 = arith.constant 3000 : i32
    %dma_start3A_629 = tpu.memref_slice %arg9[%dma_start3A_628] : memref<10000xi32, #tpu.memory_space<vmem>> -> memref<1000xi32, #tpu.memory_space<vmem>>
    %dma_start3A_630 = arith.constant 0 : i32
    %dma_start3A_631 = arith.constant 0 : i32
    %dma_start3A_632 = tpu.memref_slice %arg3[%dma_start3A_630, %dma_start3A_631] : memref<10000x32xf32, #tpu.memory_space<hbm>> -> memref<10000x32xf32, #tpu.memory_space<hbm>>
    tpu.enqueue_indirect_dma source(%dma_start3A_632 : memref<10000x32xf32, #tpu.memory_space<hbm>>) target(%dma_start3A_627 : memref<1000x32xf32, #tpu.memory_space<vmem>>) offsets(%dma_start3A_629 : memref<1000xi32, #tpu.memory_space<vmem>>) semaphore(%arg12 : memref<!tpu.dma_semaphore, #tpu.memory_space<semaphore_mem>>)
    %add3A_633 = arith.constant 320000 : i32
    %add3A_634 = arith.addi %add3A_633, %mul3A_502 : i32
    %add3A_635 = arith.constant 2000 : i32
    %add3A_636 = arith.addi %add3A_634, %add3A_635 : i32
    %dma_start3A_637 = arith.constant 0 : i32
    %dma_start3A_638 = arith.constant 0 : i32
    %dma_start3A_639 = arith.constant 0 : i32
    %dma_start3A_640 = tpu.memref_slice %arg10[%dma_start3A_637, %dma_start3A_638, %dma_start3A_639] : memref<2x1000x32xf32, #tpu.memory_space<vmem>> -> memref<1x1000x32xf32, #tpu.memory_space<vmem>>
    %dma_start3A_641 = tpu.memref_squeeze %dma_start3A_640 : memref<1x1000x32xf32, #tpu.memory_space<vmem>> -> memref<1000x32xf32, #tpu.memory_space<vmem>>
    %dma_start3A_642 = arith.constant 0 : i32
    %dma_start3A_643 = tpu.memref_slice %arg8[%add3A_636, %dma_start3A_642] : memref<896000x32xf32, #tpu.memory_space<hbm>> -> memref<1000x32xf32, #tpu.memory_space<hbm>>
    %dma_start3A_644 = arith.constant 0 : i32
    %dma_start3A_645 = tpu.memref_slice %arg8[%add3A_636, %dma_start3A_644] : memref<896000x32xf32, #tpu.memory_space<hbm>> -> memref<1000x32xf32, #tpu.memory_space<hbm>>
    %dma_start3A_646 = arith.constant 0 : i32
    %dma_start3A_647 = arith.constant 0 : i32
    %dma_start3A_648 = tpu.memref_slice %arg10[%dma_start3A_637, %dma_start3A_646, %dma_start3A_647] : memref<2x1000x32xf32, #tpu.memory_space<vmem>> -> memref<1x1000x32xf32, #tpu.memory_space<vmem>>
    %dma_start3A_649 = tpu.memref_squeeze %dma_start3A_648 : memref<1x1000x32xf32, #tpu.memory_space<vmem>> -> memref<1000x32xf32, #tpu.memory_space<vmem>>
    tpu.enqueue_dma source(%dma_start3A_649 : memref<1000x32xf32, #tpu.memory_space<vmem>>) target(%dma_start3A_645 : memref<1000x32xf32, #tpu.memory_space<hbm>>) target_semaphore(%arg13 : memref<!tpu.dma_semaphore, #tpu.memory_space<semaphore_mem>>)
    %dma_wait3A_650 = arith.constant 1 : i32
    %dma_wait3A_651 = arith.constant 0 : i32
    %dma_wait3A_652 = arith.constant 0 : i32
    %dma_wait3A_653 = tpu.memref_slice %arg10[%dma_wait3A_650, %dma_wait3A_651, %dma_wait3A_652] : memref<2x1000x32xf32, #tpu.memory_space<vmem>> -> memref<1x1000x32xf32, #tpu.memory_space<vmem>>
    %dma_wait3A_654 = tpu.memref_squeeze %dma_wait3A_653 : memref<1x1000x32xf32, #tpu.memory_space<vmem>> -> memref<1000x32xf32, #tpu.memory_space<vmem>>
    %dma_wait3A_655 = arith.constant 3000 : i32
    %dma_wait3A_656 = tpu.memref_slice %arg9[%dma_wait3A_655] : memref<10000xi32, #tpu.memory_space<vmem>> -> memref<1000xi32, #tpu.memory_space<vmem>>
    %dma_wait3A_657 = arith.constant 0 : i32
    %dma_wait3A_658 = arith.constant 0 : i32
    %dma_wait3A_659 = tpu.memref_slice %arg3[%dma_wait3A_657, %dma_wait3A_658] : memref<10000x32xf32, #tpu.memory_space<hbm>> -> memref<10000x32xf32, #tpu.memory_space<hbm>>
    tpu.wait_indirect_dma semaphore(%arg12 : memref<!tpu.dma_semaphore, #tpu.memory_space<semaphore_mem>>) src(%dma_wait3A_659 : memref<10000x32xf32, #tpu.memory_space<hbm>>) dst(%dma_wait3A_654 : memref<1000x32xf32, #tpu.memory_space<vmem>>)
    %dma_wait3A_660 = arith.constant 0 : i32
    %dma_wait3A_661 = arith.constant 0 : i32
    %dma_wait3A_662 = arith.constant 0 : i32
    %dma_wait3A_663 = tpu.memref_slice %arg10[%dma_wait3A_660, %dma_wait3A_661, %dma_wait3A_662] : memref<2x1000x32xf32, #tpu.memory_space<vmem>> -> memref<1x1000x32xf32, #tpu.memory_space<vmem>>
    %dma_wait3A_664 = tpu.memref_squeeze %dma_wait3A_663 : memref<1x1000x32xf32, #tpu.memory_space<vmem>> -> memref<1000x32xf32, #tpu.memory_space<vmem>>
    %dma_wait3A_665 = arith.constant 0 : i32
    %dma_wait3A_666 = tpu.memref_slice %arg8[%add3A_636, %dma_wait3A_665] : memref<896000x32xf32, #tpu.memory_space<hbm>> -> memref<1000x32xf32, #tpu.memory_space<hbm>>
    %dma_wait3A_667 = arith.constant 0 : i32
    %dma_wait3A_668 = tpu.memref_slice %arg8[%add3A_636, %dma_wait3A_667] : memref<896000x32xf32, #tpu.memory_space<hbm>> -> memref<1000x32xf32, #tpu.memory_space<hbm>>
    %dma_wait3A_669 = arith.constant 0 : i32
    %dma_wait3A_670 = arith.constant 0 : i32
    %dma_wait3A_671 = tpu.memref_slice %arg10[%dma_wait3A_660, %dma_wait3A_669, %dma_wait3A_670] : memref<2x1000x32xf32, #tpu.memory_space<vmem>> -> memref<1x1000x32xf32, #tpu.memory_space<vmem>>
    %dma_wait3A_672 = tpu.memref_squeeze %dma_wait3A_671 : memref<1x1000x32xf32, #tpu.memory_space<vmem>> -> memref<1000x32xf32, #tpu.memory_space<vmem>>
    tpu.wait_dma2 semaphore(%arg13 : memref<!tpu.dma_semaphore, #tpu.memory_space<semaphore_mem>>) src(%dma_wait3A_672 : memref<1000x32xf32, #tpu.memory_space<vmem>>) dst(%dma_wait3A_668 : memref<1000x32xf32, #tpu.memory_space<hbm>>)
    %dma_start3A_673 = arith.constant 0 : i32
    %dma_start3A_674 = arith.constant 0 : i32
    %dma_start3A_675 = arith.constant 0 : i32
    %dma_start3A_676 = tpu.memref_slice %arg10[%dma_start3A_673, %dma_start3A_674, %dma_start3A_675] : memref<2x1000x32xf32, #tpu.memory_space<vmem>> -> memref<1x1000x32xf32, #tpu.memory_space<vmem>>
    %dma_start3A_677 = tpu.memref_squeeze %dma_start3A_676 : memref<1x1000x32xf32, #tpu.memory_space<vmem>> -> memref<1000x32xf32, #tpu.memory_space<vmem>>
    %dma_start3A_678 = arith.constant 4000 : i32
    %dma_start3A_679 = tpu.memref_slice %arg9[%dma_start3A_678] : memref<10000xi32, #tpu.memory_space<vmem>> -> memref<1000xi32, #tpu.memory_space<vmem>>
    %dma_start3A_680 = arith.constant 0 : i32
    %dma_start3A_681 = arith.constant 0 : i32
    %dma_start3A_682 = tpu.memref_slice %arg3[%dma_start3A_680, %dma_start3A_681] : memref<10000x32xf32, #tpu.memory_space<hbm>> -> memref<10000x32xf32, #tpu.memory_space<hbm>>
    tpu.enqueue_indirect_dma source(%dma_start3A_682 : memref<10000x32xf32, #tpu.memory_space<hbm>>) target(%dma_start3A_677 : memref<1000x32xf32, #tpu.memory_space<vmem>>) offsets(%dma_start3A_679 : memref<1000xi32, #tpu.memory_space<vmem>>) semaphore(%arg11 : memref<!tpu.dma_semaphore, #tpu.memory_space<semaphore_mem>>)
    %add3A_683 = arith.constant 320000 : i32
    %add3A_684 = arith.addi %add3A_683, %mul3A_502 : i32
    %add3A_685 = arith.constant 3000 : i32
    %add3A_686 = arith.addi %add3A_684, %add3A_685 : i32
    %dma_start3A_687 = arith.constant 1 : i32
    %dma_start3A_688 = arith.constant 0 : i32
    %dma_start3A_689 = arith.constant 0 : i32
    %dma_start3A_690 = tpu.memref_slice %arg10[%dma_start3A_687, %dma_start3A_688, %dma_start3A_689] : memref<2x1000x32xf32, #tpu.memory_space<vmem>> -> memref<1x1000x32xf32, #tpu.memory_space<vmem>>
    %dma_start3A_691 = tpu.memref_squeeze %dma_start3A_690 : memref<1x1000x32xf32, #tpu.memory_space<vmem>> -> memref<1000x32xf32, #tpu.memory_space<vmem>>
    %dma_start3A_692 = arith.constant 0 : i32
    %dma_start3A_693 = tpu.memref_slice %arg8[%add3A_686, %dma_start3A_692] : memref<896000x32xf32, #tpu.memory_space<hbm>> -> memref<1000x32xf32, #tpu.memory_space<hbm>>
    %dma_start3A_694 = arith.constant 0 : i32
    %dma_start3A_695 = tpu.memref_slice %arg8[%add3A_686, %dma_start3A_694] : memref<896000x32xf32, #tpu.memory_space<hbm>> -> memref<1000x32xf32, #tpu.memory_space<hbm>>
    %dma_start3A_696 = arith.constant 0 : i32
    %dma_start3A_697 = arith.constant 0 : i32
    %dma_start3A_698 = tpu.memref_slice %arg10[%dma_start3A_687, %dma_start3A_696, %dma_start3A_697] : memref<2x1000x32xf32, #tpu.memory_space<vmem>> -> memref<1x1000x32xf32, #tpu.memory_space<vmem>>
    %dma_start3A_699 = tpu.memref_squeeze %dma_start3A_698 : memref<1x1000x32xf32, #tpu.memory_space<vmem>> -> memref<1000x32xf32, #tpu.memory_space<vmem>>
    tpu.enqueue_dma source(%dma_start3A_699 : memref<1000x32xf32, #tpu.memory_space<vmem>>) target(%dma_start3A_695 : memref<1000x32xf32, #tpu.memory_space<hbm>>) target_semaphore(%arg14 : memref<!tpu.dma_semaphore, #tpu.memory_space<semaphore_mem>>)
    %dma_wait3A_700 = arith.constant 0 : i32
    %dma_wait3A_701 = arith.constant 0 : i32
    %dma_wait3A_702 = arith.constant 0 : i32
    %dma_wait3A_703 = tpu.memref_slice %arg10[%dma_wait3A_700, %dma_wait3A_701, %dma_wait3A_702] : memref<2x1000x32xf32, #tpu.memory_space<vmem>> -> memref<1x1000x32xf32, #tpu.memory_space<vmem>>
    %dma_wait3A_704 = tpu.memref_squeeze %dma_wait3A_703 : memref<1x1000x32xf32, #tpu.memory_space<vmem>> -> memref<1000x32xf32, #tpu.memory_space<vmem>>
    %dma_wait3A_705 = arith.constant 4000 : i32
    %dma_wait3A_706 = tpu.memref_slice %arg9[%dma_wait3A_705] : memref<10000xi32, #tpu.memory_space<vmem>> -> memref<1000xi32, #tpu.memory_space<vmem>>
    %dma_wait3A_707 = arith.constant 0 : i32
    %dma_wait3A_708 = arith.constant 0 : i32
    %dma_wait3A_709 = tpu.memref_slice %arg3[%dma_wait3A_707, %dma_wait3A_708] : memref<10000x32xf32, #tpu.memory_space<hbm>> -> memref<10000x32xf32, #tpu.memory_space<hbm>>
    tpu.wait_indirect_dma semaphore(%arg11 : memref<!tpu.dma_semaphore, #tpu.memory_space<semaphore_mem>>) src(%dma_wait3A_709 : memref<10000x32xf32, #tpu.memory_space<hbm>>) dst(%dma_wait3A_704 : memref<1000x32xf32, #tpu.memory_space<vmem>>)
    %dma_wait3A_710 = arith.constant 1 : i32
    %dma_wait3A_711 = arith.constant 0 : i32
    %dma_wait3A_712 = arith.constant 0 : i32
    %dma_wait3A_713 = tpu.memref_slice %arg10[%dma_wait3A_710, %dma_wait3A_711, %dma_wait3A_712] : memref<2x1000x32xf32, #tpu.memory_space<vmem>> -> memref<1x1000x32xf32, #tpu.memory_space<vmem>>
    %dma_wait3A_714 = tpu.memref_squeeze %dma_wait3A_713 : memref<1x1000x32xf32, #tpu.memory_space<vmem>> -> memref<1000x32xf32, #tpu.memory_space<vmem>>
    %dma_wait3A_715 = arith.constant 0 : i32
    %dma_wait3A_716 = tpu.memref_slice %arg8[%add3A_686, %dma_wait3A_715] : memref<896000x32xf32, #tpu.memory_space<hbm>> -> memref<1000x32xf32, #tpu.memory_space<hbm>>
    %dma_wait3A_717 = arith.constant 0 : i32
    %dma_wait3A_718 = tpu.memref_slice %arg8[%add3A_686, %dma_wait3A_717] : memref<896000x32xf32, #tpu.memory_space<hbm>> -> memref<1000x32xf32, #tpu.memory_space<hbm>>
    %dma_wait3A_719 = arith.constant 0 : i32
    %dma_wait3A_720 = arith.constant 0 : i32
    %dma_wait3A_721 = tpu.memref_slice %arg10[%dma_wait3A_710, %dma_wait3A_719, %dma_wait3A_720] : memref<2x1000x32xf32, #tpu.memory_space<vmem>> -> memref<1x1000x32xf32, #tpu.memory_space<vmem>>
    %dma_wait3A_722 = tpu.memref_squeeze %dma_wait3A_721 : memref<1x1000x32xf32, #tpu.memory_space<vmem>> -> memref<1000x32xf32, #tpu.memory_space<vmem>>
    tpu.wait_dma2 semaphore(%arg14 : memref<!tpu.dma_semaphore, #tpu.memory_space<semaphore_mem>>) src(%dma_wait3A_722 : memref<1000x32xf32, #tpu.memory_space<vmem>>) dst(%dma_wait3A_718 : memref<1000x32xf32, #tpu.memory_space<hbm>>)
    %dma_start3A_723 = arith.constant 1 : i32
    %dma_start3A_724 = arith.constant 0 : i32
    %dma_start3A_725 = arith.constant 0 : i32
    %dma_start3A_726 = tpu.memref_slice %arg10[%dma_start3A_723, %dma_start3A_724, %dma_start3A_725] : memref<2x1000x32xf32, #tpu.memory_space<vmem>> -> memref<1x1000x32xf32, #tpu.memory_space<vmem>>
    %dma_start3A_727 = tpu.memref_squeeze %dma_start3A_726 : memref<1x1000x32xf32, #tpu.memory_space<vmem>> -> memref<1000x32xf32, #tpu.memory_space<vmem>>
    %dma_start3A_728 = arith.constant 5000 : i32
    %dma_start3A_729 = tpu.memref_slice %arg9[%dma_start3A_728] : memref<10000xi32, #tpu.memory_space<vmem>> -> memref<1000xi32, #tpu.memory_space<vmem>>
    %dma_start3A_730 = arith.constant 0 : i32
    %dma_start3A_731 = arith.constant 0 : i32
    %dma_start3A_732 = tpu.memref_slice %arg3[%dma_start3A_730, %dma_start3A_731] : memref<10000x32xf32, #tpu.memory_space<hbm>> -> memref<10000x32xf32, #tpu.memory_space<hbm>>
    tpu.enqueue_indirect_dma source(%dma_start3A_732 : memref<10000x32xf32, #tpu.memory_space<hbm>>) target(%dma_start3A_727 : memref<1000x32xf32, #tpu.memory_space<vmem>>) offsets(%dma_start3A_729 : memref<1000xi32, #tpu.memory_space<vmem>>) semaphore(%arg12 : memref<!tpu.dma_semaphore, #tpu.memory_space<semaphore_mem>>)
    %add3A_733 = arith.constant 320000 : i32
    %add3A_734 = arith.addi %add3A_733, %mul3A_502 : i32
    %add3A_735 = arith.constant 4000 : i32
    %add3A_736 = arith.addi %add3A_734, %add3A_735 : i32
    %dma_start3A_737 = arith.constant 0 : i32
    %dma_start3A_738 = arith.constant 0 : i32
    %dma_start3A_739 = arith.constant 0 : i32
    %dma_start3A_740 = tpu.memref_slice %arg10[%dma_start3A_737, %dma_start3A_738, %dma_start3A_739] : memref<2x1000x32xf32, #tpu.memory_space<vmem>> -> memref<1x1000x32xf32, #tpu.memory_space<vmem>>
    %dma_start3A_741 = tpu.memref_squeeze %dma_start3A_740 : memref<1x1000x32xf32, #tpu.memory_space<vmem>> -> memref<1000x32xf32, #tpu.memory_space<vmem>>
    %dma_start3A_742 = arith.constant 0 : i32
    %dma_start3A_743 = tpu.memref_slice %arg8[%add3A_736, %dma_start3A_742] : memref<896000x32xf32, #tpu.memory_space<hbm>> -> memref<1000x32xf32, #tpu.memory_space<hbm>>
    %dma_start3A_744 = arith.constant 0 : i32
    %dma_start3A_745 = tpu.memref_slice %arg8[%add3A_736, %dma_start3A_744] : memref<896000x32xf32, #tpu.memory_space<hbm>> -> memref<1000x32xf32, #tpu.memory_space<hbm>>
    %dma_start3A_746 = arith.constant 0 : i32
    %dma_start3A_747 = arith.constant 0 : i32
    %dma_start3A_748 = tpu.memref_slice %arg10[%dma_start3A_737, %dma_start3A_746, %dma_start3A_747] : memref<2x1000x32xf32, #tpu.memory_space<vmem>> -> memref<1x1000x32xf32, #tpu.memory_space<vmem>>
    %dma_start3A_749 = tpu.memref_squeeze %dma_start3A_748 : memref<1x1000x32xf32, #tpu.memory_space<vmem>> -> memref<1000x32xf32, #tpu.memory_space<vmem>>
    tpu.enqueue_dma source(%dma_start3A_749 : memref<1000x32xf32, #tpu.memory_space<vmem>>) target(%dma_start3A_745 : memref<1000x32xf32, #tpu.memory_space<hbm>>) target_semaphore(%arg13 : memref<!tpu.dma_semaphore, #tpu.memory_space<semaphore_mem>>)
    %dma_wait3A_750 = arith.constant 1 : i32
    %dma_wait3A_751 = arith.constant 0 : i32
    %dma_wait3A_752 = arith.constant 0 : i32
    %dma_wait3A_753 = tpu.memref_slice %arg10[%dma_wait3A_750, %dma_wait3A_751, %dma_wait3A_752] : memref<2x1000x32xf32, #tpu.memory_space<vmem>> -> memref<1x1000x32xf32, #tpu.memory_space<vmem>>
    %dma_wait3A_754 = tpu.memref_squeeze %dma_wait3A_753 : memref<1x1000x32xf32, #tpu.memory_space<vmem>> -> memref<1000x32xf32, #tpu.memory_space<vmem>>
    %dma_wait3A_755 = arith.constant 5000 : i32
    %dma_wait3A_756 = tpu.memref_slice %arg9[%dma_wait3A_755] : memref<10000xi32, #tpu.memory_space<vmem>> -> memref<1000xi32, #tpu.memory_space<vmem>>
    %dma_wait3A_757 = arith.constant 0 : i32
    %dma_wait3A_758 = arith.constant 0 : i32
    %dma_wait3A_759 = tpu.memref_slice %arg3[%dma_wait3A_757, %dma_wait3A_758] : memref<10000x32xf32, #tpu.memory_space<hbm>> -> memref<10000x32xf32, #tpu.memory_space<hbm>>
    tpu.wait_indirect_dma semaphore(%arg12 : memref<!tpu.dma_semaphore, #tpu.memory_space<semaphore_mem>>) src(%dma_wait3A_759 : memref<10000x32xf32, #tpu.memory_space<hbm>>) dst(%dma_wait3A_754 : memref<1000x32xf32, #tpu.memory_space<vmem>>)
    %dma_wait3A_760 = arith.constant 0 : i32
    %dma_wait3A_761 = arith.constant 0 : i32
    %dma_wait3A_762 = arith.constant 0 : i32
    %dma_wait3A_763 = tpu.memref_slice %arg10[%dma_wait3A_760, %dma_wait3A_761, %dma_wait3A_762] : memref<2x1000x32xf32, #tpu.memory_space<vmem>> -> memref<1x1000x32xf32, #tpu.memory_space<vmem>>
    %dma_wait3A_764 = tpu.memref_squeeze %dma_wait3A_763 : memref<1x1000x32xf32, #tpu.memory_space<vmem>> -> memref<1000x32xf32, #tpu.memory_space<vmem>>
    %dma_wait3A_765 = arith.constant 0 : i32
    %dma_wait3A_766 = tpu.memref_slice %arg8[%add3A_736, %dma_wait3A_765] : memref<896000x32xf32, #tpu.memory_space<hbm>> -> memref<1000x32xf32, #tpu.memory_space<hbm>>
    %dma_wait3A_767 = arith.constant 0 : i32
    %dma_wait3A_768 = tpu.memref_slice %arg8[%add3A_736, %dma_wait3A_767] : memref<896000x32xf32, #tpu.memory_space<hbm>> -> memref<1000x32xf32, #tpu.memory_space<hbm>>
    %dma_wait3A_769 = arith.constant 0 : i32
    %dma_wait3A_770 = arith.constant 0 : i32
    %dma_wait3A_771 = tpu.memref_slice %arg10[%dma_wait3A_760, %dma_wait3A_769, %dma_wait3A_770] : memref<2x1000x32xf32, #tpu.memory_space<vmem>> -> memref<1x1000x32xf32, #tpu.memory_space<vmem>>
    %dma_wait3A_772 = tpu.memref_squeeze %dma_wait3A_771 : memref<1x1000x32xf32, #tpu.memory_space<vmem>> -> memref<1000x32xf32, #tpu.memory_space<vmem>>
    tpu.wait_dma2 semaphore(%arg13 : memref<!tpu.dma_semaphore, #tpu.memory_space<semaphore_mem>>) src(%dma_wait3A_772 : memref<1000x32xf32, #tpu.memory_space<vmem>>) dst(%dma_wait3A_768 : memref<1000x32xf32, #tpu.memory_space<hbm>>)
    %dma_start3A_773 = arith.constant 0 : i32
    %dma_start3A_774 = arith.constant 0 : i32
    %dma_start3A_775 = arith.constant 0 : i32
    %dma_start3A_776 = tpu.memref_slice %arg10[%dma_start3A_773, %dma_start3A_774, %dma_start3A_775] : memref<2x1000x32xf32, #tpu.memory_space<vmem>> -> memref<1x1000x32xf32, #tpu.memory_space<vmem>>
    %dma_start3A_777 = tpu.memref_squeeze %dma_start3A_776 : memref<1x1000x32xf32, #tpu.memory_space<vmem>> -> memref<1000x32xf32, #tpu.memory_space<vmem>>
    %dma_start3A_778 = arith.constant 6000 : i32
    %dma_start3A_779 = tpu.memref_slice %arg9[%dma_start3A_778] : memref<10000xi32, #tpu.memory_space<vmem>> -> memref<1000xi32, #tpu.memory_space<vmem>>
    %dma_start3A_780 = arith.constant 0 : i32
    %dma_start3A_781 = arith.constant 0 : i32
    %dma_start3A_782 = tpu.memref_slice %arg3[%dma_start3A_780, %dma_start3A_781] : memref<10000x32xf32, #tpu.memory_space<hbm>> -> memref<10000x32xf32, #tpu.memory_space<hbm>>
    tpu.enqueue_indirect_dma source(%dma_start3A_782 : memref<10000x32xf32, #tpu.memory_space<hbm>>) target(%dma_start3A_777 : memref<1000x32xf32, #tpu.memory_space<vmem>>) offsets(%dma_start3A_779 : memref<1000xi32, #tpu.memory_space<vmem>>) semaphore(%arg11 : memref<!tpu.dma_semaphore, #tpu.memory_space<semaphore_mem>>)
    %add3A_783 = arith.constant 320000 : i32
    %add3A_784 = arith.addi %add3A_783, %mul3A_502 : i32
    %add3A_785 = arith.constant 5000 : i32
    %add3A_786 = arith.addi %add3A_784, %add3A_785 : i32
    %dma_start3A_787 = arith.constant 1 : i32
    %dma_start3A_788 = arith.constant 0 : i32
    %dma_start3A_789 = arith.constant 0 : i32
    %dma_start3A_790 = tpu.memref_slice %arg10[%dma_start3A_787, %dma_start3A_788, %dma_start3A_789] : memref<2x1000x32xf32, #tpu.memory_space<vmem>> -> memref<1x1000x32xf32, #tpu.memory_space<vmem>>
    %dma_start3A_791 = tpu.memref_squeeze %dma_start3A_790 : memref<1x1000x32xf32, #tpu.memory_space<vmem>> -> memref<1000x32xf32, #tpu.memory_space<vmem>>
    %dma_start3A_792 = arith.constant 0 : i32
    %dma_start3A_793 = tpu.memref_slice %arg8[%add3A_786, %dma_start3A_792] : memref<896000x32xf32, #tpu.memory_space<hbm>> -> memref<1000x32xf32, #tpu.memory_space<hbm>>
    %dma_start3A_794 = arith.constant 0 : i32
    %dma_start3A_795 = tpu.memref_slice %arg8[%add3A_786, %dma_start3A_794] : memref<896000x32xf32, #tpu.memory_space<hbm>> -> memref<1000x32xf32, #tpu.memory_space<hbm>>
    %dma_start3A_796 = arith.constant 0 : i32
    %dma_start3A_797 = arith.constant 0 : i32
    %dma_start3A_798 = tpu.memref_slice %arg10[%dma_start3A_787, %dma_start3A_796, %dma_start3A_797] : memref<2x1000x32xf32, #tpu.memory_space<vmem>> -> memref<1x1000x32xf32, #tpu.memory_space<vmem>>
    %dma_start3A_799 = tpu.memref_squeeze %dma_start3A_798 : memref<1x1000x32xf32, #tpu.memory_space<vmem>> -> memref<1000x32xf32, #tpu.memory_space<vmem>>
    tpu.enqueue_dma source(%dma_start3A_799 : memref<1000x32xf32, #tpu.memory_space<vmem>>) target(%dma_start3A_795 : memref<1000x32xf32, #tpu.memory_space<hbm>>) target_semaphore(%arg14 : memref<!tpu.dma_semaphore, #tpu.memory_space<semaphore_mem>>)
    %dma_wait3A_800 = arith.constant 0 : i32
    %dma_wait3A_801 = arith.constant 0 : i32
    %dma_wait3A_802 = arith.constant 0 : i32
    %dma_wait3A_803 = tpu.memref_slice %arg10[%dma_wait3A_800, %dma_wait3A_801, %dma_wait3A_802] : memref<2x1000x32xf32, #tpu.memory_space<vmem>> -> memref<1x1000x32xf32, #tpu.memory_space<vmem>>
    %dma_wait3A_804 = tpu.memref_squeeze %dma_wait3A_803 : memref<1x1000x32xf32, #tpu.memory_space<vmem>> -> memref<1000x32xf32, #tpu.memory_space<vmem>>
    %dma_wait3A_805 = arith.constant 6000 : i32
    %dma_wait3A_806 = tpu.memref_slice %arg9[%dma_wait3A_805] : memref<10000xi32, #tpu.memory_space<vmem>> -> memref<1000xi32, #tpu.memory_space<vmem>>
    %dma_wait3A_807 = arith.constant 0 : i32
    %dma_wait3A_808 = arith.constant 0 : i32
    %dma_wait3A_809 = tpu.memref_slice %arg3[%dma_wait3A_807, %dma_wait3A_808] : memref<10000x32xf32, #tpu.memory_space<hbm>> -> memref<10000x32xf32, #tpu.memory_space<hbm>>
    tpu.wait_indirect_dma semaphore(%arg11 : memref<!tpu.dma_semaphore, #tpu.memory_space<semaphore_mem>>) src(%dma_wait3A_809 : memref<10000x32xf32, #tpu.memory_space<hbm>>) dst(%dma_wait3A_804 : memref<1000x32xf32, #tpu.memory_space<vmem>>)
    %dma_wait3A_810 = arith.constant 1 : i32
    %dma_wait3A_811 = arith.constant 0 : i32
    %dma_wait3A_812 = arith.constant 0 : i32
    %dma_wait3A_813 = tpu.memref_slice %arg10[%dma_wait3A_810, %dma_wait3A_811, %dma_wait3A_812] : memref<2x1000x32xf32, #tpu.memory_space<vmem>> -> memref<1x1000x32xf32, #tpu.memory_space<vmem>>
    %dma_wait3A_814 = tpu.memref_squeeze %dma_wait3A_813 : memref<1x1000x32xf32, #tpu.memory_space<vmem>> -> memref<1000x32xf32, #tpu.memory_space<vmem>>
    %dma_wait3A_815 = arith.constant 0 : i32
    %dma_wait3A_816 = tpu.memref_slice %arg8[%add3A_786, %dma_wait3A_815] : memref<896000x32xf32, #tpu.memory_space<hbm>> -> memref<1000x32xf32, #tpu.memory_space<hbm>>
    %dma_wait3A_817 = arith.constant 0 : i32
    %dma_wait3A_818 = tpu.memref_slice %arg8[%add3A_786, %dma_wait3A_817] : memref<896000x32xf32, #tpu.memory_space<hbm>> -> memref<1000x32xf32, #tpu.memory_space<hbm>>
    %dma_wait3A_819 = arith.constant 0 : i32
    %dma_wait3A_820 = arith.constant 0 : i32
    %dma_wait3A_821 = tpu.memref_slice %arg10[%dma_wait3A_810, %dma_wait3A_819, %dma_wait3A_820] : memref<2x1000x32xf32, #tpu.memory_space<vmem>> -> memref<1x1000x32xf32, #tpu.memory_space<vmem>>
    %dma_wait3A_822 = tpu.memref_squeeze %dma_wait3A_821 : memref<1x1000x32xf32, #tpu.memory_space<vmem>> -> memref<1000x32xf32, #tpu.memory_space<vmem>>
    tpu.wait_dma2 semaphore(%arg14 : memref<!tpu.dma_semaphore, #tpu.memory_space<semaphore_mem>>) src(%dma_wait3A_822 : memref<1000x32xf32, #tpu.memory_space<vmem>>) dst(%dma_wait3A_818 : memref<1000x32xf32, #tpu.memory_space<hbm>>)
    %dma_start3A_823 = arith.constant 1 : i32
    %dma_start3A_824 = arith.constant 0 : i32
    %dma_start3A_825 = arith.constant 0 : i32
    %dma_start3A_826 = tpu.memref_slice %arg10[%dma_start3A_823, %dma_start3A_824, %dma_start3A_825] : memref<2x1000x32xf32, #tpu.memory_space<vmem>> -> memref<1x1000x32xf32, #tpu.memory_space<vmem>>
    %dma_start3A_827 = tpu.memref_squeeze %dma_start3A_826 : memref<1x1000x32xf32, #tpu.memory_space<vmem>> -> memref<1000x32xf32, #tpu.memory_space<vmem>>
    %dma_start3A_828 = arith.constant 7000 : i32
    %dma_start3A_829 = tpu.memref_slice %arg9[%dma_start3A_828] : memref<10000xi32, #tpu.memory_space<vmem>> -> memref<1000xi32, #tpu.memory_space<vmem>>
    %dma_start3A_830 = arith.constant 0 : i32
    %dma_start3A_831 = arith.constant 0 : i32
    %dma_start3A_832 = tpu.memref_slice %arg3[%dma_start3A_830, %dma_start3A_831] : memref<10000x32xf32, #tpu.memory_space<hbm>> -> memref<10000x32xf32, #tpu.memory_space<hbm>>
    tpu.enqueue_indirect_dma source(%dma_start3A_832 : memref<10000x32xf32, #tpu.memory_space<hbm>>) target(%dma_start3A_827 : memref<1000x32xf32, #tpu.memory_space<vmem>>) offsets(%dma_start3A_829 : memref<1000xi32, #tpu.memory_space<vmem>>) semaphore(%arg12 : memref<!tpu.dma_semaphore, #tpu.memory_space<semaphore_mem>>)
    %add3A_833 = arith.constant 320000 : i32
    %add3A_834 = arith.addi %add3A_833, %mul3A_502 : i32
    %add3A_835 = arith.constant 6000 : i32
    %add3A_836 = arith.addi %add3A_834, %add3A_835 : i32
    %dma_start3A_837 = arith.constant 0 : i32
    %dma_start3A_838 = arith.constant 0 : i32
    %dma_start3A_839 = arith.constant 0 : i32
    %dma_start3A_840 = tpu.memref_slice %arg10[%dma_start3A_837, %dma_start3A_838, %dma_start3A_839] : memref<2x1000x32xf32, #tpu.memory_space<vmem>> -> memref<1x1000x32xf32, #tpu.memory_space<vmem>>
    %dma_start3A_841 = tpu.memref_squeeze %dma_start3A_840 : memref<1x1000x32xf32, #tpu.memory_space<vmem>> -> memref<1000x32xf32, #tpu.memory_space<vmem>>
    %dma_start3A_842 = arith.constant 0 : i32
    %dma_start3A_843 = tpu.memref_slice %arg8[%add3A_836, %dma_start3A_842] : memref<896000x32xf32, #tpu.memory_space<hbm>> -> memref<1000x32xf32, #tpu.memory_space<hbm>>
    %dma_start3A_844 = arith.constant 0 : i32
    %dma_start3A_845 = tpu.memref_slice %arg8[%add3A_836, %dma_start3A_844] : memref<896000x32xf32, #tpu.memory_space<hbm>> -> memref<1000x32xf32, #tpu.memory_space<hbm>>
    %dma_start3A_846 = arith.constant 0 : i32
    %dma_start3A_847 = arith.constant 0 : i32
    %dma_start3A_848 = tpu.memref_slice %arg10[%dma_start3A_837, %dma_start3A_846, %dma_start3A_847] : memref<2x1000x32xf32, #tpu.memory_space<vmem>> -> memref<1x1000x32xf32, #tpu.memory_space<vmem>>
    %dma_start3A_849 = tpu.memref_squeeze %dma_start3A_848 : memref<1x1000x32xf32, #tpu.memory_space<vmem>> -> memref<1000x32xf32, #tpu.memory_space<vmem>>
    tpu.enqueue_dma source(%dma_start3A_849 : memref<1000x32xf32, #tpu.memory_space<vmem>>) target(%dma_start3A_845 : memref<1000x32xf32, #tpu.memory_space<hbm>>) target_semaphore(%arg13 : memref<!tpu.dma_semaphore, #tpu.memory_space<semaphore_mem>>)
    %dma_wait3A_850 = arith.constant 1 : i32
    %dma_wait3A_851 = arith.constant 0 : i32
    %dma_wait3A_852 = arith.constant 0 : i32
    %dma_wait3A_853 = tpu.memref_slice %arg10[%dma_wait3A_850, %dma_wait3A_851, %dma_wait3A_852] : memref<2x1000x32xf32, #tpu.memory_space<vmem>> -> memref<1x1000x32xf32, #tpu.memory_space<vmem>>
    %dma_wait3A_854 = tpu.memref_squeeze %dma_wait3A_853 : memref<1x1000x32xf32, #tpu.memory_space<vmem>> -> memref<1000x32xf32, #tpu.memory_space<vmem>>
    %dma_wait3A_855 = arith.constant 7000 : i32
    %dma_wait3A_856 = tpu.memref_slice %arg9[%dma_wait3A_855] : memref<10000xi32, #tpu.memory_space<vmem>> -> memref<1000xi32, #tpu.memory_space<vmem>>
    %dma_wait3A_857 = arith.constant 0 : i32
    %dma_wait3A_858 = arith.constant 0 : i32
    %dma_wait3A_859 = tpu.memref_slice %arg3[%dma_wait3A_857, %dma_wait3A_858] : memref<10000x32xf32, #tpu.memory_space<hbm>> -> memref<10000x32xf32, #tpu.memory_space<hbm>>
    tpu.wait_indirect_dma semaphore(%arg12 : memref<!tpu.dma_semaphore, #tpu.memory_space<semaphore_mem>>) src(%dma_wait3A_859 : memref<10000x32xf32, #tpu.memory_space<hbm>>) dst(%dma_wait3A_854 : memref<1000x32xf32, #tpu.memory_space<vmem>>)
    %dma_wait3A_860 = arith.constant 0 : i32
    %dma_wait3A_861 = arith.constant 0 : i32
    %dma_wait3A_862 = arith.constant 0 : i32
    %dma_wait3A_863 = tpu.memref_slice %arg10[%dma_wait3A_860, %dma_wait3A_861, %dma_wait3A_862] : memref<2x1000x32xf32, #tpu.memory_space<vmem>> -> memref<1x1000x32xf32, #tpu.memory_space<vmem>>
    %dma_wait3A_864 = tpu.memref_squeeze %dma_wait3A_863 : memref<1x1000x32xf32, #tpu.memory_space<vmem>> -> memref<1000x32xf32, #tpu.memory_space<vmem>>
    %dma_wait3A_865 = arith.constant 0 : i32
    %dma_wait3A_866 = tpu.memref_slice %arg8[%add3A_836, %dma_wait3A_865] : memref<896000x32xf32, #tpu.memory_space<hbm>> -> memref<1000x32xf32, #tpu.memory_space<hbm>>
    %dma_wait3A_867 = arith.constant 0 : i32
    %dma_wait3A_868 = tpu.memref_slice %arg8[%add3A_836, %dma_wait3A_867] : memref<896000x32xf32, #tpu.memory_space<hbm>> -> memref<1000x32xf32, #tpu.memory_space<hbm>>
    %dma_wait3A_869 = arith.constant 0 : i32
    %dma_wait3A_870 = arith.constant 0 : i32
    %dma_wait3A_871 = tpu.memref_slice %arg10[%dma_wait3A_860, %dma_wait3A_869, %dma_wait3A_870] : memref<2x1000x32xf32, #tpu.memory_space<vmem>> -> memref<1x1000x32xf32, #tpu.memory_space<vmem>>
    %dma_wait3A_872 = tpu.memref_squeeze %dma_wait3A_871 : memref<1x1000x32xf32, #tpu.memory_space<vmem>> -> memref<1000x32xf32, #tpu.memory_space<vmem>>
    tpu.wait_dma2 semaphore(%arg13 : memref<!tpu.dma_semaphore, #tpu.memory_space<semaphore_mem>>) src(%dma_wait3A_872 : memref<1000x32xf32, #tpu.memory_space<vmem>>) dst(%dma_wait3A_868 : memref<1000x32xf32, #tpu.memory_space<hbm>>)
    %dma_start3A_873 = arith.constant 0 : i32
    %dma_start3A_874 = arith.constant 0 : i32
    %dma_start3A_875 = arith.constant 0 : i32
    %dma_start3A_876 = tpu.memref_slice %arg10[%dma_start3A_873, %dma_start3A_874, %dma_start3A_875] : memref<2x1000x32xf32, #tpu.memory_space<vmem>> -> memref<1x1000x32xf32, #tpu.memory_space<vmem>>
    %dma_start3A_877 = tpu.memref_squeeze %dma_start3A_876 : memref<1x1000x32xf32, #tpu.memory_space<vmem>> -> memref<1000x32xf32, #tpu.memory_space<vmem>>
    %dma_start3A_878 = arith.constant 8000 : i32
    %dma_start3A_879 = tpu.memref_slice %arg9[%dma_start3A_878] : memref<10000xi32, #tpu.memory_space<vmem>> -> memref<1000xi32, #tpu.memory_space<vmem>>
    %dma_start3A_880 = arith.constant 0 : i32
    %dma_start3A_881 = arith.constant 0 : i32
    %dma_start3A_882 = tpu.memref_slice %arg3[%dma_start3A_880, %dma_start3A_881] : memref<10000x32xf32, #tpu.memory_space<hbm>> -> memref<10000x32xf32, #tpu.memory_space<hbm>>
    tpu.enqueue_indirect_dma source(%dma_start3A_882 : memref<10000x32xf32, #tpu.memory_space<hbm>>) target(%dma_start3A_877 : memref<1000x32xf32, #tpu.memory_space<vmem>>) offsets(%dma_start3A_879 : memref<1000xi32, #tpu.memory_space<vmem>>) semaphore(%arg11 : memref<!tpu.dma_semaphore, #tpu.memory_space<semaphore_mem>>)
    %add3A_883 = arith.constant 320000 : i32
    %add3A_884 = arith.addi %add3A_883, %mul3A_502 : i32
    %add3A_885 = arith.constant 7000 : i32
    %add3A_886 = arith.addi %add3A_884, %add3A_885 : i32
    %dma_start3A_887 = arith.constant 1 : i32
    %dma_start3A_888 = arith.constant 0 : i32
    %dma_start3A_889 = arith.constant 0 : i32
    %dma_start3A_890 = tpu.memref_slice %arg10[%dma_start3A_887, %dma_start3A_888, %dma_start3A_889] : memref<2x1000x32xf32, #tpu.memory_space<vmem>> -> memref<1x1000x32xf32, #tpu.memory_space<vmem>>
    %dma_start3A_891 = tpu.memref_squeeze %dma_start3A_890 : memref<1x1000x32xf32, #tpu.memory_space<vmem>> -> memref<1000x32xf32, #tpu.memory_space<vmem>>
    %dma_start3A_892 = arith.constant 0 : i32
    %dma_start3A_893 = tpu.memref_slice %arg8[%add3A_886, %dma_start3A_892] : memref<896000x32xf32, #tpu.memory_space<hbm>> -> memref<1000x32xf32, #tpu.memory_space<hbm>>
    %dma_start3A_894 = arith.constant 0 : i32
    %dma_start3A_895 = tpu.memref_slice %arg8[%add3A_886, %dma_start3A_894] : memref<896000x32xf32, #tpu.memory_space<hbm>> -> memref<1000x32xf32, #tpu.memory_space<hbm>>
    %dma_start3A_896 = arith.constant 0 : i32
    %dma_start3A_897 = arith.constant 0 : i32
    %dma_start3A_898 = tpu.memref_slice %arg10[%dma_start3A_887, %dma_start3A_896, %dma_start3A_897] : memref<2x1000x32xf32, #tpu.memory_space<vmem>> -> memref<1x1000x32xf32, #tpu.memory_space<vmem>>
    %dma_start3A_899 = tpu.memref_squeeze %dma_start3A_898 : memref<1x1000x32xf32, #tpu.memory_space<vmem>> -> memref<1000x32xf32, #tpu.memory_space<vmem>>
    tpu.enqueue_dma source(%dma_start3A_899 : memref<1000x32xf32, #tpu.memory_space<vmem>>) target(%dma_start3A_895 : memref<1000x32xf32, #tpu.memory_space<hbm>>) target_semaphore(%arg14 : memref<!tpu.dma_semaphore, #tpu.memory_space<semaphore_mem>>)
    %dma_wait3A_900 = arith.constant 0 : i32
    %dma_wait3A_901 = arith.constant 0 : i32
    %dma_wait3A_902 = arith.constant 0 : i32
    %dma_wait3A_903 = tpu.memref_slice %arg10[%dma_wait3A_900, %dma_wait3A_901, %dma_wait3A_902] : memref<2x1000x32xf32, #tpu.memory_space<vmem>> -> memref<1x1000x32xf32, #tpu.memory_space<vmem>>
    %dma_wait3A_904 = tpu.memref_squeeze %dma_wait3A_903 : memref<1x1000x32xf32, #tpu.memory_space<vmem>> -> memref<1000x32xf32, #tpu.memory_space<vmem>>
    %dma_wait3A_905 = arith.constant 8000 : i32
    %dma_wait3A_906 = tpu.memref_slice %arg9[%dma_wait3A_905] : memref<10000xi32, #tpu.memory_space<vmem>> -> memref<1000xi32, #tpu.memory_space<vmem>>
    %dma_wait3A_907 = arith.constant 0 : i32
    %dma_wait3A_908 = arith.constant 0 : i32
    %dma_wait3A_909 = tpu.memref_slice %arg3[%dma_wait3A_907, %dma_wait3A_908] : memref<10000x32xf32, #tpu.memory_space<hbm>> -> memref<10000x32xf32, #tpu.memory_space<hbm>>
    tpu.wait_indirect_dma semaphore(%arg11 : memref<!tpu.dma_semaphore, #tpu.memory_space<semaphore_mem>>) src(%dma_wait3A_909 : memref<10000x32xf32, #tpu.memory_space<hbm>>) dst(%dma_wait3A_904 : memref<1000x32xf32, #tpu.memory_space<vmem>>)
    %dma_wait3A_910 = arith.constant 1 : i32
    %dma_wait3A_911 = arith.constant 0 : i32
    %dma_wait3A_912 = arith.constant 0 : i32
    %dma_wait3A_913 = tpu.memref_slice %arg10[%dma_wait3A_910, %dma_wait3A_911, %dma_wait3A_912] : memref<2x1000x32xf32, #tpu.memory_space<vmem>> -> memref<1x1000x32xf32, #tpu.memory_space<vmem>>
    %dma_wait3A_914 = tpu.memref_squeeze %dma_wait3A_913 : memref<1x1000x32xf32, #tpu.memory_space<vmem>> -> memref<1000x32xf32, #tpu.memory_space<vmem>>
    %dma_wait3A_915 = arith.constant 0 : i32
    %dma_wait3A_916 = tpu.memref_slice %arg8[%add3A_886, %dma_wait3A_915] : memref<896000x32xf32, #tpu.memory_space<hbm>> -> memref<1000x32xf32, #tpu.memory_space<hbm>>
    %dma_wait3A_917 = arith.constant 0 : i32
    %dma_wait3A_918 = tpu.memref_slice %arg8[%add3A_886, %dma_wait3A_917] : memref<896000x32xf32, #tpu.memory_space<hbm>> -> memref<1000x32xf32, #tpu.memory_space<hbm>>
    %dma_wait3A_919 = arith.constant 0 : i32
    %dma_wait3A_920 = arith.constant 0 : i32
    %dma_wait3A_921 = tpu.memref_slice %arg10[%dma_wait3A_910, %dma_wait3A_919, %dma_wait3A_920] : memref<2x1000x32xf32, #tpu.memory_space<vmem>> -> memref<1x1000x32xf32, #tpu.memory_space<vmem>>
    %dma_wait3A_922 = tpu.memref_squeeze %dma_wait3A_921 : memref<1x1000x32xf32, #tpu.memory_space<vmem>> -> memref<1000x32xf32, #tpu.memory_space<vmem>>
    tpu.wait_dma2 semaphore(%arg14 : memref<!tpu.dma_semaphore, #tpu.memory_space<semaphore_mem>>) src(%dma_wait3A_922 : memref<1000x32xf32, #tpu.memory_space<vmem>>) dst(%dma_wait3A_918 : memref<1000x32xf32, #tpu.memory_space<hbm>>)
    %dma_start3A_923 = arith.constant 1 : i32
    %dma_start3A_924 = arith.constant 0 : i32
    %dma_start3A_925 = arith.constant 0 : i32
    %dma_start3A_926 = tpu.memref_slice %arg10[%dma_start3A_923, %dma_start3A_924, %dma_start3A_925] : memref<2x1000x32xf32, #tpu.memory_space<vmem>> -> memref<1x1000x32xf32, #tpu.memory_space<vmem>>
    %dma_start3A_927 = tpu.memref_squeeze %dma_start3A_926 : memref<1x1000x32xf32, #tpu.memory_space<vmem>> -> memref<1000x32xf32, #tpu.memory_space<vmem>>
    %dma_start3A_928 = arith.constant 9000 : i32
    %dma_start3A_929 = tpu.memref_slice %arg9[%dma_start3A_928] : memref<10000xi32, #tpu.memory_space<vmem>> -> memref<1000xi32, #tpu.memory_space<vmem>>
    %dma_start3A_930 = arith.constant 0 : i32
    %dma_start3A_931 = arith.constant 0 : i32
    %dma_start3A_932 = tpu.memref_slice %arg3[%dma_start3A_930, %dma_start3A_931] : memref<10000x32xf32, #tpu.memory_space<hbm>> -> memref<10000x32xf32, #tpu.memory_space<hbm>>
    tpu.enqueue_indirect_dma source(%dma_start3A_932 : memref<10000x32xf32, #tpu.memory_space<hbm>>) target(%dma_start3A_927 : memref<1000x32xf32, #tpu.memory_space<vmem>>) offsets(%dma_start3A_929 : memref<1000xi32, #tpu.memory_space<vmem>>) semaphore(%arg12 : memref<!tpu.dma_semaphore, #tpu.memory_space<semaphore_mem>>)
    %add3A_933 = arith.constant 320000 : i32
    %add3A_934 = arith.addi %add3A_933, %mul3A_502 : i32
    %add3A_935 = arith.constant 8000 : i32
    %add3A_936 = arith.addi %add3A_934, %add3A_935 : i32
    %dma_start3A_937 = arith.constant 0 : i32
    %dma_start3A_938 = arith.constant 0 : i32
    %dma_start3A_939 = arith.constant 0 : i32
    %dma_start3A_940 = tpu.memref_slice %arg10[%dma_start3A_937, %dma_start3A_938, %dma_start3A_939] : memref<2x1000x32xf32, #tpu.memory_space<vmem>> -> memref<1x1000x32xf32, #tpu.memory_space<vmem>>
    %dma_start3A_941 = tpu.memref_squeeze %dma_start3A_940 : memref<1x1000x32xf32, #tpu.memory_space<vmem>> -> memref<1000x32xf32, #tpu.memory_space<vmem>>
    %dma_start3A_942 = arith.constant 0 : i32
    %dma_start3A_943 = tpu.memref_slice %arg8[%add3A_936, %dma_start3A_942] : memref<896000x32xf32, #tpu.memory_space<hbm>> -> memref<1000x32xf32, #tpu.memory_space<hbm>>
    %dma_start3A_944 = arith.constant 0 : i32
    %dma_start3A_945 = tpu.memref_slice %arg8[%add3A_936, %dma_start3A_944] : memref<896000x32xf32, #tpu.memory_space<hbm>> -> memref<1000x32xf32, #tpu.memory_space<hbm>>
    %dma_start3A_946 = arith.constant 0 : i32
    %dma_start3A_947 = arith.constant 0 : i32
    %dma_start3A_948 = tpu.memref_slice %arg10[%dma_start3A_937, %dma_start3A_946, %dma_start3A_947] : memref<2x1000x32xf32, #tpu.memory_space<vmem>> -> memref<1x1000x32xf32, #tpu.memory_space<vmem>>
    %dma_start3A_949 = tpu.memref_squeeze %dma_start3A_948 : memref<1x1000x32xf32, #tpu.memory_space<vmem>> -> memref<1000x32xf32, #tpu.memory_space<vmem>>
    tpu.enqueue_dma source(%dma_start3A_949 : memref<1000x32xf32, #tpu.memory_space<vmem>>) target(%dma_start3A_945 : memref<1000x32xf32, #tpu.memory_space<hbm>>) target_semaphore(%arg13 : memref<!tpu.dma_semaphore, #tpu.memory_space<semaphore_mem>>)
    %dma_wait3A_950 = arith.constant 1 : i32
    %dma_wait3A_951 = arith.constant 0 : i32
    %dma_wait3A_952 = arith.constant 0 : i32
    %dma_wait3A_953 = tpu.memref_slice %arg10[%dma_wait3A_950, %dma_wait3A_951, %dma_wait3A_952] : memref<2x1000x32xf32, #tpu.memory_space<vmem>> -> memref<1x1000x32xf32, #tpu.memory_space<vmem>>
    %dma_wait3A_954 = tpu.memref_squeeze %dma_wait3A_953 : memref<1x1000x32xf32, #tpu.memory_space<vmem>> -> memref<1000x32xf32, #tpu.memory_space<vmem>>
    %dma_wait3A_955 = arith.constant 9000 : i32
    %dma_wait3A_956 = tpu.memref_slice %arg9[%dma_wait3A_955] : memref<10000xi32, #tpu.memory_space<vmem>> -> memref<1000xi32, #tpu.memory_space<vmem>>
    %dma_wait3A_957 = arith.constant 0 : i32
    %dma_wait3A_958 = arith.constant 0 : i32
    %dma_wait3A_959 = tpu.memref_slice %arg3[%dma_wait3A_957, %dma_wait3A_958] : memref<10000x32xf32, #tpu.memory_space<hbm>> -> memref<10000x32xf32, #tpu.memory_space<hbm>>
    tpu.wait_indirect_dma semaphore(%arg12 : memref<!tpu.dma_semaphore, #tpu.memory_space<semaphore_mem>>) src(%dma_wait3A_959 : memref<10000x32xf32, #tpu.memory_space<hbm>>) dst(%dma_wait3A_954 : memref<1000x32xf32, #tpu.memory_space<vmem>>)
    %dma_wait3A_960 = arith.constant 0 : i32
    %dma_wait3A_961 = arith.constant 0 : i32
    %dma_wait3A_962 = arith.constant 0 : i32
    %dma_wait3A_963 = tpu.memref_slice %arg10[%dma_wait3A_960, %dma_wait3A_961, %dma_wait3A_962] : memref<2x1000x32xf32, #tpu.memory_space<vmem>> -> memref<1x1000x32xf32, #tpu.memory_space<vmem>>
    %dma_wait3A_964 = tpu.memref_squeeze %dma_wait3A_963 : memref<1x1000x32xf32, #tpu.memory_space<vmem>> -> memref<1000x32xf32, #tpu.memory_space<vmem>>
    %dma_wait3A_965 = arith.constant 0 : i32
    %dma_wait3A_966 = tpu.memref_slice %arg8[%add3A_936, %dma_wait3A_965] : memref<896000x32xf32, #tpu.memory_space<hbm>> -> memref<1000x32xf32, #tpu.memory_space<hbm>>
    %dma_wait3A_967 = arith.constant 0 : i32
    %dma_wait3A_968 = tpu.memref_slice %arg8[%add3A_936, %dma_wait3A_967] : memref<896000x32xf32, #tpu.memory_space<hbm>> -> memref<1000x32xf32, #tpu.memory_space<hbm>>
    %dma_wait3A_969 = arith.constant 0 : i32
    %dma_wait3A_970 = arith.constant 0 : i32
    %dma_wait3A_971 = tpu.memref_slice %arg10[%dma_wait3A_960, %dma_wait3A_969, %dma_wait3A_970] : memref<2x1000x32xf32, #tpu.memory_space<vmem>> -> memref<1x1000x32xf32, #tpu.memory_space<vmem>>
    %dma_wait3A_972 = tpu.memref_squeeze %dma_wait3A_971 : memref<1x1000x32xf32, #tpu.memory_space<vmem>> -> memref<1000x32xf32, #tpu.memory_space<vmem>>
    tpu.wait_dma2 semaphore(%arg13 : memref<!tpu.dma_semaphore, #tpu.memory_space<semaphore_mem>>) src(%dma_wait3A_972 : memref<1000x32xf32, #tpu.memory_space<vmem>>) dst(%dma_wait3A_968 : memref<1000x32xf32, #tpu.memory_space<hbm>>)
    %add3A_973 = arith.constant 320000 : i32
    %add3A_974 = arith.addi %add3A_973, %mul3A_502 : i32
    %add3A_975 = arith.constant 9000 : i32
    %add3A_976 = arith.addi %add3A_974, %add3A_975 : i32
    %dma_start3A_977 = arith.constant 1 : i32
    %dma_start3A_978 = arith.constant 0 : i32
    %dma_start3A_979 = arith.constant 0 : i32
    %dma_start3A_980 = tpu.memref_slice %arg10[%dma_start3A_977, %dma_start3A_978, %dma_start3A_979] : memref<2x1000x32xf32, #tpu.memory_space<vmem>> -> memref<1x1000x32xf32, #tpu.memory_space<vmem>>
    %dma_start3A_981 = tpu.memref_squeeze %dma_start3A_980 : memref<1x1000x32xf32, #tpu.memory_space<vmem>> -> memref<1000x32xf32, #tpu.memory_space<vmem>>
    %dma_start3A_982 = arith.constant 0 : i32
    %dma_start3A_983 = tpu.memref_slice %arg8[%add3A_976, %dma_start3A_982] : memref<896000x32xf32, #tpu.memory_space<hbm>> -> memref<1000x32xf32, #tpu.memory_space<hbm>>
    %dma_start3A_984 = arith.constant 0 : i32
    %dma_start3A_985 = tpu.memref_slice %arg8[%add3A_976, %dma_start3A_984] : memref<896000x32xf32, #tpu.memory_space<hbm>> -> memref<1000x32xf32, #tpu.memory_space<hbm>>
    %dma_start3A_986 = arith.constant 0 : i32
    %dma_start3A_987 = arith.constant 0 : i32
    %dma_start3A_988 = tpu.memref_slice %arg10[%dma_start3A_977, %dma_start3A_986, %dma_start3A_987] : memref<2x1000x32xf32, #tpu.memory_space<vmem>> -> memref<1x1000x32xf32, #tpu.memory_space<vmem>>
    %dma_start3A_989 = tpu.memref_squeeze %dma_start3A_988 : memref<1x1000x32xf32, #tpu.memory_space<vmem>> -> memref<1000x32xf32, #tpu.memory_space<vmem>>
    tpu.enqueue_dma source(%dma_start3A_989 : memref<1000x32xf32, #tpu.memory_space<vmem>>) target(%dma_start3A_985 : memref<1000x32xf32, #tpu.memory_space<hbm>>) target_semaphore(%arg14 : memref<!tpu.dma_semaphore, #tpu.memory_space<semaphore_mem>>)
    %dma_wait3A_990 = arith.constant 1 : i32
    %dma_wait3A_991 = arith.constant 0 : i32
    %dma_wait3A_992 = arith.constant 0 : i32
    %dma_wait3A_993 = tpu.memref_slice %arg10[%dma_wait3A_990, %dma_wait3A_991, %dma_wait3A_992] : memref<2x1000x32xf32, #tpu.memory_space<vmem>> -> memref<1x1000x32xf32, #tpu.memory_space<vmem>>
    %dma_wait3A_994 = tpu.memref_squeeze %dma_wait3A_993 : memref<1x1000x32xf32, #tpu.memory_space<vmem>> -> memref<1000x32xf32, #tpu.memory_space<vmem>>
    %dma_wait3A_995 = arith.constant 0 : i32
    %dma_wait3A_996 = tpu.memref_slice %arg8[%add3A_976, %dma_wait3A_995] : memref<896000x32xf32, #tpu.memory_space<hbm>> -> memref<1000x32xf32, #tpu.memory_space<hbm>>
    %dma_wait3A_997 = arith.constant 0 : i32
    %dma_wait3A_998 = tpu.memref_slice %arg8[%add3A_976, %dma_wait3A_997] : memref<896000x32xf32, #tpu.memory_space<hbm>> -> memref<1000x32xf32, #tpu.memory_space<hbm>>
    %dma_wait3A_999 = arith.constant 0 : i32
    %dma_wait3A_1000 = arith.constant 0 : i32
    %dma_wait3A_1001 = tpu.memref_slice %arg10[%dma_wait3A_990, %dma_wait3A_999, %dma_wait3A_1000] : memref<2x1000x32xf32, #tpu.memory_space<vmem>> -> memref<1x1000x32xf32, #tpu.memory_space<vmem>>
    %dma_wait3A_1002 = tpu.memref_squeeze %dma_wait3A_1001 : memref<1x1000x32xf32, #tpu.memory_space<vmem>> -> memref<1000x32xf32, #tpu.memory_space<vmem>>
    tpu.wait_dma2 semaphore(%arg14 : memref<!tpu.dma_semaphore, #tpu.memory_space<semaphore_mem>>) src(%dma_wait3A_1002 : memref<1000x32xf32, #tpu.memory_space<vmem>>) dst(%dma_wait3A_998 : memref<1000x32xf32, #tpu.memory_space<hbm>>)
    %mul3A_1003 = arith.constant 4000 : i32
    %mul3A_1004 = arith.muli %add3A, %mul3A_1003 : i32
    "tpu.region"() ({
      %run_scoped3A = tpu.sem_alloc : memref<!tpu.dma_semaphore, #tpu.memory_space<semaphore_mem>>
      %dma_start3A_1407 = arith.constant 0 : i32
      %dma_start3A_1408 = tpu.memref_slice %arg9[%dma_start3A_1407] : memref<10000xi32, #tpu.memory_space<vmem>> -> memref<4000xi32, #tpu.memory_space<vmem>>
      %dma_start3A_1409 = tpu.memref_slice %arg6[%mul3A_1004] : memref<128000xi32, #tpu.memory_space<hbm>> -> memref<4000xi32, #tpu.memory_space<hbm>>
      %dma_start3A_1410 = arith.constant 0 : i32
      %dma_start3A_1411 = tpu.memref_slice %arg9[%dma_start3A_1410] : memref<10000xi32, #tpu.memory_space<vmem>> -> memref<4000xi32, #tpu.memory_space<vmem>>
      %dma_start3A_1412 = tpu.memref_slice %arg6[%mul3A_1004] : memref<128000xi32, #tpu.memory_space<hbm>> -> memref<4000xi32, #tpu.memory_space<hbm>>
      tpu.enqueue_dma source(%dma_start3A_1412 : memref<4000xi32, #tpu.memory_space<hbm>>) target(%dma_start3A_1411 : memref<4000xi32, #tpu.memory_space<vmem>>) target_semaphore(%run_scoped3A : memref<!tpu.dma_semaphore, #tpu.memory_space<semaphore_mem>>)
      %dma_wait3A_1413 = arith.constant 0 : i32
      %dma_wait3A_1414 = tpu.memref_slice %arg9[%dma_wait3A_1413] : memref<10000xi32, #tpu.memory_space<vmem>> -> memref<4000xi32, #tpu.memory_space<vmem>>
      %dma_wait3A_1415 = tpu.memref_slice %arg6[%mul3A_1004] : memref<128000xi32, #tpu.memory_space<hbm>> -> memref<4000xi32, #tpu.memory_space<hbm>>
      %dma_wait3A_1416 = arith.constant 0 : i32
      %dma_wait3A_1417 = tpu.memref_slice %arg9[%dma_wait3A_1416] : memref<10000xi32, #tpu.memory_space<vmem>> -> memref<4000xi32, #tpu.memory_space<vmem>>
      %dma_wait3A_1418 = tpu.memref_slice %arg6[%mul3A_1004] : memref<128000xi32, #tpu.memory_space<hbm>> -> memref<4000xi32, #tpu.memory_space<hbm>>
      tpu.wait_dma2 semaphore(%run_scoped3A : memref<!tpu.dma_semaphore, #tpu.memory_space<semaphore_mem>>) src(%dma_wait3A_1418 : memref<4000xi32, #tpu.memory_space<hbm>>) dst(%dma_wait3A_1417 : memref<4000xi32, #tpu.memory_space<vmem>>)
      tpu.yield
    }) : () -> ()
    %dma_start3A_1005 = arith.constant 0 : i32
    %dma_start3A_1006 = arith.constant 0 : i32
    %dma_start3A_1007 = arith.constant 0 : i32
    %dma_start3A_1008 = tpu.memref_slice %arg10[%dma_start3A_1005, %dma_start3A_1006, %dma_start3A_1007] : memref<2x1000x32xf32, #tpu.memory_space<vmem>> -> memref<1x1000x32xf32, #tpu.memory_space<vmem>>
    %dma_start3A_1009 = tpu.memref_squeeze %dma_start3A_1008 : memref<1x1000x32xf32, #tpu.memory_space<vmem>> -> memref<1000x32xf32, #tpu.memory_space<vmem>>
    %dma_start3A_1010 = arith.constant 0 : i32
    %dma_start3A_1011 = tpu.memref_slice %arg9[%dma_start3A_1010] : memref<10000xi32, #tpu.memory_space<vmem>> -> memref<1000xi32, #tpu.memory_space<vmem>>
    %dma_start3A_1012 = arith.constant 0 : i32
    %dma_start3A_1013 = arith.constant 0 : i32
    %dma_start3A_1014 = tpu.memref_slice %arg3[%dma_start3A_1012, %dma_start3A_1013] : memref<10000x32xf32, #tpu.memory_space<hbm>> -> memref<10000x32xf32, #tpu.memory_space<hbm>>
    tpu.enqueue_indirect_dma source(%dma_start3A_1014 : memref<10000x32xf32, #tpu.memory_space<hbm>>) target(%dma_start3A_1009 : memref<1000x32xf32, #tpu.memory_space<vmem>>) offsets(%dma_start3A_1011 : memref<1000xi32, #tpu.memory_space<vmem>>) semaphore(%arg11 : memref<!tpu.dma_semaphore, #tpu.memory_space<semaphore_mem>>)
    %dma_wait3A_1015 = arith.constant 0 : i32
    %dma_wait3A_1016 = arith.constant 0 : i32
    %dma_wait3A_1017 = arith.constant 0 : i32
    %dma_wait3A_1018 = tpu.memref_slice %arg10[%dma_wait3A_1015, %dma_wait3A_1016, %dma_wait3A_1017] : memref<2x1000x32xf32, #tpu.memory_space<vmem>> -> memref<1x1000x32xf32, #tpu.memory_space<vmem>>
    %dma_wait3A_1019 = tpu.memref_squeeze %dma_wait3A_1018 : memref<1x1000x32xf32, #tpu.memory_space<vmem>> -> memref<1000x32xf32, #tpu.memory_space<vmem>>
    %dma_wait3A_1020 = arith.constant 0 : i32
    %dma_wait3A_1021 = tpu.memref_slice %arg9[%dma_wait3A_1020] : memref<10000xi32, #tpu.memory_space<vmem>> -> memref<1000xi32, #tpu.memory_space<vmem>>
    %dma_wait3A_1022 = arith.constant 0 : i32
    %dma_wait3A_1023 = arith.constant 0 : i32
    %dma_wait3A_1024 = tpu.memref_slice %arg3[%dma_wait3A_1022, %dma_wait3A_1023] : memref<10000x32xf32, #tpu.memory_space<hbm>> -> memref<10000x32xf32, #tpu.memory_space<hbm>>
    tpu.wait_indirect_dma semaphore(%arg11 : memref<!tpu.dma_semaphore, #tpu.memory_space<semaphore_mem>>) src(%dma_wait3A_1024 : memref<10000x32xf32, #tpu.memory_space<hbm>>) dst(%dma_wait3A_1019 : memref<1000x32xf32, #tpu.memory_space<vmem>>)
    %dma_start3A_1025 = arith.constant 1 : i32
    %dma_start3A_1026 = arith.constant 0 : i32
    %dma_start3A_1027 = arith.constant 0 : i32
    %dma_start3A_1028 = tpu.memref_slice %arg10[%dma_start3A_1025, %dma_start3A_1026, %dma_start3A_1027] : memref<2x1000x32xf32, #tpu.memory_space<vmem>> -> memref<1x1000x32xf32, #tpu.memory_space<vmem>>
    %dma_start3A_1029 = tpu.memref_squeeze %dma_start3A_1028 : memref<1x1000x32xf32, #tpu.memory_space<vmem>> -> memref<1000x32xf32, #tpu.memory_space<vmem>>
    %dma_start3A_1030 = arith.constant 1000 : i32
    %dma_start3A_1031 = tpu.memref_slice %arg9[%dma_start3A_1030] : memref<10000xi32, #tpu.memory_space<vmem>> -> memref<1000xi32, #tpu.memory_space<vmem>>
    %dma_start3A_1032 = arith.constant 0 : i32
    %dma_start3A_1033 = arith.constant 0 : i32
    %dma_start3A_1034 = tpu.memref_slice %arg3[%dma_start3A_1032, %dma_start3A_1033] : memref<10000x32xf32, #tpu.memory_space<hbm>> -> memref<10000x32xf32, #tpu.memory_space<hbm>>
    tpu.enqueue_indirect_dma source(%dma_start3A_1034 : memref<10000x32xf32, #tpu.memory_space<hbm>>) target(%dma_start3A_1029 : memref<1000x32xf32, #tpu.memory_space<vmem>>) offsets(%dma_start3A_1031 : memref<1000xi32, #tpu.memory_space<vmem>>) semaphore(%arg12 : memref<!tpu.dma_semaphore, #tpu.memory_space<semaphore_mem>>)
    %add3A_1035 = arith.constant 640000 : i32
    %add3A_1036 = arith.addi %add3A_1035, %mul3A_1004 : i32
    %add3A_1037 = arith.constant 0 : i32
    %add3A_1038 = arith.addi %add3A_1036, %add3A_1037 : i32
    %dma_start3A_1039 = arith.constant 0 : i32
    %dma_start3A_1040 = arith.constant 0 : i32
    %dma_start3A_1041 = arith.constant 0 : i32
    %dma_start3A_1042 = tpu.memref_slice %arg10[%dma_start3A_1039, %dma_start3A_1040, %dma_start3A_1041] : memref<2x1000x32xf32, #tpu.memory_space<vmem>> -> memref<1x1000x32xf32, #tpu.memory_space<vmem>>
    %dma_start3A_1043 = tpu.memref_squeeze %dma_start3A_1042 : memref<1x1000x32xf32, #tpu.memory_space<vmem>> -> memref<1000x32xf32, #tpu.memory_space<vmem>>
    %dma_start3A_1044 = arith.constant 0 : i32
    %dma_start3A_1045 = tpu.memref_slice %arg8[%add3A_1038, %dma_start3A_1044] : memref<896000x32xf32, #tpu.memory_space<hbm>> -> memref<1000x32xf32, #tpu.memory_space<hbm>>
    %dma_start3A_1046 = arith.constant 0 : i32
    %dma_start3A_1047 = tpu.memref_slice %arg8[%add3A_1038, %dma_start3A_1046] : memref<896000x32xf32, #tpu.memory_space<hbm>> -> memref<1000x32xf32, #tpu.memory_space<hbm>>
    %dma_start3A_1048 = arith.constant 0 : i32
    %dma_start3A_1049 = arith.constant 0 : i32
    %dma_start3A_1050 = tpu.memref_slice %arg10[%dma_start3A_1039, %dma_start3A_1048, %dma_start3A_1049] : memref<2x1000x32xf32, #tpu.memory_space<vmem>> -> memref<1x1000x32xf32, #tpu.memory_space<vmem>>
    %dma_start3A_1051 = tpu.memref_squeeze %dma_start3A_1050 : memref<1x1000x32xf32, #tpu.memory_space<vmem>> -> memref<1000x32xf32, #tpu.memory_space<vmem>>
    tpu.enqueue_dma source(%dma_start3A_1051 : memref<1000x32xf32, #tpu.memory_space<vmem>>) target(%dma_start3A_1047 : memref<1000x32xf32, #tpu.memory_space<hbm>>) target_semaphore(%arg13 : memref<!tpu.dma_semaphore, #tpu.memory_space<semaphore_mem>>)
    %dma_wait3A_1052 = arith.constant 1 : i32
    %dma_wait3A_1053 = arith.constant 0 : i32
    %dma_wait3A_1054 = arith.constant 0 : i32
    %dma_wait3A_1055 = tpu.memref_slice %arg10[%dma_wait3A_1052, %dma_wait3A_1053, %dma_wait3A_1054] : memref<2x1000x32xf32, #tpu.memory_space<vmem>> -> memref<1x1000x32xf32, #tpu.memory_space<vmem>>
    %dma_wait3A_1056 = tpu.memref_squeeze %dma_wait3A_1055 : memref<1x1000x32xf32, #tpu.memory_space<vmem>> -> memref<1000x32xf32, #tpu.memory_space<vmem>>
    %dma_wait3A_1057 = arith.constant 1000 : i32
    %dma_wait3A_1058 = tpu.memref_slice %arg9[%dma_wait3A_1057] : memref<10000xi32, #tpu.memory_space<vmem>> -> memref<1000xi32, #tpu.memory_space<vmem>>
    %dma_wait3A_1059 = arith.constant 0 : i32
    %dma_wait3A_1060 = arith.constant 0 : i32
    %dma_wait3A_1061 = tpu.memref_slice %arg3[%dma_wait3A_1059, %dma_wait3A_1060] : memref<10000x32xf32, #tpu.memory_space<hbm>> -> memref<10000x32xf32, #tpu.memory_space<hbm>>
    tpu.wait_indirect_dma semaphore(%arg12 : memref<!tpu.dma_semaphore, #tpu.memory_space<semaphore_mem>>) src(%dma_wait3A_1061 : memref<10000x32xf32, #tpu.memory_space<hbm>>) dst(%dma_wait3A_1056 : memref<1000x32xf32, #tpu.memory_space<vmem>>)
    %dma_wait3A_1062 = arith.constant 0 : i32
    %dma_wait3A_1063 = arith.constant 0 : i32
    %dma_wait3A_1064 = arith.constant 0 : i32
    %dma_wait3A_1065 = tpu.memref_slice %arg10[%dma_wait3A_1062, %dma_wait3A_1063, %dma_wait3A_1064] : memref<2x1000x32xf32, #tpu.memory_space<vmem>> -> memref<1x1000x32xf32, #tpu.memory_space<vmem>>
    %dma_wait3A_1066 = tpu.memref_squeeze %dma_wait3A_1065 : memref<1x1000x32xf32, #tpu.memory_space<vmem>> -> memref<1000x32xf32, #tpu.memory_space<vmem>>
    %dma_wait3A_1067 = arith.constant 0 : i32
    %dma_wait3A_1068 = tpu.memref_slice %arg8[%add3A_1038, %dma_wait3A_1067] : memref<896000x32xf32, #tpu.memory_space<hbm>> -> memref<1000x32xf32, #tpu.memory_space<hbm>>
    %dma_wait3A_1069 = arith.constant 0 : i32
    %dma_wait3A_1070 = tpu.memref_slice %arg8[%add3A_1038, %dma_wait3A_1069] : memref<896000x32xf32, #tpu.memory_space<hbm>> -> memref<1000x32xf32, #tpu.memory_space<hbm>>
    %dma_wait3A_1071 = arith.constant 0 : i32
    %dma_wait3A_1072 = arith.constant 0 : i32
    %dma_wait3A_1073 = tpu.memref_slice %arg10[%dma_wait3A_1062, %dma_wait3A_1071, %dma_wait3A_1072] : memref<2x1000x32xf32, #tpu.memory_space<vmem>> -> memref<1x1000x32xf32, #tpu.memory_space<vmem>>
    %dma_wait3A_1074 = tpu.memref_squeeze %dma_wait3A_1073 : memref<1x1000x32xf32, #tpu.memory_space<vmem>> -> memref<1000x32xf32, #tpu.memory_space<vmem>>
    tpu.wait_dma2 semaphore(%arg13 : memref<!tpu.dma_semaphore, #tpu.memory_space<semaphore_mem>>) src(%dma_wait3A_1074 : memref<1000x32xf32, #tpu.memory_space<vmem>>) dst(%dma_wait3A_1070 : memref<1000x32xf32, #tpu.memory_space<hbm>>)
    %dma_start3A_1075 = arith.constant 0 : i32
    %dma_start3A_1076 = arith.constant 0 : i32
    %dma_start3A_1077 = arith.constant 0 : i32
    %dma_start3A_1078 = tpu.memref_slice %arg10[%dma_start3A_1075, %dma_start3A_1076, %dma_start3A_1077] : memref<2x1000x32xf32, #tpu.memory_space<vmem>> -> memref<1x1000x32xf32, #tpu.memory_space<vmem>>
    %dma_start3A_1079 = tpu.memref_squeeze %dma_start3A_1078 : memref<1x1000x32xf32, #tpu.memory_space<vmem>> -> memref<1000x32xf32, #tpu.memory_space<vmem>>
    %dma_start3A_1080 = arith.constant 2000 : i32
    %dma_start3A_1081 = tpu.memref_slice %arg9[%dma_start3A_1080] : memref<10000xi32, #tpu.memory_space<vmem>> -> memref<1000xi32, #tpu.memory_space<vmem>>
    %dma_start3A_1082 = arith.constant 0 : i32
    %dma_start3A_1083 = arith.constant 0 : i32
    %dma_start3A_1084 = tpu.memref_slice %arg3[%dma_start3A_1082, %dma_start3A_1083] : memref<10000x32xf32, #tpu.memory_space<hbm>> -> memref<10000x32xf32, #tpu.memory_space<hbm>>
    tpu.enqueue_indirect_dma source(%dma_start3A_1084 : memref<10000x32xf32, #tpu.memory_space<hbm>>) target(%dma_start3A_1079 : memref<1000x32xf32, #tpu.memory_space<vmem>>) offsets(%dma_start3A_1081 : memref<1000xi32, #tpu.memory_space<vmem>>) semaphore(%arg11 : memref<!tpu.dma_semaphore, #tpu.memory_space<semaphore_mem>>)
    %add3A_1085 = arith.constant 640000 : i32
    %add3A_1086 = arith.addi %add3A_1085, %mul3A_1004 : i32
    %add3A_1087 = arith.constant 1000 : i32
    %add3A_1088 = arith.addi %add3A_1086, %add3A_1087 : i32
    %dma_start3A_1089 = arith.constant 1 : i32
    %dma_start3A_1090 = arith.constant 0 : i32
    %dma_start3A_1091 = arith.constant 0 : i32
    %dma_start3A_1092 = tpu.memref_slice %arg10[%dma_start3A_1089, %dma_start3A_1090, %dma_start3A_1091] : memref<2x1000x32xf32, #tpu.memory_space<vmem>> -> memref<1x1000x32xf32, #tpu.memory_space<vmem>>
    %dma_start3A_1093 = tpu.memref_squeeze %dma_start3A_1092 : memref<1x1000x32xf32, #tpu.memory_space<vmem>> -> memref<1000x32xf32, #tpu.memory_space<vmem>>
    %dma_start3A_1094 = arith.constant 0 : i32
    %dma_start3A_1095 = tpu.memref_slice %arg8[%add3A_1088, %dma_start3A_1094] : memref<896000x32xf32, #tpu.memory_space<hbm>> -> memref<1000x32xf32, #tpu.memory_space<hbm>>
    %dma_start3A_1096 = arith.constant 0 : i32
    %dma_start3A_1097 = tpu.memref_slice %arg8[%add3A_1088, %dma_start3A_1096] : memref<896000x32xf32, #tpu.memory_space<hbm>> -> memref<1000x32xf32, #tpu.memory_space<hbm>>
    %dma_start3A_1098 = arith.constant 0 : i32
    %dma_start3A_1099 = arith.constant 0 : i32
    %dma_start3A_1100 = tpu.memref_slice %arg10[%dma_start3A_1089, %dma_start3A_1098, %dma_start3A_1099] : memref<2x1000x32xf32, #tpu.memory_space<vmem>> -> memref<1x1000x32xf32, #tpu.memory_space<vmem>>
    %dma_start3A_1101 = tpu.memref_squeeze %dma_start3A_1100 : memref<1x1000x32xf32, #tpu.memory_space<vmem>> -> memref<1000x32xf32, #tpu.memory_space<vmem>>
    tpu.enqueue_dma source(%dma_start3A_1101 : memref<1000x32xf32, #tpu.memory_space<vmem>>) target(%dma_start3A_1097 : memref<1000x32xf32, #tpu.memory_space<hbm>>) target_semaphore(%arg14 : memref<!tpu.dma_semaphore, #tpu.memory_space<semaphore_mem>>)
    %dma_wait3A_1102 = arith.constant 0 : i32
    %dma_wait3A_1103 = arith.constant 0 : i32
    %dma_wait3A_1104 = arith.constant 0 : i32
    %dma_wait3A_1105 = tpu.memref_slice %arg10[%dma_wait3A_1102, %dma_wait3A_1103, %dma_wait3A_1104] : memref<2x1000x32xf32, #tpu.memory_space<vmem>> -> memref<1x1000x32xf32, #tpu.memory_space<vmem>>
    %dma_wait3A_1106 = tpu.memref_squeeze %dma_wait3A_1105 : memref<1x1000x32xf32, #tpu.memory_space<vmem>> -> memref<1000x32xf32, #tpu.memory_space<vmem>>
    %dma_wait3A_1107 = arith.constant 2000 : i32
    %dma_wait3A_1108 = tpu.memref_slice %arg9[%dma_wait3A_1107] : memref<10000xi32, #tpu.memory_space<vmem>> -> memref<1000xi32, #tpu.memory_space<vmem>>
    %dma_wait3A_1109 = arith.constant 0 : i32
    %dma_wait3A_1110 = arith.constant 0 : i32
    %dma_wait3A_1111 = tpu.memref_slice %arg3[%dma_wait3A_1109, %dma_wait3A_1110] : memref<10000x32xf32, #tpu.memory_space<hbm>> -> memref<10000x32xf32, #tpu.memory_space<hbm>>
    tpu.wait_indirect_dma semaphore(%arg11 : memref<!tpu.dma_semaphore, #tpu.memory_space<semaphore_mem>>) src(%dma_wait3A_1111 : memref<10000x32xf32, #tpu.memory_space<hbm>>) dst(%dma_wait3A_1106 : memref<1000x32xf32, #tpu.memory_space<vmem>>)
    %dma_wait3A_1112 = arith.constant 1 : i32
    %dma_wait3A_1113 = arith.constant 0 : i32
    %dma_wait3A_1114 = arith.constant 0 : i32
    %dma_wait3A_1115 = tpu.memref_slice %arg10[%dma_wait3A_1112, %dma_wait3A_1113, %dma_wait3A_1114] : memref<2x1000x32xf32, #tpu.memory_space<vmem>> -> memref<1x1000x32xf32, #tpu.memory_space<vmem>>
    %dma_wait3A_1116 = tpu.memref_squeeze %dma_wait3A_1115 : memref<1x1000x32xf32, #tpu.memory_space<vmem>> -> memref<1000x32xf32, #tpu.memory_space<vmem>>
    %dma_wait3A_1117 = arith.constant 0 : i32
    %dma_wait3A_1118 = tpu.memref_slice %arg8[%add3A_1088, %dma_wait3A_1117] : memref<896000x32xf32, #tpu.memory_space<hbm>> -> memref<1000x32xf32, #tpu.memory_space<hbm>>
    %dma_wait3A_1119 = arith.constant 0 : i32
    %dma_wait3A_1120 = tpu.memref_slice %arg8[%add3A_1088, %dma_wait3A_1119] : memref<896000x32xf32, #tpu.memory_space<hbm>> -> memref<1000x32xf32, #tpu.memory_space<hbm>>
    %dma_wait3A_1121 = arith.constant 0 : i32
    %dma_wait3A_1122 = arith.constant 0 : i32
    %dma_wait3A_1123 = tpu.memref_slice %arg10[%dma_wait3A_1112, %dma_wait3A_1121, %dma_wait3A_1122] : memref<2x1000x32xf32, #tpu.memory_space<vmem>> -> memref<1x1000x32xf32, #tpu.memory_space<vmem>>
    %dma_wait3A_1124 = tpu.memref_squeeze %dma_wait3A_1123 : memref<1x1000x32xf32, #tpu.memory_space<vmem>> -> memref<1000x32xf32, #tpu.memory_space<vmem>>
    tpu.wait_dma2 semaphore(%arg14 : memref<!tpu.dma_semaphore, #tpu.memory_space<semaphore_mem>>) src(%dma_wait3A_1124 : memref<1000x32xf32, #tpu.memory_space<vmem>>) dst(%dma_wait3A_1120 : memref<1000x32xf32, #tpu.memory_space<hbm>>)
    %dma_start3A_1125 = arith.constant 1 : i32
    %dma_start3A_1126 = arith.constant 0 : i32
    %dma_start3A_1127 = arith.constant 0 : i32
    %dma_start3A_1128 = tpu.memref_slice %arg10[%dma_start3A_1125, %dma_start3A_1126, %dma_start3A_1127] : memref<2x1000x32xf32, #tpu.memory_space<vmem>> -> memref<1x1000x32xf32, #tpu.memory_space<vmem>>
    %dma_start3A_1129 = tpu.memref_squeeze %dma_start3A_1128 : memref<1x1000x32xf32, #tpu.memory_space<vmem>> -> memref<1000x32xf32, #tpu.memory_space<vmem>>
    %dma_start3A_1130 = arith.constant 3000 : i32
    %dma_start3A_1131 = tpu.memref_slice %arg9[%dma_start3A_1130] : memref<10000xi32, #tpu.memory_space<vmem>> -> memref<1000xi32, #tpu.memory_space<vmem>>
    %dma_start3A_1132 = arith.constant 0 : i32
    %dma_start3A_1133 = arith.constant 0 : i32
    %dma_start3A_1134 = tpu.memref_slice %arg3[%dma_start3A_1132, %dma_start3A_1133] : memref<10000x32xf32, #tpu.memory_space<hbm>> -> memref<10000x32xf32, #tpu.memory_space<hbm>>
    tpu.enqueue_indirect_dma source(%dma_start3A_1134 : memref<10000x32xf32, #tpu.memory_space<hbm>>) target(%dma_start3A_1129 : memref<1000x32xf32, #tpu.memory_space<vmem>>) offsets(%dma_start3A_1131 : memref<1000xi32, #tpu.memory_space<vmem>>) semaphore(%arg12 : memref<!tpu.dma_semaphore, #tpu.memory_space<semaphore_mem>>)
    %add3A_1135 = arith.constant 640000 : i32
    %add3A_1136 = arith.addi %add3A_1135, %mul3A_1004 : i32
    %add3A_1137 = arith.constant 2000 : i32
    %add3A_1138 = arith.addi %add3A_1136, %add3A_1137 : i32
    %dma_start3A_1139 = arith.constant 0 : i32
    %dma_start3A_1140 = arith.constant 0 : i32
    %dma_start3A_1141 = arith.constant 0 : i32
    %dma_start3A_1142 = tpu.memref_slice %arg10[%dma_start3A_1139, %dma_start3A_1140, %dma_start3A_1141] : memref<2x1000x32xf32, #tpu.memory_space<vmem>> -> memref<1x1000x32xf32, #tpu.memory_space<vmem>>
    %dma_start3A_1143 = tpu.memref_squeeze %dma_start3A_1142 : memref<1x1000x32xf32, #tpu.memory_space<vmem>> -> memref<1000x32xf32, #tpu.memory_space<vmem>>
    %dma_start3A_1144 = arith.constant 0 : i32
    %dma_start3A_1145 = tpu.memref_slice %arg8[%add3A_1138, %dma_start3A_1144] : memref<896000x32xf32, #tpu.memory_space<hbm>> -> memref<1000x32xf32, #tpu.memory_space<hbm>>
    %dma_start3A_1146 = arith.constant 0 : i32
    %dma_start3A_1147 = tpu.memref_slice %arg8[%add3A_1138, %dma_start3A_1146] : memref<896000x32xf32, #tpu.memory_space<hbm>> -> memref<1000x32xf32, #tpu.memory_space<hbm>>
    %dma_start3A_1148 = arith.constant 0 : i32
    %dma_start3A_1149 = arith.constant 0 : i32
    %dma_start3A_1150 = tpu.memref_slice %arg10[%dma_start3A_1139, %dma_start3A_1148, %dma_start3A_1149] : memref<2x1000x32xf32, #tpu.memory_space<vmem>> -> memref<1x1000x32xf32, #tpu.memory_space<vmem>>
    %dma_start3A_1151 = tpu.memref_squeeze %dma_start3A_1150 : memref<1x1000x32xf32, #tpu.memory_space<vmem>> -> memref<1000x32xf32, #tpu.memory_space<vmem>>
    tpu.enqueue_dma source(%dma_start3A_1151 : memref<1000x32xf32, #tpu.memory_space<vmem>>) target(%dma_start3A_1147 : memref<1000x32xf32, #tpu.memory_space<hbm>>) target_semaphore(%arg13 : memref<!tpu.dma_semaphore, #tpu.memory_space<semaphore_mem>>)
    %dma_wait3A_1152 = arith.constant 1 : i32
    %dma_wait3A_1153 = arith.constant 0 : i32
    %dma_wait3A_1154 = arith.constant 0 : i32
    %dma_wait3A_1155 = tpu.memref_slice %arg10[%dma_wait3A_1152, %dma_wait3A_1153, %dma_wait3A_1154] : memref<2x1000x32xf32, #tpu.memory_space<vmem>> -> memref<1x1000x32xf32, #tpu.memory_space<vmem>>
    %dma_wait3A_1156 = tpu.memref_squeeze %dma_wait3A_1155 : memref<1x1000x32xf32, #tpu.memory_space<vmem>> -> memref<1000x32xf32, #tpu.memory_space<vmem>>
    %dma_wait3A_1157 = arith.constant 3000 : i32
    %dma_wait3A_1158 = tpu.memref_slice %arg9[%dma_wait3A_1157] : memref<10000xi32, #tpu.memory_space<vmem>> -> memref<1000xi32, #tpu.memory_space<vmem>>
    %dma_wait3A_1159 = arith.constant 0 : i32
    %dma_wait3A_1160 = arith.constant 0 : i32
    %dma_wait3A_1161 = tpu.memref_slice %arg3[%dma_wait3A_1159, %dma_wait3A_1160] : memref<10000x32xf32, #tpu.memory_space<hbm>> -> memref<10000x32xf32, #tpu.memory_space<hbm>>
    tpu.wait_indirect_dma semaphore(%arg12 : memref<!tpu.dma_semaphore, #tpu.memory_space<semaphore_mem>>) src(%dma_wait3A_1161 : memref<10000x32xf32, #tpu.memory_space<hbm>>) dst(%dma_wait3A_1156 : memref<1000x32xf32, #tpu.memory_space<vmem>>)
    %dma_wait3A_1162 = arith.constant 0 : i32
    %dma_wait3A_1163 = arith.constant 0 : i32
    %dma_wait3A_1164 = arith.constant 0 : i32
    %dma_wait3A_1165 = tpu.memref_slice %arg10[%dma_wait3A_1162, %dma_wait3A_1163, %dma_wait3A_1164] : memref<2x1000x32xf32, #tpu.memory_space<vmem>> -> memref<1x1000x32xf32, #tpu.memory_space<vmem>>
    %dma_wait3A_1166 = tpu.memref_squeeze %dma_wait3A_1165 : memref<1x1000x32xf32, #tpu.memory_space<vmem>> -> memref<1000x32xf32, #tpu.memory_space<vmem>>
    %dma_wait3A_1167 = arith.constant 0 : i32
    %dma_wait3A_1168 = tpu.memref_slice %arg8[%add3A_1138, %dma_wait3A_1167] : memref<896000x32xf32, #tpu.memory_space<hbm>> -> memref<1000x32xf32, #tpu.memory_space<hbm>>
    %dma_wait3A_1169 = arith.constant 0 : i32
    %dma_wait3A_1170 = tpu.memref_slice %arg8[%add3A_1138, %dma_wait3A_1169] : memref<896000x32xf32, #tpu.memory_space<hbm>> -> memref<1000x32xf32, #tpu.memory_space<hbm>>
    %dma_wait3A_1171 = arith.constant 0 : i32
    %dma_wait3A_1172 = arith.constant 0 : i32
    %dma_wait3A_1173 = tpu.memref_slice %arg10[%dma_wait3A_1162, %dma_wait3A_1171, %dma_wait3A_1172] : memref<2x1000x32xf32, #tpu.memory_space<vmem>> -> memref<1x1000x32xf32, #tpu.memory_space<vmem>>
    %dma_wait3A_1174 = tpu.memref_squeeze %dma_wait3A_1173 : memref<1x1000x32xf32, #tpu.memory_space<vmem>> -> memref<1000x32xf32, #tpu.memory_space<vmem>>
    tpu.wait_dma2 semaphore(%arg13 : memref<!tpu.dma_semaphore, #tpu.memory_space<semaphore_mem>>) src(%dma_wait3A_1174 : memref<1000x32xf32, #tpu.memory_space<vmem>>) dst(%dma_wait3A_1170 : memref<1000x32xf32, #tpu.memory_space<hbm>>)
    %add3A_1175 = arith.constant 640000 : i32
    %add3A_1176 = arith.addi %add3A_1175, %mul3A_1004 : i32
    %add3A_1177 = arith.constant 3000 : i32
    %add3A_1178 = arith.addi %add3A_1176, %add3A_1177 : i32
    %dma_start3A_1179 = arith.constant 1 : i32
    %dma_start3A_1180 = arith.constant 0 : i32
    %dma_start3A_1181 = arith.constant 0 : i32
    %dma_start3A_1182 = tpu.memref_slice %arg10[%dma_start3A_1179, %dma_start3A_1180, %dma_start3A_1181] : memref<2x1000x32xf32, #tpu.memory_space<vmem>> -> memref<1x1000x32xf32, #tpu.memory_space<vmem>>
    %dma_start3A_1183 = tpu.memref_squeeze %dma_start3A_1182 : memref<1x1000x32xf32, #tpu.memory_space<vmem>> -> memref<1000x32xf32, #tpu.memory_space<vmem>>
    %dma_start3A_1184 = arith.constant 0 : i32
    %dma_start3A_1185 = tpu.memref_slice %arg8[%add3A_1178, %dma_start3A_1184] : memref<896000x32xf32, #tpu.memory_space<hbm>> -> memref<1000x32xf32, #tpu.memory_space<hbm>>
    %dma_start3A_1186 = arith.constant 0 : i32
    %dma_start3A_1187 = tpu.memref_slice %arg8[%add3A_1178, %dma_start3A_1186] : memref<896000x32xf32, #tpu.memory_space<hbm>> -> memref<1000x32xf32, #tpu.memory_space<hbm>>
    %dma_start3A_1188 = arith.constant 0 : i32
    %dma_start3A_1189 = arith.constant 0 : i32
    %dma_start3A_1190 = tpu.memref_slice %arg10[%dma_start3A_1179, %dma_start3A_1188, %dma_start3A_1189] : memref<2x1000x32xf32, #tpu.memory_space<vmem>> -> memref<1x1000x32xf32, #tpu.memory_space<vmem>>
    %dma_start3A_1191 = tpu.memref_squeeze %dma_start3A_1190 : memref<1x1000x32xf32, #tpu.memory_space<vmem>> -> memref<1000x32xf32, #tpu.memory_space<vmem>>
    tpu.enqueue_dma source(%dma_start3A_1191 : memref<1000x32xf32, #tpu.memory_space<vmem>>) target(%dma_start3A_1187 : memref<1000x32xf32, #tpu.memory_space<hbm>>) target_semaphore(%arg14 : memref<!tpu.dma_semaphore, #tpu.memory_space<semaphore_mem>>)
    %dma_wait3A_1192 = arith.constant 1 : i32
    %dma_wait3A_1193 = arith.constant 0 : i32
    %dma_wait3A_1194 = arith.constant 0 : i32
    %dma_wait3A_1195 = tpu.memref_slice %arg10[%dma_wait3A_1192, %dma_wait3A_1193, %dma_wait3A_1194] : memref<2x1000x32xf32, #tpu.memory_space<vmem>> -> memref<1x1000x32xf32, #tpu.memory_space<vmem>>
    %dma_wait3A_1196 = tpu.memref_squeeze %dma_wait3A_1195 : memref<1x1000x32xf32, #tpu.memory_space<vmem>> -> memref<1000x32xf32, #tpu.memory_space<vmem>>
    %dma_wait3A_1197 = arith.constant 0 : i32
    %dma_wait3A_1198 = tpu.memref_slice %arg8[%add3A_1178, %dma_wait3A_1197] : memref<896000x32xf32, #tpu.memory_space<hbm>> -> memref<1000x32xf32, #tpu.memory_space<hbm>>
    %dma_wait3A_1199 = arith.constant 0 : i32
    %dma_wait3A_1200 = tpu.memref_slice %arg8[%add3A_1178, %dma_wait3A_1199] : memref<896000x32xf32, #tpu.memory_space<hbm>> -> memref<1000x32xf32, #tpu.memory_space<hbm>>
    %dma_wait3A_1201 = arith.constant 0 : i32
    %dma_wait3A_1202 = arith.constant 0 : i32
    %dma_wait3A_1203 = tpu.memref_slice %arg10[%dma_wait3A_1192, %dma_wait3A_1201, %dma_wait3A_1202] : memref<2x1000x32xf32, #tpu.memory_space<vmem>> -> memref<1x1000x32xf32, #tpu.memory_space<vmem>>
    %dma_wait3A_1204 = tpu.memref_squeeze %dma_wait3A_1203 : memref<1x1000x32xf32, #tpu.memory_space<vmem>> -> memref<1000x32xf32, #tpu.memory_space<vmem>>
    tpu.wait_dma2 semaphore(%arg14 : memref<!tpu.dma_semaphore, #tpu.memory_space<semaphore_mem>>) src(%dma_wait3A_1204 : memref<1000x32xf32, #tpu.memory_space<vmem>>) dst(%dma_wait3A_1200 : memref<1000x32xf32, #tpu.memory_space<hbm>>)
    %mul3A_1205 = arith.constant 4000 : i32
    %mul3A_1206 = arith.muli %add3A, %mul3A_1205 : i32
    "tpu.region"() ({
      %run_scoped3A = tpu.sem_alloc : memref<!tpu.dma_semaphore, #tpu.memory_space<semaphore_mem>>
      %dma_start3A_1407 = arith.constant 0 : i32
      %dma_start3A_1408 = tpu.memref_slice %arg9[%dma_start3A_1407] : memref<10000xi32, #tpu.memory_space<vmem>> -> memref<4000xi32, #tpu.memory_space<vmem>>
      %dma_start3A_1409 = tpu.memref_slice %arg7[%mul3A_1206] : memref<128000xi32, #tpu.memory_space<hbm>> -> memref<4000xi32, #tpu.memory_space<hbm>>
      %dma_start3A_1410 = arith.constant 0 : i32
      %dma_start3A_1411 = tpu.memref_slice %arg9[%dma_start3A_1410] : memref<10000xi32, #tpu.memory_space<vmem>> -> memref<4000xi32, #tpu.memory_space<vmem>>
      %dma_start3A_1412 = tpu.memref_slice %arg7[%mul3A_1206] : memref<128000xi32, #tpu.memory_space<hbm>> -> memref<4000xi32, #tpu.memory_space<hbm>>
      tpu.enqueue_dma source(%dma_start3A_1412 : memref<4000xi32, #tpu.memory_space<hbm>>) target(%dma_start3A_1411 : memref<4000xi32, #tpu.memory_space<vmem>>) target_semaphore(%run_scoped3A : memref<!tpu.dma_semaphore, #tpu.memory_space<semaphore_mem>>)
      %dma_wait3A_1413 = arith.constant 0 : i32
      %dma_wait3A_1414 = tpu.memref_slice %arg9[%dma_wait3A_1413] : memref<10000xi32, #tpu.memory_space<vmem>> -> memref<4000xi32, #tpu.memory_space<vmem>>
      %dma_wait3A_1415 = tpu.memref_slice %arg7[%mul3A_1206] : memref<128000xi32, #tpu.memory_space<hbm>> -> memref<4000xi32, #tpu.memory_space<hbm>>
      %dma_wait3A_1416 = arith.constant 0 : i32
      %dma_wait3A_1417 = tpu.memref_slice %arg9[%dma_wait3A_1416] : memref<10000xi32, #tpu.memory_space<vmem>> -> memref<4000xi32, #tpu.memory_space<vmem>>
      %dma_wait3A_1418 = tpu.memref_slice %arg7[%mul3A_1206] : memref<128000xi32, #tpu.memory_space<hbm>> -> memref<4000xi32, #tpu.memory_space<hbm>>
      tpu.wait_dma2 semaphore(%run_scoped3A : memref<!tpu.dma_semaphore, #tpu.memory_space<semaphore_mem>>) src(%dma_wait3A_1418 : memref<4000xi32, #tpu.memory_space<hbm>>) dst(%dma_wait3A_1417 : memref<4000xi32, #tpu.memory_space<vmem>>)
      tpu.yield
    }) : () -> ()
    %dma_start3A_1207 = arith.constant 0 : i32
    %dma_start3A_1208 = arith.constant 0 : i32
    %dma_start3A_1209 = arith.constant 0 : i32
    %dma_start3A_1210 = tpu.memref_slice %arg10[%dma_start3A_1207, %dma_start3A_1208, %dma_start3A_1209] : memref<2x1000x32xf32, #tpu.memory_space<vmem>> -> memref<1x1000x32xf32, #tpu.memory_space<vmem>>
    %dma_start3A_1211 = tpu.memref_squeeze %dma_start3A_1210 : memref<1x1000x32xf32, #tpu.memory_space<vmem>> -> memref<1000x32xf32, #tpu.memory_space<vmem>>
    %dma_start3A_1212 = arith.constant 0 : i32
    %dma_start3A_1213 = tpu.memref_slice %arg9[%dma_start3A_1212] : memref<10000xi32, #tpu.memory_space<vmem>> -> memref<1000xi32, #tpu.memory_space<vmem>>
    %dma_start3A_1214 = arith.constant 0 : i32
    %dma_start3A_1215 = arith.constant 0 : i32
    %dma_start3A_1216 = tpu.memref_slice %arg3[%dma_start3A_1214, %dma_start3A_1215] : memref<10000x32xf32, #tpu.memory_space<hbm>> -> memref<10000x32xf32, #tpu.memory_space<hbm>>
    tpu.enqueue_indirect_dma source(%dma_start3A_1216 : memref<10000x32xf32, #tpu.memory_space<hbm>>) target(%dma_start3A_1211 : memref<1000x32xf32, #tpu.memory_space<vmem>>) offsets(%dma_start3A_1213 : memref<1000xi32, #tpu.memory_space<vmem>>) semaphore(%arg11 : memref<!tpu.dma_semaphore, #tpu.memory_space<semaphore_mem>>)
    %dma_wait3A_1217 = arith.constant 0 : i32
    %dma_wait3A_1218 = arith.constant 0 : i32
    %dma_wait3A_1219 = arith.constant 0 : i32
    %dma_wait3A_1220 = tpu.memref_slice %arg10[%dma_wait3A_1217, %dma_wait3A_1218, %dma_wait3A_1219] : memref<2x1000x32xf32, #tpu.memory_space<vmem>> -> memref<1x1000x32xf32, #tpu.memory_space<vmem>>
    %dma_wait3A_1221 = tpu.memref_squeeze %dma_wait3A_1220 : memref<1x1000x32xf32, #tpu.memory_space<vmem>> -> memref<1000x32xf32, #tpu.memory_space<vmem>>
    %dma_wait3A_1222 = arith.constant 0 : i32
    %dma_wait3A_1223 = tpu.memref_slice %arg9[%dma_wait3A_1222] : memref<10000xi32, #tpu.memory_space<vmem>> -> memref<1000xi32, #tpu.memory_space<vmem>>
    %dma_wait3A_1224 = arith.constant 0 : i32
    %dma_wait3A_1225 = arith.constant 0 : i32
    %dma_wait3A_1226 = tpu.memref_slice %arg3[%dma_wait3A_1224, %dma_wait3A_1225] : memref<10000x32xf32, #tpu.memory_space<hbm>> -> memref<10000x32xf32, #tpu.memory_space<hbm>>
    tpu.wait_indirect_dma semaphore(%arg11 : memref<!tpu.dma_semaphore, #tpu.memory_space<semaphore_mem>>) src(%dma_wait3A_1226 : memref<10000x32xf32, #tpu.memory_space<hbm>>) dst(%dma_wait3A_1221 : memref<1000x32xf32, #tpu.memory_space<vmem>>)
    %dma_start3A_1227 = arith.constant 1 : i32
    %dma_start3A_1228 = arith.constant 0 : i32
    %dma_start3A_1229 = arith.constant 0 : i32
    %dma_start3A_1230 = tpu.memref_slice %arg10[%dma_start3A_1227, %dma_start3A_1228, %dma_start3A_1229] : memref<2x1000x32xf32, #tpu.memory_space<vmem>> -> memref<1x1000x32xf32, #tpu.memory_space<vmem>>
    %dma_start3A_1231 = tpu.memref_squeeze %dma_start3A_1230 : memref<1x1000x32xf32, #tpu.memory_space<vmem>> -> memref<1000x32xf32, #tpu.memory_space<vmem>>
    %dma_start3A_1232 = arith.constant 1000 : i32
    %dma_start3A_1233 = tpu.memref_slice %arg9[%dma_start3A_1232] : memref<10000xi32, #tpu.memory_space<vmem>> -> memref<1000xi32, #tpu.memory_space<vmem>>
    %dma_start3A_1234 = arith.constant 0 : i32
    %dma_start3A_1235 = arith.constant 0 : i32
    %dma_start3A_1236 = tpu.memref_slice %arg3[%dma_start3A_1234, %dma_start3A_1235] : memref<10000x32xf32, #tpu.memory_space<hbm>> -> memref<10000x32xf32, #tpu.memory_space<hbm>>
    tpu.enqueue_indirect_dma source(%dma_start3A_1236 : memref<10000x32xf32, #tpu.memory_space<hbm>>) target(%dma_start3A_1231 : memref<1000x32xf32, #tpu.memory_space<vmem>>) offsets(%dma_start3A_1233 : memref<1000xi32, #tpu.memory_space<vmem>>) semaphore(%arg12 : memref<!tpu.dma_semaphore, #tpu.memory_space<semaphore_mem>>)
    %add3A_1237 = arith.constant 768000 : i32
    %add3A_1238 = arith.addi %add3A_1237, %mul3A_1206 : i32
    %add3A_1239 = arith.constant 0 : i32
    %add3A_1240 = arith.addi %add3A_1238, %add3A_1239 : i32
    %dma_start3A_1241 = arith.constant 0 : i32
    %dma_start3A_1242 = arith.constant 0 : i32
    %dma_start3A_1243 = arith.constant 0 : i32
    %dma_start3A_1244 = tpu.memref_slice %arg10[%dma_start3A_1241, %dma_start3A_1242, %dma_start3A_1243] : memref<2x1000x32xf32, #tpu.memory_space<vmem>> -> memref<1x1000x32xf32, #tpu.memory_space<vmem>>
    %dma_start3A_1245 = tpu.memref_squeeze %dma_start3A_1244 : memref<1x1000x32xf32, #tpu.memory_space<vmem>> -> memref<1000x32xf32, #tpu.memory_space<vmem>>
    %dma_start3A_1246 = arith.constant 0 : i32
    %dma_start3A_1247 = tpu.memref_slice %arg8[%add3A_1240, %dma_start3A_1246] : memref<896000x32xf32, #tpu.memory_space<hbm>> -> memref<1000x32xf32, #tpu.memory_space<hbm>>
    %dma_start3A_1248 = arith.constant 0 : i32
    %dma_start3A_1249 = tpu.memref_slice %arg8[%add3A_1240, %dma_start3A_1248] : memref<896000x32xf32, #tpu.memory_space<hbm>> -> memref<1000x32xf32, #tpu.memory_space<hbm>>
    %dma_start3A_1250 = arith.constant 0 : i32
    %dma_start3A_1251 = arith.constant 0 : i32
    %dma_start3A_1252 = tpu.memref_slice %arg10[%dma_start3A_1241, %dma_start3A_1250, %dma_start3A_1251] : memref<2x1000x32xf32, #tpu.memory_space<vmem>> -> memref<1x1000x32xf32, #tpu.memory_space<vmem>>
    %dma_start3A_1253 = tpu.memref_squeeze %dma_start3A_1252 : memref<1x1000x32xf32, #tpu.memory_space<vmem>> -> memref<1000x32xf32, #tpu.memory_space<vmem>>
    tpu.enqueue_dma source(%dma_start3A_1253 : memref<1000x32xf32, #tpu.memory_space<vmem>>) target(%dma_start3A_1249 : memref<1000x32xf32, #tpu.memory_space<hbm>>) target_semaphore(%arg13 : memref<!tpu.dma_semaphore, #tpu.memory_space<semaphore_mem>>)
    %dma_wait3A_1254 = arith.constant 1 : i32
    %dma_wait3A_1255 = arith.constant 0 : i32
    %dma_wait3A_1256 = arith.constant 0 : i32
    %dma_wait3A_1257 = tpu.memref_slice %arg10[%dma_wait3A_1254, %dma_wait3A_1255, %dma_wait3A_1256] : memref<2x1000x32xf32, #tpu.memory_space<vmem>> -> memref<1x1000x32xf32, #tpu.memory_space<vmem>>
    %dma_wait3A_1258 = tpu.memref_squeeze %dma_wait3A_1257 : memref<1x1000x32xf32, #tpu.memory_space<vmem>> -> memref<1000x32xf32, #tpu.memory_space<vmem>>
    %dma_wait3A_1259 = arith.constant 1000 : i32
    %dma_wait3A_1260 = tpu.memref_slice %arg9[%dma_wait3A_1259] : memref<10000xi32, #tpu.memory_space<vmem>> -> memref<1000xi32, #tpu.memory_space<vmem>>
    %dma_wait3A_1261 = arith.constant 0 : i32
    %dma_wait3A_1262 = arith.constant 0 : i32
    %dma_wait3A_1263 = tpu.memref_slice %arg3[%dma_wait3A_1261, %dma_wait3A_1262] : memref<10000x32xf32, #tpu.memory_space<hbm>> -> memref<10000x32xf32, #tpu.memory_space<hbm>>
    tpu.wait_indirect_dma semaphore(%arg12 : memref<!tpu.dma_semaphore, #tpu.memory_space<semaphore_mem>>) src(%dma_wait3A_1263 : memref<10000x32xf32, #tpu.memory_space<hbm>>) dst(%dma_wait3A_1258 : memref<1000x32xf32, #tpu.memory_space<vmem>>)
    %dma_wait3A_1264 = arith.constant 0 : i32
    %dma_wait3A_1265 = arith.constant 0 : i32
    %dma_wait3A_1266 = arith.constant 0 : i32
    %dma_wait3A_1267 = tpu.memref_slice %arg10[%dma_wait3A_1264, %dma_wait3A_1265, %dma_wait3A_1266] : memref<2x1000x32xf32, #tpu.memory_space<vmem>> -> memref<1x1000x32xf32, #tpu.memory_space<vmem>>
    %dma_wait3A_1268 = tpu.memref_squeeze %dma_wait3A_1267 : memref<1x1000x32xf32, #tpu.memory_space<vmem>> -> memref<1000x32xf32, #tpu.memory_space<vmem>>
    %dma_wait3A_1269 = arith.constant 0 : i32
    %dma_wait3A_1270 = tpu.memref_slice %arg8[%add3A_1240, %dma_wait3A_1269] : memref<896000x32xf32, #tpu.memory_space<hbm>> -> memref<1000x32xf32, #tpu.memory_space<hbm>>
    %dma_wait3A_1271 = arith.constant 0 : i32
    %dma_wait3A_1272 = tpu.memref_slice %arg8[%add3A_1240, %dma_wait3A_1271] : memref<896000x32xf32, #tpu.memory_space<hbm>> -> memref<1000x32xf32, #tpu.memory_space<hbm>>
    %dma_wait3A_1273 = arith.constant 0 : i32
    %dma_wait3A_1274 = arith.constant 0 : i32
    %dma_wait3A_1275 = tpu.memref_slice %arg10[%dma_wait3A_1264, %dma_wait3A_1273, %dma_wait3A_1274] : memref<2x1000x32xf32, #tpu.memory_space<vmem>> -> memref<1x1000x32xf32, #tpu.memory_space<vmem>>
    %dma_wait3A_1276 = tpu.memref_squeeze %dma_wait3A_1275 : memref<1x1000x32xf32, #tpu.memory_space<vmem>> -> memref<1000x32xf32, #tpu.memory_space<vmem>>
    tpu.wait_dma2 semaphore(%arg13 : memref<!tpu.dma_semaphore, #tpu.memory_space<semaphore_mem>>) src(%dma_wait3A_1276 : memref<1000x32xf32, #tpu.memory_space<vmem>>) dst(%dma_wait3A_1272 : memref<1000x32xf32, #tpu.memory_space<hbm>>)
    %dma_start3A_1277 = arith.constant 0 : i32
    %dma_start3A_1278 = arith.constant 0 : i32
    %dma_start3A_1279 = arith.constant 0 : i32
    %dma_start3A_1280 = tpu.memref_slice %arg10[%dma_start3A_1277, %dma_start3A_1278, %dma_start3A_1279] : memref<2x1000x32xf32, #tpu.memory_space<vmem>> -> memref<1x1000x32xf32, #tpu.memory_space<vmem>>
    %dma_start3A_1281 = tpu.memref_squeeze %dma_start3A_1280 : memref<1x1000x32xf32, #tpu.memory_space<vmem>> -> memref<1000x32xf32, #tpu.memory_space<vmem>>
    %dma_start3A_1282 = arith.constant 2000 : i32
    %dma_start3A_1283 = tpu.memref_slice %arg9[%dma_start3A_1282] : memref<10000xi32, #tpu.memory_space<vmem>> -> memref<1000xi32, #tpu.memory_space<vmem>>
    %dma_start3A_1284 = arith.constant 0 : i32
    %dma_start3A_1285 = arith.constant 0 : i32
    %dma_start3A_1286 = tpu.memref_slice %arg3[%dma_start3A_1284, %dma_start3A_1285] : memref<10000x32xf32, #tpu.memory_space<hbm>> -> memref<10000x32xf32, #tpu.memory_space<hbm>>
    tpu.enqueue_indirect_dma source(%dma_start3A_1286 : memref<10000x32xf32, #tpu.memory_space<hbm>>) target(%dma_start3A_1281 : memref<1000x32xf32, #tpu.memory_space<vmem>>) offsets(%dma_start3A_1283 : memref<1000xi32, #tpu.memory_space<vmem>>) semaphore(%arg11 : memref<!tpu.dma_semaphore, #tpu.memory_space<semaphore_mem>>)
    %add3A_1287 = arith.constant 768000 : i32
    %add3A_1288 = arith.addi %add3A_1287, %mul3A_1206 : i32
    %add3A_1289 = arith.constant 1000 : i32
    %add3A_1290 = arith.addi %add3A_1288, %add3A_1289 : i32
    %dma_start3A_1291 = arith.constant 1 : i32
    %dma_start3A_1292 = arith.constant 0 : i32
    %dma_start3A_1293 = arith.constant 0 : i32
    %dma_start3A_1294 = tpu.memref_slice %arg10[%dma_start3A_1291, %dma_start3A_1292, %dma_start3A_1293] : memref<2x1000x32xf32, #tpu.memory_space<vmem>> -> memref<1x1000x32xf32, #tpu.memory_space<vmem>>
    %dma_start3A_1295 = tpu.memref_squeeze %dma_start3A_1294 : memref<1x1000x32xf32, #tpu.memory_space<vmem>> -> memref<1000x32xf32, #tpu.memory_space<vmem>>
    %dma_start3A_1296 = arith.constant 0 : i32
    %dma_start3A_1297 = tpu.memref_slice %arg8[%add3A_1290, %dma_start3A_1296] : memref<896000x32xf32, #tpu.memory_space<hbm>> -> memref<1000x32xf32, #tpu.memory_space<hbm>>
    %dma_start3A_1298 = arith.constant 0 : i32
    %dma_start3A_1299 = tpu.memref_slice %arg8[%add3A_1290, %dma_start3A_1298] : memref<896000x32xf32, #tpu.memory_space<hbm>> -> memref<1000x32xf32, #tpu.memory_space<hbm>>
    %dma_start3A_1300 = arith.constant 0 : i32
    %dma_start3A_1301 = arith.constant 0 : i32
    %dma_start3A_1302 = tpu.memref_slice %arg10[%dma_start3A_1291, %dma_start3A_1300, %dma_start3A_1301] : memref<2x1000x32xf32, #tpu.memory_space<vmem>> -> memref<1x1000x32xf32, #tpu.memory_space<vmem>>
    %dma_start3A_1303 = tpu.memref_squeeze %dma_start3A_1302 : memref<1x1000x32xf32, #tpu.memory_space<vmem>> -> memref<1000x32xf32, #tpu.memory_space<vmem>>
    tpu.enqueue_dma source(%dma_start3A_1303 : memref<1000x32xf32, #tpu.memory_space<vmem>>) target(%dma_start3A_1299 : memref<1000x32xf32, #tpu.memory_space<hbm>>) target_semaphore(%arg14 : memref<!tpu.dma_semaphore, #tpu.memory_space<semaphore_mem>>)
    %dma_wait3A_1304 = arith.constant 0 : i32
    %dma_wait3A_1305 = arith.constant 0 : i32
    %dma_wait3A_1306 = arith.constant 0 : i32
    %dma_wait3A_1307 = tpu.memref_slice %arg10[%dma_wait3A_1304, %dma_wait3A_1305, %dma_wait3A_1306] : memref<2x1000x32xf32, #tpu.memory_space<vmem>> -> memref<1x1000x32xf32, #tpu.memory_space<vmem>>
    %dma_wait3A_1308 = tpu.memref_squeeze %dma_wait3A_1307 : memref<1x1000x32xf32, #tpu.memory_space<vmem>> -> memref<1000x32xf32, #tpu.memory_space<vmem>>
    %dma_wait3A_1309 = arith.constant 2000 : i32
    %dma_wait3A_1310 = tpu.memref_slice %arg9[%dma_wait3A_1309] : memref<10000xi32, #tpu.memory_space<vmem>> -> memref<1000xi32, #tpu.memory_space<vmem>>
    %dma_wait3A_1311 = arith.constant 0 : i32
    %dma_wait3A_1312 = arith.constant 0 : i32
    %dma_wait3A_1313 = tpu.memref_slice %arg3[%dma_wait3A_1311, %dma_wait3A_1312] : memref<10000x32xf32, #tpu.memory_space<hbm>> -> memref<10000x32xf32, #tpu.memory_space<hbm>>
    tpu.wait_indirect_dma semaphore(%arg11 : memref<!tpu.dma_semaphore, #tpu.memory_space<semaphore_mem>>) src(%dma_wait3A_1313 : memref<10000x32xf32, #tpu.memory_space<hbm>>) dst(%dma_wait3A_1308 : memref<1000x32xf32, #tpu.memory_space<vmem>>)
    %dma_wait3A_1314 = arith.constant 1 : i32
    %dma_wait3A_1315 = arith.constant 0 : i32
    %dma_wait3A_1316 = arith.constant 0 : i32
    %dma_wait3A_1317 = tpu.memref_slice %arg10[%dma_wait3A_1314, %dma_wait3A_1315, %dma_wait3A_1316] : memref<2x1000x32xf32, #tpu.memory_space<vmem>> -> memref<1x1000x32xf32, #tpu.memory_space<vmem>>
    %dma_wait3A_1318 = tpu.memref_squeeze %dma_wait3A_1317 : memref<1x1000x32xf32, #tpu.memory_space<vmem>> -> memref<1000x32xf32, #tpu.memory_space<vmem>>
    %dma_wait3A_1319 = arith.constant 0 : i32
    %dma_wait3A_1320 = tpu.memref_slice %arg8[%add3A_1290, %dma_wait3A_1319] : memref<896000x32xf32, #tpu.memory_space<hbm>> -> memref<1000x32xf32, #tpu.memory_space<hbm>>
    %dma_wait3A_1321 = arith.constant 0 : i32
    %dma_wait3A_1322 = tpu.memref_slice %arg8[%add3A_1290, %dma_wait3A_1321] : memref<896000x32xf32, #tpu.memory_space<hbm>> -> memref<1000x32xf32, #tpu.memory_space<hbm>>
    %dma_wait3A_1323 = arith.constant 0 : i32
    %dma_wait3A_1324 = arith.constant 0 : i32
    %dma_wait3A_1325 = tpu.memref_slice %arg10[%dma_wait3A_1314, %dma_wait3A_1323, %dma_wait3A_1324] : memref<2x1000x32xf32, #tpu.memory_space<vmem>> -> memref<1x1000x32xf32, #tpu.memory_space<vmem>>
    %dma_wait3A_1326 = tpu.memref_squeeze %dma_wait3A_1325 : memref<1x1000x32xf32, #tpu.memory_space<vmem>> -> memref<1000x32xf32, #tpu.memory_space<vmem>>
    tpu.wait_dma2 semaphore(%arg14 : memref<!tpu.dma_semaphore, #tpu.memory_space<semaphore_mem>>) src(%dma_wait3A_1326 : memref<1000x32xf32, #tpu.memory_space<vmem>>) dst(%dma_wait3A_1322 : memref<1000x32xf32, #tpu.memory_space<hbm>>)
    %dma_start3A_1327 = arith.constant 1 : i32
    %dma_start3A_1328 = arith.constant 0 : i32
    %dma_start3A_1329 = arith.constant 0 : i32
    %dma_start3A_1330 = tpu.memref_slice %arg10[%dma_start3A_1327, %dma_start3A_1328, %dma_start3A_1329] : memref<2x1000x32xf32, #tpu.memory_space<vmem>> -> memref<1x1000x32xf32, #tpu.memory_space<vmem>>
    %dma_start3A_1331 = tpu.memref_squeeze %dma_start3A_1330 : memref<1x1000x32xf32, #tpu.memory_space<vmem>> -> memref<1000x32xf32, #tpu.memory_space<vmem>>
    %dma_start3A_1332 = arith.constant 3000 : i32
    %dma_start3A_1333 = tpu.memref_slice %arg9[%dma_start3A_1332] : memref<10000xi32, #tpu.memory_space<vmem>> -> memref<1000xi32, #tpu.memory_space<vmem>>
    %dma_start3A_1334 = arith.constant 0 : i32
    %dma_start3A_1335 = arith.constant 0 : i32
    %dma_start3A_1336 = tpu.memref_slice %arg3[%dma_start3A_1334, %dma_start3A_1335] : memref<10000x32xf32, #tpu.memory_space<hbm>> -> memref<10000x32xf32, #tpu.memory_space<hbm>>
    tpu.enqueue_indirect_dma source(%dma_start3A_1336 : memref<10000x32xf32, #tpu.memory_space<hbm>>) target(%dma_start3A_1331 : memref<1000x32xf32, #tpu.memory_space<vmem>>) offsets(%dma_start3A_1333 : memref<1000xi32, #tpu.memory_space<vmem>>) semaphore(%arg12 : memref<!tpu.dma_semaphore, #tpu.memory_space<semaphore_mem>>)
    %add3A_1337 = arith.constant 768000 : i32
    %add3A_1338 = arith.addi %add3A_1337, %mul3A_1206 : i32
    %add3A_1339 = arith.constant 2000 : i32
    %add3A_1340 = arith.addi %add3A_1338, %add3A_1339 : i32
    %dma_start3A_1341 = arith.constant 0 : i32
    %dma_start3A_1342 = arith.constant 0 : i32
    %dma_start3A_1343 = arith.constant 0 : i32
    %dma_start3A_1344 = tpu.memref_slice %arg10[%dma_start3A_1341, %dma_start3A_1342, %dma_start3A_1343] : memref<2x1000x32xf32, #tpu.memory_space<vmem>> -> memref<1x1000x32xf32, #tpu.memory_space<vmem>>
    %dma_start3A_1345 = tpu.memref_squeeze %dma_start3A_1344 : memref<1x1000x32xf32, #tpu.memory_space<vmem>> -> memref<1000x32xf32, #tpu.memory_space<vmem>>
    %dma_start3A_1346 = arith.constant 0 : i32
    %dma_start3A_1347 = tpu.memref_slice %arg8[%add3A_1340, %dma_start3A_1346] : memref<896000x32xf32, #tpu.memory_space<hbm>> -> memref<1000x32xf32, #tpu.memory_space<hbm>>
    %dma_start3A_1348 = arith.constant 0 : i32
    %dma_start3A_1349 = tpu.memref_slice %arg8[%add3A_1340, %dma_start3A_1348] : memref<896000x32xf32, #tpu.memory_space<hbm>> -> memref<1000x32xf32, #tpu.memory_space<hbm>>
    %dma_start3A_1350 = arith.constant 0 : i32
    %dma_start3A_1351 = arith.constant 0 : i32
    %dma_start3A_1352 = tpu.memref_slice %arg10[%dma_start3A_1341, %dma_start3A_1350, %dma_start3A_1351] : memref<2x1000x32xf32, #tpu.memory_space<vmem>> -> memref<1x1000x32xf32, #tpu.memory_space<vmem>>
    %dma_start3A_1353 = tpu.memref_squeeze %dma_start3A_1352 : memref<1x1000x32xf32, #tpu.memory_space<vmem>> -> memref<1000x32xf32, #tpu.memory_space<vmem>>
    tpu.enqueue_dma source(%dma_start3A_1353 : memref<1000x32xf32, #tpu.memory_space<vmem>>) target(%dma_start3A_1349 : memref<1000x32xf32, #tpu.memory_space<hbm>>) target_semaphore(%arg13 : memref<!tpu.dma_semaphore, #tpu.memory_space<semaphore_mem>>)
    %dma_wait3A_1354 = arith.constant 1 : i32
    %dma_wait3A_1355 = arith.constant 0 : i32
    %dma_wait3A_1356 = arith.constant 0 : i32
    %dma_wait3A_1357 = tpu.memref_slice %arg10[%dma_wait3A_1354, %dma_wait3A_1355, %dma_wait3A_1356] : memref<2x1000x32xf32, #tpu.memory_space<vmem>> -> memref<1x1000x32xf32, #tpu.memory_space<vmem>>
    %dma_wait3A_1358 = tpu.memref_squeeze %dma_wait3A_1357 : memref<1x1000x32xf32, #tpu.memory_space<vmem>> -> memref<1000x32xf32, #tpu.memory_space<vmem>>
    %dma_wait3A_1359 = arith.constant 3000 : i32
    %dma_wait3A_1360 = tpu.memref_slice %arg9[%dma_wait3A_1359] : memref<10000xi32, #tpu.memory_space<vmem>> -> memref<1000xi32, #tpu.memory_space<vmem>>
    %dma_wait3A_1361 = arith.constant 0 : i32
    %dma_wait3A_1362 = arith.constant 0 : i32
    %dma_wait3A_1363 = tpu.memref_slice %arg3[%dma_wait3A_1361, %dma_wait3A_1362] : memref<10000x32xf32, #tpu.memory_space<hbm>> -> memref<10000x32xf32, #tpu.memory_space<hbm>>
    tpu.wait_indirect_dma semaphore(%arg12 : memref<!tpu.dma_semaphore, #tpu.memory_space<semaphore_mem>>) src(%dma_wait3A_1363 : memref<10000x32xf32, #tpu.memory_space<hbm>>) dst(%dma_wait3A_1358 : memref<1000x32xf32, #tpu.memory_space<vmem>>)
    %dma_wait3A_1364 = arith.constant 0 : i32
    %dma_wait3A_1365 = arith.constant 0 : i32
    %dma_wait3A_1366 = arith.constant 0 : i32
    %dma_wait3A_1367 = tpu.memref_slice %arg10[%dma_wait3A_1364, %dma_wait3A_1365, %dma_wait3A_1366] : memref<2x1000x32xf32, #tpu.memory_space<vmem>> -> memref<1x1000x32xf32, #tpu.memory_space<vmem>>
    %dma_wait3A_1368 = tpu.memref_squeeze %dma_wait3A_1367 : memref<1x1000x32xf32, #tpu.memory_space<vmem>> -> memref<1000x32xf32, #tpu.memory_space<vmem>>
    %dma_wait3A_1369 = arith.constant 0 : i32
    %dma_wait3A_1370 = tpu.memref_slice %arg8[%add3A_1340, %dma_wait3A_1369] : memref<896000x32xf32, #tpu.memory_space<hbm>> -> memref<1000x32xf32, #tpu.memory_space<hbm>>
    %dma_wait3A_1371 = arith.constant 0 : i32
    %dma_wait3A_1372 = tpu.memref_slice %arg8[%add3A_1340, %dma_wait3A_1371] : memref<896000x32xf32, #tpu.memory_space<hbm>> -> memref<1000x32xf32, #tpu.memory_space<hbm>>
    %dma_wait3A_1373 = arith.constant 0 : i32
    %dma_wait3A_1374 = arith.constant 0 : i32
    %dma_wait3A_1375 = tpu.memref_slice %arg10[%dma_wait3A_1364, %dma_wait3A_1373, %dma_wait3A_1374] : memref<2x1000x32xf32, #tpu.memory_space<vmem>> -> memref<1x1000x32xf32, #tpu.memory_space<vmem>>
    %dma_wait3A_1376 = tpu.memref_squeeze %dma_wait3A_1375 : memref<1x1000x32xf32, #tpu.memory_space<vmem>> -> memref<1000x32xf32, #tpu.memory_space<vmem>>
    tpu.wait_dma2 semaphore(%arg13 : memref<!tpu.dma_semaphore, #tpu.memory_space<semaphore_mem>>) src(%dma_wait3A_1376 : memref<1000x32xf32, #tpu.memory_space<vmem>>) dst(%dma_wait3A_1372 : memref<1000x32xf32, #tpu.memory_space<hbm>>)
    %add3A_1377 = arith.constant 768000 : i32
    %add3A_1378 = arith.addi %add3A_1377, %mul3A_1206 : i32
    %add3A_1379 = arith.constant 3000 : i32
    %add3A_1380 = arith.addi %add3A_1378, %add3A_1379 : i32
    %dma_start3A_1381 = arith.constant 1 : i32
    %dma_start3A_1382 = arith.constant 0 : i32
    %dma_start3A_1383 = arith.constant 0 : i32
    %dma_start3A_1384 = tpu.memref_slice %arg10[%dma_start3A_1381, %dma_start3A_1382, %dma_start3A_1383] : memref<2x1000x32xf32, #tpu.memory_space<vmem>> -> memref<1x1000x32xf32, #tpu.memory_space<vmem>>
    %dma_start3A_1385 = tpu.memref_squeeze %dma_start3A_1384 : memref<1x1000x32xf32, #tpu.memory_space<vmem>> -> memref<1000x32xf32, #tpu.memory_space<vmem>>
    %dma_start3A_1386 = arith.constant 0 : i32
    %dma_start3A_1387 = tpu.memref_slice %arg8[%add3A_1380, %dma_start3A_1386] : memref<896000x32xf32, #tpu.memory_space<hbm>> -> memref<1000x32xf32, #tpu.memory_space<hbm>>
    %dma_start3A_1388 = arith.constant 0 : i32
    %dma_start3A_1389 = tpu.memref_slice %arg8[%add3A_1380, %dma_start3A_1388] : memref<896000x32xf32, #tpu.memory_space<hbm>> -> memref<1000x32xf32, #tpu.memory_space<hbm>>
    %dma_start3A_1390 = arith.constant 0 : i32
    %dma_start3A_1391 = arith.constant 0 : i32
    %dma_start3A_1392 = tpu.memref_slice %arg10[%dma_start3A_1381, %dma_start3A_1390, %dma_start3A_1391] : memref<2x1000x32xf32, #tpu.memory_space<vmem>> -> memref<1x1000x32xf32, #tpu.memory_space<vmem>>
    %dma_start3A_1393 = tpu.memref_squeeze %dma_start3A_1392 : memref<1x1000x32xf32, #tpu.memory_space<vmem>> -> memref<1000x32xf32, #tpu.memory_space<vmem>>
    tpu.enqueue_dma source(%dma_start3A_1393 : memref<1000x32xf32, #tpu.memory_space<vmem>>) target(%dma_start3A_1389 : memref<1000x32xf32, #tpu.memory_space<hbm>>) target_semaphore(%arg14 : memref<!tpu.dma_semaphore, #tpu.memory_space<semaphore_mem>>)
    %dma_wait3A_1394 = arith.constant 1 : i32
    %dma_wait3A_1395 = arith.constant 0 : i32
    %dma_wait3A_1396 = arith.constant 0 : i32
    %dma_wait3A_1397 = tpu.memref_slice %arg10[%dma_wait3A_1394, %dma_wait3A_1395, %dma_wait3A_1396] : memref<2x1000x32xf32, #tpu.memory_space<vmem>> -> memref<1x1000x32xf32, #tpu.memory_space<vmem>>
    %dma_wait3A_1398 = tpu.memref_squeeze %dma_wait3A_1397 : memref<1x1000x32xf32, #tpu.memory_space<vmem>> -> memref<1000x32xf32, #tpu.memory_space<vmem>>
    %dma_wait3A_1399 = arith.constant 0 : i32
    %dma_wait3A_1400 = tpu.memref_slice %arg8[%add3A_1380, %dma_wait3A_1399] : memref<896000x32xf32, #tpu.memory_space<hbm>> -> memref<1000x32xf32, #tpu.memory_space<hbm>>
    %dma_wait3A_1401 = arith.constant 0 : i32
    %dma_wait3A_1402 = tpu.memref_slice %arg8[%add3A_1380, %dma_wait3A_1401] : memref<896000x32xf32, #tpu.memory_space<hbm>> -> memref<1000x32xf32, #tpu.memory_space<hbm>>
    %dma_wait3A_1403 = arith.constant 0 : i32
    %dma_wait3A_1404 = arith.constant 0 : i32
    %dma_wait3A_1405 = tpu.memref_slice %arg10[%dma_wait3A_1394, %dma_wait3A_1403, %dma_wait3A_1404] : memref<2x1000x32xf32, #tpu.memory_space<vmem>> -> memref<1x1000x32xf32, #tpu.memory_space<vmem>>
    %dma_wait3A_1406 = tpu.memref_squeeze %dma_wait3A_1405 : memref<1x1000x32xf32, #tpu.memory_space<vmem>> -> memref<1000x32xf32, #tpu.memory_space<vmem>>
    tpu.wait_dma2 semaphore(%arg14 : memref<!tpu.dma_semaphore, #tpu.memory_space<semaphore_mem>>) src(%dma_wait3A_1406 : memref<1000x32xf32, #tpu.memory_space<vmem>>) dst(%dma_wait3A_1402 : memref<1000x32xf32, #tpu.memory_space<hbm>>)
    return
  }
}

#map = affine_map<(d0, d1) -> (0, 0)>
#map1 = affine_map<(d0, d1) -> (0)>
#map2 = affine_map<(d0, d1) -> (0, 0, 0)>
module attributes {stable_mosaic.version = 14 : i64} {
  func.func @_sc_scatter(%arg0: i32, %arg1: i32, %arg2: memref<320000x32xf32, #tpu.memory_space<hbm>>, %arg3: memref<320000xi32, #tpu.memory_space<hbm>>, %arg4: memref<10000x32xf32, #tpu.memory_space<hbm>>, %arg5: memref<2x10000x32xf32, #tpu.memory_space<hbm>>, %arg6: memref<10000x32xf32, #tpu.memory_space<vmem_shared>>, %arg7: memref<10x1000xi32, #tpu.memory_space<vmem>>, %arg8: memref<2x1000x32xf32, #tpu.memory_space<vmem>>, %arg9: memref<!tpu.dma_semaphore, #tpu.memory_space<semaphore_mem>>, %arg10: memref<!tpu.dma_semaphore, #tpu.memory_space<semaphore_mem>>, %arg11: memref<!tpu.dma_semaphore, #tpu.memory_space<semaphore_mem>>, %arg12: memref<!tpu.dma_semaphore, #tpu.memory_space<semaphore_mem>>) attributes {dimension_semantics = [#tpu.dimension_semantics<core_parallel>, #tpu.dimension_semantics<subcore_parallel>], iteration_bounds = array<i64: 2, 16>, scalar_prefetch = 0 : i64, scratch_operands = 7 : i64, tpu.core_type = #tpu.core_type<sc_vector_subcore>, window_params = [{transform_indices = #map}, {transform_indices = #map1}, {transform_indices = #map}, {transform_indices = #map2}]} {
    %mul3A = arith.constant 2 : i32
    %mul3A_0 = arith.muli %arg1, %mul3A : i32
    %add3A = arith.addi %mul3A_0, %arg0 : i32
    %mul3A_1 = arith.constant 625 : i32
    %mul3A_2 = arith.muli %arg1, %mul3A_1 : i32
    %mul3A_3 = arith.constant 625 : i32
    %mul3A_4 = arith.muli %arg1, %mul3A_3 : i32
    "tpu.region"() ({
      %run_scoped3A_487 = tpu.sem_alloc : memref<!tpu.dma_semaphore, #tpu.memory_space<semaphore_mem>>
      %dma_start3A_488 = arith.constant 0 : i32
      %dma_start3A_489 = tpu.memref_slice %arg6[%mul3A_4, %dma_start3A_488] : memref<10000x32xf32, #tpu.memory_space<vmem_shared>> -> memref<625x32xf32, #tpu.memory_space<vmem_shared>>
      %dma_start3A_490 = arith.constant 0 : i32
      %dma_start3A_491 = tpu.memref_slice %arg4[%mul3A_2, %dma_start3A_490] : memref<10000x32xf32, #tpu.memory_space<hbm>> -> memref<625x32xf32, #tpu.memory_space<hbm>>
      tpu.enqueue_dma source(%dma_start3A_491 : memref<625x32xf32, #tpu.memory_space<hbm>>) target(%dma_start3A_489 : memref<625x32xf32, #tpu.memory_space<vmem_shared>>) target_semaphore(%run_scoped3A_487 : memref<!tpu.dma_semaphore, #tpu.memory_space<semaphore_mem>>)
      %dma_wait3A_492 = arith.constant 0 : i32
      %dma_wait3A_493 = tpu.memref_slice %arg6[%mul3A_4, %dma_wait3A_492] : memref<10000x32xf32, #tpu.memory_space<vmem_shared>> -> memref<625x32xf32, #tpu.memory_space<vmem_shared>>
      %dma_wait3A_494 = arith.constant 0 : i32
      %dma_wait3A_495 = tpu.memref_slice %arg4[%mul3A_2, %dma_wait3A_494] : memref<10000x32xf32, #tpu.memory_space<hbm>> -> memref<625x32xf32, #tpu.memory_space<hbm>>
      tpu.wait_dma2 semaphore(%run_scoped3A_487 : memref<!tpu.dma_semaphore, #tpu.memory_space<semaphore_mem>>) src(%dma_wait3A_495 : memref<625x32xf32, #tpu.memory_space<hbm>>) dst(%dma_wait3A_493 : memref<625x32xf32, #tpu.memory_space<vmem_shared>>)
      tpu.yield
    }) : () -> ()
    %barrier3A = arith.constant 0 : index
    tpu.barrier barrier_id(%barrier3A)
    %mul3A_5 = arith.constant 10000 : i32
    %mul3A_6 = arith.muli %add3A, %mul3A_5 : i32
    %dma_start3A = arith.constant 0 : i32
    %dma_start3A_7 = arith.constant 0 : i32
    %dma_start3A_8 = tpu.memref_slice %arg7[%dma_start3A, %dma_start3A_7] : memref<10x1000xi32, #tpu.memory_space<vmem>> -> memref<1x1000xi32, #tpu.memory_space<vmem>>
    %dma_start3A_9 = tpu.memref_squeeze %dma_start3A_8 : memref<1x1000xi32, #tpu.memory_space<vmem>> -> memref<1000xi32, #tpu.memory_space<vmem>>
    %dma_start3A_10 = tpu.memref_slice %arg3[%mul3A_6] : memref<320000xi32, #tpu.memory_space<hbm>> -> memref<1000xi32, #tpu.memory_space<hbm>>
    %dma_start3A_11 = arith.constant 0 : i32
    %dma_start3A_12 = tpu.memref_slice %arg7[%dma_start3A, %dma_start3A_11] : memref<10x1000xi32, #tpu.memory_space<vmem>> -> memref<1x1000xi32, #tpu.memory_space<vmem>>
    %dma_start3A_13 = tpu.memref_squeeze %dma_start3A_12 : memref<1x1000xi32, #tpu.memory_space<vmem>> -> memref<1000xi32, #tpu.memory_space<vmem>>
    %dma_start3A_14 = tpu.memref_slice %arg3[%mul3A_6] : memref<320000xi32, #tpu.memory_space<hbm>> -> memref<1000xi32, #tpu.memory_space<hbm>>
    tpu.enqueue_dma source(%dma_start3A_14 : memref<1000xi32, #tpu.memory_space<hbm>>) target(%dma_start3A_13 : memref<1000xi32, #tpu.memory_space<vmem>>) target_semaphore(%arg9 : memref<!tpu.dma_semaphore, #tpu.memory_space<semaphore_mem>>)
    %dma_start3A_15 = arith.constant 0 : i32
    %dma_start3A_16 = arith.constant 0 : i32
    %dma_start3A_17 = arith.constant 0 : i32
    %dma_start3A_18 = tpu.memref_slice %arg8[%dma_start3A_15, %dma_start3A_16, %dma_start3A_17] : memref<2x1000x32xf32, #tpu.memory_space<vmem>> -> memref<1x1000x32xf32, #tpu.memory_space<vmem>>
    %dma_start3A_19 = tpu.memref_squeeze %dma_start3A_18 : memref<1x1000x32xf32, #tpu.memory_space<vmem>> -> memref<1000x32xf32, #tpu.memory_space<vmem>>
    %dma_start3A_20 = arith.constant 0 : i32
    %dma_start3A_21 = tpu.memref_slice %arg2[%mul3A_6, %dma_start3A_20] : memref<320000x32xf32, #tpu.memory_space<hbm>> -> memref<1000x32xf32, #tpu.memory_space<hbm>>
    %dma_start3A_22 = arith.constant 0 : i32
    %dma_start3A_23 = arith.constant 0 : i32
    %dma_start3A_24 = tpu.memref_slice %arg8[%dma_start3A_15, %dma_start3A_22, %dma_start3A_23] : memref<2x1000x32xf32, #tpu.memory_space<vmem>> -> memref<1x1000x32xf32, #tpu.memory_space<vmem>>
    %dma_start3A_25 = tpu.memref_squeeze %dma_start3A_24 : memref<1x1000x32xf32, #tpu.memory_space<vmem>> -> memref<1000x32xf32, #tpu.memory_space<vmem>>
    %dma_start3A_26 = arith.constant 0 : i32
    %dma_start3A_27 = tpu.memref_slice %arg2[%mul3A_6, %dma_start3A_26] : memref<320000x32xf32, #tpu.memory_space<hbm>> -> memref<1000x32xf32, #tpu.memory_space<hbm>>
    tpu.enqueue_dma source(%dma_start3A_27 : memref<1000x32xf32, #tpu.memory_space<hbm>>) target(%dma_start3A_25 : memref<1000x32xf32, #tpu.memory_space<vmem>>) target_semaphore(%arg11 : memref<!tpu.dma_semaphore, #tpu.memory_space<semaphore_mem>>)
    %dma_wait3A = arith.constant 0 : i32
    %dma_wait3A_28 = arith.constant 0 : i32
    %dma_wait3A_29 = tpu.memref_slice %arg7[%dma_wait3A, %dma_wait3A_28] : memref<10x1000xi32, #tpu.memory_space<vmem>> -> memref<1x1000xi32, #tpu.memory_space<vmem>>
    %dma_wait3A_30 = tpu.memref_squeeze %dma_wait3A_29 : memref<1x1000xi32, #tpu.memory_space<vmem>> -> memref<1000xi32, #tpu.memory_space<vmem>>
    %dma_wait3A_31 = tpu.memref_slice %arg3[%mul3A_6] : memref<320000xi32, #tpu.memory_space<hbm>> -> memref<1000xi32, #tpu.memory_space<hbm>>
    %dma_wait3A_32 = arith.constant 0 : i32
    %dma_wait3A_33 = tpu.memref_slice %arg7[%dma_wait3A, %dma_wait3A_32] : memref<10x1000xi32, #tpu.memory_space<vmem>> -> memref<1x1000xi32, #tpu.memory_space<vmem>>
    %dma_wait3A_34 = tpu.memref_squeeze %dma_wait3A_33 : memref<1x1000xi32, #tpu.memory_space<vmem>> -> memref<1000xi32, #tpu.memory_space<vmem>>
    %dma_wait3A_35 = tpu.memref_slice %arg3[%mul3A_6] : memref<320000xi32, #tpu.memory_space<hbm>> -> memref<1000xi32, #tpu.memory_space<hbm>>
    tpu.wait_dma2 semaphore(%arg9 : memref<!tpu.dma_semaphore, #tpu.memory_space<semaphore_mem>>) src(%dma_wait3A_35 : memref<1000xi32, #tpu.memory_space<hbm>>) dst(%dma_wait3A_34 : memref<1000xi32, #tpu.memory_space<vmem>>)
    %dma_wait3A_36 = arith.constant 0 : i32
    %dma_wait3A_37 = arith.constant 0 : i32
    %dma_wait3A_38 = arith.constant 0 : i32
    %dma_wait3A_39 = tpu.memref_slice %arg8[%dma_wait3A_36, %dma_wait3A_37, %dma_wait3A_38] : memref<2x1000x32xf32, #tpu.memory_space<vmem>> -> memref<1x1000x32xf32, #tpu.memory_space<vmem>>
    %dma_wait3A_40 = tpu.memref_squeeze %dma_wait3A_39 : memref<1x1000x32xf32, #tpu.memory_space<vmem>> -> memref<1000x32xf32, #tpu.memory_space<vmem>>
    %dma_wait3A_41 = arith.constant 0 : i32
    %dma_wait3A_42 = tpu.memref_slice %arg2[%mul3A_6, %dma_wait3A_41] : memref<320000x32xf32, #tpu.memory_space<hbm>> -> memref<1000x32xf32, #tpu.memory_space<hbm>>
    %dma_wait3A_43 = arith.constant 0 : i32
    %dma_wait3A_44 = arith.constant 0 : i32
    %dma_wait3A_45 = tpu.memref_slice %arg8[%dma_wait3A_36, %dma_wait3A_43, %dma_wait3A_44] : memref<2x1000x32xf32, #tpu.memory_space<vmem>> -> memref<1x1000x32xf32, #tpu.memory_space<vmem>>
    %dma_wait3A_46 = tpu.memref_squeeze %dma_wait3A_45 : memref<1x1000x32xf32, #tpu.memory_space<vmem>> -> memref<1000x32xf32, #tpu.memory_space<vmem>>
    %dma_wait3A_47 = arith.constant 0 : i32
    %dma_wait3A_48 = tpu.memref_slice %arg2[%mul3A_6, %dma_wait3A_47] : memref<320000x32xf32, #tpu.memory_space<hbm>> -> memref<1000x32xf32, #tpu.memory_space<hbm>>
    tpu.wait_dma2 semaphore(%arg11 : memref<!tpu.dma_semaphore, #tpu.memory_space<semaphore_mem>>) src(%dma_wait3A_48 : memref<1000x32xf32, #tpu.memory_space<hbm>>) dst(%dma_wait3A_46 : memref<1000x32xf32, #tpu.memory_space<vmem>>)
    %add3A_49 = arith.constant 1000 : i32
    %add3A_50 = arith.addi %mul3A_6, %add3A_49 : i32
    %dma_start3A_51 = arith.constant 1 : i32
    %dma_start3A_52 = arith.constant 0 : i32
    %dma_start3A_53 = tpu.memref_slice %arg7[%dma_start3A_51, %dma_start3A_52] : memref<10x1000xi32, #tpu.memory_space<vmem>> -> memref<1x1000xi32, #tpu.memory_space<vmem>>
    %dma_start3A_54 = tpu.memref_squeeze %dma_start3A_53 : memref<1x1000xi32, #tpu.memory_space<vmem>> -> memref<1000xi32, #tpu.memory_space<vmem>>
    %dma_start3A_55 = tpu.memref_slice %arg3[%add3A_50] : memref<320000xi32, #tpu.memory_space<hbm>> -> memref<1000xi32, #tpu.memory_space<hbm>>
    %dma_start3A_56 = arith.constant 0 : i32
    %dma_start3A_57 = tpu.memref_slice %arg7[%dma_start3A_51, %dma_start3A_56] : memref<10x1000xi32, #tpu.memory_space<vmem>> -> memref<1x1000xi32, #tpu.memory_space<vmem>>
    %dma_start3A_58 = tpu.memref_squeeze %dma_start3A_57 : memref<1x1000xi32, #tpu.memory_space<vmem>> -> memref<1000xi32, #tpu.memory_space<vmem>>
    %dma_start3A_59 = tpu.memref_slice %arg3[%add3A_50] : memref<320000xi32, #tpu.memory_space<hbm>> -> memref<1000xi32, #tpu.memory_space<hbm>>
    tpu.enqueue_dma source(%dma_start3A_59 : memref<1000xi32, #tpu.memory_space<hbm>>) target(%dma_start3A_58 : memref<1000xi32, #tpu.memory_space<vmem>>) target_semaphore(%arg10 : memref<!tpu.dma_semaphore, #tpu.memory_space<semaphore_mem>>)
    %dma_start3A_60 = arith.constant 1 : i32
    %dma_start3A_61 = arith.constant 0 : i32
    %dma_start3A_62 = arith.constant 0 : i32
    %dma_start3A_63 = tpu.memref_slice %arg8[%dma_start3A_60, %dma_start3A_61, %dma_start3A_62] : memref<2x1000x32xf32, #tpu.memory_space<vmem>> -> memref<1x1000x32xf32, #tpu.memory_space<vmem>>
    %dma_start3A_64 = tpu.memref_squeeze %dma_start3A_63 : memref<1x1000x32xf32, #tpu.memory_space<vmem>> -> memref<1000x32xf32, #tpu.memory_space<vmem>>
    %dma_start3A_65 = arith.constant 0 : i32
    %dma_start3A_66 = tpu.memref_slice %arg2[%add3A_50, %dma_start3A_65] : memref<320000x32xf32, #tpu.memory_space<hbm>> -> memref<1000x32xf32, #tpu.memory_space<hbm>>
    %dma_start3A_67 = arith.constant 0 : i32
    %dma_start3A_68 = arith.constant 0 : i32
    %dma_start3A_69 = tpu.memref_slice %arg8[%dma_start3A_60, %dma_start3A_67, %dma_start3A_68] : memref<2x1000x32xf32, #tpu.memory_space<vmem>> -> memref<1x1000x32xf32, #tpu.memory_space<vmem>>
    %dma_start3A_70 = tpu.memref_squeeze %dma_start3A_69 : memref<1x1000x32xf32, #tpu.memory_space<vmem>> -> memref<1000x32xf32, #tpu.memory_space<vmem>>
    %dma_start3A_71 = arith.constant 0 : i32
    %dma_start3A_72 = tpu.memref_slice %arg2[%add3A_50, %dma_start3A_71] : memref<320000x32xf32, #tpu.memory_space<hbm>> -> memref<1000x32xf32, #tpu.memory_space<hbm>>
    tpu.enqueue_dma source(%dma_start3A_72 : memref<1000x32xf32, #tpu.memory_space<hbm>>) target(%dma_start3A_70 : memref<1000x32xf32, #tpu.memory_space<vmem>>) target_semaphore(%arg12 : memref<!tpu.dma_semaphore, #tpu.memory_space<semaphore_mem>>)
    %run_scoped3A = arith.constant 0 : i32
    %run_scoped3A_73 = arith.constant 0 : i32
    "tpu.region"() ({
      %run_scoped3A_487 = tpu.sem_alloc : memref<!tpu.dma_semaphore, #tpu.memory_space<semaphore_mem>>
      %dma_start3A_488 = arith.constant 0 : i32
      %dma_start3A_489 = arith.constant 0 : i32
      %dma_start3A_490 = tpu.memref_slice %arg8[%run_scoped3A, %dma_start3A_488, %dma_start3A_489] : memref<2x1000x32xf32, #tpu.memory_space<vmem>> -> memref<1x1000x32xf32, #tpu.memory_space<vmem>>
      %dma_start3A_491 = tpu.memref_squeeze %dma_start3A_490 : memref<1x1000x32xf32, #tpu.memory_space<vmem>> -> memref<1000x32xf32, #tpu.memory_space<vmem>>
      %dma_start3A_492 = arith.constant 0 : i32
      %dma_start3A_493 = tpu.memref_slice %arg7[%run_scoped3A_73, %dma_start3A_492] : memref<10x1000xi32, #tpu.memory_space<vmem>> -> memref<1x1000xi32, #tpu.memory_space<vmem>>
      %dma_start3A_494 = tpu.memref_squeeze %dma_start3A_493 : memref<1x1000xi32, #tpu.memory_space<vmem>> -> memref<1000xi32, #tpu.memory_space<vmem>>
      %dma_start3A_495 = arith.constant 0 : i32
      %dma_start3A_496 = arith.constant 0 : i32
      %dma_start3A_497 = tpu.memref_slice %arg6[%dma_start3A_495, %dma_start3A_496] : memref<10000x32xf32, #tpu.memory_space<vmem_shared>> -> memref<10000x32xf32, #tpu.memory_space<vmem_shared>>
      tpu.enqueue_indirect_dma source(%dma_start3A_491 : memref<1000x32xf32, #tpu.memory_space<vmem>>) target(%dma_start3A_497 : memref<10000x32xf32, #tpu.memory_space<vmem_shared>>) offsets(%dma_start3A_494 : memref<1000xi32, #tpu.memory_space<vmem>>) semaphore(%run_scoped3A_487 : memref<!tpu.dma_semaphore, #tpu.memory_space<semaphore_mem>>) {add = true}
      %dma_wait3A_498 = arith.constant 0 : i32
      %dma_wait3A_499 = arith.constant 0 : i32
      %dma_wait3A_500 = tpu.memref_slice %arg8[%run_scoped3A, %dma_wait3A_498, %dma_wait3A_499] : memref<2x1000x32xf32, #tpu.memory_space<vmem>> -> memref<1x1000x32xf32, #tpu.memory_space<vmem>>
      %dma_wait3A_501 = tpu.memref_squeeze %dma_wait3A_500 : memref<1x1000x32xf32, #tpu.memory_space<vmem>> -> memref<1000x32xf32, #tpu.memory_space<vmem>>
      %dma_wait3A_502 = arith.constant 0 : i32
      %dma_wait3A_503 = tpu.memref_slice %arg7[%run_scoped3A_73, %dma_wait3A_502] : memref<10x1000xi32, #tpu.memory_space<vmem>> -> memref<1x1000xi32, #tpu.memory_space<vmem>>
      %dma_wait3A_504 = tpu.memref_squeeze %dma_wait3A_503 : memref<1x1000xi32, #tpu.memory_space<vmem>> -> memref<1000xi32, #tpu.memory_space<vmem>>
      %dma_wait3A_505 = arith.constant 0 : i32
      %dma_wait3A_506 = arith.constant 0 : i32
      %dma_wait3A_507 = tpu.memref_slice %arg6[%dma_wait3A_505, %dma_wait3A_506] : memref<10000x32xf32, #tpu.memory_space<vmem_shared>> -> memref<10000x32xf32, #tpu.memory_space<vmem_shared>>
      tpu.wait_indirect_dma semaphore(%run_scoped3A_487 : memref<!tpu.dma_semaphore, #tpu.memory_space<semaphore_mem>>) src(%dma_wait3A_501 : memref<1000x32xf32, #tpu.memory_space<vmem>>) dst(%dma_wait3A_507 : memref<10000x32xf32, #tpu.memory_space<vmem_shared>>)
      tpu.yield
    }) : () -> ()
    %dma_wait3A_74 = arith.constant 1 : i32
    %dma_wait3A_75 = arith.constant 0 : i32
    %dma_wait3A_76 = tpu.memref_slice %arg7[%dma_wait3A_74, %dma_wait3A_75] : memref<10x1000xi32, #tpu.memory_space<vmem>> -> memref<1x1000xi32, #tpu.memory_space<vmem>>
    %dma_wait3A_77 = tpu.memref_squeeze %dma_wait3A_76 : memref<1x1000xi32, #tpu.memory_space<vmem>> -> memref<1000xi32, #tpu.memory_space<vmem>>
    %dma_wait3A_78 = tpu.memref_slice %arg3[%add3A_50] : memref<320000xi32, #tpu.memory_space<hbm>> -> memref<1000xi32, #tpu.memory_space<hbm>>
    %dma_wait3A_79 = arith.constant 0 : i32
    %dma_wait3A_80 = tpu.memref_slice %arg7[%dma_wait3A_74, %dma_wait3A_79] : memref<10x1000xi32, #tpu.memory_space<vmem>> -> memref<1x1000xi32, #tpu.memory_space<vmem>>
    %dma_wait3A_81 = tpu.memref_squeeze %dma_wait3A_80 : memref<1x1000xi32, #tpu.memory_space<vmem>> -> memref<1000xi32, #tpu.memory_space<vmem>>
    %dma_wait3A_82 = tpu.memref_slice %arg3[%add3A_50] : memref<320000xi32, #tpu.memory_space<hbm>> -> memref<1000xi32, #tpu.memory_space<hbm>>
    tpu.wait_dma2 semaphore(%arg10 : memref<!tpu.dma_semaphore, #tpu.memory_space<semaphore_mem>>) src(%dma_wait3A_82 : memref<1000xi32, #tpu.memory_space<hbm>>) dst(%dma_wait3A_81 : memref<1000xi32, #tpu.memory_space<vmem>>)
    %dma_wait3A_83 = arith.constant 1 : i32
    %dma_wait3A_84 = arith.constant 0 : i32
    %dma_wait3A_85 = arith.constant 0 : i32
    %dma_wait3A_86 = tpu.memref_slice %arg8[%dma_wait3A_83, %dma_wait3A_84, %dma_wait3A_85] : memref<2x1000x32xf32, #tpu.memory_space<vmem>> -> memref<1x1000x32xf32, #tpu.memory_space<vmem>>
    %dma_wait3A_87 = tpu.memref_squeeze %dma_wait3A_86 : memref<1x1000x32xf32, #tpu.memory_space<vmem>> -> memref<1000x32xf32, #tpu.memory_space<vmem>>
    %dma_wait3A_88 = arith.constant 0 : i32
    %dma_wait3A_89 = tpu.memref_slice %arg2[%add3A_50, %dma_wait3A_88] : memref<320000x32xf32, #tpu.memory_space<hbm>> -> memref<1000x32xf32, #tpu.memory_space<hbm>>
    %dma_wait3A_90 = arith.constant 0 : i32
    %dma_wait3A_91 = arith.constant 0 : i32
    %dma_wait3A_92 = tpu.memref_slice %arg8[%dma_wait3A_83, %dma_wait3A_90, %dma_wait3A_91] : memref<2x1000x32xf32, #tpu.memory_space<vmem>> -> memref<1x1000x32xf32, #tpu.memory_space<vmem>>
    %dma_wait3A_93 = tpu.memref_squeeze %dma_wait3A_92 : memref<1x1000x32xf32, #tpu.memory_space<vmem>> -> memref<1000x32xf32, #tpu.memory_space<vmem>>
    %dma_wait3A_94 = arith.constant 0 : i32
    %dma_wait3A_95 = tpu.memref_slice %arg2[%add3A_50, %dma_wait3A_94] : memref<320000x32xf32, #tpu.memory_space<hbm>> -> memref<1000x32xf32, #tpu.memory_space<hbm>>
    tpu.wait_dma2 semaphore(%arg12 : memref<!tpu.dma_semaphore, #tpu.memory_space<semaphore_mem>>) src(%dma_wait3A_95 : memref<1000x32xf32, #tpu.memory_space<hbm>>) dst(%dma_wait3A_93 : memref<1000x32xf32, #tpu.memory_space<vmem>>)
    %add3A_96 = arith.constant 2000 : i32
    %add3A_97 = arith.addi %mul3A_6, %add3A_96 : i32
    %dma_start3A_98 = arith.constant 2 : i32
    %dma_start3A_99 = arith.constant 0 : i32
    %dma_start3A_100 = tpu.memref_slice %arg7[%dma_start3A_98, %dma_start3A_99] : memref<10x1000xi32, #tpu.memory_space<vmem>> -> memref<1x1000xi32, #tpu.memory_space<vmem>>
    %dma_start3A_101 = tpu.memref_squeeze %dma_start3A_100 : memref<1x1000xi32, #tpu.memory_space<vmem>> -> memref<1000xi32, #tpu.memory_space<vmem>>
    %dma_start3A_102 = tpu.memref_slice %arg3[%add3A_97] : memref<320000xi32, #tpu.memory_space<hbm>> -> memref<1000xi32, #tpu.memory_space<hbm>>
    %dma_start3A_103 = arith.constant 0 : i32
    %dma_start3A_104 = tpu.memref_slice %arg7[%dma_start3A_98, %dma_start3A_103] : memref<10x1000xi32, #tpu.memory_space<vmem>> -> memref<1x1000xi32, #tpu.memory_space<vmem>>
    %dma_start3A_105 = tpu.memref_squeeze %dma_start3A_104 : memref<1x1000xi32, #tpu.memory_space<vmem>> -> memref<1000xi32, #tpu.memory_space<vmem>>
    %dma_start3A_106 = tpu.memref_slice %arg3[%add3A_97] : memref<320000xi32, #tpu.memory_space<hbm>> -> memref<1000xi32, #tpu.memory_space<hbm>>
    tpu.enqueue_dma source(%dma_start3A_106 : memref<1000xi32, #tpu.memory_space<hbm>>) target(%dma_start3A_105 : memref<1000xi32, #tpu.memory_space<vmem>>) target_semaphore(%arg9 : memref<!tpu.dma_semaphore, #tpu.memory_space<semaphore_mem>>)
    %dma_start3A_107 = arith.constant 0 : i32
    %dma_start3A_108 = arith.constant 0 : i32
    %dma_start3A_109 = arith.constant 0 : i32
    %dma_start3A_110 = tpu.memref_slice %arg8[%dma_start3A_107, %dma_start3A_108, %dma_start3A_109] : memref<2x1000x32xf32, #tpu.memory_space<vmem>> -> memref<1x1000x32xf32, #tpu.memory_space<vmem>>
    %dma_start3A_111 = tpu.memref_squeeze %dma_start3A_110 : memref<1x1000x32xf32, #tpu.memory_space<vmem>> -> memref<1000x32xf32, #tpu.memory_space<vmem>>
    %dma_start3A_112 = arith.constant 0 : i32
    %dma_start3A_113 = tpu.memref_slice %arg2[%add3A_97, %dma_start3A_112] : memref<320000x32xf32, #tpu.memory_space<hbm>> -> memref<1000x32xf32, #tpu.memory_space<hbm>>
    %dma_start3A_114 = arith.constant 0 : i32
    %dma_start3A_115 = arith.constant 0 : i32
    %dma_start3A_116 = tpu.memref_slice %arg8[%dma_start3A_107, %dma_start3A_114, %dma_start3A_115] : memref<2x1000x32xf32, #tpu.memory_space<vmem>> -> memref<1x1000x32xf32, #tpu.memory_space<vmem>>
    %dma_start3A_117 = tpu.memref_squeeze %dma_start3A_116 : memref<1x1000x32xf32, #tpu.memory_space<vmem>> -> memref<1000x32xf32, #tpu.memory_space<vmem>>
    %dma_start3A_118 = arith.constant 0 : i32
    %dma_start3A_119 = tpu.memref_slice %arg2[%add3A_97, %dma_start3A_118] : memref<320000x32xf32, #tpu.memory_space<hbm>> -> memref<1000x32xf32, #tpu.memory_space<hbm>>
    tpu.enqueue_dma source(%dma_start3A_119 : memref<1000x32xf32, #tpu.memory_space<hbm>>) target(%dma_start3A_117 : memref<1000x32xf32, #tpu.memory_space<vmem>>) target_semaphore(%arg11 : memref<!tpu.dma_semaphore, #tpu.memory_space<semaphore_mem>>)
    %run_scoped3A_120 = arith.constant 1 : i32
    %run_scoped3A_121 = arith.constant 1 : i32
    "tpu.region"() ({
      %run_scoped3A_487 = tpu.sem_alloc : memref<!tpu.dma_semaphore, #tpu.memory_space<semaphore_mem>>
      %dma_start3A_488 = arith.constant 0 : i32
      %dma_start3A_489 = arith.constant 0 : i32
      %dma_start3A_490 = tpu.memref_slice %arg8[%run_scoped3A_120, %dma_start3A_488, %dma_start3A_489] : memref<2x1000x32xf32, #tpu.memory_space<vmem>> -> memref<1x1000x32xf32, #tpu.memory_space<vmem>>
      %dma_start3A_491 = tpu.memref_squeeze %dma_start3A_490 : memref<1x1000x32xf32, #tpu.memory_space<vmem>> -> memref<1000x32xf32, #tpu.memory_space<vmem>>
      %dma_start3A_492 = arith.constant 0 : i32
      %dma_start3A_493 = tpu.memref_slice %arg7[%run_scoped3A_121, %dma_start3A_492] : memref<10x1000xi32, #tpu.memory_space<vmem>> -> memref<1x1000xi32, #tpu.memory_space<vmem>>
      %dma_start3A_494 = tpu.memref_squeeze %dma_start3A_493 : memref<1x1000xi32, #tpu.memory_space<vmem>> -> memref<1000xi32, #tpu.memory_space<vmem>>
      %dma_start3A_495 = arith.constant 0 : i32
      %dma_start3A_496 = arith.constant 0 : i32
      %dma_start3A_497 = tpu.memref_slice %arg6[%dma_start3A_495, %dma_start3A_496] : memref<10000x32xf32, #tpu.memory_space<vmem_shared>> -> memref<10000x32xf32, #tpu.memory_space<vmem_shared>>
      tpu.enqueue_indirect_dma source(%dma_start3A_491 : memref<1000x32xf32, #tpu.memory_space<vmem>>) target(%dma_start3A_497 : memref<10000x32xf32, #tpu.memory_space<vmem_shared>>) offsets(%dma_start3A_494 : memref<1000xi32, #tpu.memory_space<vmem>>) semaphore(%run_scoped3A_487 : memref<!tpu.dma_semaphore, #tpu.memory_space<semaphore_mem>>) {add = true}
      %dma_wait3A_498 = arith.constant 0 : i32
      %dma_wait3A_499 = arith.constant 0 : i32
      %dma_wait3A_500 = tpu.memref_slice %arg8[%run_scoped3A_120, %dma_wait3A_498, %dma_wait3A_499] : memref<2x1000x32xf32, #tpu.memory_space<vmem>> -> memref<1x1000x32xf32, #tpu.memory_space<vmem>>
      %dma_wait3A_501 = tpu.memref_squeeze %dma_wait3A_500 : memref<1x1000x32xf32, #tpu.memory_space<vmem>> -> memref<1000x32xf32, #tpu.memory_space<vmem>>
      %dma_wait3A_502 = arith.constant 0 : i32
      %dma_wait3A_503 = tpu.memref_slice %arg7[%run_scoped3A_121, %dma_wait3A_502] : memref<10x1000xi32, #tpu.memory_space<vmem>> -> memref<1x1000xi32, #tpu.memory_space<vmem>>
      %dma_wait3A_504 = tpu.memref_squeeze %dma_wait3A_503 : memref<1x1000xi32, #tpu.memory_space<vmem>> -> memref<1000xi32, #tpu.memory_space<vmem>>
      %dma_wait3A_505 = arith.constant 0 : i32
      %dma_wait3A_506 = arith.constant 0 : i32
      %dma_wait3A_507 = tpu.memref_slice %arg6[%dma_wait3A_505, %dma_wait3A_506] : memref<10000x32xf32, #tpu.memory_space<vmem_shared>> -> memref<10000x32xf32, #tpu.memory_space<vmem_shared>>
      tpu.wait_indirect_dma semaphore(%run_scoped3A_487 : memref<!tpu.dma_semaphore, #tpu.memory_space<semaphore_mem>>) src(%dma_wait3A_501 : memref<1000x32xf32, #tpu.memory_space<vmem>>) dst(%dma_wait3A_507 : memref<10000x32xf32, #tpu.memory_space<vmem_shared>>)
      tpu.yield
    }) : () -> ()
    %dma_wait3A_122 = arith.constant 2 : i32
    %dma_wait3A_123 = arith.constant 0 : i32
    %dma_wait3A_124 = tpu.memref_slice %arg7[%dma_wait3A_122, %dma_wait3A_123] : memref<10x1000xi32, #tpu.memory_space<vmem>> -> memref<1x1000xi32, #tpu.memory_space<vmem>>
    %dma_wait3A_125 = tpu.memref_squeeze %dma_wait3A_124 : memref<1x1000xi32, #tpu.memory_space<vmem>> -> memref<1000xi32, #tpu.memory_space<vmem>>
    %dma_wait3A_126 = tpu.memref_slice %arg3[%add3A_97] : memref<320000xi32, #tpu.memory_space<hbm>> -> memref<1000xi32, #tpu.memory_space<hbm>>
    %dma_wait3A_127 = arith.constant 0 : i32
    %dma_wait3A_128 = tpu.memref_slice %arg7[%dma_wait3A_122, %dma_wait3A_127] : memref<10x1000xi32, #tpu.memory_space<vmem>> -> memref<1x1000xi32, #tpu.memory_space<vmem>>
    %dma_wait3A_129 = tpu.memref_squeeze %dma_wait3A_128 : memref<1x1000xi32, #tpu.memory_space<vmem>> -> memref<1000xi32, #tpu.memory_space<vmem>>
    %dma_wait3A_130 = tpu.memref_slice %arg3[%add3A_97] : memref<320000xi32, #tpu.memory_space<hbm>> -> memref<1000xi32, #tpu.memory_space<hbm>>
    tpu.wait_dma2 semaphore(%arg9 : memref<!tpu.dma_semaphore, #tpu.memory_space<semaphore_mem>>) src(%dma_wait3A_130 : memref<1000xi32, #tpu.memory_space<hbm>>) dst(%dma_wait3A_129 : memref<1000xi32, #tpu.memory_space<vmem>>)
    %dma_wait3A_131 = arith.constant 0 : i32
    %dma_wait3A_132 = arith.constant 0 : i32
    %dma_wait3A_133 = arith.constant 0 : i32
    %dma_wait3A_134 = tpu.memref_slice %arg8[%dma_wait3A_131, %dma_wait3A_132, %dma_wait3A_133] : memref<2x1000x32xf32, #tpu.memory_space<vmem>> -> memref<1x1000x32xf32, #tpu.memory_space<vmem>>
    %dma_wait3A_135 = tpu.memref_squeeze %dma_wait3A_134 : memref<1x1000x32xf32, #tpu.memory_space<vmem>> -> memref<1000x32xf32, #tpu.memory_space<vmem>>
    %dma_wait3A_136 = arith.constant 0 : i32
    %dma_wait3A_137 = tpu.memref_slice %arg2[%add3A_97, %dma_wait3A_136] : memref<320000x32xf32, #tpu.memory_space<hbm>> -> memref<1000x32xf32, #tpu.memory_space<hbm>>
    %dma_wait3A_138 = arith.constant 0 : i32
    %dma_wait3A_139 = arith.constant 0 : i32
    %dma_wait3A_140 = tpu.memref_slice %arg8[%dma_wait3A_131, %dma_wait3A_138, %dma_wait3A_139] : memref<2x1000x32xf32, #tpu.memory_space<vmem>> -> memref<1x1000x32xf32, #tpu.memory_space<vmem>>
    %dma_wait3A_141 = tpu.memref_squeeze %dma_wait3A_140 : memref<1x1000x32xf32, #tpu.memory_space<vmem>> -> memref<1000x32xf32, #tpu.memory_space<vmem>>
    %dma_wait3A_142 = arith.constant 0 : i32
    %dma_wait3A_143 = tpu.memref_slice %arg2[%add3A_97, %dma_wait3A_142] : memref<320000x32xf32, #tpu.memory_space<hbm>> -> memref<1000x32xf32, #tpu.memory_space<hbm>>
    tpu.wait_dma2 semaphore(%arg11 : memref<!tpu.dma_semaphore, #tpu.memory_space<semaphore_mem>>) src(%dma_wait3A_143 : memref<1000x32xf32, #tpu.memory_space<hbm>>) dst(%dma_wait3A_141 : memref<1000x32xf32, #tpu.memory_space<vmem>>)
    %add3A_144 = arith.constant 3000 : i32
    %add3A_145 = arith.addi %mul3A_6, %add3A_144 : i32
    %dma_start3A_146 = arith.constant 3 : i32
    %dma_start3A_147 = arith.constant 0 : i32
    %dma_start3A_148 = tpu.memref_slice %arg7[%dma_start3A_146, %dma_start3A_147] : memref<10x1000xi32, #tpu.memory_space<vmem>> -> memref<1x1000xi32, #tpu.memory_space<vmem>>
    %dma_start3A_149 = tpu.memref_squeeze %dma_start3A_148 : memref<1x1000xi32, #tpu.memory_space<vmem>> -> memref<1000xi32, #tpu.memory_space<vmem>>
    %dma_start3A_150 = tpu.memref_slice %arg3[%add3A_145] : memref<320000xi32, #tpu.memory_space<hbm>> -> memref<1000xi32, #tpu.memory_space<hbm>>
    %dma_start3A_151 = arith.constant 0 : i32
    %dma_start3A_152 = tpu.memref_slice %arg7[%dma_start3A_146, %dma_start3A_151] : memref<10x1000xi32, #tpu.memory_space<vmem>> -> memref<1x1000xi32, #tpu.memory_space<vmem>>
    %dma_start3A_153 = tpu.memref_squeeze %dma_start3A_152 : memref<1x1000xi32, #tpu.memory_space<vmem>> -> memref<1000xi32, #tpu.memory_space<vmem>>
    %dma_start3A_154 = tpu.memref_slice %arg3[%add3A_145] : memref<320000xi32, #tpu.memory_space<hbm>> -> memref<1000xi32, #tpu.memory_space<hbm>>
    tpu.enqueue_dma source(%dma_start3A_154 : memref<1000xi32, #tpu.memory_space<hbm>>) target(%dma_start3A_153 : memref<1000xi32, #tpu.memory_space<vmem>>) target_semaphore(%arg10 : memref<!tpu.dma_semaphore, #tpu.memory_space<semaphore_mem>>)
    %dma_start3A_155 = arith.constant 1 : i32
    %dma_start3A_156 = arith.constant 0 : i32
    %dma_start3A_157 = arith.constant 0 : i32
    %dma_start3A_158 = tpu.memref_slice %arg8[%dma_start3A_155, %dma_start3A_156, %dma_start3A_157] : memref<2x1000x32xf32, #tpu.memory_space<vmem>> -> memref<1x1000x32xf32, #tpu.memory_space<vmem>>
    %dma_start3A_159 = tpu.memref_squeeze %dma_start3A_158 : memref<1x1000x32xf32, #tpu.memory_space<vmem>> -> memref<1000x32xf32, #tpu.memory_space<vmem>>
    %dma_start3A_160 = arith.constant 0 : i32
    %dma_start3A_161 = tpu.memref_slice %arg2[%add3A_145, %dma_start3A_160] : memref<320000x32xf32, #tpu.memory_space<hbm>> -> memref<1000x32xf32, #tpu.memory_space<hbm>>
    %dma_start3A_162 = arith.constant 0 : i32
    %dma_start3A_163 = arith.constant 0 : i32
    %dma_start3A_164 = tpu.memref_slice %arg8[%dma_start3A_155, %dma_start3A_162, %dma_start3A_163] : memref<2x1000x32xf32, #tpu.memory_space<vmem>> -> memref<1x1000x32xf32, #tpu.memory_space<vmem>>
    %dma_start3A_165 = tpu.memref_squeeze %dma_start3A_164 : memref<1x1000x32xf32, #tpu.memory_space<vmem>> -> memref<1000x32xf32, #tpu.memory_space<vmem>>
    %dma_start3A_166 = arith.constant 0 : i32
    %dma_start3A_167 = tpu.memref_slice %arg2[%add3A_145, %dma_start3A_166] : memref<320000x32xf32, #tpu.memory_space<hbm>> -> memref<1000x32xf32, #tpu.memory_space<hbm>>
    tpu.enqueue_dma source(%dma_start3A_167 : memref<1000x32xf32, #tpu.memory_space<hbm>>) target(%dma_start3A_165 : memref<1000x32xf32, #tpu.memory_space<vmem>>) target_semaphore(%arg12 : memref<!tpu.dma_semaphore, #tpu.memory_space<semaphore_mem>>)
    %run_scoped3A_168 = arith.constant 0 : i32
    %run_scoped3A_169 = arith.constant 2 : i32
    "tpu.region"() ({
      %run_scoped3A_487 = tpu.sem_alloc : memref<!tpu.dma_semaphore, #tpu.memory_space<semaphore_mem>>
      %dma_start3A_488 = arith.constant 0 : i32
      %dma_start3A_489 = arith.constant 0 : i32
      %dma_start3A_490 = tpu.memref_slice %arg8[%run_scoped3A_168, %dma_start3A_488, %dma_start3A_489] : memref<2x1000x32xf32, #tpu.memory_space<vmem>> -> memref<1x1000x32xf32, #tpu.memory_space<vmem>>
      %dma_start3A_491 = tpu.memref_squeeze %dma_start3A_490 : memref<1x1000x32xf32, #tpu.memory_space<vmem>> -> memref<1000x32xf32, #tpu.memory_space<vmem>>
      %dma_start3A_492 = arith.constant 0 : i32
      %dma_start3A_493 = tpu.memref_slice %arg7[%run_scoped3A_169, %dma_start3A_492] : memref<10x1000xi32, #tpu.memory_space<vmem>> -> memref<1x1000xi32, #tpu.memory_space<vmem>>
      %dma_start3A_494 = tpu.memref_squeeze %dma_start3A_493 : memref<1x1000xi32, #tpu.memory_space<vmem>> -> memref<1000xi32, #tpu.memory_space<vmem>>
      %dma_start3A_495 = arith.constant 0 : i32
      %dma_start3A_496 = arith.constant 0 : i32
      %dma_start3A_497 = tpu.memref_slice %arg6[%dma_start3A_495, %dma_start3A_496] : memref<10000x32xf32, #tpu.memory_space<vmem_shared>> -> memref<10000x32xf32, #tpu.memory_space<vmem_shared>>
      tpu.enqueue_indirect_dma source(%dma_start3A_491 : memref<1000x32xf32, #tpu.memory_space<vmem>>) target(%dma_start3A_497 : memref<10000x32xf32, #tpu.memory_space<vmem_shared>>) offsets(%dma_start3A_494 : memref<1000xi32, #tpu.memory_space<vmem>>) semaphore(%run_scoped3A_487 : memref<!tpu.dma_semaphore, #tpu.memory_space<semaphore_mem>>) {add = true}
      %dma_wait3A_498 = arith.constant 0 : i32
      %dma_wait3A_499 = arith.constant 0 : i32
      %dma_wait3A_500 = tpu.memref_slice %arg8[%run_scoped3A_168, %dma_wait3A_498, %dma_wait3A_499] : memref<2x1000x32xf32, #tpu.memory_space<vmem>> -> memref<1x1000x32xf32, #tpu.memory_space<vmem>>
      %dma_wait3A_501 = tpu.memref_squeeze %dma_wait3A_500 : memref<1x1000x32xf32, #tpu.memory_space<vmem>> -> memref<1000x32xf32, #tpu.memory_space<vmem>>
      %dma_wait3A_502 = arith.constant 0 : i32
      %dma_wait3A_503 = tpu.memref_slice %arg7[%run_scoped3A_169, %dma_wait3A_502] : memref<10x1000xi32, #tpu.memory_space<vmem>> -> memref<1x1000xi32, #tpu.memory_space<vmem>>
      %dma_wait3A_504 = tpu.memref_squeeze %dma_wait3A_503 : memref<1x1000xi32, #tpu.memory_space<vmem>> -> memref<1000xi32, #tpu.memory_space<vmem>>
      %dma_wait3A_505 = arith.constant 0 : i32
      %dma_wait3A_506 = arith.constant 0 : i32
      %dma_wait3A_507 = tpu.memref_slice %arg6[%dma_wait3A_505, %dma_wait3A_506] : memref<10000x32xf32, #tpu.memory_space<vmem_shared>> -> memref<10000x32xf32, #tpu.memory_space<vmem_shared>>
      tpu.wait_indirect_dma semaphore(%run_scoped3A_487 : memref<!tpu.dma_semaphore, #tpu.memory_space<semaphore_mem>>) src(%dma_wait3A_501 : memref<1000x32xf32, #tpu.memory_space<vmem>>) dst(%dma_wait3A_507 : memref<10000x32xf32, #tpu.memory_space<vmem_shared>>)
      tpu.yield
    }) : () -> ()
    %dma_wait3A_170 = arith.constant 3 : i32
    %dma_wait3A_171 = arith.constant 0 : i32
    %dma_wait3A_172 = tpu.memref_slice %arg7[%dma_wait3A_170, %dma_wait3A_171] : memref<10x1000xi32, #tpu.memory_space<vmem>> -> memref<1x1000xi32, #tpu.memory_space<vmem>>
    %dma_wait3A_173 = tpu.memref_squeeze %dma_wait3A_172 : memref<1x1000xi32, #tpu.memory_space<vmem>> -> memref<1000xi32, #tpu.memory_space<vmem>>
    %dma_wait3A_174 = tpu.memref_slice %arg3[%add3A_145] : memref<320000xi32, #tpu.memory_space<hbm>> -> memref<1000xi32, #tpu.memory_space<hbm>>
    %dma_wait3A_175 = arith.constant 0 : i32
    %dma_wait3A_176 = tpu.memref_slice %arg7[%dma_wait3A_170, %dma_wait3A_175] : memref<10x1000xi32, #tpu.memory_space<vmem>> -> memref<1x1000xi32, #tpu.memory_space<vmem>>
    %dma_wait3A_177 = tpu.memref_squeeze %dma_wait3A_176 : memref<1x1000xi32, #tpu.memory_space<vmem>> -> memref<1000xi32, #tpu.memory_space<vmem>>
    %dma_wait3A_178 = tpu.memref_slice %arg3[%add3A_145] : memref<320000xi32, #tpu.memory_space<hbm>> -> memref<1000xi32, #tpu.memory_space<hbm>>
    tpu.wait_dma2 semaphore(%arg10 : memref<!tpu.dma_semaphore, #tpu.memory_space<semaphore_mem>>) src(%dma_wait3A_178 : memref<1000xi32, #tpu.memory_space<hbm>>) dst(%dma_wait3A_177 : memref<1000xi32, #tpu.memory_space<vmem>>)
    %dma_wait3A_179 = arith.constant 1 : i32
    %dma_wait3A_180 = arith.constant 0 : i32
    %dma_wait3A_181 = arith.constant 0 : i32
    %dma_wait3A_182 = tpu.memref_slice %arg8[%dma_wait3A_179, %dma_wait3A_180, %dma_wait3A_181] : memref<2x1000x32xf32, #tpu.memory_space<vmem>> -> memref<1x1000x32xf32, #tpu.memory_space<vmem>>
    %dma_wait3A_183 = tpu.memref_squeeze %dma_wait3A_182 : memref<1x1000x32xf32, #tpu.memory_space<vmem>> -> memref<1000x32xf32, #tpu.memory_space<vmem>>
    %dma_wait3A_184 = arith.constant 0 : i32
    %dma_wait3A_185 = tpu.memref_slice %arg2[%add3A_145, %dma_wait3A_184] : memref<320000x32xf32, #tpu.memory_space<hbm>> -> memref<1000x32xf32, #tpu.memory_space<hbm>>
    %dma_wait3A_186 = arith.constant 0 : i32
    %dma_wait3A_187 = arith.constant 0 : i32
    %dma_wait3A_188 = tpu.memref_slice %arg8[%dma_wait3A_179, %dma_wait3A_186, %dma_wait3A_187] : memref<2x1000x32xf32, #tpu.memory_space<vmem>> -> memref<1x1000x32xf32, #tpu.memory_space<vmem>>
    %dma_wait3A_189 = tpu.memref_squeeze %dma_wait3A_188 : memref<1x1000x32xf32, #tpu.memory_space<vmem>> -> memref<1000x32xf32, #tpu.memory_space<vmem>>
    %dma_wait3A_190 = arith.constant 0 : i32
    %dma_wait3A_191 = tpu.memref_slice %arg2[%add3A_145, %dma_wait3A_190] : memref<320000x32xf32, #tpu.memory_space<hbm>> -> memref<1000x32xf32, #tpu.memory_space<hbm>>
    tpu.wait_dma2 semaphore(%arg12 : memref<!tpu.dma_semaphore, #tpu.memory_space<semaphore_mem>>) src(%dma_wait3A_191 : memref<1000x32xf32, #tpu.memory_space<hbm>>) dst(%dma_wait3A_189 : memref<1000x32xf32, #tpu.memory_space<vmem>>)
    %add3A_192 = arith.constant 4000 : i32
    %add3A_193 = arith.addi %mul3A_6, %add3A_192 : i32
    %dma_start3A_194 = arith.constant 4 : i32
    %dma_start3A_195 = arith.constant 0 : i32
    %dma_start3A_196 = tpu.memref_slice %arg7[%dma_start3A_194, %dma_start3A_195] : memref<10x1000xi32, #tpu.memory_space<vmem>> -> memref<1x1000xi32, #tpu.memory_space<vmem>>
    %dma_start3A_197 = tpu.memref_squeeze %dma_start3A_196 : memref<1x1000xi32, #tpu.memory_space<vmem>> -> memref<1000xi32, #tpu.memory_space<vmem>>
    %dma_start3A_198 = tpu.memref_slice %arg3[%add3A_193] : memref<320000xi32, #tpu.memory_space<hbm>> -> memref<1000xi32, #tpu.memory_space<hbm>>
    %dma_start3A_199 = arith.constant 0 : i32
    %dma_start3A_200 = tpu.memref_slice %arg7[%dma_start3A_194, %dma_start3A_199] : memref<10x1000xi32, #tpu.memory_space<vmem>> -> memref<1x1000xi32, #tpu.memory_space<vmem>>
    %dma_start3A_201 = tpu.memref_squeeze %dma_start3A_200 : memref<1x1000xi32, #tpu.memory_space<vmem>> -> memref<1000xi32, #tpu.memory_space<vmem>>
    %dma_start3A_202 = tpu.memref_slice %arg3[%add3A_193] : memref<320000xi32, #tpu.memory_space<hbm>> -> memref<1000xi32, #tpu.memory_space<hbm>>
    tpu.enqueue_dma source(%dma_start3A_202 : memref<1000xi32, #tpu.memory_space<hbm>>) target(%dma_start3A_201 : memref<1000xi32, #tpu.memory_space<vmem>>) target_semaphore(%arg9 : memref<!tpu.dma_semaphore, #tpu.memory_space<semaphore_mem>>)
    %dma_start3A_203 = arith.constant 0 : i32
    %dma_start3A_204 = arith.constant 0 : i32
    %dma_start3A_205 = arith.constant 0 : i32
    %dma_start3A_206 = tpu.memref_slice %arg8[%dma_start3A_203, %dma_start3A_204, %dma_start3A_205] : memref<2x1000x32xf32, #tpu.memory_space<vmem>> -> memref<1x1000x32xf32, #tpu.memory_space<vmem>>
    %dma_start3A_207 = tpu.memref_squeeze %dma_start3A_206 : memref<1x1000x32xf32, #tpu.memory_space<vmem>> -> memref<1000x32xf32, #tpu.memory_space<vmem>>
    %dma_start3A_208 = arith.constant 0 : i32
    %dma_start3A_209 = tpu.memref_slice %arg2[%add3A_193, %dma_start3A_208] : memref<320000x32xf32, #tpu.memory_space<hbm>> -> memref<1000x32xf32, #tpu.memory_space<hbm>>
    %dma_start3A_210 = arith.constant 0 : i32
    %dma_start3A_211 = arith.constant 0 : i32
    %dma_start3A_212 = tpu.memref_slice %arg8[%dma_start3A_203, %dma_start3A_210, %dma_start3A_211] : memref<2x1000x32xf32, #tpu.memory_space<vmem>> -> memref<1x1000x32xf32, #tpu.memory_space<vmem>>
    %dma_start3A_213 = tpu.memref_squeeze %dma_start3A_212 : memref<1x1000x32xf32, #tpu.memory_space<vmem>> -> memref<1000x32xf32, #tpu.memory_space<vmem>>
    %dma_start3A_214 = arith.constant 0 : i32
    %dma_start3A_215 = tpu.memref_slice %arg2[%add3A_193, %dma_start3A_214] : memref<320000x32xf32, #tpu.memory_space<hbm>> -> memref<1000x32xf32, #tpu.memory_space<hbm>>
    tpu.enqueue_dma source(%dma_start3A_215 : memref<1000x32xf32, #tpu.memory_space<hbm>>) target(%dma_start3A_213 : memref<1000x32xf32, #tpu.memory_space<vmem>>) target_semaphore(%arg11 : memref<!tpu.dma_semaphore, #tpu.memory_space<semaphore_mem>>)
    %run_scoped3A_216 = arith.constant 1 : i32
    %run_scoped3A_217 = arith.constant 3 : i32
    "tpu.region"() ({
      %run_scoped3A_487 = tpu.sem_alloc : memref<!tpu.dma_semaphore, #tpu.memory_space<semaphore_mem>>
      %dma_start3A_488 = arith.constant 0 : i32
      %dma_start3A_489 = arith.constant 0 : i32
      %dma_start3A_490 = tpu.memref_slice %arg8[%run_scoped3A_216, %dma_start3A_488, %dma_start3A_489] : memref<2x1000x32xf32, #tpu.memory_space<vmem>> -> memref<1x1000x32xf32, #tpu.memory_space<vmem>>
      %dma_start3A_491 = tpu.memref_squeeze %dma_start3A_490 : memref<1x1000x32xf32, #tpu.memory_space<vmem>> -> memref<1000x32xf32, #tpu.memory_space<vmem>>
      %dma_start3A_492 = arith.constant 0 : i32
      %dma_start3A_493 = tpu.memref_slice %arg7[%run_scoped3A_217, %dma_start3A_492] : memref<10x1000xi32, #tpu.memory_space<vmem>> -> memref<1x1000xi32, #tpu.memory_space<vmem>>
      %dma_start3A_494 = tpu.memref_squeeze %dma_start3A_493 : memref<1x1000xi32, #tpu.memory_space<vmem>> -> memref<1000xi32, #tpu.memory_space<vmem>>
      %dma_start3A_495 = arith.constant 0 : i32
      %dma_start3A_496 = arith.constant 0 : i32
      %dma_start3A_497 = tpu.memref_slice %arg6[%dma_start3A_495, %dma_start3A_496] : memref<10000x32xf32, #tpu.memory_space<vmem_shared>> -> memref<10000x32xf32, #tpu.memory_space<vmem_shared>>
      tpu.enqueue_indirect_dma source(%dma_start3A_491 : memref<1000x32xf32, #tpu.memory_space<vmem>>) target(%dma_start3A_497 : memref<10000x32xf32, #tpu.memory_space<vmem_shared>>) offsets(%dma_start3A_494 : memref<1000xi32, #tpu.memory_space<vmem>>) semaphore(%run_scoped3A_487 : memref<!tpu.dma_semaphore, #tpu.memory_space<semaphore_mem>>) {add = true}
      %dma_wait3A_498 = arith.constant 0 : i32
      %dma_wait3A_499 = arith.constant 0 : i32
      %dma_wait3A_500 = tpu.memref_slice %arg8[%run_scoped3A_216, %dma_wait3A_498, %dma_wait3A_499] : memref<2x1000x32xf32, #tpu.memory_space<vmem>> -> memref<1x1000x32xf32, #tpu.memory_space<vmem>>
      %dma_wait3A_501 = tpu.memref_squeeze %dma_wait3A_500 : memref<1x1000x32xf32, #tpu.memory_space<vmem>> -> memref<1000x32xf32, #tpu.memory_space<vmem>>
      %dma_wait3A_502 = arith.constant 0 : i32
      %dma_wait3A_503 = tpu.memref_slice %arg7[%run_scoped3A_217, %dma_wait3A_502] : memref<10x1000xi32, #tpu.memory_space<vmem>> -> memref<1x1000xi32, #tpu.memory_space<vmem>>
      %dma_wait3A_504 = tpu.memref_squeeze %dma_wait3A_503 : memref<1x1000xi32, #tpu.memory_space<vmem>> -> memref<1000xi32, #tpu.memory_space<vmem>>
      %dma_wait3A_505 = arith.constant 0 : i32
      %dma_wait3A_506 = arith.constant 0 : i32
      %dma_wait3A_507 = tpu.memref_slice %arg6[%dma_wait3A_505, %dma_wait3A_506] : memref<10000x32xf32, #tpu.memory_space<vmem_shared>> -> memref<10000x32xf32, #tpu.memory_space<vmem_shared>>
      tpu.wait_indirect_dma semaphore(%run_scoped3A_487 : memref<!tpu.dma_semaphore, #tpu.memory_space<semaphore_mem>>) src(%dma_wait3A_501 : memref<1000x32xf32, #tpu.memory_space<vmem>>) dst(%dma_wait3A_507 : memref<10000x32xf32, #tpu.memory_space<vmem_shared>>)
      tpu.yield
    }) : () -> ()
    %dma_wait3A_218 = arith.constant 4 : i32
    %dma_wait3A_219 = arith.constant 0 : i32
    %dma_wait3A_220 = tpu.memref_slice %arg7[%dma_wait3A_218, %dma_wait3A_219] : memref<10x1000xi32, #tpu.memory_space<vmem>> -> memref<1x1000xi32, #tpu.memory_space<vmem>>
    %dma_wait3A_221 = tpu.memref_squeeze %dma_wait3A_220 : memref<1x1000xi32, #tpu.memory_space<vmem>> -> memref<1000xi32, #tpu.memory_space<vmem>>
    %dma_wait3A_222 = tpu.memref_slice %arg3[%add3A_193] : memref<320000xi32, #tpu.memory_space<hbm>> -> memref<1000xi32, #tpu.memory_space<hbm>>
    %dma_wait3A_223 = arith.constant 0 : i32
    %dma_wait3A_224 = tpu.memref_slice %arg7[%dma_wait3A_218, %dma_wait3A_223] : memref<10x1000xi32, #tpu.memory_space<vmem>> -> memref<1x1000xi32, #tpu.memory_space<vmem>>
    %dma_wait3A_225 = tpu.memref_squeeze %dma_wait3A_224 : memref<1x1000xi32, #tpu.memory_space<vmem>> -> memref<1000xi32, #tpu.memory_space<vmem>>
    %dma_wait3A_226 = tpu.memref_slice %arg3[%add3A_193] : memref<320000xi32, #tpu.memory_space<hbm>> -> memref<1000xi32, #tpu.memory_space<hbm>>
    tpu.wait_dma2 semaphore(%arg9 : memref<!tpu.dma_semaphore, #tpu.memory_space<semaphore_mem>>) src(%dma_wait3A_226 : memref<1000xi32, #tpu.memory_space<hbm>>) dst(%dma_wait3A_225 : memref<1000xi32, #tpu.memory_space<vmem>>)
    %dma_wait3A_227 = arith.constant 0 : i32
    %dma_wait3A_228 = arith.constant 0 : i32
    %dma_wait3A_229 = arith.constant 0 : i32
    %dma_wait3A_230 = tpu.memref_slice %arg8[%dma_wait3A_227, %dma_wait3A_228, %dma_wait3A_229] : memref<2x1000x32xf32, #tpu.memory_space<vmem>> -> memref<1x1000x32xf32, #tpu.memory_space<vmem>>
    %dma_wait3A_231 = tpu.memref_squeeze %dma_wait3A_230 : memref<1x1000x32xf32, #tpu.memory_space<vmem>> -> memref<1000x32xf32, #tpu.memory_space<vmem>>
    %dma_wait3A_232 = arith.constant 0 : i32
    %dma_wait3A_233 = tpu.memref_slice %arg2[%add3A_193, %dma_wait3A_232] : memref<320000x32xf32, #tpu.memory_space<hbm>> -> memref<1000x32xf32, #tpu.memory_space<hbm>>
    %dma_wait3A_234 = arith.constant 0 : i32
    %dma_wait3A_235 = arith.constant 0 : i32
    %dma_wait3A_236 = tpu.memref_slice %arg8[%dma_wait3A_227, %dma_wait3A_234, %dma_wait3A_235] : memref<2x1000x32xf32, #tpu.memory_space<vmem>> -> memref<1x1000x32xf32, #tpu.memory_space<vmem>>
    %dma_wait3A_237 = tpu.memref_squeeze %dma_wait3A_236 : memref<1x1000x32xf32, #tpu.memory_space<vmem>> -> memref<1000x32xf32, #tpu.memory_space<vmem>>
    %dma_wait3A_238 = arith.constant 0 : i32
    %dma_wait3A_239 = tpu.memref_slice %arg2[%add3A_193, %dma_wait3A_238] : memref<320000x32xf32, #tpu.memory_space<hbm>> -> memref<1000x32xf32, #tpu.memory_space<hbm>>
    tpu.wait_dma2 semaphore(%arg11 : memref<!tpu.dma_semaphore, #tpu.memory_space<semaphore_mem>>) src(%dma_wait3A_239 : memref<1000x32xf32, #tpu.memory_space<hbm>>) dst(%dma_wait3A_237 : memref<1000x32xf32, #tpu.memory_space<vmem>>)
    %add3A_240 = arith.constant 5000 : i32
    %add3A_241 = arith.addi %mul3A_6, %add3A_240 : i32
    %dma_start3A_242 = arith.constant 5 : i32
    %dma_start3A_243 = arith.constant 0 : i32
    %dma_start3A_244 = tpu.memref_slice %arg7[%dma_start3A_242, %dma_start3A_243] : memref<10x1000xi32, #tpu.memory_space<vmem>> -> memref<1x1000xi32, #tpu.memory_space<vmem>>
    %dma_start3A_245 = tpu.memref_squeeze %dma_start3A_244 : memref<1x1000xi32, #tpu.memory_space<vmem>> -> memref<1000xi32, #tpu.memory_space<vmem>>
    %dma_start3A_246 = tpu.memref_slice %arg3[%add3A_241] : memref<320000xi32, #tpu.memory_space<hbm>> -> memref<1000xi32, #tpu.memory_space<hbm>>
    %dma_start3A_247 = arith.constant 0 : i32
    %dma_start3A_248 = tpu.memref_slice %arg7[%dma_start3A_242, %dma_start3A_247] : memref<10x1000xi32, #tpu.memory_space<vmem>> -> memref<1x1000xi32, #tpu.memory_space<vmem>>
    %dma_start3A_249 = tpu.memref_squeeze %dma_start3A_248 : memref<1x1000xi32, #tpu.memory_space<vmem>> -> memref<1000xi32, #tpu.memory_space<vmem>>
    %dma_start3A_250 = tpu.memref_slice %arg3[%add3A_241] : memref<320000xi32, #tpu.memory_space<hbm>> -> memref<1000xi32, #tpu.memory_space<hbm>>
    tpu.enqueue_dma source(%dma_start3A_250 : memref<1000xi32, #tpu.memory_space<hbm>>) target(%dma_start3A_249 : memref<1000xi32, #tpu.memory_space<vmem>>) target_semaphore(%arg10 : memref<!tpu.dma_semaphore, #tpu.memory_space<semaphore_mem>>)
    %dma_start3A_251 = arith.constant 1 : i32
    %dma_start3A_252 = arith.constant 0 : i32
    %dma_start3A_253 = arith.constant 0 : i32
    %dma_start3A_254 = tpu.memref_slice %arg8[%dma_start3A_251, %dma_start3A_252, %dma_start3A_253] : memref<2x1000x32xf32, #tpu.memory_space<vmem>> -> memref<1x1000x32xf32, #tpu.memory_space<vmem>>
    %dma_start3A_255 = tpu.memref_squeeze %dma_start3A_254 : memref<1x1000x32xf32, #tpu.memory_space<vmem>> -> memref<1000x32xf32, #tpu.memory_space<vmem>>
    %dma_start3A_256 = arith.constant 0 : i32
    %dma_start3A_257 = tpu.memref_slice %arg2[%add3A_241, %dma_start3A_256] : memref<320000x32xf32, #tpu.memory_space<hbm>> -> memref<1000x32xf32, #tpu.memory_space<hbm>>
    %dma_start3A_258 = arith.constant 0 : i32
    %dma_start3A_259 = arith.constant 0 : i32
    %dma_start3A_260 = tpu.memref_slice %arg8[%dma_start3A_251, %dma_start3A_258, %dma_start3A_259] : memref<2x1000x32xf32, #tpu.memory_space<vmem>> -> memref<1x1000x32xf32, #tpu.memory_space<vmem>>
    %dma_start3A_261 = tpu.memref_squeeze %dma_start3A_260 : memref<1x1000x32xf32, #tpu.memory_space<vmem>> -> memref<1000x32xf32, #tpu.memory_space<vmem>>
    %dma_start3A_262 = arith.constant 0 : i32
    %dma_start3A_263 = tpu.memref_slice %arg2[%add3A_241, %dma_start3A_262] : memref<320000x32xf32, #tpu.memory_space<hbm>> -> memref<1000x32xf32, #tpu.memory_space<hbm>>
    tpu.enqueue_dma source(%dma_start3A_263 : memref<1000x32xf32, #tpu.memory_space<hbm>>) target(%dma_start3A_261 : memref<1000x32xf32, #tpu.memory_space<vmem>>) target_semaphore(%arg12 : memref<!tpu.dma_semaphore, #tpu.memory_space<semaphore_mem>>)
    %run_scoped3A_264 = arith.constant 0 : i32
    %run_scoped3A_265 = arith.constant 4 : i32
    "tpu.region"() ({
      %run_scoped3A_487 = tpu.sem_alloc : memref<!tpu.dma_semaphore, #tpu.memory_space<semaphore_mem>>
      %dma_start3A_488 = arith.constant 0 : i32
      %dma_start3A_489 = arith.constant 0 : i32
      %dma_start3A_490 = tpu.memref_slice %arg8[%run_scoped3A_264, %dma_start3A_488, %dma_start3A_489] : memref<2x1000x32xf32, #tpu.memory_space<vmem>> -> memref<1x1000x32xf32, #tpu.memory_space<vmem>>
      %dma_start3A_491 = tpu.memref_squeeze %dma_start3A_490 : memref<1x1000x32xf32, #tpu.memory_space<vmem>> -> memref<1000x32xf32, #tpu.memory_space<vmem>>
      %dma_start3A_492 = arith.constant 0 : i32
      %dma_start3A_493 = tpu.memref_slice %arg7[%run_scoped3A_265, %dma_start3A_492] : memref<10x1000xi32, #tpu.memory_space<vmem>> -> memref<1x1000xi32, #tpu.memory_space<vmem>>
      %dma_start3A_494 = tpu.memref_squeeze %dma_start3A_493 : memref<1x1000xi32, #tpu.memory_space<vmem>> -> memref<1000xi32, #tpu.memory_space<vmem>>
      %dma_start3A_495 = arith.constant 0 : i32
      %dma_start3A_496 = arith.constant 0 : i32
      %dma_start3A_497 = tpu.memref_slice %arg6[%dma_start3A_495, %dma_start3A_496] : memref<10000x32xf32, #tpu.memory_space<vmem_shared>> -> memref<10000x32xf32, #tpu.memory_space<vmem_shared>>
      tpu.enqueue_indirect_dma source(%dma_start3A_491 : memref<1000x32xf32, #tpu.memory_space<vmem>>) target(%dma_start3A_497 : memref<10000x32xf32, #tpu.memory_space<vmem_shared>>) offsets(%dma_start3A_494 : memref<1000xi32, #tpu.memory_space<vmem>>) semaphore(%run_scoped3A_487 : memref<!tpu.dma_semaphore, #tpu.memory_space<semaphore_mem>>) {add = true}
      %dma_wait3A_498 = arith.constant 0 : i32
      %dma_wait3A_499 = arith.constant 0 : i32
      %dma_wait3A_500 = tpu.memref_slice %arg8[%run_scoped3A_264, %dma_wait3A_498, %dma_wait3A_499] : memref<2x1000x32xf32, #tpu.memory_space<vmem>> -> memref<1x1000x32xf32, #tpu.memory_space<vmem>>
      %dma_wait3A_501 = tpu.memref_squeeze %dma_wait3A_500 : memref<1x1000x32xf32, #tpu.memory_space<vmem>> -> memref<1000x32xf32, #tpu.memory_space<vmem>>
      %dma_wait3A_502 = arith.constant 0 : i32
      %dma_wait3A_503 = tpu.memref_slice %arg7[%run_scoped3A_265, %dma_wait3A_502] : memref<10x1000xi32, #tpu.memory_space<vmem>> -> memref<1x1000xi32, #tpu.memory_space<vmem>>
      %dma_wait3A_504 = tpu.memref_squeeze %dma_wait3A_503 : memref<1x1000xi32, #tpu.memory_space<vmem>> -> memref<1000xi32, #tpu.memory_space<vmem>>
      %dma_wait3A_505 = arith.constant 0 : i32
      %dma_wait3A_506 = arith.constant 0 : i32
      %dma_wait3A_507 = tpu.memref_slice %arg6[%dma_wait3A_505, %dma_wait3A_506] : memref<10000x32xf32, #tpu.memory_space<vmem_shared>> -> memref<10000x32xf32, #tpu.memory_space<vmem_shared>>
      tpu.wait_indirect_dma semaphore(%run_scoped3A_487 : memref<!tpu.dma_semaphore, #tpu.memory_space<semaphore_mem>>) src(%dma_wait3A_501 : memref<1000x32xf32, #tpu.memory_space<vmem>>) dst(%dma_wait3A_507 : memref<10000x32xf32, #tpu.memory_space<vmem_shared>>)
      tpu.yield
    }) : () -> ()
    %dma_wait3A_266 = arith.constant 5 : i32
    %dma_wait3A_267 = arith.constant 0 : i32
    %dma_wait3A_268 = tpu.memref_slice %arg7[%dma_wait3A_266, %dma_wait3A_267] : memref<10x1000xi32, #tpu.memory_space<vmem>> -> memref<1x1000xi32, #tpu.memory_space<vmem>>
    %dma_wait3A_269 = tpu.memref_squeeze %dma_wait3A_268 : memref<1x1000xi32, #tpu.memory_space<vmem>> -> memref<1000xi32, #tpu.memory_space<vmem>>
    %dma_wait3A_270 = tpu.memref_slice %arg3[%add3A_241] : memref<320000xi32, #tpu.memory_space<hbm>> -> memref<1000xi32, #tpu.memory_space<hbm>>
    %dma_wait3A_271 = arith.constant 0 : i32
    %dma_wait3A_272 = tpu.memref_slice %arg7[%dma_wait3A_266, %dma_wait3A_271] : memref<10x1000xi32, #tpu.memory_space<vmem>> -> memref<1x1000xi32, #tpu.memory_space<vmem>>
    %dma_wait3A_273 = tpu.memref_squeeze %dma_wait3A_272 : memref<1x1000xi32, #tpu.memory_space<vmem>> -> memref<1000xi32, #tpu.memory_space<vmem>>
    %dma_wait3A_274 = tpu.memref_slice %arg3[%add3A_241] : memref<320000xi32, #tpu.memory_space<hbm>> -> memref<1000xi32, #tpu.memory_space<hbm>>
    tpu.wait_dma2 semaphore(%arg10 : memref<!tpu.dma_semaphore, #tpu.memory_space<semaphore_mem>>) src(%dma_wait3A_274 : memref<1000xi32, #tpu.memory_space<hbm>>) dst(%dma_wait3A_273 : memref<1000xi32, #tpu.memory_space<vmem>>)
    %dma_wait3A_275 = arith.constant 1 : i32
    %dma_wait3A_276 = arith.constant 0 : i32
    %dma_wait3A_277 = arith.constant 0 : i32
    %dma_wait3A_278 = tpu.memref_slice %arg8[%dma_wait3A_275, %dma_wait3A_276, %dma_wait3A_277] : memref<2x1000x32xf32, #tpu.memory_space<vmem>> -> memref<1x1000x32xf32, #tpu.memory_space<vmem>>
    %dma_wait3A_279 = tpu.memref_squeeze %dma_wait3A_278 : memref<1x1000x32xf32, #tpu.memory_space<vmem>> -> memref<1000x32xf32, #tpu.memory_space<vmem>>
    %dma_wait3A_280 = arith.constant 0 : i32
    %dma_wait3A_281 = tpu.memref_slice %arg2[%add3A_241, %dma_wait3A_280] : memref<320000x32xf32, #tpu.memory_space<hbm>> -> memref<1000x32xf32, #tpu.memory_space<hbm>>
    %dma_wait3A_282 = arith.constant 0 : i32
    %dma_wait3A_283 = arith.constant 0 : i32
    %dma_wait3A_284 = tpu.memref_slice %arg8[%dma_wait3A_275, %dma_wait3A_282, %dma_wait3A_283] : memref<2x1000x32xf32, #tpu.memory_space<vmem>> -> memref<1x1000x32xf32, #tpu.memory_space<vmem>>
    %dma_wait3A_285 = tpu.memref_squeeze %dma_wait3A_284 : memref<1x1000x32xf32, #tpu.memory_space<vmem>> -> memref<1000x32xf32, #tpu.memory_space<vmem>>
    %dma_wait3A_286 = arith.constant 0 : i32
    %dma_wait3A_287 = tpu.memref_slice %arg2[%add3A_241, %dma_wait3A_286] : memref<320000x32xf32, #tpu.memory_space<hbm>> -> memref<1000x32xf32, #tpu.memory_space<hbm>>
    tpu.wait_dma2 semaphore(%arg12 : memref<!tpu.dma_semaphore, #tpu.memory_space<semaphore_mem>>) src(%dma_wait3A_287 : memref<1000x32xf32, #tpu.memory_space<hbm>>) dst(%dma_wait3A_285 : memref<1000x32xf32, #tpu.memory_space<vmem>>)
    %add3A_288 = arith.constant 6000 : i32
    %add3A_289 = arith.addi %mul3A_6, %add3A_288 : i32
    %dma_start3A_290 = arith.constant 6 : i32
    %dma_start3A_291 = arith.constant 0 : i32
    %dma_start3A_292 = tpu.memref_slice %arg7[%dma_start3A_290, %dma_start3A_291] : memref<10x1000xi32, #tpu.memory_space<vmem>> -> memref<1x1000xi32, #tpu.memory_space<vmem>>
    %dma_start3A_293 = tpu.memref_squeeze %dma_start3A_292 : memref<1x1000xi32, #tpu.memory_space<vmem>> -> memref<1000xi32, #tpu.memory_space<vmem>>
    %dma_start3A_294 = tpu.memref_slice %arg3[%add3A_289] : memref<320000xi32, #tpu.memory_space<hbm>> -> memref<1000xi32, #tpu.memory_space<hbm>>
    %dma_start3A_295 = arith.constant 0 : i32
    %dma_start3A_296 = tpu.memref_slice %arg7[%dma_start3A_290, %dma_start3A_295] : memref<10x1000xi32, #tpu.memory_space<vmem>> -> memref<1x1000xi32, #tpu.memory_space<vmem>>
    %dma_start3A_297 = tpu.memref_squeeze %dma_start3A_296 : memref<1x1000xi32, #tpu.memory_space<vmem>> -> memref<1000xi32, #tpu.memory_space<vmem>>
    %dma_start3A_298 = tpu.memref_slice %arg3[%add3A_289] : memref<320000xi32, #tpu.memory_space<hbm>> -> memref<1000xi32, #tpu.memory_space<hbm>>
    tpu.enqueue_dma source(%dma_start3A_298 : memref<1000xi32, #tpu.memory_space<hbm>>) target(%dma_start3A_297 : memref<1000xi32, #tpu.memory_space<vmem>>) target_semaphore(%arg9 : memref<!tpu.dma_semaphore, #tpu.memory_space<semaphore_mem>>)
    %dma_start3A_299 = arith.constant 0 : i32
    %dma_start3A_300 = arith.constant 0 : i32
    %dma_start3A_301 = arith.constant 0 : i32
    %dma_start3A_302 = tpu.memref_slice %arg8[%dma_start3A_299, %dma_start3A_300, %dma_start3A_301] : memref<2x1000x32xf32, #tpu.memory_space<vmem>> -> memref<1x1000x32xf32, #tpu.memory_space<vmem>>
    %dma_start3A_303 = tpu.memref_squeeze %dma_start3A_302 : memref<1x1000x32xf32, #tpu.memory_space<vmem>> -> memref<1000x32xf32, #tpu.memory_space<vmem>>
    %dma_start3A_304 = arith.constant 0 : i32
    %dma_start3A_305 = tpu.memref_slice %arg2[%add3A_289, %dma_start3A_304] : memref<320000x32xf32, #tpu.memory_space<hbm>> -> memref<1000x32xf32, #tpu.memory_space<hbm>>
    %dma_start3A_306 = arith.constant 0 : i32
    %dma_start3A_307 = arith.constant 0 : i32
    %dma_start3A_308 = tpu.memref_slice %arg8[%dma_start3A_299, %dma_start3A_306, %dma_start3A_307] : memref<2x1000x32xf32, #tpu.memory_space<vmem>> -> memref<1x1000x32xf32, #tpu.memory_space<vmem>>
    %dma_start3A_309 = tpu.memref_squeeze %dma_start3A_308 : memref<1x1000x32xf32, #tpu.memory_space<vmem>> -> memref<1000x32xf32, #tpu.memory_space<vmem>>
    %dma_start3A_310 = arith.constant 0 : i32
    %dma_start3A_311 = tpu.memref_slice %arg2[%add3A_289, %dma_start3A_310] : memref<320000x32xf32, #tpu.memory_space<hbm>> -> memref<1000x32xf32, #tpu.memory_space<hbm>>
    tpu.enqueue_dma source(%dma_start3A_311 : memref<1000x32xf32, #tpu.memory_space<hbm>>) target(%dma_start3A_309 : memref<1000x32xf32, #tpu.memory_space<vmem>>) target_semaphore(%arg11 : memref<!tpu.dma_semaphore, #tpu.memory_space<semaphore_mem>>)
    %run_scoped3A_312 = arith.constant 1 : i32
    %run_scoped3A_313 = arith.constant 5 : i32
    "tpu.region"() ({
      %run_scoped3A_487 = tpu.sem_alloc : memref<!tpu.dma_semaphore, #tpu.memory_space<semaphore_mem>>
      %dma_start3A_488 = arith.constant 0 : i32
      %dma_start3A_489 = arith.constant 0 : i32
      %dma_start3A_490 = tpu.memref_slice %arg8[%run_scoped3A_312, %dma_start3A_488, %dma_start3A_489] : memref<2x1000x32xf32, #tpu.memory_space<vmem>> -> memref<1x1000x32xf32, #tpu.memory_space<vmem>>
      %dma_start3A_491 = tpu.memref_squeeze %dma_start3A_490 : memref<1x1000x32xf32, #tpu.memory_space<vmem>> -> memref<1000x32xf32, #tpu.memory_space<vmem>>
      %dma_start3A_492 = arith.constant 0 : i32
      %dma_start3A_493 = tpu.memref_slice %arg7[%run_scoped3A_313, %dma_start3A_492] : memref<10x1000xi32, #tpu.memory_space<vmem>> -> memref<1x1000xi32, #tpu.memory_space<vmem>>
      %dma_start3A_494 = tpu.memref_squeeze %dma_start3A_493 : memref<1x1000xi32, #tpu.memory_space<vmem>> -> memref<1000xi32, #tpu.memory_space<vmem>>
      %dma_start3A_495 = arith.constant 0 : i32
      %dma_start3A_496 = arith.constant 0 : i32
      %dma_start3A_497 = tpu.memref_slice %arg6[%dma_start3A_495, %dma_start3A_496] : memref<10000x32xf32, #tpu.memory_space<vmem_shared>> -> memref<10000x32xf32, #tpu.memory_space<vmem_shared>>
      tpu.enqueue_indirect_dma source(%dma_start3A_491 : memref<1000x32xf32, #tpu.memory_space<vmem>>) target(%dma_start3A_497 : memref<10000x32xf32, #tpu.memory_space<vmem_shared>>) offsets(%dma_start3A_494 : memref<1000xi32, #tpu.memory_space<vmem>>) semaphore(%run_scoped3A_487 : memref<!tpu.dma_semaphore, #tpu.memory_space<semaphore_mem>>) {add = true}
      %dma_wait3A_498 = arith.constant 0 : i32
      %dma_wait3A_499 = arith.constant 0 : i32
      %dma_wait3A_500 = tpu.memref_slice %arg8[%run_scoped3A_312, %dma_wait3A_498, %dma_wait3A_499] : memref<2x1000x32xf32, #tpu.memory_space<vmem>> -> memref<1x1000x32xf32, #tpu.memory_space<vmem>>
      %dma_wait3A_501 = tpu.memref_squeeze %dma_wait3A_500 : memref<1x1000x32xf32, #tpu.memory_space<vmem>> -> memref<1000x32xf32, #tpu.memory_space<vmem>>
      %dma_wait3A_502 = arith.constant 0 : i32
      %dma_wait3A_503 = tpu.memref_slice %arg7[%run_scoped3A_313, %dma_wait3A_502] : memref<10x1000xi32, #tpu.memory_space<vmem>> -> memref<1x1000xi32, #tpu.memory_space<vmem>>
      %dma_wait3A_504 = tpu.memref_squeeze %dma_wait3A_503 : memref<1x1000xi32, #tpu.memory_space<vmem>> -> memref<1000xi32, #tpu.memory_space<vmem>>
      %dma_wait3A_505 = arith.constant 0 : i32
      %dma_wait3A_506 = arith.constant 0 : i32
      %dma_wait3A_507 = tpu.memref_slice %arg6[%dma_wait3A_505, %dma_wait3A_506] : memref<10000x32xf32, #tpu.memory_space<vmem_shared>> -> memref<10000x32xf32, #tpu.memory_space<vmem_shared>>
      tpu.wait_indirect_dma semaphore(%run_scoped3A_487 : memref<!tpu.dma_semaphore, #tpu.memory_space<semaphore_mem>>) src(%dma_wait3A_501 : memref<1000x32xf32, #tpu.memory_space<vmem>>) dst(%dma_wait3A_507 : memref<10000x32xf32, #tpu.memory_space<vmem_shared>>)
      tpu.yield
    }) : () -> ()
    %dma_wait3A_314 = arith.constant 6 : i32
    %dma_wait3A_315 = arith.constant 0 : i32
    %dma_wait3A_316 = tpu.memref_slice %arg7[%dma_wait3A_314, %dma_wait3A_315] : memref<10x1000xi32, #tpu.memory_space<vmem>> -> memref<1x1000xi32, #tpu.memory_space<vmem>>
    %dma_wait3A_317 = tpu.memref_squeeze %dma_wait3A_316 : memref<1x1000xi32, #tpu.memory_space<vmem>> -> memref<1000xi32, #tpu.memory_space<vmem>>
    %dma_wait3A_318 = tpu.memref_slice %arg3[%add3A_289] : memref<320000xi32, #tpu.memory_space<hbm>> -> memref<1000xi32, #tpu.memory_space<hbm>>
    %dma_wait3A_319 = arith.constant 0 : i32
    %dma_wait3A_320 = tpu.memref_slice %arg7[%dma_wait3A_314, %dma_wait3A_319] : memref<10x1000xi32, #tpu.memory_space<vmem>> -> memref<1x1000xi32, #tpu.memory_space<vmem>>
    %dma_wait3A_321 = tpu.memref_squeeze %dma_wait3A_320 : memref<1x1000xi32, #tpu.memory_space<vmem>> -> memref<1000xi32, #tpu.memory_space<vmem>>
    %dma_wait3A_322 = tpu.memref_slice %arg3[%add3A_289] : memref<320000xi32, #tpu.memory_space<hbm>> -> memref<1000xi32, #tpu.memory_space<hbm>>
    tpu.wait_dma2 semaphore(%arg9 : memref<!tpu.dma_semaphore, #tpu.memory_space<semaphore_mem>>) src(%dma_wait3A_322 : memref<1000xi32, #tpu.memory_space<hbm>>) dst(%dma_wait3A_321 : memref<1000xi32, #tpu.memory_space<vmem>>)
    %dma_wait3A_323 = arith.constant 0 : i32
    %dma_wait3A_324 = arith.constant 0 : i32
    %dma_wait3A_325 = arith.constant 0 : i32
    %dma_wait3A_326 = tpu.memref_slice %arg8[%dma_wait3A_323, %dma_wait3A_324, %dma_wait3A_325] : memref<2x1000x32xf32, #tpu.memory_space<vmem>> -> memref<1x1000x32xf32, #tpu.memory_space<vmem>>
    %dma_wait3A_327 = tpu.memref_squeeze %dma_wait3A_326 : memref<1x1000x32xf32, #tpu.memory_space<vmem>> -> memref<1000x32xf32, #tpu.memory_space<vmem>>
    %dma_wait3A_328 = arith.constant 0 : i32
    %dma_wait3A_329 = tpu.memref_slice %arg2[%add3A_289, %dma_wait3A_328] : memref<320000x32xf32, #tpu.memory_space<hbm>> -> memref<1000x32xf32, #tpu.memory_space<hbm>>
    %dma_wait3A_330 = arith.constant 0 : i32
    %dma_wait3A_331 = arith.constant 0 : i32
    %dma_wait3A_332 = tpu.memref_slice %arg8[%dma_wait3A_323, %dma_wait3A_330, %dma_wait3A_331] : memref<2x1000x32xf32, #tpu.memory_space<vmem>> -> memref<1x1000x32xf32, #tpu.memory_space<vmem>>
    %dma_wait3A_333 = tpu.memref_squeeze %dma_wait3A_332 : memref<1x1000x32xf32, #tpu.memory_space<vmem>> -> memref<1000x32xf32, #tpu.memory_space<vmem>>
    %dma_wait3A_334 = arith.constant 0 : i32
    %dma_wait3A_335 = tpu.memref_slice %arg2[%add3A_289, %dma_wait3A_334] : memref<320000x32xf32, #tpu.memory_space<hbm>> -> memref<1000x32xf32, #tpu.memory_space<hbm>>
    tpu.wait_dma2 semaphore(%arg11 : memref<!tpu.dma_semaphore, #tpu.memory_space<semaphore_mem>>) src(%dma_wait3A_335 : memref<1000x32xf32, #tpu.memory_space<hbm>>) dst(%dma_wait3A_333 : memref<1000x32xf32, #tpu.memory_space<vmem>>)
    %add3A_336 = arith.constant 7000 : i32
    %add3A_337 = arith.addi %mul3A_6, %add3A_336 : i32
    %dma_start3A_338 = arith.constant 7 : i32
    %dma_start3A_339 = arith.constant 0 : i32
    %dma_start3A_340 = tpu.memref_slice %arg7[%dma_start3A_338, %dma_start3A_339] : memref<10x1000xi32, #tpu.memory_space<vmem>> -> memref<1x1000xi32, #tpu.memory_space<vmem>>
    %dma_start3A_341 = tpu.memref_squeeze %dma_start3A_340 : memref<1x1000xi32, #tpu.memory_space<vmem>> -> memref<1000xi32, #tpu.memory_space<vmem>>
    %dma_start3A_342 = tpu.memref_slice %arg3[%add3A_337] : memref<320000xi32, #tpu.memory_space<hbm>> -> memref<1000xi32, #tpu.memory_space<hbm>>
    %dma_start3A_343 = arith.constant 0 : i32
    %dma_start3A_344 = tpu.memref_slice %arg7[%dma_start3A_338, %dma_start3A_343] : memref<10x1000xi32, #tpu.memory_space<vmem>> -> memref<1x1000xi32, #tpu.memory_space<vmem>>
    %dma_start3A_345 = tpu.memref_squeeze %dma_start3A_344 : memref<1x1000xi32, #tpu.memory_space<vmem>> -> memref<1000xi32, #tpu.memory_space<vmem>>
    %dma_start3A_346 = tpu.memref_slice %arg3[%add3A_337] : memref<320000xi32, #tpu.memory_space<hbm>> -> memref<1000xi32, #tpu.memory_space<hbm>>
    tpu.enqueue_dma source(%dma_start3A_346 : memref<1000xi32, #tpu.memory_space<hbm>>) target(%dma_start3A_345 : memref<1000xi32, #tpu.memory_space<vmem>>) target_semaphore(%arg10 : memref<!tpu.dma_semaphore, #tpu.memory_space<semaphore_mem>>)
    %dma_start3A_347 = arith.constant 1 : i32
    %dma_start3A_348 = arith.constant 0 : i32
    %dma_start3A_349 = arith.constant 0 : i32
    %dma_start3A_350 = tpu.memref_slice %arg8[%dma_start3A_347, %dma_start3A_348, %dma_start3A_349] : memref<2x1000x32xf32, #tpu.memory_space<vmem>> -> memref<1x1000x32xf32, #tpu.memory_space<vmem>>
    %dma_start3A_351 = tpu.memref_squeeze %dma_start3A_350 : memref<1x1000x32xf32, #tpu.memory_space<vmem>> -> memref<1000x32xf32, #tpu.memory_space<vmem>>
    %dma_start3A_352 = arith.constant 0 : i32
    %dma_start3A_353 = tpu.memref_slice %arg2[%add3A_337, %dma_start3A_352] : memref<320000x32xf32, #tpu.memory_space<hbm>> -> memref<1000x32xf32, #tpu.memory_space<hbm>>
    %dma_start3A_354 = arith.constant 0 : i32
    %dma_start3A_355 = arith.constant 0 : i32
    %dma_start3A_356 = tpu.memref_slice %arg8[%dma_start3A_347, %dma_start3A_354, %dma_start3A_355] : memref<2x1000x32xf32, #tpu.memory_space<vmem>> -> memref<1x1000x32xf32, #tpu.memory_space<vmem>>
    %dma_start3A_357 = tpu.memref_squeeze %dma_start3A_356 : memref<1x1000x32xf32, #tpu.memory_space<vmem>> -> memref<1000x32xf32, #tpu.memory_space<vmem>>
    %dma_start3A_358 = arith.constant 0 : i32
    %dma_start3A_359 = tpu.memref_slice %arg2[%add3A_337, %dma_start3A_358] : memref<320000x32xf32, #tpu.memory_space<hbm>> -> memref<1000x32xf32, #tpu.memory_space<hbm>>
    tpu.enqueue_dma source(%dma_start3A_359 : memref<1000x32xf32, #tpu.memory_space<hbm>>) target(%dma_start3A_357 : memref<1000x32xf32, #tpu.memory_space<vmem>>) target_semaphore(%arg12 : memref<!tpu.dma_semaphore, #tpu.memory_space<semaphore_mem>>)
    %run_scoped3A_360 = arith.constant 0 : i32
    %run_scoped3A_361 = arith.constant 6 : i32
    "tpu.region"() ({
      %run_scoped3A_487 = tpu.sem_alloc : memref<!tpu.dma_semaphore, #tpu.memory_space<semaphore_mem>>
      %dma_start3A_488 = arith.constant 0 : i32
      %dma_start3A_489 = arith.constant 0 : i32
      %dma_start3A_490 = tpu.memref_slice %arg8[%run_scoped3A_360, %dma_start3A_488, %dma_start3A_489] : memref<2x1000x32xf32, #tpu.memory_space<vmem>> -> memref<1x1000x32xf32, #tpu.memory_space<vmem>>
      %dma_start3A_491 = tpu.memref_squeeze %dma_start3A_490 : memref<1x1000x32xf32, #tpu.memory_space<vmem>> -> memref<1000x32xf32, #tpu.memory_space<vmem>>
      %dma_start3A_492 = arith.constant 0 : i32
      %dma_start3A_493 = tpu.memref_slice %arg7[%run_scoped3A_361, %dma_start3A_492] : memref<10x1000xi32, #tpu.memory_space<vmem>> -> memref<1x1000xi32, #tpu.memory_space<vmem>>
      %dma_start3A_494 = tpu.memref_squeeze %dma_start3A_493 : memref<1x1000xi32, #tpu.memory_space<vmem>> -> memref<1000xi32, #tpu.memory_space<vmem>>
      %dma_start3A_495 = arith.constant 0 : i32
      %dma_start3A_496 = arith.constant 0 : i32
      %dma_start3A_497 = tpu.memref_slice %arg6[%dma_start3A_495, %dma_start3A_496] : memref<10000x32xf32, #tpu.memory_space<vmem_shared>> -> memref<10000x32xf32, #tpu.memory_space<vmem_shared>>
      tpu.enqueue_indirect_dma source(%dma_start3A_491 : memref<1000x32xf32, #tpu.memory_space<vmem>>) target(%dma_start3A_497 : memref<10000x32xf32, #tpu.memory_space<vmem_shared>>) offsets(%dma_start3A_494 : memref<1000xi32, #tpu.memory_space<vmem>>) semaphore(%run_scoped3A_487 : memref<!tpu.dma_semaphore, #tpu.memory_space<semaphore_mem>>) {add = true}
      %dma_wait3A_498 = arith.constant 0 : i32
      %dma_wait3A_499 = arith.constant 0 : i32
      %dma_wait3A_500 = tpu.memref_slice %arg8[%run_scoped3A_360, %dma_wait3A_498, %dma_wait3A_499] : memref<2x1000x32xf32, #tpu.memory_space<vmem>> -> memref<1x1000x32xf32, #tpu.memory_space<vmem>>
      %dma_wait3A_501 = tpu.memref_squeeze %dma_wait3A_500 : memref<1x1000x32xf32, #tpu.memory_space<vmem>> -> memref<1000x32xf32, #tpu.memory_space<vmem>>
      %dma_wait3A_502 = arith.constant 0 : i32
      %dma_wait3A_503 = tpu.memref_slice %arg7[%run_scoped3A_361, %dma_wait3A_502] : memref<10x1000xi32, #tpu.memory_space<vmem>> -> memref<1x1000xi32, #tpu.memory_space<vmem>>
      %dma_wait3A_504 = tpu.memref_squeeze %dma_wait3A_503 : memref<1x1000xi32, #tpu.memory_space<vmem>> -> memref<1000xi32, #tpu.memory_space<vmem>>
      %dma_wait3A_505 = arith.constant 0 : i32
      %dma_wait3A_506 = arith.constant 0 : i32
      %dma_wait3A_507 = tpu.memref_slice %arg6[%dma_wait3A_505, %dma_wait3A_506] : memref<10000x32xf32, #tpu.memory_space<vmem_shared>> -> memref<10000x32xf32, #tpu.memory_space<vmem_shared>>
      tpu.wait_indirect_dma semaphore(%run_scoped3A_487 : memref<!tpu.dma_semaphore, #tpu.memory_space<semaphore_mem>>) src(%dma_wait3A_501 : memref<1000x32xf32, #tpu.memory_space<vmem>>) dst(%dma_wait3A_507 : memref<10000x32xf32, #tpu.memory_space<vmem_shared>>)
      tpu.yield
    }) : () -> ()
    %dma_wait3A_362 = arith.constant 7 : i32
    %dma_wait3A_363 = arith.constant 0 : i32
    %dma_wait3A_364 = tpu.memref_slice %arg7[%dma_wait3A_362, %dma_wait3A_363] : memref<10x1000xi32, #tpu.memory_space<vmem>> -> memref<1x1000xi32, #tpu.memory_space<vmem>>
    %dma_wait3A_365 = tpu.memref_squeeze %dma_wait3A_364 : memref<1x1000xi32, #tpu.memory_space<vmem>> -> memref<1000xi32, #tpu.memory_space<vmem>>
    %dma_wait3A_366 = tpu.memref_slice %arg3[%add3A_337] : memref<320000xi32, #tpu.memory_space<hbm>> -> memref<1000xi32, #tpu.memory_space<hbm>>
    %dma_wait3A_367 = arith.constant 0 : i32
    %dma_wait3A_368 = tpu.memref_slice %arg7[%dma_wait3A_362, %dma_wait3A_367] : memref<10x1000xi32, #tpu.memory_space<vmem>> -> memref<1x1000xi32, #tpu.memory_space<vmem>>
    %dma_wait3A_369 = tpu.memref_squeeze %dma_wait3A_368 : memref<1x1000xi32, #tpu.memory_space<vmem>> -> memref<1000xi32, #tpu.memory_space<vmem>>
    %dma_wait3A_370 = tpu.memref_slice %arg3[%add3A_337] : memref<320000xi32, #tpu.memory_space<hbm>> -> memref<1000xi32, #tpu.memory_space<hbm>>
    tpu.wait_dma2 semaphore(%arg10 : memref<!tpu.dma_semaphore, #tpu.memory_space<semaphore_mem>>) src(%dma_wait3A_370 : memref<1000xi32, #tpu.memory_space<hbm>>) dst(%dma_wait3A_369 : memref<1000xi32, #tpu.memory_space<vmem>>)
    %dma_wait3A_371 = arith.constant 1 : i32
    %dma_wait3A_372 = arith.constant 0 : i32
    %dma_wait3A_373 = arith.constant 0 : i32
    %dma_wait3A_374 = tpu.memref_slice %arg8[%dma_wait3A_371, %dma_wait3A_372, %dma_wait3A_373] : memref<2x1000x32xf32, #tpu.memory_space<vmem>> -> memref<1x1000x32xf32, #tpu.memory_space<vmem>>
    %dma_wait3A_375 = tpu.memref_squeeze %dma_wait3A_374 : memref<1x1000x32xf32, #tpu.memory_space<vmem>> -> memref<1000x32xf32, #tpu.memory_space<vmem>>
    %dma_wait3A_376 = arith.constant 0 : i32
    %dma_wait3A_377 = tpu.memref_slice %arg2[%add3A_337, %dma_wait3A_376] : memref<320000x32xf32, #tpu.memory_space<hbm>> -> memref<1000x32xf32, #tpu.memory_space<hbm>>
    %dma_wait3A_378 = arith.constant 0 : i32
    %dma_wait3A_379 = arith.constant 0 : i32
    %dma_wait3A_380 = tpu.memref_slice %arg8[%dma_wait3A_371, %dma_wait3A_378, %dma_wait3A_379] : memref<2x1000x32xf32, #tpu.memory_space<vmem>> -> memref<1x1000x32xf32, #tpu.memory_space<vmem>>
    %dma_wait3A_381 = tpu.memref_squeeze %dma_wait3A_380 : memref<1x1000x32xf32, #tpu.memory_space<vmem>> -> memref<1000x32xf32, #tpu.memory_space<vmem>>
    %dma_wait3A_382 = arith.constant 0 : i32
    %dma_wait3A_383 = tpu.memref_slice %arg2[%add3A_337, %dma_wait3A_382] : memref<320000x32xf32, #tpu.memory_space<hbm>> -> memref<1000x32xf32, #tpu.memory_space<hbm>>
    tpu.wait_dma2 semaphore(%arg12 : memref<!tpu.dma_semaphore, #tpu.memory_space<semaphore_mem>>) src(%dma_wait3A_383 : memref<1000x32xf32, #tpu.memory_space<hbm>>) dst(%dma_wait3A_381 : memref<1000x32xf32, #tpu.memory_space<vmem>>)
    %add3A_384 = arith.constant 8000 : i32
    %add3A_385 = arith.addi %mul3A_6, %add3A_384 : i32
    %dma_start3A_386 = arith.constant 8 : i32
    %dma_start3A_387 = arith.constant 0 : i32
    %dma_start3A_388 = tpu.memref_slice %arg7[%dma_start3A_386, %dma_start3A_387] : memref<10x1000xi32, #tpu.memory_space<vmem>> -> memref<1x1000xi32, #tpu.memory_space<vmem>>
    %dma_start3A_389 = tpu.memref_squeeze %dma_start3A_388 : memref<1x1000xi32, #tpu.memory_space<vmem>> -> memref<1000xi32, #tpu.memory_space<vmem>>
    %dma_start3A_390 = tpu.memref_slice %arg3[%add3A_385] : memref<320000xi32, #tpu.memory_space<hbm>> -> memref<1000xi32, #tpu.memory_space<hbm>>
    %dma_start3A_391 = arith.constant 0 : i32
    %dma_start3A_392 = tpu.memref_slice %arg7[%dma_start3A_386, %dma_start3A_391] : memref<10x1000xi32, #tpu.memory_space<vmem>> -> memref<1x1000xi32, #tpu.memory_space<vmem>>
    %dma_start3A_393 = tpu.memref_squeeze %dma_start3A_392 : memref<1x1000xi32, #tpu.memory_space<vmem>> -> memref<1000xi32, #tpu.memory_space<vmem>>
    %dma_start3A_394 = tpu.memref_slice %arg3[%add3A_385] : memref<320000xi32, #tpu.memory_space<hbm>> -> memref<1000xi32, #tpu.memory_space<hbm>>
    tpu.enqueue_dma source(%dma_start3A_394 : memref<1000xi32, #tpu.memory_space<hbm>>) target(%dma_start3A_393 : memref<1000xi32, #tpu.memory_space<vmem>>) target_semaphore(%arg9 : memref<!tpu.dma_semaphore, #tpu.memory_space<semaphore_mem>>)
    %dma_start3A_395 = arith.constant 0 : i32
    %dma_start3A_396 = arith.constant 0 : i32
    %dma_start3A_397 = arith.constant 0 : i32
    %dma_start3A_398 = tpu.memref_slice %arg8[%dma_start3A_395, %dma_start3A_396, %dma_start3A_397] : memref<2x1000x32xf32, #tpu.memory_space<vmem>> -> memref<1x1000x32xf32, #tpu.memory_space<vmem>>
    %dma_start3A_399 = tpu.memref_squeeze %dma_start3A_398 : memref<1x1000x32xf32, #tpu.memory_space<vmem>> -> memref<1000x32xf32, #tpu.memory_space<vmem>>
    %dma_start3A_400 = arith.constant 0 : i32
    %dma_start3A_401 = tpu.memref_slice %arg2[%add3A_385, %dma_start3A_400] : memref<320000x32xf32, #tpu.memory_space<hbm>> -> memref<1000x32xf32, #tpu.memory_space<hbm>>
    %dma_start3A_402 = arith.constant 0 : i32
    %dma_start3A_403 = arith.constant 0 : i32
    %dma_start3A_404 = tpu.memref_slice %arg8[%dma_start3A_395, %dma_start3A_402, %dma_start3A_403] : memref<2x1000x32xf32, #tpu.memory_space<vmem>> -> memref<1x1000x32xf32, #tpu.memory_space<vmem>>
    %dma_start3A_405 = tpu.memref_squeeze %dma_start3A_404 : memref<1x1000x32xf32, #tpu.memory_space<vmem>> -> memref<1000x32xf32, #tpu.memory_space<vmem>>
    %dma_start3A_406 = arith.constant 0 : i32
    %dma_start3A_407 = tpu.memref_slice %arg2[%add3A_385, %dma_start3A_406] : memref<320000x32xf32, #tpu.memory_space<hbm>> -> memref<1000x32xf32, #tpu.memory_space<hbm>>
    tpu.enqueue_dma source(%dma_start3A_407 : memref<1000x32xf32, #tpu.memory_space<hbm>>) target(%dma_start3A_405 : memref<1000x32xf32, #tpu.memory_space<vmem>>) target_semaphore(%arg11 : memref<!tpu.dma_semaphore, #tpu.memory_space<semaphore_mem>>)
    %run_scoped3A_408 = arith.constant 1 : i32
    %run_scoped3A_409 = arith.constant 7 : i32
    "tpu.region"() ({
      %run_scoped3A_487 = tpu.sem_alloc : memref<!tpu.dma_semaphore, #tpu.memory_space<semaphore_mem>>
      %dma_start3A_488 = arith.constant 0 : i32
      %dma_start3A_489 = arith.constant 0 : i32
      %dma_start3A_490 = tpu.memref_slice %arg8[%run_scoped3A_408, %dma_start3A_488, %dma_start3A_489] : memref<2x1000x32xf32, #tpu.memory_space<vmem>> -> memref<1x1000x32xf32, #tpu.memory_space<vmem>>
      %dma_start3A_491 = tpu.memref_squeeze %dma_start3A_490 : memref<1x1000x32xf32, #tpu.memory_space<vmem>> -> memref<1000x32xf32, #tpu.memory_space<vmem>>
      %dma_start3A_492 = arith.constant 0 : i32
      %dma_start3A_493 = tpu.memref_slice %arg7[%run_scoped3A_409, %dma_start3A_492] : memref<10x1000xi32, #tpu.memory_space<vmem>> -> memref<1x1000xi32, #tpu.memory_space<vmem>>
      %dma_start3A_494 = tpu.memref_squeeze %dma_start3A_493 : memref<1x1000xi32, #tpu.memory_space<vmem>> -> memref<1000xi32, #tpu.memory_space<vmem>>
      %dma_start3A_495 = arith.constant 0 : i32
      %dma_start3A_496 = arith.constant 0 : i32
      %dma_start3A_497 = tpu.memref_slice %arg6[%dma_start3A_495, %dma_start3A_496] : memref<10000x32xf32, #tpu.memory_space<vmem_shared>> -> memref<10000x32xf32, #tpu.memory_space<vmem_shared>>
      tpu.enqueue_indirect_dma source(%dma_start3A_491 : memref<1000x32xf32, #tpu.memory_space<vmem>>) target(%dma_start3A_497 : memref<10000x32xf32, #tpu.memory_space<vmem_shared>>) offsets(%dma_start3A_494 : memref<1000xi32, #tpu.memory_space<vmem>>) semaphore(%run_scoped3A_487 : memref<!tpu.dma_semaphore, #tpu.memory_space<semaphore_mem>>) {add = true}
      %dma_wait3A_498 = arith.constant 0 : i32
      %dma_wait3A_499 = arith.constant 0 : i32
      %dma_wait3A_500 = tpu.memref_slice %arg8[%run_scoped3A_408, %dma_wait3A_498, %dma_wait3A_499] : memref<2x1000x32xf32, #tpu.memory_space<vmem>> -> memref<1x1000x32xf32, #tpu.memory_space<vmem>>
      %dma_wait3A_501 = tpu.memref_squeeze %dma_wait3A_500 : memref<1x1000x32xf32, #tpu.memory_space<vmem>> -> memref<1000x32xf32, #tpu.memory_space<vmem>>
      %dma_wait3A_502 = arith.constant 0 : i32
      %dma_wait3A_503 = tpu.memref_slice %arg7[%run_scoped3A_409, %dma_wait3A_502] : memref<10x1000xi32, #tpu.memory_space<vmem>> -> memref<1x1000xi32, #tpu.memory_space<vmem>>
      %dma_wait3A_504 = tpu.memref_squeeze %dma_wait3A_503 : memref<1x1000xi32, #tpu.memory_space<vmem>> -> memref<1000xi32, #tpu.memory_space<vmem>>
      %dma_wait3A_505 = arith.constant 0 : i32
      %dma_wait3A_506 = arith.constant 0 : i32
      %dma_wait3A_507 = tpu.memref_slice %arg6[%dma_wait3A_505, %dma_wait3A_506] : memref<10000x32xf32, #tpu.memory_space<vmem_shared>> -> memref<10000x32xf32, #tpu.memory_space<vmem_shared>>
      tpu.wait_indirect_dma semaphore(%run_scoped3A_487 : memref<!tpu.dma_semaphore, #tpu.memory_space<semaphore_mem>>) src(%dma_wait3A_501 : memref<1000x32xf32, #tpu.memory_space<vmem>>) dst(%dma_wait3A_507 : memref<10000x32xf32, #tpu.memory_space<vmem_shared>>)
      tpu.yield
    }) : () -> ()
    %dma_wait3A_410 = arith.constant 8 : i32
    %dma_wait3A_411 = arith.constant 0 : i32
    %dma_wait3A_412 = tpu.memref_slice %arg7[%dma_wait3A_410, %dma_wait3A_411] : memref<10x1000xi32, #tpu.memory_space<vmem>> -> memref<1x1000xi32, #tpu.memory_space<vmem>>
    %dma_wait3A_413 = tpu.memref_squeeze %dma_wait3A_412 : memref<1x1000xi32, #tpu.memory_space<vmem>> -> memref<1000xi32, #tpu.memory_space<vmem>>
    %dma_wait3A_414 = tpu.memref_slice %arg3[%add3A_385] : memref<320000xi32, #tpu.memory_space<hbm>> -> memref<1000xi32, #tpu.memory_space<hbm>>
    %dma_wait3A_415 = arith.constant 0 : i32
    %dma_wait3A_416 = tpu.memref_slice %arg7[%dma_wait3A_410, %dma_wait3A_415] : memref<10x1000xi32, #tpu.memory_space<vmem>> -> memref<1x1000xi32, #tpu.memory_space<vmem>>
    %dma_wait3A_417 = tpu.memref_squeeze %dma_wait3A_416 : memref<1x1000xi32, #tpu.memory_space<vmem>> -> memref<1000xi32, #tpu.memory_space<vmem>>
    %dma_wait3A_418 = tpu.memref_slice %arg3[%add3A_385] : memref<320000xi32, #tpu.memory_space<hbm>> -> memref<1000xi32, #tpu.memory_space<hbm>>
    tpu.wait_dma2 semaphore(%arg9 : memref<!tpu.dma_semaphore, #tpu.memory_space<semaphore_mem>>) src(%dma_wait3A_418 : memref<1000xi32, #tpu.memory_space<hbm>>) dst(%dma_wait3A_417 : memref<1000xi32, #tpu.memory_space<vmem>>)
    %dma_wait3A_419 = arith.constant 0 : i32
    %dma_wait3A_420 = arith.constant 0 : i32
    %dma_wait3A_421 = arith.constant 0 : i32
    %dma_wait3A_422 = tpu.memref_slice %arg8[%dma_wait3A_419, %dma_wait3A_420, %dma_wait3A_421] : memref<2x1000x32xf32, #tpu.memory_space<vmem>> -> memref<1x1000x32xf32, #tpu.memory_space<vmem>>
    %dma_wait3A_423 = tpu.memref_squeeze %dma_wait3A_422 : memref<1x1000x32xf32, #tpu.memory_space<vmem>> -> memref<1000x32xf32, #tpu.memory_space<vmem>>
    %dma_wait3A_424 = arith.constant 0 : i32
    %dma_wait3A_425 = tpu.memref_slice %arg2[%add3A_385, %dma_wait3A_424] : memref<320000x32xf32, #tpu.memory_space<hbm>> -> memref<1000x32xf32, #tpu.memory_space<hbm>>
    %dma_wait3A_426 = arith.constant 0 : i32
    %dma_wait3A_427 = arith.constant 0 : i32
    %dma_wait3A_428 = tpu.memref_slice %arg8[%dma_wait3A_419, %dma_wait3A_426, %dma_wait3A_427] : memref<2x1000x32xf32, #tpu.memory_space<vmem>> -> memref<1x1000x32xf32, #tpu.memory_space<vmem>>
    %dma_wait3A_429 = tpu.memref_squeeze %dma_wait3A_428 : memref<1x1000x32xf32, #tpu.memory_space<vmem>> -> memref<1000x32xf32, #tpu.memory_space<vmem>>
    %dma_wait3A_430 = arith.constant 0 : i32
    %dma_wait3A_431 = tpu.memref_slice %arg2[%add3A_385, %dma_wait3A_430] : memref<320000x32xf32, #tpu.memory_space<hbm>> -> memref<1000x32xf32, #tpu.memory_space<hbm>>
    tpu.wait_dma2 semaphore(%arg11 : memref<!tpu.dma_semaphore, #tpu.memory_space<semaphore_mem>>) src(%dma_wait3A_431 : memref<1000x32xf32, #tpu.memory_space<hbm>>) dst(%dma_wait3A_429 : memref<1000x32xf32, #tpu.memory_space<vmem>>)
    %add3A_432 = arith.constant 9000 : i32
    %add3A_433 = arith.addi %mul3A_6, %add3A_432 : i32
    %dma_start3A_434 = arith.constant 9 : i32
    %dma_start3A_435 = arith.constant 0 : i32
    %dma_start3A_436 = tpu.memref_slice %arg7[%dma_start3A_434, %dma_start3A_435] : memref<10x1000xi32, #tpu.memory_space<vmem>> -> memref<1x1000xi32, #tpu.memory_space<vmem>>
    %dma_start3A_437 = tpu.memref_squeeze %dma_start3A_436 : memref<1x1000xi32, #tpu.memory_space<vmem>> -> memref<1000xi32, #tpu.memory_space<vmem>>
    %dma_start3A_438 = tpu.memref_slice %arg3[%add3A_433] : memref<320000xi32, #tpu.memory_space<hbm>> -> memref<1000xi32, #tpu.memory_space<hbm>>
    %dma_start3A_439 = arith.constant 0 : i32
    %dma_start3A_440 = tpu.memref_slice %arg7[%dma_start3A_434, %dma_start3A_439] : memref<10x1000xi32, #tpu.memory_space<vmem>> -> memref<1x1000xi32, #tpu.memory_space<vmem>>
    %dma_start3A_441 = tpu.memref_squeeze %dma_start3A_440 : memref<1x1000xi32, #tpu.memory_space<vmem>> -> memref<1000xi32, #tpu.memory_space<vmem>>
    %dma_start3A_442 = tpu.memref_slice %arg3[%add3A_433] : memref<320000xi32, #tpu.memory_space<hbm>> -> memref<1000xi32, #tpu.memory_space<hbm>>
    tpu.enqueue_dma source(%dma_start3A_442 : memref<1000xi32, #tpu.memory_space<hbm>>) target(%dma_start3A_441 : memref<1000xi32, #tpu.memory_space<vmem>>) target_semaphore(%arg10 : memref<!tpu.dma_semaphore, #tpu.memory_space<semaphore_mem>>)
    %dma_start3A_443 = arith.constant 1 : i32
    %dma_start3A_444 = arith.constant 0 : i32
    %dma_start3A_445 = arith.constant 0 : i32
    %dma_start3A_446 = tpu.memref_slice %arg8[%dma_start3A_443, %dma_start3A_444, %dma_start3A_445] : memref<2x1000x32xf32, #tpu.memory_space<vmem>> -> memref<1x1000x32xf32, #tpu.memory_space<vmem>>
    %dma_start3A_447 = tpu.memref_squeeze %dma_start3A_446 : memref<1x1000x32xf32, #tpu.memory_space<vmem>> -> memref<1000x32xf32, #tpu.memory_space<vmem>>
    %dma_start3A_448 = arith.constant 0 : i32
    %dma_start3A_449 = tpu.memref_slice %arg2[%add3A_433, %dma_start3A_448] : memref<320000x32xf32, #tpu.memory_space<hbm>> -> memref<1000x32xf32, #tpu.memory_space<hbm>>
    %dma_start3A_450 = arith.constant 0 : i32
    %dma_start3A_451 = arith.constant 0 : i32
    %dma_start3A_452 = tpu.memref_slice %arg8[%dma_start3A_443, %dma_start3A_450, %dma_start3A_451] : memref<2x1000x32xf32, #tpu.memory_space<vmem>> -> memref<1x1000x32xf32, #tpu.memory_space<vmem>>
    %dma_start3A_453 = tpu.memref_squeeze %dma_start3A_452 : memref<1x1000x32xf32, #tpu.memory_space<vmem>> -> memref<1000x32xf32, #tpu.memory_space<vmem>>
    %dma_start3A_454 = arith.constant 0 : i32
    %dma_start3A_455 = tpu.memref_slice %arg2[%add3A_433, %dma_start3A_454] : memref<320000x32xf32, #tpu.memory_space<hbm>> -> memref<1000x32xf32, #tpu.memory_space<hbm>>
    tpu.enqueue_dma source(%dma_start3A_455 : memref<1000x32xf32, #tpu.memory_space<hbm>>) target(%dma_start3A_453 : memref<1000x32xf32, #tpu.memory_space<vmem>>) target_semaphore(%arg12 : memref<!tpu.dma_semaphore, #tpu.memory_space<semaphore_mem>>)
    %run_scoped3A_456 = arith.constant 0 : i32
    %run_scoped3A_457 = arith.constant 8 : i32
    "tpu.region"() ({
      %run_scoped3A_487 = tpu.sem_alloc : memref<!tpu.dma_semaphore, #tpu.memory_space<semaphore_mem>>
      %dma_start3A_488 = arith.constant 0 : i32
      %dma_start3A_489 = arith.constant 0 : i32
      %dma_start3A_490 = tpu.memref_slice %arg8[%run_scoped3A_456, %dma_start3A_488, %dma_start3A_489] : memref<2x1000x32xf32, #tpu.memory_space<vmem>> -> memref<1x1000x32xf32, #tpu.memory_space<vmem>>
      %dma_start3A_491 = tpu.memref_squeeze %dma_start3A_490 : memref<1x1000x32xf32, #tpu.memory_space<vmem>> -> memref<1000x32xf32, #tpu.memory_space<vmem>>
      %dma_start3A_492 = arith.constant 0 : i32
      %dma_start3A_493 = tpu.memref_slice %arg7[%run_scoped3A_457, %dma_start3A_492] : memref<10x1000xi32, #tpu.memory_space<vmem>> -> memref<1x1000xi32, #tpu.memory_space<vmem>>
      %dma_start3A_494 = tpu.memref_squeeze %dma_start3A_493 : memref<1x1000xi32, #tpu.memory_space<vmem>> -> memref<1000xi32, #tpu.memory_space<vmem>>
      %dma_start3A_495 = arith.constant 0 : i32
      %dma_start3A_496 = arith.constant 0 : i32
      %dma_start3A_497 = tpu.memref_slice %arg6[%dma_start3A_495, %dma_start3A_496] : memref<10000x32xf32, #tpu.memory_space<vmem_shared>> -> memref<10000x32xf32, #tpu.memory_space<vmem_shared>>
      tpu.enqueue_indirect_dma source(%dma_start3A_491 : memref<1000x32xf32, #tpu.memory_space<vmem>>) target(%dma_start3A_497 : memref<10000x32xf32, #tpu.memory_space<vmem_shared>>) offsets(%dma_start3A_494 : memref<1000xi32, #tpu.memory_space<vmem>>) semaphore(%run_scoped3A_487 : memref<!tpu.dma_semaphore, #tpu.memory_space<semaphore_mem>>) {add = true}
      %dma_wait3A_498 = arith.constant 0 : i32
      %dma_wait3A_499 = arith.constant 0 : i32
      %dma_wait3A_500 = tpu.memref_slice %arg8[%run_scoped3A_456, %dma_wait3A_498, %dma_wait3A_499] : memref<2x1000x32xf32, #tpu.memory_space<vmem>> -> memref<1x1000x32xf32, #tpu.memory_space<vmem>>
      %dma_wait3A_501 = tpu.memref_squeeze %dma_wait3A_500 : memref<1x1000x32xf32, #tpu.memory_space<vmem>> -> memref<1000x32xf32, #tpu.memory_space<vmem>>
      %dma_wait3A_502 = arith.constant 0 : i32
      %dma_wait3A_503 = tpu.memref_slice %arg7[%run_scoped3A_457, %dma_wait3A_502] : memref<10x1000xi32, #tpu.memory_space<vmem>> -> memref<1x1000xi32, #tpu.memory_space<vmem>>
      %dma_wait3A_504 = tpu.memref_squeeze %dma_wait3A_503 : memref<1x1000xi32, #tpu.memory_space<vmem>> -> memref<1000xi32, #tpu.memory_space<vmem>>
      %dma_wait3A_505 = arith.constant 0 : i32
      %dma_wait3A_506 = arith.constant 0 : i32
      %dma_wait3A_507 = tpu.memref_slice %arg6[%dma_wait3A_505, %dma_wait3A_506] : memref<10000x32xf32, #tpu.memory_space<vmem_shared>> -> memref<10000x32xf32, #tpu.memory_space<vmem_shared>>
      tpu.wait_indirect_dma semaphore(%run_scoped3A_487 : memref<!tpu.dma_semaphore, #tpu.memory_space<semaphore_mem>>) src(%dma_wait3A_501 : memref<1000x32xf32, #tpu.memory_space<vmem>>) dst(%dma_wait3A_507 : memref<10000x32xf32, #tpu.memory_space<vmem_shared>>)
      tpu.yield
    }) : () -> ()
    %dma_wait3A_458 = arith.constant 9 : i32
    %dma_wait3A_459 = arith.constant 0 : i32
    %dma_wait3A_460 = tpu.memref_slice %arg7[%dma_wait3A_458, %dma_wait3A_459] : memref<10x1000xi32, #tpu.memory_space<vmem>> -> memref<1x1000xi32, #tpu.memory_space<vmem>>
    %dma_wait3A_461 = tpu.memref_squeeze %dma_wait3A_460 : memref<1x1000xi32, #tpu.memory_space<vmem>> -> memref<1000xi32, #tpu.memory_space<vmem>>
    %dma_wait3A_462 = tpu.memref_slice %arg3[%add3A_433] : memref<320000xi32, #tpu.memory_space<hbm>> -> memref<1000xi32, #tpu.memory_space<hbm>>
    %dma_wait3A_463 = arith.constant 0 : i32
    %dma_wait3A_464 = tpu.memref_slice %arg7[%dma_wait3A_458, %dma_wait3A_463] : memref<10x1000xi32, #tpu.memory_space<vmem>> -> memref<1x1000xi32, #tpu.memory_space<vmem>>
    %dma_wait3A_465 = tpu.memref_squeeze %dma_wait3A_464 : memref<1x1000xi32, #tpu.memory_space<vmem>> -> memref<1000xi32, #tpu.memory_space<vmem>>
    %dma_wait3A_466 = tpu.memref_slice %arg3[%add3A_433] : memref<320000xi32, #tpu.memory_space<hbm>> -> memref<1000xi32, #tpu.memory_space<hbm>>
    tpu.wait_dma2 semaphore(%arg10 : memref<!tpu.dma_semaphore, #tpu.memory_space<semaphore_mem>>) src(%dma_wait3A_466 : memref<1000xi32, #tpu.memory_space<hbm>>) dst(%dma_wait3A_465 : memref<1000xi32, #tpu.memory_space<vmem>>)
    %dma_wait3A_467 = arith.constant 1 : i32
    %dma_wait3A_468 = arith.constant 0 : i32
    %dma_wait3A_469 = arith.constant 0 : i32
    %dma_wait3A_470 = tpu.memref_slice %arg8[%dma_wait3A_467, %dma_wait3A_468, %dma_wait3A_469] : memref<2x1000x32xf32, #tpu.memory_space<vmem>> -> memref<1x1000x32xf32, #tpu.memory_space<vmem>>
    %dma_wait3A_471 = tpu.memref_squeeze %dma_wait3A_470 : memref<1x1000x32xf32, #tpu.memory_space<vmem>> -> memref<1000x32xf32, #tpu.memory_space<vmem>>
    %dma_wait3A_472 = arith.constant 0 : i32
    %dma_wait3A_473 = tpu.memref_slice %arg2[%add3A_433, %dma_wait3A_472] : memref<320000x32xf32, #tpu.memory_space<hbm>> -> memref<1000x32xf32, #tpu.memory_space<hbm>>
    %dma_wait3A_474 = arith.constant 0 : i32
    %dma_wait3A_475 = arith.constant 0 : i32
    %dma_wait3A_476 = tpu.memref_slice %arg8[%dma_wait3A_467, %dma_wait3A_474, %dma_wait3A_475] : memref<2x1000x32xf32, #tpu.memory_space<vmem>> -> memref<1x1000x32xf32, #tpu.memory_space<vmem>>
    %dma_wait3A_477 = tpu.memref_squeeze %dma_wait3A_476 : memref<1x1000x32xf32, #tpu.memory_space<vmem>> -> memref<1000x32xf32, #tpu.memory_space<vmem>>
    %dma_wait3A_478 = arith.constant 0 : i32
    %dma_wait3A_479 = tpu.memref_slice %arg2[%add3A_433, %dma_wait3A_478] : memref<320000x32xf32, #tpu.memory_space<hbm>> -> memref<1000x32xf32, #tpu.memory_space<hbm>>
    tpu.wait_dma2 semaphore(%arg12 : memref<!tpu.dma_semaphore, #tpu.memory_space<semaphore_mem>>) src(%dma_wait3A_479 : memref<1000x32xf32, #tpu.memory_space<hbm>>) dst(%dma_wait3A_477 : memref<1000x32xf32, #tpu.memory_space<vmem>>)
    %run_scoped3A_480 = arith.constant 1 : i32
    %run_scoped3A_481 = arith.constant 9 : i32
    "tpu.region"() ({
      %run_scoped3A_487 = tpu.sem_alloc : memref<!tpu.dma_semaphore, #tpu.memory_space<semaphore_mem>>
      %dma_start3A_488 = arith.constant 0 : i32
      %dma_start3A_489 = arith.constant 0 : i32
      %dma_start3A_490 = tpu.memref_slice %arg8[%run_scoped3A_480, %dma_start3A_488, %dma_start3A_489] : memref<2x1000x32xf32, #tpu.memory_space<vmem>> -> memref<1x1000x32xf32, #tpu.memory_space<vmem>>
      %dma_start3A_491 = tpu.memref_squeeze %dma_start3A_490 : memref<1x1000x32xf32, #tpu.memory_space<vmem>> -> memref<1000x32xf32, #tpu.memory_space<vmem>>
      %dma_start3A_492 = arith.constant 0 : i32
      %dma_start3A_493 = tpu.memref_slice %arg7[%run_scoped3A_481, %dma_start3A_492] : memref<10x1000xi32, #tpu.memory_space<vmem>> -> memref<1x1000xi32, #tpu.memory_space<vmem>>
      %dma_start3A_494 = tpu.memref_squeeze %dma_start3A_493 : memref<1x1000xi32, #tpu.memory_space<vmem>> -> memref<1000xi32, #tpu.memory_space<vmem>>
      %dma_start3A_495 = arith.constant 0 : i32
      %dma_start3A_496 = arith.constant 0 : i32
      %dma_start3A_497 = tpu.memref_slice %arg6[%dma_start3A_495, %dma_start3A_496] : memref<10000x32xf32, #tpu.memory_space<vmem_shared>> -> memref<10000x32xf32, #tpu.memory_space<vmem_shared>>
      tpu.enqueue_indirect_dma source(%dma_start3A_491 : memref<1000x32xf32, #tpu.memory_space<vmem>>) target(%dma_start3A_497 : memref<10000x32xf32, #tpu.memory_space<vmem_shared>>) offsets(%dma_start3A_494 : memref<1000xi32, #tpu.memory_space<vmem>>) semaphore(%run_scoped3A_487 : memref<!tpu.dma_semaphore, #tpu.memory_space<semaphore_mem>>) {add = true}
      %dma_wait3A_498 = arith.constant 0 : i32
      %dma_wait3A_499 = arith.constant 0 : i32
      %dma_wait3A_500 = tpu.memref_slice %arg8[%run_scoped3A_480, %dma_wait3A_498, %dma_wait3A_499] : memref<2x1000x32xf32, #tpu.memory_space<vmem>> -> memref<1x1000x32xf32, #tpu.memory_space<vmem>>
      %dma_wait3A_501 = tpu.memref_squeeze %dma_wait3A_500 : memref<1x1000x32xf32, #tpu.memory_space<vmem>> -> memref<1000x32xf32, #tpu.memory_space<vmem>>
      %dma_wait3A_502 = arith.constant 0 : i32
      %dma_wait3A_503 = tpu.memref_slice %arg7[%run_scoped3A_481, %dma_wait3A_502] : memref<10x1000xi32, #tpu.memory_space<vmem>> -> memref<1x1000xi32, #tpu.memory_space<vmem>>
      %dma_wait3A_504 = tpu.memref_squeeze %dma_wait3A_503 : memref<1x1000xi32, #tpu.memory_space<vmem>> -> memref<1000xi32, #tpu.memory_space<vmem>>
      %dma_wait3A_505 = arith.constant 0 : i32
      %dma_wait3A_506 = arith.constant 0 : i32
      %dma_wait3A_507 = tpu.memref_slice %arg6[%dma_wait3A_505, %dma_wait3A_506] : memref<10000x32xf32, #tpu.memory_space<vmem_shared>> -> memref<10000x32xf32, #tpu.memory_space<vmem_shared>>
      tpu.wait_indirect_dma semaphore(%run_scoped3A_487 : memref<!tpu.dma_semaphore, #tpu.memory_space<semaphore_mem>>) src(%dma_wait3A_501 : memref<1000x32xf32, #tpu.memory_space<vmem>>) dst(%dma_wait3A_507 : memref<10000x32xf32, #tpu.memory_space<vmem_shared>>)
      tpu.yield
    }) : () -> ()
    %barrier3A_482 = arith.constant 0 : index
    tpu.barrier barrier_id(%barrier3A_482)
    %mul3A_483 = arith.constant 625 : i32
    %mul3A_484 = arith.muli %arg1, %mul3A_483 : i32
    %mul3A_485 = arith.constant 625 : i32
    %mul3A_486 = arith.muli %arg1, %mul3A_485 : i32
    "tpu.region"() ({
      %run_scoped3A_487 = tpu.sem_alloc : memref<!tpu.dma_semaphore, #tpu.memory_space<semaphore_mem>>
      %dma_start3A_488 = arith.constant 0 : i32
      %dma_start3A_489 = tpu.memref_slice %arg5[%arg0, %mul3A_486, %dma_start3A_488] : memref<2x10000x32xf32, #tpu.memory_space<hbm>> -> memref<1x625x32xf32, #tpu.memory_space<hbm>>
      %dma_start3A_490 = tpu.memref_squeeze %dma_start3A_489 : memref<1x625x32xf32, #tpu.memory_space<hbm>> -> memref<625x32xf32, #tpu.memory_space<hbm>>
      %dma_start3A_491 = arith.constant 0 : i32
      %dma_start3A_492 = tpu.memref_slice %arg6[%mul3A_484, %dma_start3A_491] : memref<10000x32xf32, #tpu.memory_space<vmem_shared>> -> memref<625x32xf32, #tpu.memory_space<vmem_shared>>
      tpu.enqueue_dma source(%dma_start3A_492 : memref<625x32xf32, #tpu.memory_space<vmem_shared>>) target(%dma_start3A_490 : memref<625x32xf32, #tpu.memory_space<hbm>>) target_semaphore(%run_scoped3A_487 : memref<!tpu.dma_semaphore, #tpu.memory_space<semaphore_mem>>)
      %dma_wait3A_493 = arith.constant 0 : i32
      %dma_wait3A_494 = tpu.memref_slice %arg5[%arg0, %mul3A_486, %dma_wait3A_493] : memref<2x10000x32xf32, #tpu.memory_space<hbm>> -> memref<1x625x32xf32, #tpu.memory_space<hbm>>
      %dma_wait3A_495 = tpu.memref_squeeze %dma_wait3A_494 : memref<1x625x32xf32, #tpu.memory_space<hbm>> -> memref<625x32xf32, #tpu.memory_space<hbm>>
      %dma_wait3A_496 = arith.constant 0 : i32
      %dma_wait3A_497 = tpu.memref_slice %arg6[%mul3A_484, %dma_wait3A_496] : memref<10000x32xf32, #tpu.memory_space<vmem_shared>> -> memref<625x32xf32, #tpu.memory_space<vmem_shared>>
      tpu.wait_dma2 semaphore(%run_scoped3A_487 : memref<!tpu.dma_semaphore, #tpu.memory_space<semaphore_mem>>) src(%dma_wait3A_497 : memref<625x32xf32, #tpu.memory_space<vmem_shared>>) dst(%dma_wait3A_495 : memref<625x32xf32, #tpu.memory_space<hbm>>)
      tpu.yield
    }) : () -> ()
    return
  }
}

module attributes {stable_mosaic.version = 14 : i64} {
  func.func @_pharm_body(%arg0: memref<10000x32xf32, #tpu.memory_space<vmem>>, %arg1: memref<32x32xf32, #tpu.memory_space<vmem>>, %arg2: memref<1x32xf32, #tpu.memory_space<vmem>>, %arg3: memref<32x32xf32, #tpu.memory_space<vmem>>, %arg4: memref<1x32xf32, #tpu.memory_space<vmem>>, %arg5: memref<10000x32xf32, #tpu.memory_space<vmem>>) attributes {dimension_semantics = [], scalar_prefetch = 0 : i64, scratch_operands = 0 : i64, tpu.core_type = #tpu.core_type<tc>} {
    %get3A = arith.constant 0 : index
    %get3A_0 = arith.constant 0 : index
    %get3A_1 = vector.load %arg0[%get3A, %get3A_0] : memref<10000x32xf32, #tpu.memory_space<vmem>>, vector<10000x32xf32>
    %get3A_2 = arith.constant 0 : index
    %get3A_3 = arith.constant 0 : index
    %get3A_4 = vector.load %arg1[%get3A_2, %get3A_3] : memref<32x32xf32, #tpu.memory_space<vmem>>, vector<32x32xf32>
    %dot_general3A = arith.constant dense<0.000000e+00> : vector<10000x32xf32>
    %dot_general3A_5 = tpu.matmul %get3A_1, %get3A_4, %dot_general3A {dimension_numbers = #tpu.dot_dimension_numbers<[1], [0], [0], [1], [0, 0, 1, 1], [], []>, transpose_lhs_hint = false} : vector<10000x32xf32>, vector<32x32xf32>, vector<10000x32xf32> -> vector<10000x32xf32>
    %get3A_6 = arith.constant 0 : index
    %get3A_7 = arith.constant 0 : index
    %get3A_8 = vector.load %arg2[%get3A_6, %get3A_7] : memref<1x32xf32, #tpu.memory_space<vmem>>, vector<1x32xf32>
    %add3A = vector.broadcast %get3A_8 : vector<1x32xf32> to vector<10000x32xf32>
    %add3A_9 = arith.addf %dot_general3A_5, %add3A : vector<10000x32xf32>
    %max3A = arith.constant 0.000000e+00 : f32
    %max3A_10 = vector.broadcast %max3A : f32 to vector<10000x32xf32>
    %max3A_11 = arith.maximumf %add3A_9, %max3A_10 : vector<10000x32xf32>
    %get3A_12 = arith.constant 0 : index
    %get3A_13 = arith.constant 0 : index
    %get3A_14 = vector.load %arg3[%get3A_12, %get3A_13] : memref<32x32xf32, #tpu.memory_space<vmem>>, vector<32x32xf32>
    %dot_general3A_15 = arith.constant dense<0.000000e+00> : vector<10000x32xf32>
    %dot_general3A_16 = tpu.matmul %max3A_11, %get3A_14, %dot_general3A_15 {dimension_numbers = #tpu.dot_dimension_numbers<[1], [0], [0], [1], [0, 0, 1, 1], [], []>, transpose_lhs_hint = false} : vector<10000x32xf32>, vector<32x32xf32>, vector<10000x32xf32> -> vector<10000x32xf32>
    %get3A_17 = arith.constant 0 : index
    %get3A_18 = arith.constant 0 : index
    %get3A_19 = vector.load %arg4[%get3A_17, %get3A_18] : memref<1x32xf32, #tpu.memory_space<vmem>>, vector<1x32xf32>
    %add3A_20 = vector.broadcast %get3A_19 : vector<1x32xf32> to vector<10000x32xf32>
    %add3A_21 = arith.addf %dot_general3A_16, %add3A_20 : vector<10000x32xf32>
    %swap3A = arith.constant 0 : index
    %swap3A_22 = arith.constant 0 : index
    %swap3A_23 = vector.load %arg5[%swap3A, %swap3A_22] : memref<10000x32xf32, #tpu.memory_space<vmem>>, vector<10000x32xf32>
    tpu.vector_store %arg5[%swap3A, %swap3A_22], %add3A_21 {strides = array<i32>} : memref<10000x32xf32, #tpu.memory_space<vmem>>, vector<10000x32xf32>,
    return
  }
}

module attributes {stable_mosaic.version = 14 : i64} {
  func.func @_prot_body(%arg0: i32, %arg1: memref<10000x1xi32, #tpu.memory_space<vmem>>, %arg2: memref<14x32xf32, #tpu.memory_space<vmem>>, %arg3: memref<32x32xf32, #tpu.memory_space<vmem>>, %arg4: memref<1x32xf32, #tpu.memory_space<vmem>>, %arg5: memref<10000x32xf32, #tpu.memory_space<vmem>>) attributes {dimension_semantics = [#tpu.dimension_semantics<arbitrary>], iteration_bounds = array<i64: 5>, scalar_prefetch = 0 : i64, scratch_operands = 0 : i64, tpu.core_type = #tpu.core_type<tc>, window_params = [{transform_indices = @transform_0, window_bounds = array<i64: 10000, 1>}, {pipeline_mode = #tpu.pipeline_mode<synchronous>, transform_indices = @transform_1, window_bounds = array<i64: 14, 32>}, {pipeline_mode = #tpu.pipeline_mode<synchronous>, transform_indices = @transform_2, window_bounds = array<i64: 32, 32>}, {pipeline_mode = #tpu.pipeline_mode<synchronous>, transform_indices = @transform_3, window_bounds = array<i64: 1, 32>}, {transform_indices = @transform_4, window_bounds = array<i64: 10000, 32>}]} {
    %get3A = arith.constant 0 : index
    %get3A_0 = arith.constant 0 : index
    %get3A_1 = vector.load %arg2[%get3A, %get3A_0] : memref<14x32xf32, #tpu.memory_space<vmem>>, vector<14x32xf32>
    %max3A = arith.constant 0.000000e+00 : f32
    %max3A_2 = vector.broadcast %max3A : f32 to vector<14x32xf32>
    %max3A_3 = arith.maximumf %get3A_1, %max3A_2 : vector<14x32xf32>
    %get3A_4 = arith.constant 0 : index
    %get3A_5 = arith.constant 0 : index
    %get3A_6 = vector.load %arg3[%get3A_4, %get3A_5] : memref<32x32xf32, #tpu.memory_space<vmem>>, vector<32x32xf32>
    %dot_general3A = arith.constant dense<0.000000e+00> : vector<14x32xf32>
    %dot_general3A_7 = tpu.matmul %max3A_3, %get3A_6, %dot_general3A {dimension_numbers = #tpu.dot_dimension_numbers<[1], [0], [0], [1], [0, 0, 1, 1], [], []>, transpose_lhs_hint = false} : vector<14x32xf32>, vector<32x32xf32>, vector<14x32xf32> -> vector<14x32xf32>
    %get3A_8 = arith.constant 0 : index
    %get3A_9 = arith.constant 0 : index
    %get3A_10 = vector.load %arg4[%get3A_8, %get3A_9] : memref<1x32xf32, #tpu.memory_space<vmem>>, vector<1x32xf32>
    %add3A = vector.broadcast %get3A_10 : vector<1x32xf32> to vector<14x32xf32>
    %add3A_11 = arith.addf %dot_general3A_7, %add3A : vector<14x32xf32>
    %get3A_12 = arith.constant 0 : index
    %get3A_13 = arith.constant 0 : index
    %get3A_14 = vector.load %arg1[%get3A_12, %get3A_13] : memref<10000x1xi32, #tpu.memory_space<vmem>>, vector<10000x1xi32>
    %iota3A = tpu.iota {dimensions = array<i32: 1>} : vector<10000x14xi32>
    %eq3A = vector.broadcast %get3A_14 : vector<10000x1xi32> to vector<10000x14xi32>
    %eq3A_15 = arith.cmpi eq, %eq3A, %iota3A : vector<10000x14xi32>
    %convert_element_type3A = arith.extui %eq3A_15 : vector<10000x14xi1> to vector<10000x14xi32>
    %convert_element_type3A_16 = arith.sitofp %convert_element_type3A : vector<10000x14xi32> to vector<10000x14xf32>
    %dot_general3A_17 = arith.constant dense<0.000000e+00> : vector<10000x32xf32>
    %dot_general3A_18 = tpu.matmul %convert_element_type3A_16, %add3A_11, %dot_general3A_17 {dimension_numbers = #tpu.dot_dimension_numbers<[1], [0], [0], [1], [0, 0, 1, 1], [], []>, transpose_lhs_hint = false} : vector<10000x14xf32>, vector<14x32xf32>, vector<10000x32xf32> -> vector<10000x32xf32>
    %swap3A = arith.constant 0 : index
    %swap3A_19 = arith.constant 0 : index
    %swap3A_20 = vector.load %arg5[%swap3A, %swap3A_19] : memref<10000x32xf32, #tpu.memory_space<vmem>>, vector<10000x32xf32>
    tpu.vector_store %arg5[%swap3A, %swap3A_19], %dot_general3A_18 {strides = array<i32>} : memref<10000x32xf32, #tpu.memory_space<vmem>>, vector<10000x32xf32>,
    return
  }
  func.func @transform_0(%arg0: i32) -> (i32, i32) {
    %c0_i32 = arith.constant 0 : i32
    %c0_i32_0 = arith.constant 0 : i32
    return %arg0, %c0_i32 : i32, i32
  }
  func.func @transform_1(%arg0: i32) -> (i32, i32) {
    %c0_i32 = arith.constant 0 : i32
    %c0_i32_0 = arith.constant 0 : i32
    %c0_i32_1 = arith.constant 0 : i32
    return %c0_i32, %c0_i32_0 : i32, i32
  }
  func.func @transform_2(%arg0: i32) -> (i32, i32) {
    %c0_i32 = arith.constant 0 : i32
    %c0_i32_0 = arith.constant 0 : i32
    %c0_i32_1 = arith.constant 0 : i32
    return %c0_i32, %c0_i32_0 : i32, i32
  }
  func.func @transform_3(%arg0: i32) -> (i32, i32) {
    %c0_i32 = arith.constant 0 : i32
    %c0_i32_0 = arith.constant 0 : i32
    %c0_i32_1 = arith.constant 0 : i32
    return %c0_i32, %c0_i32_0 : i32, i32
  }
  func.func @transform_4(%arg0: i32) -> (i32, i32) {
    %c0_i32 = arith.constant 0 : i32
    %c0_i32_0 = arith.constant 0 : i32
    return %arg0, %c0_i32 : i32, i32
  }
}

module attributes {stable_mosaic.version = 14 : i64} {
  func.func @_edge_body(%arg0: i32, %arg1: memref<3x2560xf32, #tpu.memory_space<vmem>>, %arg2: memref<2560x32xf32, #tpu.memory_space<vmem>>, %arg3: memref<2560x32xf32, #tpu.memory_space<vmem>>, %arg4: memref<50x32xf32, #tpu.memory_space<vmem>>, %arg5: memref<32x1xf32, #tpu.memory_space<vmem>>, %arg6: memref<32x32xf32, #tpu.memory_space<vmem>>, %arg7: memref<1x32xf32, #tpu.memory_space<vmem>>, %arg8: memref<96x96xf32, #tpu.memory_space<vmem>>, %arg9: memref<1x96xf32, #tpu.memory_space<vmem>>, %arg10: memref<96x288xf32, #tpu.memory_space<vmem>>, %arg11: memref<1x288xf32, #tpu.memory_space<vmem>>, %arg12: memref<32x288xf32, #tpu.memory_space<vmem>>, %arg13: memref<9x288xf32, #tpu.memory_space<vmem>>, %arg14: memref<1x288xf32, #tpu.memory_space<vmem>>, %arg15: memref<50x2560xf32, #tpu.memory_space<vmem>>, %arg16: memref<288x32xf32, #tpu.memory_space<vmem>>, %arg17: memref<2560x32xf32, #tpu.memory_space<vmem>>) attributes {dimension_semantics = [#tpu.dimension_semantics<arbitrary>], iteration_bounds = array<i64: 50>, scalar_prefetch = 0 : i64, scratch_operands = 0 : i64, tpu.core_type = #tpu.core_type<tc>, window_params = [{transform_indices = @transform_0, window_bounds = array<i64: 3, 2560>}, {transform_indices = @transform_1, window_bounds = array<i64: 2560, 32>}, {transform_indices = @transform_2, window_bounds = array<i64: 2560, 32>}, {pipeline_mode = #tpu.pipeline_mode<synchronous>, transform_indices = @transform_3, window_bounds = array<i64: 50, 32>}, {pipeline_mode = #tpu.pipeline_mode<synchronous>, transform_indices = @transform_4, window_bounds = array<i64: 32, 1>}, {pipeline_mode = #tpu.pipeline_mode<synchronous>, transform_indices = @transform_5, window_bounds = array<i64: 32, 32>}, {pipeline_mode = #tpu.pipeline_mode<synchronous>, transform_indices = @transform_6, window_bounds = array<i64: 1, 32>}, {pipeline_mode = #tpu.pipeline_mode<synchronous>, transform_indices = @transform_7, window_bounds = array<i64: 96, 96>}, {pipeline_mode = #tpu.pipeline_mode<synchronous>, transform_indices = @transform_8, window_bounds = array<i64: 1, 96>}, {pipeline_mode = #tpu.pipeline_mode<synchronous>, transform_indices = @transform_9, window_bounds = array<i64: 96, 288>}, {pipeline_mode = #tpu.pipeline_mode<synchronous>, transform_indices = @transform_10, window_bounds = array<i64: 1, 288>}, {pipeline_mode = #tpu.pipeline_mode<synchronous>, transform_indices = @transform_11, window_bounds = array<i64: 32, 288>}, {pipeline_mode = #tpu.pipeline_mode<synchronous>, transform_indices = @transform_12, window_bounds = array<i64: 9, 288>}, {pipeline_mode = #tpu.pipeline_mode<synchronous>, transform_indices = @transform_13, window_bounds = array<i64: 1, 288>}, {pipeline_mode = #tpu.pipeline_mode<synchronous>, transform_indices = @transform_14, window_bounds = array<i64: 50, 2560>}, {pipeline_mode = #tpu.pipeline_mode<synchronous>, transform_indices = @transform_15, window_bounds = array<i64: 288, 32>}, {transform_indices = @transform_16, window_bounds = array<i64: 2560, 32>}]} {
    %get3A = arith.constant 0 : index
    %get3A_0 = arith.constant 0 : index
    %get3A_1 = vector.load %arg1[%get3A, %get3A_0] : memref<3x2560xf32, #tpu.memory_space<vmem>>, vector<3x2560xf32>
    %mul3A = arith.mulf %get3A_1, %get3A_1 : vector<3x2560xf32>
    %reduce_sum3A = arith.constant dense<0.000000e+00> : vector<2560xf32>
    %reduce_sum3A_2 = vector.multi_reduction <add>, %mul3A, %reduce_sum3A [0] : vector<3x2560xf32> to vector<2560xf32>
    %broadcast_in_dim3A = vector.shape_cast %reduce_sum3A_2 : vector<2560xf32> to vector<1x2560xf32>
    %add3A = arith.constant 9.99999996E-13 : f32
    %add3A_3 = vector.broadcast %add3A : f32 to vector<1x2560xf32>
    %add3A_4 = arith.addf %broadcast_in_dim3A, %add3A_3 : vector<1x2560xf32>
    %rsqrt3A = math.rsqrt %add3A_4 : vector<1x2560xf32>
    %mul3A_5 = arith.mulf %broadcast_in_dim3A, %rsqrt3A : vector<1x2560xf32>
    %mul3A_6 = vector.broadcast %rsqrt3A : vector<1x2560xf32> to vector<3x2560xf32>
    %mul3A_7 = arith.mulf %get3A_1, %mul3A_6 : vector<3x2560xf32>
    %slice3A = vector.extract_strided_slice %mul3A_7 {offsets = [1, 0], sizes = [2, 2560], strides = [1, 1]} : vector<3x2560xf32> to vector<2x2560xf32>
    %slice3A_8 = vector.extract_strided_slice %mul3A_7 {offsets = [0, 0], sizes = [1, 2560], strides = [1, 1]} : vector<3x2560xf32> to vector<1x2560xf32>
    %concatenate3A = tpu.concatenate %slice3A, %slice3A_8 in 0 : vector<2x2560xf32>, vector<1x2560xf32> -> vector<3x2560xf32>
    %mul3A_9 = arith.mulf %mul3A_7, %mul3A_7 : vector<3x2560xf32>
    %mul3A_10 = arith.mulf %mul3A_7, %concatenate3A : vector<3x2560xf32>
    %concatenate3A_11 = tpu.concatenate %mul3A_7, %mul3A_9, %mul3A_10 in 0 : vector<3x2560xf32>, vector<3x2560xf32>, vector<3x2560xf32> -> vector<9x2560xf32>
    %convert_element_type3A = arith.truncf %concatenate3A_11 : vector<9x2560xf32> to vector<9x2560xbf16>
    %get3A_12 = arith.constant 0 : index
    %get3A_13 = arith.constant 0 : index
    %get3A_14 = vector.load %arg13[%get3A_12, %get3A_13] : memref<9x288xf32, #tpu.memory_space<vmem>>, vector<9x288xf32>
    %convert_element_type3A_15 = arith.truncf %get3A_14 : vector<9x288xf32> to vector<9x288xbf16>
    %dot_general3A = arith.constant dense<0.000000e+00> : vector<2560x288xf32>
    %dot_general3A_16 = tpu.matmul %convert_element_type3A, %convert_element_type3A_15, %dot_general3A {dimension_numbers = #tpu.dot_dimension_numbers<[0], [0], [1], [1], [0, 1, 1, 1], [], []>, transpose_lhs_hint = false} : vector<9x2560xbf16>, vector<9x288xbf16>, vector<2560x288xf32> -> vector<2560x288xf32>
    %get3A_17 = arith.constant 0 : index
    %get3A_18 = arith.constant 0 : index
    %get3A_19 = vector.load %arg14[%get3A_17, %get3A_18] : memref<1x288xf32, #tpu.memory_space<vmem>>, vector<1x288xf32>
    %add3A_20 = vector.broadcast %get3A_19 : vector<1x288xf32> to vector<2560x288xf32>
    %add3A_21 = arith.addf %dot_general3A_16, %add3A_20 : vector<2560x288xf32>
    %get3A_22 = arith.constant 0 : index
    %get3A_23 = arith.constant 0 : index
    %get3A_24 = vector.load %arg15[%get3A_22, %get3A_23] : memref<50x2560xf32, #tpu.memory_space<vmem>>, vector<50x2560xf32>
    %sub3A = vector.broadcast %mul3A_5 : vector<1x2560xf32> to vector<50x2560xf32>
    %sub3A_25 = arith.subf %sub3A, %get3A_24 : vector<50x2560xf32>
    %mul3A_26 = arith.constant -33.3472214 : f32
    %mul3A_27 = vector.broadcast %mul3A_26 : f32 to vector<50x2560xf32>
    %mul3A_28 = arith.mulf %mul3A_27, %sub3A_25 : vector<50x2560xf32>
    %mul3A_29 = arith.mulf %mul3A_28, %sub3A_25 : vector<50x2560xf32>
    %exp3A = math.exp %mul3A_29 : vector<50x2560xf32>
    %get3A_30 = arith.constant 0 : index
    %get3A_31 = arith.constant 0 : index
    %get3A_32 = vector.load %arg4[%get3A_30, %get3A_31] : memref<50x32xf32, #tpu.memory_space<vmem>>, vector<50x32xf32>
    %dot_general3A_33 = arith.constant dense<0.000000e+00> : vector<32x2560xf32>
    %dot_general3A_34 = tpu.matmul %get3A_32, %exp3A, %dot_general3A_33 {dimension_numbers = #tpu.dot_dimension_numbers<[0], [0], [1], [1], [0, 1, 1, 1], [], []>, transpose_lhs_hint = false} : vector<50x32xf32>, vector<50x2560xf32>, vector<32x2560xf32> -> vector<32x2560xf32>
    %get3A_35 = arith.constant 0 : index
    %get3A_36 = arith.constant 0 : index
    %get3A_37 = vector.load %arg5[%get3A_35, %get3A_36] : memref<32x1xf32, #tpu.memory_space<vmem>>, vector<32x1xf32>
    %add3A_38 = vector.broadcast %get3A_37 : vector<32x1xf32> to vector<32x2560xf32>
    %add3A_39 = arith.addf %dot_general3A_34, %add3A_38 : vector<32x2560xf32>
    %max3A = arith.constant 0.000000e+00 : f32
    %max3A_40 = vector.broadcast %max3A : f32 to vector<32x2560xf32>
    %max3A_41 = arith.maximumf %add3A_39, %max3A_40 : vector<32x2560xf32>
    %get3A_42 = arith.constant 0 : index
    %get3A_43 = arith.constant 0 : index
    %get3A_44 = vector.load %arg8[%get3A_42, %get3A_43] : memref<96x96xf32, #tpu.memory_space<vmem>>, vector<96x96xf32>
    %get3A_45 = arith.constant 0 : index
    %get3A_46 = arith.constant 0 : index
    %get3A_47 = vector.load %arg6[%get3A_45, %get3A_46] : memref<32x32xf32, #tpu.memory_space<vmem>>, vector<32x32xf32>
    %slice3A_48 = vector.extract_strided_slice %get3A_44 {offsets = [0, 0], sizes = [32, 96], strides = [1, 1]} : vector<96x96xf32> to vector<32x96xf32>
    %dot_general3A_49 = arith.constant dense<0.000000e+00> : vector<32x96xf32>
    %dot_general3A_50 = tpu.matmul %get3A_47, %slice3A_48, %dot_general3A_49 {dimension_numbers = #tpu.dot_dimension_numbers<[1], [0], [0], [1], [0, 0, 1, 1], [], []>, transpose_lhs_hint = false} : vector<32x32xf32>, vector<32x96xf32>, vector<32x96xf32> -> vector<32x96xf32>
    %get3A_51 = arith.constant 0 : index
    %get3A_52 = arith.constant 0 : index
    %get3A_53 = vector.load %arg9[%get3A_51, %get3A_52] : memref<1x96xf32, #tpu.memory_space<vmem>>, vector<1x96xf32>
    %get3A_54 = arith.constant 0 : index
    %get3A_55 = arith.constant 0 : index
    %get3A_56 = vector.load %arg7[%get3A_54, %get3A_55] : memref<1x32xf32, #tpu.memory_space<vmem>>, vector<1x32xf32>
    %slice3A_57 = vector.extract_strided_slice %get3A_44 {offsets = [0, 0], sizes = [32, 96], strides = [1, 1]} : vector<96x96xf32> to vector<32x96xf32>
    %dot_general3A_58 = arith.constant dense<0.000000e+00> : vector<1x96xf32>
    %dot_general3A_59 = tpu.matmul %get3A_56, %slice3A_57, %dot_general3A_58 {dimension_numbers = #tpu.dot_dimension_numbers<[1], [0], [0], [1], [0, 0, 1, 1], [], []>, transpose_lhs_hint = false} : vector<1x32xf32>, vector<32x96xf32>, vector<1x96xf32> -> vector<1x96xf32>
    %add3A_60 = arith.addf %get3A_53, %dot_general3A_59 : vector<1x96xf32>
    %get3A_61 = arith.constant 0 : index
    %get3A_62 = arith.constant 0 : index
    %get3A_63 = vector.load %arg2[%get3A_61, %get3A_62] : memref<2560x32xf32, #tpu.memory_space<vmem>>, vector<2560x32xf32>
    %convert_element_type3A_64 = arith.truncf %get3A_63 : vector<2560x32xf32> to vector<2560x32xbf16>
    %convert_element_type3A_65 = arith.truncf %max3A_41 : vector<32x2560xf32> to vector<32x2560xbf16>
    %convert_element_type3A_66 = arith.truncf %dot_general3A_50 : vector<32x96xf32> to vector<32x96xbf16>
    %dot_general3A_67 = arith.constant dense<0.000000e+00> : vector<2560x96xf32>
    %dot_general3A_68 = tpu.matmul %convert_element_type3A_65, %convert_element_type3A_66, %dot_general3A_67 {dimension_numbers = #tpu.dot_dimension_numbers<[0], [0], [1], [1], [0, 1, 1, 1], [], []>, transpose_lhs_hint = false} : vector<32x2560xbf16>, vector<32x96xbf16>, vector<2560x96xf32> -> vector<2560x96xf32>
    %slice3A_69 = vector.extract_strided_slice %get3A_44 {offsets = [32, 0], sizes = [32, 96], strides = [1, 1]} : vector<96x96xf32> to vector<32x96xf32>
    %convert_element_type3A_70 = arith.truncf %slice3A_69 : vector<32x96xf32> to vector<32x96xbf16>
    %dot_general3A_71 = arith.constant dense<0.000000e+00> : vector<2560x96xf32>
    %dot_general3A_72 = tpu.matmul %convert_element_type3A_64, %convert_element_type3A_70, %dot_general3A_71 {dimension_numbers = #tpu.dot_dimension_numbers<[1], [0], [0], [1], [0, 0, 1, 1], [], []>, transpose_lhs_hint = false} : vector<2560x32xbf16>, vector<32x96xbf16>, vector<2560x96xf32> -> vector<2560x96xf32>
    %add3A_73 = arith.addf %dot_general3A_68, %dot_general3A_72 : vector<2560x96xf32>
    %get3A_74 = arith.constant 0 : index
    %get3A_75 = arith.constant 0 : index
    %get3A_76 = vector.load %arg3[%get3A_74, %get3A_75] : memref<2560x32xf32, #tpu.memory_space<vmem>>, vector<2560x32xf32>
    %convert_element_type3A_77 = arith.truncf %get3A_76 : vector<2560x32xf32> to vector<2560x32xbf16>
    %slice3A_78 = vector.extract_strided_slice %get3A_44 {offsets = [64, 0], sizes = [32, 96], strides = [1, 1]} : vector<96x96xf32> to vector<32x96xf32>
    %convert_element_type3A_79 = arith.truncf %slice3A_78 : vector<32x96xf32> to vector<32x96xbf16>
    %dot_general3A_80 = arith.constant dense<0.000000e+00> : vector<2560x96xf32>
    %dot_general3A_81 = tpu.matmul %convert_element_type3A_77, %convert_element_type3A_79, %dot_general3A_80 {dimension_numbers = #tpu.dot_dimension_numbers<[1], [0], [0], [1], [0, 0, 1, 1], [], []>, transpose_lhs_hint = false} : vector<2560x32xbf16>, vector<32x96xbf16>, vector<2560x96xf32> -> vector<2560x96xf32>
    %add3A_82 = arith.addf %add3A_73, %dot_general3A_81 : vector<2560x96xf32>
    %add3A_83 = vector.broadcast %add3A_60 : vector<1x96xf32> to vector<2560x96xf32>
    %add3A_84 = arith.addf %add3A_82, %add3A_83 : vector<2560x96xf32>
    %max3A_85 = arith.constant 0.000000e+00 : f32
    %max3A_86 = vector.broadcast %max3A_85 : f32 to vector<2560x96xf32>
    %max3A_87 = arith.maximumf %add3A_84, %max3A_86 : vector<2560x96xf32>
    %convert_element_type3A_88 = arith.truncf %max3A_87 : vector<2560x96xf32> to vector<2560x96xbf16>
    %get3A_89 = arith.constant 0 : index
    %get3A_90 = arith.constant 0 : index
    %get3A_91 = vector.load %arg10[%get3A_89, %get3A_90] : memref<96x288xf32, #tpu.memory_space<vmem>>, vector<96x288xf32>
    %convert_element_type3A_92 = arith.truncf %get3A_91 : vector<96x288xf32> to vector<96x288xbf16>
    %dot_general3A_93 = arith.constant dense<0.000000e+00> : vector<2560x288xf32>
    %dot_general3A_94 = tpu.matmul %convert_element_type3A_88, %convert_element_type3A_92, %dot_general3A_93 {dimension_numbers = #tpu.dot_dimension_numbers<[1], [0], [0], [1], [0, 0, 1, 1], [], []>, transpose_lhs_hint = false} : vector<2560x96xbf16>, vector<96x288xbf16>, vector<2560x288xf32> -> vector<2560x288xf32>
    %get3A_95 = arith.constant 0 : index
    %get3A_96 = arith.constant 0 : index
    %get3A_97 = vector.load %arg11[%get3A_95, %get3A_96] : memref<1x288xf32, #tpu.memory_space<vmem>>, vector<1x288xf32>
    %add3A_98 = vector.broadcast %get3A_97 : vector<1x288xf32> to vector<2560x288xf32>
    %add3A_99 = arith.addf %dot_general3A_94, %add3A_98 : vector<2560x288xf32>
    %get3A_100 = arith.constant 0 : index
    %get3A_101 = arith.constant 0 : index
    %get3A_102 = vector.load %arg12[%get3A_100, %get3A_101] : memref<32x288xf32, #tpu.memory_space<vmem>>, vector<32x288xf32>
    %convert_element_type3A_103 = arith.truncf %get3A_102 : vector<32x288xf32> to vector<32x288xbf16>
    %dot_general3A_104 = arith.constant dense<0.000000e+00> : vector<2560x288xf32>
    %dot_general3A_105 = tpu.matmul %convert_element_type3A_64, %convert_element_type3A_103, %dot_general3A_104 {dimension_numbers = #tpu.dot_dimension_numbers<[1], [0], [0], [1], [0, 0, 1, 1], [], []>, transpose_lhs_hint = false} : vector<2560x32xbf16>, vector<32x288xbf16>, vector<2560x288xf32> -> vector<2560x288xf32>
    %mul3A_106 = arith.mulf %dot_general3A_105, %add3A_21 : vector<2560x288xf32>
    %mul3A_107 = arith.mulf %mul3A_106, %add3A_99 : vector<2560x288xf32>
    %convert_element_type3A_108 = arith.truncf %mul3A_107 : vector<2560x288xf32> to vector<2560x288xbf16>
    %get3A_109 = arith.constant 0 : index
    %get3A_110 = arith.constant 0 : index
    %get3A_111 = vector.load %arg16[%get3A_109, %get3A_110] : memref<288x32xf32, #tpu.memory_space<vmem>>, vector<288x32xf32>
    %convert_element_type3A_112 = arith.truncf %get3A_111 : vector<288x32xf32> to vector<288x32xbf16>
    %dot_general3A_113 = arith.constant dense<0.000000e+00> : vector<2560x32xf32>
    %dot_general3A_114 = tpu.matmul %convert_element_type3A_108, %convert_element_type3A_112, %dot_general3A_113 {dimension_numbers = #tpu.dot_dimension_numbers<[1], [0], [0], [1], [0, 0, 1, 1], [], []>, transpose_lhs_hint = false} : vector<2560x288xbf16>, vector<288x32xbf16>, vector<2560x32xf32> -> vector<2560x32xf32>
    %swap3A = arith.constant 0 : index
    %swap3A_115 = arith.constant 0 : index
    %swap3A_116 = vector.load %arg17[%swap3A, %swap3A_115] : memref<2560x32xf32, #tpu.memory_space<vmem>>, vector<2560x32xf32>
    tpu.vector_store %arg17[%swap3A, %swap3A_115], %dot_general3A_114 {strides = array<i32>} : memref<2560x32xf32, #tpu.memory_space<vmem>>, vector<2560x32xf32>,
    return
  }
  func.func @transform_0(%arg0: i32) -> (i32, i32) {
    %c0_i32 = arith.constant 0 : i32
    %c0_i32_0 = arith.constant 0 : i32
    return %c0_i32, %arg0 : i32, i32
  }
  func.func @transform_1(%arg0: i32) -> (i32, i32) {
    %add3A = arith.constant 250 : i32
    %add3A_0 = arith.addi %arg0, %add3A : i32
    %c0_i32 = arith.constant 0 : i32
    %c0_i32_1 = arith.constant 0 : i32
    return %add3A_0, %c0_i32 : i32, i32
  }
  func.func @transform_2(%arg0: i32) -> (i32, i32) {
    %add3A = arith.constant 300 : i32
    %add3A_0 = arith.addi %arg0, %add3A : i32
    %c0_i32 = arith.constant 0 : i32
    %c0_i32_1 = arith.constant 0 : i32
    return %add3A_0, %c0_i32 : i32, i32
  }
  func.func @transform_3(%arg0: i32) -> (i32, i32) {
    %c0_i32 = arith.constant 0 : i32
    %c0_i32_0 = arith.constant 0 : i32
    %c0_i32_1 = arith.constant 0 : i32
    return %c0_i32, %c0_i32_0 : i32, i32
  }
  func.func @transform_4(%arg0: i32) -> (i32, i32) {
    %c0_i32 = arith.constant 0 : i32
    %c0_i32_0 = arith.constant 0 : i32
    %c0_i32_1 = arith.constant 0 : i32
    return %c0_i32, %c0_i32_0 : i32, i32
  }
  func.func @transform_5(%arg0: i32) -> (i32, i32) {
    %c0_i32 = arith.constant 0 : i32
    %c0_i32_0 = arith.constant 0 : i32
    %c0_i32_1 = arith.constant 0 : i32
    return %c0_i32, %c0_i32_0 : i32, i32
  }
  func.func @transform_6(%arg0: i32) -> (i32, i32) {
    %c0_i32 = arith.constant 0 : i32
    %c0_i32_0 = arith.constant 0 : i32
    %c0_i32_1 = arith.constant 0 : i32
    return %c0_i32, %c0_i32_0 : i32, i32
  }
  func.func @transform_7(%arg0: i32) -> (i32, i32) {
    %c0_i32 = arith.constant 0 : i32
    %c0_i32_0 = arith.constant 0 : i32
    %c0_i32_1 = arith.constant 0 : i32
    return %c0_i32, %c0_i32_0 : i32, i32
  }
  func.func @transform_8(%arg0: i32) -> (i32, i32) {
    %c0_i32 = arith.constant 0 : i32
    %c0_i32_0 = arith.constant 0 : i32
    %c0_i32_1 = arith.constant 0 : i32
    return %c0_i32, %c0_i32_0 : i32, i32
  }
  func.func @transform_9(%arg0: i32) -> (i32, i32) {
    %c0_i32 = arith.constant 0 : i32
    %c0_i32_0 = arith.constant 0 : i32
    %c0_i32_1 = arith.constant 0 : i32
    return %c0_i32, %c0_i32_0 : i32, i32
  }
  func.func @transform_10(%arg0: i32) -> (i32, i32) {
    %c0_i32 = arith.constant 0 : i32
    %c0_i32_0 = arith.constant 0 : i32
    %c0_i32_1 = arith.constant 0 : i32
    return %c0_i32, %c0_i32_0 : i32, i32
  }
  func.func @transform_11(%arg0: i32) -> (i32, i32) {
    %c0_i32 = arith.constant 0 : i32
    %c0_i32_0 = arith.constant 0 : i32
    %c0_i32_1 = arith.constant 0 : i32
    return %c0_i32, %c0_i32_0 : i32, i32
  }
  func.func @transform_12(%arg0: i32) -> (i32, i32) {
    %c0_i32 = arith.constant 0 : i32
    %c0_i32_0 = arith.constant 0 : i32
    %c0_i32_1 = arith.constant 0 : i32
    return %c0_i32, %c0_i32_0 : i32, i32
  }
  func.func @transform_13(%arg0: i32) -> (i32, i32) {
    %c0_i32 = arith.constant 0 : i32
    %c0_i32_0 = arith.constant 0 : i32
    %c0_i32_1 = arith.constant 0 : i32
    return %c0_i32, %c0_i32_0 : i32, i32
  }
  func.func @transform_14(%arg0: i32) -> (i32, i32) {
    %c0_i32 = arith.constant 0 : i32
    %c0_i32_0 = arith.constant 0 : i32
    %c0_i32_1 = arith.constant 0 : i32
    return %c0_i32, %c0_i32_0 : i32, i32
  }
  func.func @transform_15(%arg0: i32) -> (i32, i32) {
    %c0_i32 = arith.constant 0 : i32
    %c0_i32_0 = arith.constant 0 : i32
    %c0_i32_1 = arith.constant 0 : i32
    return %c0_i32, %c0_i32_0 : i32, i32
  }
  func.func @transform_16(%arg0: i32) -> (i32, i32) {
    %c0_i32 = arith.constant 0 : i32
    %c0_i32_0 = arith.constant 0 : i32
    return %arg0, %c0_i32 : i32, i32
  }
}

module attributes {stable_mosaic.version = 14 : i64} {
  func.func @_edge_body(%arg0: i32, %arg1: memref<3x2560xf32, #tpu.memory_space<vmem>>, %arg2: memref<2560x32xf32, #tpu.memory_space<vmem>>, %arg3: memref<2560x32xf32, #tpu.memory_space<vmem>>, %arg4: memref<50x32xf32, #tpu.memory_space<vmem>>, %arg5: memref<32x1xf32, #tpu.memory_space<vmem>>, %arg6: memref<32x32xf32, #tpu.memory_space<vmem>>, %arg7: memref<1x32xf32, #tpu.memory_space<vmem>>, %arg8: memref<96x96xf32, #tpu.memory_space<vmem>>, %arg9: memref<1x96xf32, #tpu.memory_space<vmem>>, %arg10: memref<96x288xf32, #tpu.memory_space<vmem>>, %arg11: memref<1x288xf32, #tpu.memory_space<vmem>>, %arg12: memref<32x288xf32, #tpu.memory_space<vmem>>, %arg13: memref<9x288xf32, #tpu.memory_space<vmem>>, %arg14: memref<1x288xf32, #tpu.memory_space<vmem>>, %arg15: memref<50x2560xf32, #tpu.memory_space<vmem>>, %arg16: memref<288x32xf32, #tpu.memory_space<vmem>>, %arg17: memref<2560x32xf32, #tpu.memory_space<vmem>>) attributes {dimension_semantics = [#tpu.dimension_semantics<arbitrary>], iteration_bounds = array<i64: 125>, scalar_prefetch = 0 : i64, scratch_operands = 0 : i64, tpu.core_type = #tpu.core_type<tc>, window_params = [{transform_indices = @transform_0, window_bounds = array<i64: 3, 2560>}, {transform_indices = @transform_1, window_bounds = array<i64: 2560, 32>}, {transform_indices = @transform_2, window_bounds = array<i64: 2560, 32>}, {pipeline_mode = #tpu.pipeline_mode<synchronous>, transform_indices = @transform_3, window_bounds = array<i64: 50, 32>}, {pipeline_mode = #tpu.pipeline_mode<synchronous>, transform_indices = @transform_4, window_bounds = array<i64: 32, 1>}, {pipeline_mode = #tpu.pipeline_mode<synchronous>, transform_indices = @transform_5, window_bounds = array<i64: 32, 32>}, {pipeline_mode = #tpu.pipeline_mode<synchronous>, transform_indices = @transform_6, window_bounds = array<i64: 1, 32>}, {pipeline_mode = #tpu.pipeline_mode<synchronous>, transform_indices = @transform_7, window_bounds = array<i64: 96, 96>}, {pipeline_mode = #tpu.pipeline_mode<synchronous>, transform_indices = @transform_8, window_bounds = array<i64: 1, 96>}, {pipeline_mode = #tpu.pipeline_mode<synchronous>, transform_indices = @transform_9, window_bounds = array<i64: 96, 288>}, {pipeline_mode = #tpu.pipeline_mode<synchronous>, transform_indices = @transform_10, window_bounds = array<i64: 1, 288>}, {pipeline_mode = #tpu.pipeline_mode<synchronous>, transform_indices = @transform_11, window_bounds = array<i64: 32, 288>}, {pipeline_mode = #tpu.pipeline_mode<synchronous>, transform_indices = @transform_12, window_bounds = array<i64: 9, 288>}, {pipeline_mode = #tpu.pipeline_mode<synchronous>, transform_indices = @transform_13, window_bounds = array<i64: 1, 288>}, {pipeline_mode = #tpu.pipeline_mode<synchronous>, transform_indices = @transform_14, window_bounds = array<i64: 50, 2560>}, {pipeline_mode = #tpu.pipeline_mode<synchronous>, transform_indices = @transform_15, window_bounds = array<i64: 288, 32>}, {transform_indices = @transform_16, window_bounds = array<i64: 2560, 32>}]} {
    %get3A = arith.constant 0 : index
    %get3A_0 = arith.constant 0 : index
    %get3A_1 = vector.load %arg1[%get3A, %get3A_0] : memref<3x2560xf32, #tpu.memory_space<vmem>>, vector<3x2560xf32>
    %mul3A = arith.mulf %get3A_1, %get3A_1 : vector<3x2560xf32>
    %reduce_sum3A = arith.constant dense<0.000000e+00> : vector<2560xf32>
    %reduce_sum3A_2 = vector.multi_reduction <add>, %mul3A, %reduce_sum3A [0] : vector<3x2560xf32> to vector<2560xf32>
    %broadcast_in_dim3A = vector.shape_cast %reduce_sum3A_2 : vector<2560xf32> to vector<1x2560xf32>
    %add3A = arith.constant 9.99999996E-13 : f32
    %add3A_3 = vector.broadcast %add3A : f32 to vector<1x2560xf32>
    %add3A_4 = arith.addf %broadcast_in_dim3A, %add3A_3 : vector<1x2560xf32>
    %rsqrt3A = math.rsqrt %add3A_4 : vector<1x2560xf32>
    %mul3A_5 = arith.mulf %broadcast_in_dim3A, %rsqrt3A : vector<1x2560xf32>
    %mul3A_6 = vector.broadcast %rsqrt3A : vector<1x2560xf32> to vector<3x2560xf32>
    %mul3A_7 = arith.mulf %get3A_1, %mul3A_6 : vector<3x2560xf32>
    %slice3A = vector.extract_strided_slice %mul3A_7 {offsets = [1, 0], sizes = [2, 2560], strides = [1, 1]} : vector<3x2560xf32> to vector<2x2560xf32>
    %slice3A_8 = vector.extract_strided_slice %mul3A_7 {offsets = [0, 0], sizes = [1, 2560], strides = [1, 1]} : vector<3x2560xf32> to vector<1x2560xf32>
    %concatenate3A = tpu.concatenate %slice3A, %slice3A_8 in 0 : vector<2x2560xf32>, vector<1x2560xf32> -> vector<3x2560xf32>
    %mul3A_9 = arith.mulf %mul3A_7, %mul3A_7 : vector<3x2560xf32>
    %mul3A_10 = arith.mulf %mul3A_7, %concatenate3A : vector<3x2560xf32>
    %concatenate3A_11 = tpu.concatenate %mul3A_7, %mul3A_9, %mul3A_10 in 0 : vector<3x2560xf32>, vector<3x2560xf32>, vector<3x2560xf32> -> vector<9x2560xf32>
    %convert_element_type3A = arith.truncf %concatenate3A_11 : vector<9x2560xf32> to vector<9x2560xbf16>
    %get3A_12 = arith.constant 0 : index
    %get3A_13 = arith.constant 0 : index
    %get3A_14 = vector.load %arg13[%get3A_12, %get3A_13] : memref<9x288xf32, #tpu.memory_space<vmem>>, vector<9x288xf32>
    %convert_element_type3A_15 = arith.truncf %get3A_14 : vector<9x288xf32> to vector<9x288xbf16>
    %dot_general3A = arith.constant dense<0.000000e+00> : vector<2560x288xf32>
    %dot_general3A_16 = tpu.matmul %convert_element_type3A, %convert_element_type3A_15, %dot_general3A {dimension_numbers = #tpu.dot_dimension_numbers<[0], [0], [1], [1], [0, 1, 1, 1], [], []>, transpose_lhs_hint = false} : vector<9x2560xbf16>, vector<9x288xbf16>, vector<2560x288xf32> -> vector<2560x288xf32>
    %get3A_17 = arith.constant 0 : index
    %get3A_18 = arith.constant 0 : index
    %get3A_19 = vector.load %arg14[%get3A_17, %get3A_18] : memref<1x288xf32, #tpu.memory_space<vmem>>, vector<1x288xf32>
    %add3A_20 = vector.broadcast %get3A_19 : vector<1x288xf32> to vector<2560x288xf32>
    %add3A_21 = arith.addf %dot_general3A_16, %add3A_20 : vector<2560x288xf32>
    %get3A_22 = arith.constant 0 : index
    %get3A_23 = arith.constant 0 : index
    %get3A_24 = vector.load %arg15[%get3A_22, %get3A_23] : memref<50x2560xf32, #tpu.memory_space<vmem>>, vector<50x2560xf32>
    %sub3A = vector.broadcast %mul3A_5 : vector<1x2560xf32> to vector<50x2560xf32>
    %sub3A_25 = arith.subf %sub3A, %get3A_24 : vector<50x2560xf32>
    %mul3A_26 = arith.constant -33.3472214 : f32
    %mul3A_27 = vector.broadcast %mul3A_26 : f32 to vector<50x2560xf32>
    %mul3A_28 = arith.mulf %mul3A_27, %sub3A_25 : vector<50x2560xf32>
    %mul3A_29 = arith.mulf %mul3A_28, %sub3A_25 : vector<50x2560xf32>
    %exp3A = math.exp %mul3A_29 : vector<50x2560xf32>
    %get3A_30 = arith.constant 0 : index
    %get3A_31 = arith.constant 0 : index
    %get3A_32 = vector.load %arg4[%get3A_30, %get3A_31] : memref<50x32xf32, #tpu.memory_space<vmem>>, vector<50x32xf32>
    %dot_general3A_33 = arith.constant dense<0.000000e+00> : vector<32x2560xf32>
    %dot_general3A_34 = tpu.matmul %get3A_32, %exp3A, %dot_general3A_33 {dimension_numbers = #tpu.dot_dimension_numbers<[0], [0], [1], [1], [0, 1, 1, 1], [], []>, transpose_lhs_hint = false} : vector<50x32xf32>, vector<50x2560xf32>, vector<32x2560xf32> -> vector<32x2560xf32>
    %get3A_35 = arith.constant 0 : index
    %get3A_36 = arith.constant 0 : index
    %get3A_37 = vector.load %arg5[%get3A_35, %get3A_36] : memref<32x1xf32, #tpu.memory_space<vmem>>, vector<32x1xf32>
    %add3A_38 = vector.broadcast %get3A_37 : vector<32x1xf32> to vector<32x2560xf32>
    %add3A_39 = arith.addf %dot_general3A_34, %add3A_38 : vector<32x2560xf32>
    %max3A = arith.constant 0.000000e+00 : f32
    %max3A_40 = vector.broadcast %max3A : f32 to vector<32x2560xf32>
    %max3A_41 = arith.maximumf %add3A_39, %max3A_40 : vector<32x2560xf32>
    %get3A_42 = arith.constant 0 : index
    %get3A_43 = arith.constant 0 : index
    %get3A_44 = vector.load %arg8[%get3A_42, %get3A_43] : memref<96x96xf32, #tpu.memory_space<vmem>>, vector<96x96xf32>
    %get3A_45 = arith.constant 0 : index
    %get3A_46 = arith.constant 0 : index
    %get3A_47 = vector.load %arg6[%get3A_45, %get3A_46] : memref<32x32xf32, #tpu.memory_space<vmem>>, vector<32x32xf32>
    %slice3A_48 = vector.extract_strided_slice %get3A_44 {offsets = [0, 0], sizes = [32, 96], strides = [1, 1]} : vector<96x96xf32> to vector<32x96xf32>
    %dot_general3A_49 = arith.constant dense<0.000000e+00> : vector<32x96xf32>
    %dot_general3A_50 = tpu.matmul %get3A_47, %slice3A_48, %dot_general3A_49 {dimension_numbers = #tpu.dot_dimension_numbers<[1], [0], [0], [1], [0, 0, 1, 1], [], []>, transpose_lhs_hint = false} : vector<32x32xf32>, vector<32x96xf32>, vector<32x96xf32> -> vector<32x96xf32>
    %get3A_51 = arith.constant 0 : index
    %get3A_52 = arith.constant 0 : index
    %get3A_53 = vector.load %arg9[%get3A_51, %get3A_52] : memref<1x96xf32, #tpu.memory_space<vmem>>, vector<1x96xf32>
    %get3A_54 = arith.constant 0 : index
    %get3A_55 = arith.constant 0 : index
    %get3A_56 = vector.load %arg7[%get3A_54, %get3A_55] : memref<1x32xf32, #tpu.memory_space<vmem>>, vector<1x32xf32>
    %slice3A_57 = vector.extract_strided_slice %get3A_44 {offsets = [0, 0], sizes = [32, 96], strides = [1, 1]} : vector<96x96xf32> to vector<32x96xf32>
    %dot_general3A_58 = arith.constant dense<0.000000e+00> : vector<1x96xf32>
    %dot_general3A_59 = tpu.matmul %get3A_56, %slice3A_57, %dot_general3A_58 {dimension_numbers = #tpu.dot_dimension_numbers<[1], [0], [0], [1], [0, 0, 1, 1], [], []>, transpose_lhs_hint = false} : vector<1x32xf32>, vector<32x96xf32>, vector<1x96xf32> -> vector<1x96xf32>
    %add3A_60 = arith.addf %get3A_53, %dot_general3A_59 : vector<1x96xf32>
    %get3A_61 = arith.constant 0 : index
    %get3A_62 = arith.constant 0 : index
    %get3A_63 = vector.load %arg2[%get3A_61, %get3A_62] : memref<2560x32xf32, #tpu.memory_space<vmem>>, vector<2560x32xf32>
    %convert_element_type3A_64 = arith.truncf %get3A_63 : vector<2560x32xf32> to vector<2560x32xbf16>
    %convert_element_type3A_65 = arith.truncf %max3A_41 : vector<32x2560xf32> to vector<32x2560xbf16>
    %convert_element_type3A_66 = arith.truncf %dot_general3A_50 : vector<32x96xf32> to vector<32x96xbf16>
    %dot_general3A_67 = arith.constant dense<0.000000e+00> : vector<2560x96xf32>
    %dot_general3A_68 = tpu.matmul %convert_element_type3A_65, %convert_element_type3A_66, %dot_general3A_67 {dimension_numbers = #tpu.dot_dimension_numbers<[0], [0], [1], [1], [0, 1, 1, 1], [], []>, transpose_lhs_hint = false} : vector<32x2560xbf16>, vector<32x96xbf16>, vector<2560x96xf32> -> vector<2560x96xf32>
    %slice3A_69 = vector.extract_strided_slice %get3A_44 {offsets = [32, 0], sizes = [32, 96], strides = [1, 1]} : vector<96x96xf32> to vector<32x96xf32>
    %convert_element_type3A_70 = arith.truncf %slice3A_69 : vector<32x96xf32> to vector<32x96xbf16>
    %dot_general3A_71 = arith.constant dense<0.000000e+00> : vector<2560x96xf32>
    %dot_general3A_72 = tpu.matmul %convert_element_type3A_64, %convert_element_type3A_70, %dot_general3A_71 {dimension_numbers = #tpu.dot_dimension_numbers<[1], [0], [0], [1], [0, 0, 1, 1], [], []>, transpose_lhs_hint = false} : vector<2560x32xbf16>, vector<32x96xbf16>, vector<2560x96xf32> -> vector<2560x96xf32>
    %add3A_73 = arith.addf %dot_general3A_68, %dot_general3A_72 : vector<2560x96xf32>
    %get3A_74 = arith.constant 0 : index
    %get3A_75 = arith.constant 0 : index
    %get3A_76 = vector.load %arg3[%get3A_74, %get3A_75] : memref<2560x32xf32, #tpu.memory_space<vmem>>, vector<2560x32xf32>
    %convert_element_type3A_77 = arith.truncf %get3A_76 : vector<2560x32xf32> to vector<2560x32xbf16>
    %slice3A_78 = vector.extract_strided_slice %get3A_44 {offsets = [64, 0], sizes = [32, 96], strides = [1, 1]} : vector<96x96xf32> to vector<32x96xf32>
    %convert_element_type3A_79 = arith.truncf %slice3A_78 : vector<32x96xf32> to vector<32x96xbf16>
    %dot_general3A_80 = arith.constant dense<0.000000e+00> : vector<2560x96xf32>
    %dot_general3A_81 = tpu.matmul %convert_element_type3A_77, %convert_element_type3A_79, %dot_general3A_80 {dimension_numbers = #tpu.dot_dimension_numbers<[1], [0], [0], [1], [0, 0, 1, 1], [], []>, transpose_lhs_hint = false} : vector<2560x32xbf16>, vector<32x96xbf16>, vector<2560x96xf32> -> vector<2560x96xf32>
    %add3A_82 = arith.addf %add3A_73, %dot_general3A_81 : vector<2560x96xf32>
    %add3A_83 = vector.broadcast %add3A_60 : vector<1x96xf32> to vector<2560x96xf32>
    %add3A_84 = arith.addf %add3A_82, %add3A_83 : vector<2560x96xf32>
    %max3A_85 = arith.constant 0.000000e+00 : f32
    %max3A_86 = vector.broadcast %max3A_85 : f32 to vector<2560x96xf32>
    %max3A_87 = arith.maximumf %add3A_84, %max3A_86 : vector<2560x96xf32>
    %convert_element_type3A_88 = arith.truncf %max3A_87 : vector<2560x96xf32> to vector<2560x96xbf16>
    %get3A_89 = arith.constant 0 : index
    %get3A_90 = arith.constant 0 : index
    %get3A_91 = vector.load %arg10[%get3A_89, %get3A_90] : memref<96x288xf32, #tpu.memory_space<vmem>>, vector<96x288xf32>
    %convert_element_type3A_92 = arith.truncf %get3A_91 : vector<96x288xf32> to vector<96x288xbf16>
    %dot_general3A_93 = arith.constant dense<0.000000e+00> : vector<2560x288xf32>
    %dot_general3A_94 = tpu.matmul %convert_element_type3A_88, %convert_element_type3A_92, %dot_general3A_93 {dimension_numbers = #tpu.dot_dimension_numbers<[1], [0], [0], [1], [0, 0, 1, 1], [], []>, transpose_lhs_hint = false} : vector<2560x96xbf16>, vector<96x288xbf16>, vector<2560x288xf32> -> vector<2560x288xf32>
    %get3A_95 = arith.constant 0 : index
    %get3A_96 = arith.constant 0 : index
    %get3A_97 = vector.load %arg11[%get3A_95, %get3A_96] : memref<1x288xf32, #tpu.memory_space<vmem>>, vector<1x288xf32>
    %add3A_98 = vector.broadcast %get3A_97 : vector<1x288xf32> to vector<2560x288xf32>
    %add3A_99 = arith.addf %dot_general3A_94, %add3A_98 : vector<2560x288xf32>
    %get3A_100 = arith.constant 0 : index
    %get3A_101 = arith.constant 0 : index
    %get3A_102 = vector.load %arg12[%get3A_100, %get3A_101] : memref<32x288xf32, #tpu.memory_space<vmem>>, vector<32x288xf32>
    %convert_element_type3A_103 = arith.truncf %get3A_102 : vector<32x288xf32> to vector<32x288xbf16>
    %dot_general3A_104 = arith.constant dense<0.000000e+00> : vector<2560x288xf32>
    %dot_general3A_105 = tpu.matmul %convert_element_type3A_64, %convert_element_type3A_103, %dot_general3A_104 {dimension_numbers = #tpu.dot_dimension_numbers<[1], [0], [0], [1], [0, 0, 1, 1], [], []>, transpose_lhs_hint = false} : vector<2560x32xbf16>, vector<32x288xbf16>, vector<2560x288xf32> -> vector<2560x288xf32>
    %mul3A_106 = arith.mulf %dot_general3A_105, %add3A_21 : vector<2560x288xf32>
    %mul3A_107 = arith.mulf %mul3A_106, %add3A_99 : vector<2560x288xf32>
    %convert_element_type3A_108 = arith.truncf %mul3A_107 : vector<2560x288xf32> to vector<2560x288xbf16>
    %get3A_109 = arith.constant 0 : index
    %get3A_110 = arith.constant 0 : index
    %get3A_111 = vector.load %arg16[%get3A_109, %get3A_110] : memref<288x32xf32, #tpu.memory_space<vmem>>, vector<288x32xf32>
    %convert_element_type3A_112 = arith.truncf %get3A_111 : vector<288x32xf32> to vector<288x32xbf16>
    %dot_general3A_113 = arith.constant dense<0.000000e+00> : vector<2560x32xf32>
    %dot_general3A_114 = tpu.matmul %convert_element_type3A_108, %convert_element_type3A_112, %dot_general3A_113 {dimension_numbers = #tpu.dot_dimension_numbers<[1], [0], [0], [1], [0, 0, 1, 1], [], []>, transpose_lhs_hint = false} : vector<2560x288xbf16>, vector<288x32xbf16>, vector<2560x32xf32> -> vector<2560x32xf32>
    %swap3A = arith.constant 0 : index
    %swap3A_115 = arith.constant 0 : index
    %swap3A_116 = vector.load %arg17[%swap3A, %swap3A_115] : memref<2560x32xf32, #tpu.memory_space<vmem>>, vector<2560x32xf32>
    tpu.vector_store %arg17[%swap3A, %swap3A_115], %dot_general3A_114 {strides = array<i32>} : memref<2560x32xf32, #tpu.memory_space<vmem>>, vector<2560x32xf32>,
    return
  }
  func.func @transform_0(%arg0: i32) -> (i32, i32) {
    %c0_i32 = arith.constant 0 : i32
    %c0_i32_0 = arith.constant 0 : i32
    return %c0_i32, %arg0 : i32, i32
  }
  func.func @transform_1(%arg0: i32) -> (i32, i32) {
    %add3A = arith.constant 0 : i32
    %add3A_0 = arith.addi %arg0, %add3A : i32
    %c0_i32 = arith.constant 0 : i32
    %c0_i32_1 = arith.constant 0 : i32
    return %add3A_0, %c0_i32 : i32, i32
  }
  func.func @transform_2(%arg0: i32) -> (i32, i32) {
    %add3A = arith.constant 125 : i32
    %add3A_0 = arith.addi %arg0, %add3A : i32
    %c0_i32 = arith.constant 0 : i32
    %c0_i32_1 = arith.constant 0 : i32
    return %add3A_0, %c0_i32 : i32, i32
  }
  func.func @transform_3(%arg0: i32) -> (i32, i32) {
    %c0_i32 = arith.constant 0 : i32
    %c0_i32_0 = arith.constant 0 : i32
    %c0_i32_1 = arith.constant 0 : i32
    return %c0_i32, %c0_i32_0 : i32, i32
  }
  func.func @transform_4(%arg0: i32) -> (i32, i32) {
    %c0_i32 = arith.constant 0 : i32
    %c0_i32_0 = arith.constant 0 : i32
    %c0_i32_1 = arith.constant 0 : i32
    return %c0_i32, %c0_i32_0 : i32, i32
  }
  func.func @transform_5(%arg0: i32) -> (i32, i32) {
    %c0_i32 = arith.constant 0 : i32
    %c0_i32_0 = arith.constant 0 : i32
    %c0_i32_1 = arith.constant 0 : i32
    return %c0_i32, %c0_i32_0 : i32, i32
  }
  func.func @transform_6(%arg0: i32) -> (i32, i32) {
    %c0_i32 = arith.constant 0 : i32
    %c0_i32_0 = arith.constant 0 : i32
    %c0_i32_1 = arith.constant 0 : i32
    return %c0_i32, %c0_i32_0 : i32, i32
  }
  func.func @transform_7(%arg0: i32) -> (i32, i32) {
    %c0_i32 = arith.constant 0 : i32
    %c0_i32_0 = arith.constant 0 : i32
    %c0_i32_1 = arith.constant 0 : i32
    return %c0_i32, %c0_i32_0 : i32, i32
  }
  func.func @transform_8(%arg0: i32) -> (i32, i32) {
    %c0_i32 = arith.constant 0 : i32
    %c0_i32_0 = arith.constant 0 : i32
    %c0_i32_1 = arith.constant 0 : i32
    return %c0_i32, %c0_i32_0 : i32, i32
  }
  func.func @transform_9(%arg0: i32) -> (i32, i32) {
    %c0_i32 = arith.constant 0 : i32
    %c0_i32_0 = arith.constant 0 : i32
    %c0_i32_1 = arith.constant 0 : i32
    return %c0_i32, %c0_i32_0 : i32, i32
  }
  func.func @transform_10(%arg0: i32) -> (i32, i32) {
    %c0_i32 = arith.constant 0 : i32
    %c0_i32_0 = arith.constant 0 : i32
    %c0_i32_1 = arith.constant 0 : i32
    return %c0_i32, %c0_i32_0 : i32, i32
  }
  func.func @transform_11(%arg0: i32) -> (i32, i32) {
    %c0_i32 = arith.constant 0 : i32
    %c0_i32_0 = arith.constant 0 : i32
    %c0_i32_1 = arith.constant 0 : i32
    return %c0_i32, %c0_i32_0 : i32, i32
  }
  func.func @transform_12(%arg0: i32) -> (i32, i32) {
    %c0_i32 = arith.constant 0 : i32
    %c0_i32_0 = arith.constant 0 : i32
    %c0_i32_1 = arith.constant 0 : i32
    return %c0_i32, %c0_i32_0 : i32, i32
  }
  func.func @transform_13(%arg0: i32) -> (i32, i32) {
    %c0_i32 = arith.constant 0 : i32
    %c0_i32_0 = arith.constant 0 : i32
    %c0_i32_1 = arith.constant 0 : i32
    return %c0_i32, %c0_i32_0 : i32, i32
  }
  func.func @transform_14(%arg0: i32) -> (i32, i32) {
    %c0_i32 = arith.constant 0 : i32
    %c0_i32_0 = arith.constant 0 : i32
    %c0_i32_1 = arith.constant 0 : i32
    return %c0_i32, %c0_i32_0 : i32, i32
  }
  func.func @transform_15(%arg0: i32) -> (i32, i32) {
    %c0_i32 = arith.constant 0 : i32
    %c0_i32_0 = arith.constant 0 : i32
    %c0_i32_1 = arith.constant 0 : i32
    return %c0_i32, %c0_i32_0 : i32, i32
  }
  func.func @transform_16(%arg0: i32) -> (i32, i32) {
    %c0_i32 = arith.constant 0 : i32
    %c0_i32_0 = arith.constant 0 : i32
    return %arg0, %c0_i32 : i32, i32
  }
}

module attributes {stable_mosaic.version = 14 : i64} {
  func.func @_fin_body(%arg0: memref<2x10000x32xf32, #tpu.memory_space<vmem>>, %arg1: memref<2x10000x32xf32, #tpu.memory_space<vmem>>, %arg2: memref<10000x32xf32, #tpu.memory_space<vmem>>, %arg3: memref<32x32xf32, #tpu.memory_space<vmem>>, %arg4: memref<32x1xf32, #tpu.memory_space<vmem>>, %arg5: memref<10000x1xf32, #tpu.memory_space<vmem>>) attributes {dimension_semantics = [], scalar_prefetch = 0 : i64, scratch_operands = 0 : i64, tpu.core_type = #tpu.core_type<tc>} {
    %get3A = arith.constant 0 : index
    %get3A_0 = arith.constant 0 : index
    %get3A_1 = arith.constant 0 : index
    %get3A_2 = vector.load %arg0[%get3A, %get3A_0, %get3A_1] : memref<2x10000x32xf32, #tpu.memory_space<vmem>>, vector<1x10000x32xf32>
    %get3A_3 = vector.shape_cast %get3A_2 : vector<1x10000x32xf32> to vector<10000x32xf32>
    %get3A_4 = arith.constant 1 : index
    %get3A_5 = arith.constant 0 : index
    %get3A_6 = arith.constant 0 : index
    %get3A_7 = vector.load %arg0[%get3A_4, %get3A_5, %get3A_6] : memref<2x10000x32xf32, #tpu.memory_space<vmem>>, vector<1x10000x32xf32>
    %get3A_8 = vector.shape_cast %get3A_7 : vector<1x10000x32xf32> to vector<10000x32xf32>
    %add3A = arith.addf %get3A_3, %get3A_8 : vector<10000x32xf32>
    %get3A_9 = arith.constant 0 : index
    %get3A_10 = arith.constant 0 : index
    %get3A_11 = arith.constant 0 : index
    %get3A_12 = vector.load %arg1[%get3A_9, %get3A_10, %get3A_11] : memref<2x10000x32xf32, #tpu.memory_space<vmem>>, vector<1x10000x32xf32>
    %get3A_13 = vector.shape_cast %get3A_12 : vector<1x10000x32xf32> to vector<10000x32xf32>
    %get3A_14 = arith.constant 1 : index
    %get3A_15 = arith.constant 0 : index
    %get3A_16 = arith.constant 0 : index
    %get3A_17 = vector.load %arg1[%get3A_14, %get3A_15, %get3A_16] : memref<2x10000x32xf32, #tpu.memory_space<vmem>>, vector<1x10000x32xf32>
    %get3A_18 = vector.shape_cast %get3A_17 : vector<1x10000x32xf32> to vector<10000x32xf32>
    %add3A_19 = arith.addf %get3A_13, %get3A_18 : vector<10000x32xf32>
    %add3A_20 = arith.addf %add3A, %add3A_19 : vector<10000x32xf32>
    %get3A_21 = arith.constant 0 : index
    %get3A_22 = arith.constant 0 : index
    %get3A_23 = vector.load %arg2[%get3A_21, %get3A_22] : memref<10000x32xf32, #tpu.memory_space<vmem>>, vector<10000x32xf32>
    %add3A_24 = arith.addf %add3A_20, %get3A_23 : vector<10000x32xf32>
    %get3A_25 = arith.constant 0 : index
    %get3A_26 = arith.constant 0 : index
    %get3A_27 = vector.load %arg3[%get3A_25, %get3A_26] : memref<32x32xf32, #tpu.memory_space<vmem>>, vector<32x32xf32>
    %dot_general3A = arith.constant dense<0.000000e+00> : vector<10000x32xf32>
    %dot_general3A_28 = tpu.matmul %add3A_24, %get3A_27, %dot_general3A {dimension_numbers = #tpu.dot_dimension_numbers<[1], [0], [0], [1], [0, 0, 1, 1], [], []>, transpose_lhs_hint = false} : vector<10000x32xf32>, vector<32x32xf32>, vector<10000x32xf32> -> vector<10000x32xf32>
    %max3A = arith.constant 0.000000e+00 : f32
    %max3A_29 = vector.broadcast %max3A : f32 to vector<10000x32xf32>
    %max3A_30 = arith.maximumf %dot_general3A_28, %max3A_29 : vector<10000x32xf32>
    %get3A_31 = arith.constant 0 : index
    %get3A_32 = arith.constant 0 : index
    %get3A_33 = vector.load %arg4[%get3A_31, %get3A_32] : memref<32x1xf32, #tpu.memory_space<vmem>>, vector<32x1xf32>
    %dot_general3A_34 = arith.constant dense<0.000000e+00> : vector<10000x1xf32>
    %dot_general3A_35 = tpu.matmul %max3A_30, %get3A_33, %dot_general3A_34 {dimension_numbers = #tpu.dot_dimension_numbers<[1], [0], [0], [1], [0, 0, 1, 1], [], []>, transpose_lhs_hint = false} : vector<10000x32xf32>, vector<32x1xf32>, vector<10000x1xf32> -> vector<10000x1xf32>
    %swap3A = arith.constant 0 : index
    %swap3A_36 = arith.constant 0 : index
    %swap3A_37 = vector.load %arg5[%swap3A, %swap3A_36] : memref<10000x1xf32, #tpu.memory_space<vmem>>, vector<10000x1xf32>
    tpu.vector_store %arg5[%swap3A, %swap3A_36], %dot_general3A_35 {strides = array<i32>} : memref<10000x1xf32, #tpu.memory_space<vmem>>, vector<10000x1xf32>,
    return
  }
}

</mosaic_0001>

<sc_bundles>
// kernel: kernel.10.cloned.1.call-start
scs
__scs_entry_jumppad:
0x0: {  	(pc) =	sbr.rel $0x88, $3  }
0x1: {  	(tag) =	ssettag $0x0;
	lr =	simm.s32 $0x1  }
0x2: {  	[smem:$0x3F7F] =	sst lr;
	_ =	strace $0xD0000000  }
0x3: {  	_ = 	snop  }
0x4: {  	_ = 	snop  }
0x5: {  	_ = 	snop  }
0x6: {  	_ = 	snop  }
0x7: {  	_ = 	snop  }
__scs_overlays_trampoline_lowered:
0x8: {  	[smem:$0x3F8E] =	sst s0  }
0x9: {  	[smem:$0x3F8F] =	sst s1  }
0xa: {  	[smem:$0x3F90] =	sst s2  }
0xb: {  	[smem:$0x3F91] =	sst s3  }
0xc: {  	[smem:$0x3F92] =	sst s4  }
0xd: {  	[smem:$0x3F93] =	sst s5  }
0xe: {  	[smem:$0x3F94] =	sst s6  }
0xf: {  	[smem:$0x3F95] =	sst s7  }
0x10: {  	[smem:$0x3F96] =	sst s8  }
0x11: {  	[smem:$0x3F97] =	sst s9;
	s0 =	simm.s32 @!p0 $0x0  }
0x12: {  	s1 =	sld [smem:$0x3F7D];
	s0 =	simm.s32 @p0 $0x1  }
0x13: {  	[smem:$0x3F98] =	sst s0;
	s0 =	simm.s32 @!p1 $0x0  }
0x14: {  	s2 =	sld [smem:$0x3F7C];
	s0 =	simm.s32 @p1 $0x1  }
0x15: {  	[smem:$0x3F99] =	sst s0;
	s0 =	simm.s32 @!p2 $0x0  }
0x16: {  	s3 =	sld [smem:$0x3FDB];
	s0 =	simm.s32 @p2 $0x1  }
0x17: {  	s4 =	simm.s32 $0x1BF5;
	[smem:$0x3F9B] =	sst s0  }
0x18: {  	s0 =	sld [smem:$0x3F7E];
	_ =	swait.ge [sflag:s4], $0x0  }
0x19: {  	s7 =	sld [smem:$0x3F7F]  }
0x1a: {  	s8 =	sadd.s32 $0xFFFFE003, lr  }
0x1b: {  	s9 =	sadd.s32 $0xFFFFFEF7, lr;
	s5 =	simm.s32 $0xFFFFFFFF;
	p2 =	slt.u32 s8, $0xFFFFF086  }
0x1c: {  	p1 =	slt.u32 s9, $0xF7A;
	s5 =	simm.s32 @!p2 $0x0  }
0x1d: {  	s5 =	simm.s32 @p1 $0x1;
	p0 =	seq.s32 s7, s2  }
0x1e: {  	s7 =	smul.u32 @!p0 $0xF7A, s2;
	p2 =	seq.s32 @!p0 s5, $0x0  }
0x1f: {  	s9 =	smul.u32 $0xF7A, s1;
	s8 =	simm.s32 @!p0 $0x1BF5;
	p2 =	por !p2, p0  }
0x20: {  	[sflag:s8] =	ssyncset.s32 @!p0 $0xFFFFF086;
	s6 =	sadd.s32 @!p0 s3, s7;
	s7 =	simm.s32 @!p0 $0x108  }
0x21: {  	s3 =	sadd.s32 s3, s9;
	s6 =	sadd.s32 @!p0 $0x88, s6;
	s7 =	simm.s32 @p2 $0x1082  }
0x22: {  	[simem:s7], [sflag:s8] =	dma.local @!p0 [hbm:s6], $0xF7A  }
0x23: {  	s9 =	sor.u32 $0xD0000000, s2;
	s6 =	simm.s32 $0x108;
	_ =	swait.ge @!p0 [sflag:s8], $0x0  }
0x24: {  	s3 =	sadd.s32 $0x88, s3;
	s6 =	simm.s32 @!p1 $0x1082;
	[sflag:s4] =	ssyncset.s32 $0xFFFFF086  }
0x25: {  	[simem:s6], [sflag:s4] =	dma.local [hbm:s3], $0xF7A  }
0x26: {  	[smem:$0x3F7F] =	sst s1;
	(tag) =	ssettag s2;
	_ =	strace s9  }
0x27: {  	s1 =	sld [smem:$0x3F8F]  }
0x28: {  	s2 =	sld [smem:$0x3F90]  }
0x29: {  	s4 =	sld [smem:$0x3F92]  }
0x2a: {  	p0 =	seq.s32 s5, $0x0;
	s5 =	sld [smem:$0x3F93]  }
0x2b: {  	s6 =	sld [smem:$0x3F94]  }
0x2c: {  	s7 =	sld [smem:$0x3F95]  }
0x2d: {  	s3 =	simm.s32 $0x108;
	s8 =	sld [smem:$0x3F96]  }
0x2e: {  	s3 =	simm.s32 @!p0 $0x1082;
	s9 =	sld [smem:$0x3F97]  }
0x2f: {  	lr =	sadd.s32 s0, s3;
	s0 =	sld [smem:$0x3F8E]  }
0x30: {  	s3 =	sld [smem:$0x3F91]  }
0x31: {  	[smem:$0x3F9A] =	sst s10  }
0x32: {  	s10 =	sld [smem:$0x3F98];
	_ =	sdelay $0x3  }
0x33: {  	p0 =	seq.s32 s10, $0x1;
	s10 =	sld [smem:$0x3F9A];
	_ =	sdelay $0x3  }
0x34: {  	[smem:$0x3F9A] =	sst s10  }
0x35: {  	s10 =	sld [smem:$0x3F99];
	_ =	sdelay $0x3  }
0x36: {  	p1 =	seq.s32 s10, $0x1;
	s10 =	sld [smem:$0x3F9A];
	_ =	sdelay $0x3  }
0x37: {  	[smem:$0x3F9A] =	sst s10  }
0x38: {  	s10 =	sld [smem:$0x3F9B]  }
0x39: {  	_ = 	snop;
	(pc) =	sbr.ind lr, $3  }
0x3a: {  	_ = 	snop  }
0x3b: {  	_ = 	snop  }
0x3c: {  	p2 =	seq.s32 s10, $0x1;
	s10 =	sld [smem:$0x3F9A]  }
0x3d: {  	_ =	shalt  }
0x3e: {  	_ =	shalt  }
0x3f: {  	_ =	shalt  }
0x40: {  	_ =	shalt  }
0x41: {  	_ =	shalt  }
0x42: {  	_ =	shalt  }
0x43: {  	_ =	shalt  }
0x44: {  	_ =	shalt  }
0x45: {  	_ =	shalt  }
0x46: {  	_ =	shalt  }
0x47: {  	_ =	shalt  }
0x48: {  	_ =	shalt  }
0x49: {  	_ =	shalt  }
0x4a: {  	_ =	shalt  }
0x4b: {  	_ =	shalt  }
0x4c: {  	_ =	shalt  }
0x4d: {  	_ =	shalt  }
0x4e: {  	_ =	shalt  }
0x4f: {  	_ =	shalt  }
0x50: {  	_ =	shalt  }
0x51: {  	_ =	shalt  }
0x52: {  	_ =	shalt  }
0x53: {  	_ =	shalt  }
0x54: {  	_ =	shalt  }
0x55: {  	_ =	shalt  }
0x56: {  	_ =	shalt  }
0x57: {  	_ =	shalt  }
0x58: {  	_ =	shalt  }
0x59: {  	_ =	shalt  }
0x5a: {  	_ =	shalt  }
0x5b: {  	_ =	shalt  }
0x5c: {  	_ =	shalt  }
0x5d: {  	_ =	shalt  }
0x5e: {  	_ =	shalt  }
0x5f: {  	_ =	shalt  }
0x60: {  	_ =	shalt  }
0x61: {  	_ =	shalt  }
0x62: {  	_ =	shalt  }
0x63: {  	_ =	shalt  }
0x64: {  	_ =	shalt  }
0x65: {  	_ =	shalt  }
0x66: {  	_ =	shalt  }
0x67: {  	_ =	shalt  }
0x68: {  	_ =	shalt  }
0x69: {  	_ =	shalt  }
0x6a: {  	_ =	shalt  }
0x6b: {  	_ =	shalt  }
0x6c: {  	_ =	shalt  }
0x6d: {  	_ =	shalt  }
0x6e: {  	_ =	shalt  }
0x6f: {  	_ =	shalt  }
0x70: {  	_ =	shalt  }
0x71: {  	_ =	shalt  }
0x72: {  	_ =	shalt  }
0x73: {  	_ =	shalt  }
0x74: {  	_ =	shalt  }
0x75: {  	_ =	shalt  }
0x76: {  	_ =	shalt  }
0x77: {  	_ =	shalt  }
0x78: {  	_ =	shalt  }
0x79: {  	_ =	shalt  }
0x7a: {  	_ =	shalt  }
0x7b: {  	_ =	shalt  }
0x7c: {  	_ =	shalt  }
0x7d: {  	_ =	shalt  }
0x7e: {  	_ =	shalt  }
0x7f: {  	_ =	shalt  }
0x80: {  	_ =	shalt  }
0x81: {  	_ =	shalt  }
0x82: {  	_ =	shalt  }
0x83: {  	_ =	shalt  }
0x84: {  	_ =	shalt  }
0x85: {  	_ =	shalt  }
0x86: {  	_ =	shalt  }
0x87: {  	_ =	shalt  }
.Lfunc_end0:
.L_simem_size_0:
called_computation_lowered:
.L_overlay_start_0:
0x88: {  	s2 =	sld [smem:$0x3FD9]  }
0x89: {  	s3 =	sld [smem:$0x3FFE];
	_ =	sdelay $0x1  }
0x8a: {  	s1 =	srdreg.scid  }
0x8b: {  	s0 =	sand.u32 $0x1, s1  }
0x8c: {  	s17 =	sshll.u32 s0, $0xA;
	s2 =	sadd.s32 s3, s2  }
0x8d: {  	s2 =	sadd.s32 s2, s17  }
0x8e: {  	[smem:$0x3FA6] =	sst s2  }
0x8f: {  	_ = 	snop  }
0x90: {  	s2 =	sld [smem:$0x3FC7]  }
0x91: {  	s18 =	sld [smem:$0x3FC6];
	(tm) =	ssettm $0x1  }
0x92: {  	s4 =	sld [smem:$0x3FFB];
	_ =	sdelay $0x3  }
0x93: {  	_ =	strace s4  }
0x94: {  	s4 =	sld [smem:$0x3FFC];
	_ =	sdelay $0x3  }
0x95: {  	_ =	strace s4  }
0x96: {  	s4 =	sld [smem:$0x3FFD];
	_ =	sdelay $0x3  }
0x97: {  	_ =	strace s4  }
0x98: {  	_ =	strace $0x8FFFFFFF  }
0x99: {  	s19 =	sld [smem:$0x3FDB];
	_ =	sdelay $0x1  }
0x9a: {  	s5 =	simm.s32 $_scs_section_size  }
0x9b: {  	s6 =	simm.s32 $_size__tile_overlayer_lowered;
	s7 =	simm.s32 $_tile_overlayer_lowered  }
0x9c: {  	s22 =	simm.s32 $0x1BFF;
	s21 =	sshll.u32 s7, $0x1;
	s4 =	sadd.s32 s5, s19  }
0x9d: {  	s8 =	simm.s32 $0x0;
	s20 =	sshll.u32 s6, $0x1;
	s6 =	sadd.s32 s21, s4  }
0x9e: {  	[timem:s8], [sflag:s22] =	dma.local [hbm:s6], s20  }
0x9f: {  	_ =	swait.ge [sflag:s22], s20  }
0xa0: {  	s5 =	ssub.s32 $0x0, s20;
	[sflag:s22] =	ssyncset.done $0x0  }
0xa1: {  	[sflag:s22] =	ssyncadd.s32 s5;
	_ =	sdelay $0x1  }
0xa2: {  	s23 =	simm.s32 $0x1B8B  }
0xa3: {  	_ =	swait.ge [sflag:s23], $0x1  }
0xa4: {  	[sflag:s23] =	ssyncset.done $0x0  }
0xa5: {  	s25 =	simm.s32 $0x1B8E;
	s24 =	sld [smem:$0x3FFE];
	[sflag:s23] =	ssyncadd.s32 $0xFFFFFFFF  }
0xa6: {  	s26 =	simm.s32 $execute0_lowered;
	[smem:$0x3FD2] =	sst s25  }
0xa7: {  	s6 =	sshll.u32 s26, $0x1;
	_ =	strace $0x80000046;
	[dreg:$0x1] =	wrdreg $0xFFFFFFFF  }
0xa8: {  	s28 =	simm.s32 $_size_execute0_lowered;
	s4 =	sadd.s32 s4, s6;
	[dreg:$0x0] =	wrdreg $0x0  }
0xa9: {  	s6 =	sshll.u32 s28, $0x1;
	[dreg:$0x2] =	wrdreg s4  }
0xaa: {  	[dreg:$0x3] =	wrdreg s6  }
0xab: {  	[dreg:$0x4] =	wrdreg $0xC0  }
0xac: {  	_ =	task [dreg:s8], $0x5FFFF  }
0xad: {  	[dreg:$0x1] =	wrdreg $0xFFFFFFFF  }
0xae: {  	[dreg:$0x0] =	wrdreg $0x60  }
0xaf: {  	[dreg:$0x2] =	wrdreg s24  }
0xb0: {  	[dreg:$0x3] =	wrdreg s2  }
0xb1: {  	[dreg:$0x4] =	wrdreg s18  }
0xb2: {  	[dreg:$0x5] =	wrdreg $0x9  }
0xb3: {  	_ =	task.clear_ibuf [dreg:s8], $0x6FFFF;
	_ =	strace $0x90000046  }
0xb4: {  	s29 =	simm.s32 $0x9;
	_ =	strace $0x80000048  }
0xb5: {  	_ =	swait.ge [sflag:s29], $0x1  }
0xb6: {  	[sflag:s29] =	ssyncadd.s32 $0xFFFFFFFF  }
0xb7: {  	_ =	strace $0x90000048  }
0xb8: {  	_ =	sfence  }
0xb9: {  	s30 =	sld [smem:$0x0];
	_ =	sdelay $0x2  }
0xba: {  	s31 =	sshll.u32 s1, $0xD;
	s1 =	sshrl.u32 s1, $0x2  }
0xbb: {  	s3 =	sand.u32 $0x4000, s31;
	s1 =	sadd.s32 s1, s30  }
0xbc: {  	s0 =	sor.u32 s3, s0;
	s1 =	sshll.u32 s1, $0x11  }
0xbd: {  	s0 =	sor.u32 s1, s0  }
0xbe: {  	s0 =	sadd.s32 $0x8F2B, s0  }
0xbf: {  	[sflag:s0] =	ssyncadd.remote.s32 $0x1  }
0xc0: {  	_ =	sfence.sel $0xFFFF  }
0xc1: {  	[dreg:$0x0] =	wrdreg $0xFFFFFFFF;
	(pc) =	sbr.abs _section_cstart, $3  }
0xc2: {  	[dreg:$0x1] =	wrdreg $0xFFFFFFFF  }
0xc3: {  	_ =	task.clear_ibuf [dreg:s8], $0x2FFFF;
	_ =	strace $0x9FFFFFFF  }
0xc4: {  	(tm) =	ssettm $0x7FFFFFFF  }
0xc5: {  	_ =	shalt  }
tec
execute0_lowered:
.L_overlay_start_1:
0x0: {  	(tag) =	ssettag $0x1  }
0x1: {  	s1 =	srdreg.scid;
	s2 =	stileid.u32  }
0x2: {  	s1 =	sand.u32 $0x1, s1;
	s2 =	sshll.u32 s2, $0x1  }
0x3: {  	s0 =	rddreg [dreg:$0x0];
	s5 =	sor.u32 s1, s2  }
0x4: {  	s3 =	rddreg [dreg:$0x1];
	s6 =	smul.u32 $0x4E2, s5  }
0x5: {  	s4 =	rddreg [dreg:$0x2];
	s2 =	simm.s32 $0x0;
	s7 =	smul.u32 $0x4E200, s5  }
0x6: {  	[smem:$0x7FF] =	sst s2;
	s8 =	smul.u32 $0x9C40, s5  }
0x7: {  	s9 =	sadd.s32 $0x70000, s0;
	_ =	strace $0x80000047;
	s3 =	sadd.s32 s3, s6  }
0x8: {  	s7 =	sshrl.u32 s7, $0x3;
	s20 =	sadd.s32 s9, s8;
	[dreg:$0x4] =	wrdreg s3  }
0x9: {  	s12 =	sadd.s32 s4, s6;
	s7 =	sadd.s32 s9, s7;
	[dreg:$0x5] =	wrdreg s20  }
0xa: {  	[dreg:$0xf] =	wrdreg s12;
	s21 =	sadd.s32 $0xFA0, s7  }
0xb: {  	s22 =	sadd.s32 $0x1F40, s7;
	[dreg:$0x6] =	wrdreg s21  }
0xc: {  	s23 =	sadd.s32 $0x2EE0, s7;
	[dreg:$0x7] =	wrdreg s22  }
0xd: {  	p0 =	por $0x0, $0x0;
	s24 =	sadd.s32 $0x3E80, s7;
	[dreg:$0x8] =	wrdreg s23  }
0xe: {  	s31 =	simm.s32 $0xFA0;
	s25 =	sadd.s32 $0x4E20, s7;
	[dreg:$0x9] =	wrdreg s24  }
0xf: {  	s29 =	simm.s32 $0x1388;
	s26 =	sadd.s32 $0x5DC0, s7;
	[dreg:$0xa] =	wrdreg s25  }
0x10: {  	s28 =	simm.s32 $0x1770;
	s8 =	sadd.s32 $0x6D60, s7;
	[dreg:$0xb] =	wrdreg s26  }
0x11: {  	s30 =	sadd.s32 $0x3F200, s0;
	s10 =	sadd.s32 $0x7D00, s7;
	[dreg:$0xc] =	wrdreg s8  }
0x12: {  	s1 =	ssub.s32 $0x2, s1;
	s11 =	sadd.s32 $0x8CA0, s7;
	[dreg:$0xd] =	wrdreg s10  }
0x13: {  	s15 =	smul.u32 $0x1F4, s5;
	s13 =	sadd.s32 $0x138800, s7;
	[dreg:$0xe] =	wrdreg s11  }
0x14: {  	s5 =	smul.u32 $0x1F400, s5;
	s14 =	sadd.s32 $0x1397A0, s7;
	[dreg:$0x10] =	wrdreg s13  }
0x15: {  	s6 =	simm.s32 $0xA410;
	s16 =	sadd.s32 $0x13A740, s7;
	[dreg:$0x11] =	wrdreg s14  }
0x16: {  	s3 =	sadd.s32 $0x35400, s0;
	s17 =	sadd.s32 $0x13B6E0, s7;
	[dreg:$0x12] =	wrdreg s16  }
0x17: {  	s0 =	sadd.s32 s15, s0;
	s18 =	sadd.s32 $0x13C680, s7;
	[dreg:$0x13] =	wrdreg s17  }
0x18: {  	s15 =	simm.s32 $0xBB8;
	s19 =	sadd.s32 $0x13D620, s7;
	[dreg:$0x14] =	wrdreg s18  }
0x19: {  	s20 =	sadd.s32 $0x13E5C0, s7;
	[dreg:$0x15] =	wrdreg s19;
	s21 =	sshrl.u32 s1, $0x1  }
0x1a: {  	[dreg:$0x16] =	wrdreg s20;
	s22 =	sadd.s32 $0x13F560, s7;
	s24 =	sadd.s32 $0x140500, s7  }
0x1b: {  	s23 =	sshrl.u32 s5, $0x3;
	s25 =	sadd.s32 $0x1414A0, s7;
	s17 =	sadd.s32 $0xA200, s0  }
0x1c: {  	s19 =	simm.s32 $0x5;
	s10 =	simm.s32 $0x2710;
	s13 =	simm.s32 $0x1  }
0x1d: {  	s11 =	simm.s32 $0x2;
	s8 =	simm.s32 $0x3;
	s16 =	simm.s32 $0x7D0  }
0x1e: {  	s7 =	simm.s32 $0x4;
	s1 =	ssub.s32 s1, s21;
	s4 =	sadd.s32 s9, s23  }
0x1f: {  	s23 =	sadd.s32 $0x6200, s0;
	[dreg:$0x18] =	wrdreg s24;
	s26 =	smax.u32 s1, $0x1  }
0x20: {  	[dreg:$0x19] =	wrdreg s25;
	s9 =	simm.s32 $0x3E8;
	p1 =	sne.s32 s26, $0x1  }
.Ltmp0:
0x21: {  	s25 =	simm.s32 $0x1F40;
	s24 =	simm.s32 $0x2328;
	(pc) =	sbr.rel @!p1 .LBB2_3-.Ltmp0, $4  }
0x22: {  	[dreg:$0x17] =	wrdreg s22;
	s21 =	sadd.s32 $0x271FA0, s4;
	s20 =	sadd.s32 $0x272F40, s4  }
0x23: {  	s22 =	sadd.s32 $0x271000, s4;
	s18 =	sadd.s32 $0x273EE0, s4;
	s14 =	sadd.s32 $0x2EE000, s4  }
0x24: {  	s0 =	rddreg [dreg:$0x4];
	s12 =	sadd.s32 $0x2EEFA0, s4;
	s5 =	sadd.s32 $0x2EFF40, s4  }
0x25: {  	s4 =	sadd.s32 $0x2F0EE0, s4;
	s1 =	sadd.s32 $0xFFFFFFFF, s26;
	s26 =	simm.s32 $0x1B58  }
0x26: {  	[tilespmem:s2], [sflag:$0x5] =	stream.linear.gather [hbm4b:s0+s2], $0x2710, $0x38;
	[tilespmem:$0x12110] =	vst v63  }
0x27: {  	_ =	swait.ge [sflag:s19], $0x2710  }
0x28: {  	[sflag:s19] =	ssyncset.done $0x0  }
0x29: {  	[sflag:s19] =	ssyncadd.s32 $0xFFFFD8F0  }
0x2a: {  	[tilespmem:s10], [sflag:$0x1] =	stream.indirect.gather [hbm4b:s30+s9], $0x20, s2, s9, $0xb8;
	[tilespmem:$0x12110] =	vst v63  }
0x2b: {  	_ =	swait.ge [sflag:s13], $0x7D00  }
0x2c: {  	[sflag:s13] =	ssyncset.done $0x0  }
0x2d: {  	[sflag:s13] =	ssyncadd.s32 $0xFFFF8300  }
0x2e: {  	[tilespmem:s6], [sflag:$0x2] =	stream.indirect.gather [hbm4b:s30+s9], $0x20, s9, s9, $0xb8;
	[tilespmem:$0x12110] =	vst v63  }
0x2f: {  	s0 =	rddreg [dreg:$0x5]  }
0x30: {  	[hbm4b:s0+s2] =	stream.linear.scatter [tilespmem:s10], [sflag:$0x3], $0x7D00, $0x38;
	[tilespmem:$0x12110] =	vst v63  }
0x31: {  	_ =	swait.ge [sflag:s11], $0x7D00  }
0x32: {  	[sflag:s11] =	ssyncset.done $0x0  }
0x33: {  	[sflag:s11] =	ssyncadd.s32 $0xFFFF8300  }
0x34: {  	_ =	swait.ge [sflag:s8], $0x7D00  }
0x35: {  	[sflag:s8] =	ssyncset.done $0x0  }
0x36: {  	[sflag:s8] =	ssyncadd.s32 $0xFFFF8300  }
0x37: {  	[tilespmem:s10], [sflag:$0x1] =	stream.indirect.gather [hbm4b:s30+s9], $0x20, s16, s9, $0xb8;
	[tilespmem:$0x12110] =	vst v63  }
0x38: {  	s0 =	rddreg [dreg:$0x6]  }
0x39: {  	[hbm4b:s0+s2] =	stream.linear.scatter [tilespmem:s6], [sflag:$0x4], $0x7D00, $0x38;
	[tilespmem:$0x12110] =	vst v63  }
0x3a: {  	_ =	swait.ge [sflag:s13], $0x7D00  }
0x3b: {  	[sflag:s13] =	ssyncset.done $0x0  }
0x3c: {  	[sflag:s13] =	ssyncadd.s32 $0xFFFF8300  }
0x3d: {  	_ =	swait.ge [sflag:s7], $0x7D00  }
0x3e: {  	[sflag:s7] =	ssyncset.done $0x0  }
0x3f: {  	[sflag:s7] =	ssyncadd.s32 $0xFFFF8300  }
0x40: {  	[tilespmem:s6], [sflag:$0x2] =	stream.indirect.gather [hbm4b:s30+s9], $0x20, s15, s9, $0xb8;
	[tilespmem:$0x12110] =	vst v63  }
0x41: {  	s0 =	rddreg [dreg:$0x7]  }
0x42: {  	[hbm4b:s0+s2] =	stream.linear.scatter [tilespmem:s10], [sflag:$0x3], $0x7D00, $0x38;
	[tilespmem:$0x12110] =	vst v63  }
0x43: {  	_ =	swait.ge [sflag:s11], $0x7D00  }
0x44: {  	[sflag:s11] =	ssyncset.done $0x0  }
0x45: {  	[sflag:s11] =	ssyncadd.s32 $0xFFFF8300  }
0x46: {  	_ =	swait.ge [sflag:s8], $0x7D00  }
0x47: {  	[sflag:s8] =	ssyncset.done $0x0  }
0x48: {  	[sflag:s8] =	ssyncadd.s32 $0xFFFF8300  }
0x49: {  	[tilespmem:s10], [sflag:$0x1] =	stream.indirect.gather [hbm4b:s30+s9], $0x20, s31, s9, $0xb8;
	[tilespmem:$0x12110] =	vst v63  }
0x4a: {  	s0 =	rddreg [dreg:$0x8]  }
0x4b: {  	[hbm4b:s0+s2] =	stream.linear.scatter [tilespmem:s6], [sflag:$0x4], $0x7D00, $0x38;
	[tilespmem:$0x12110] =	vst v63  }
0x4c: {  	_ =	swait.ge [sflag:s13], $0x7D00  }
0x4d: {  	[sflag:s13] =	ssyncset.done $0x0  }
0x4e: {  	[sflag:s13] =	ssyncadd.s32 $0xFFFF8300  }
0x4f: {  	_ =	swait.ge [sflag:s7], $0x7D00  }
0x50: {  	[sflag:s7] =	ssyncset.done $0x0  }
0x51: {  	[sflag:s7] =	ssyncadd.s32 $0xFFFF8300  }
0x52: {  	[tilespmem:s6], [sflag:$0x2] =	stream.indirect.gather [hbm4b:s30+s9], $0x20, s29, s9, $0xb8;
	[tilespmem:$0x12110] =	vst v63  }
0x53: {  	s0 =	rddreg [dreg:$0x9]  }
0x54: {  	[hbm4b:s0+s2] =	stream.linear.scatter [tilespmem:s10], [sflag:$0x3], $0x7D00, $0x38;
	[tilespmem:$0x12110] =	vst v63  }
0x55: {  	_ =	swait.ge [sflag:s11], $0x7D00  }
0x56: {  	[sflag:s11] =	ssyncset.done $0x0  }
0x57: {  	[sflag:s11] =	ssyncadd.s32 $0xFFFF8300  }
0x58: {  	_ =	swait.ge [sflag:s8], $0x7D00  }
0x59: {  	[sflag:s8] =	ssyncset.done $0x0  }
0x5a: {  	[sflag:s8] =	ssyncadd.s32 $0xFFFF8300  }
0x5b: {  	[tilespmem:s10], [sflag:$0x1] =	stream.indirect.gather [hbm4b:s30+s9], $0x20, s28, s9, $0xb8;
	[tilespmem:$0x12110] =	vst v63  }
0x5c: {  	s0 =	rddreg [dreg:$0xa]  }
0x5d: {  	[hbm4b:s0+s2] =	stream.linear.scatter [tilespmem:s6], [sflag:$0x4], $0x7D00, $0x38;
	[tilespmem:$0x12110] =	vst v63  }
0x5e: {  	_ =	swait.ge [sflag:s13], $0x7D00  }
0x5f: {  	[sflag:s13] =	ssyncset.done $0x0  }
0x60: {  	[sflag:s13] =	ssyncadd.s32 $0xFFFF8300  }
0x61: {  	_ =	swait.ge [sflag:s7], $0x7D00  }
0x62: {  	[sflag:s7] =	ssyncset.done $0x0  }
0x63: {  	[sflag:s7] =	ssyncadd.s32 $0xFFFF8300  }
0x64: {  	[tilespmem:s6], [sflag:$0x2] =	stream.indirect.gather [hbm4b:s30+s9], $0x20, s26, s9, $0xb8;
	[tilespmem:$0x12110] =	vst v63  }
0x65: {  	s0 =	rddreg [dreg:$0xb]  }
0x66: {  	[hbm4b:s0+s2] =	stream.linear.scatter [tilespmem:s10], [sflag:$0x3], $0x7D00, $0x38;
	[tilespmem:$0x12110] =	vst v63  }
0x67: {  	_ =	swait.ge [sflag:s11], $0x7D00  }
0x68: {  	[sflag:s11] =	ssyncset.done $0x0  }
0x69: {  	[sflag:s11] =	ssyncadd.s32 $0xFFFF8300  }
0x6a: {  	_ =	swait.ge [sflag:s8], $0x7D00  }
0x6b: {  	[sflag:s8] =	ssyncset.done $0x0  }
0x6c: {  	[sflag:s8] =	ssyncadd.s32 $0xFFFF8300  }
0x6d: {  	[tilespmem:s10], [sflag:$0x1] =	stream.indirect.gather [hbm4b:s30+s9], $0x20, s25, s9, $0xb8;
	[tilespmem:$0x12110] =	vst v63  }
0x6e: {  	s0 =	rddreg [dreg:$0xc]  }
0x6f: {  	[hbm4b:s0+s2] =	stream.linear.scatter [tilespmem:s6], [sflag:$0x4], $0x7D00, $0x38;
	[tilespmem:$0x12110] =	vst v63  }
0x70: {  	_ =	swait.ge [sflag:s13], $0x7D00  }
0x71: {  	[sflag:s13] =	ssyncset.done $0x0  }
0x72: {  	[sflag:s13] =	ssyncadd.s32 $0xFFFF8300  }
0x73: {  	_ =	swait.ge [sflag:s7], $0x7D00  }
0x74: {  	[sflag:s7] =	ssyncset.done $0x0  }
0x75: {  	[sflag:s7] =	ssyncadd.s32 $0xFFFF8300  }
0x76: {  	[tilespmem:s6], [sflag:$0x2] =	stream.indirect.gather [hbm4b:s30+s9], $0x20, s24, s9, $0xb8;
	[tilespmem:$0x12110] =	vst v63  }
0x77: {  	s0 =	rddreg [dreg:$0xd]  }
0x78: {  	[hbm4b:s0+s2] =	stream.linear.scatter [tilespmem:s10], [sflag:$0x3], $0x7D00, $0x38;
	[tilespmem:$0x12110] =	vst v63  }
0x79: {  	_ =	swait.ge [sflag:s11], $0x7D00  }
0x7a: {  	[sflag:s11] =	ssyncset.done $0x0  }
0x7b: {  	[sflag:s11] =	ssyncadd.s32 $0xFFFF8300  }
0x7c: {  	_ =	swait.ge [sflag:s8], $0x7D00  }
0x7d: {  	[sflag:s8] =	ssyncset.done $0x0  }
0x7e: {  	s0 =	rddreg [dreg:$0xe];
	[sflag:s8] =	ssyncadd.s32 $0xFFFF8300  }
0x7f: {  	[hbm4b:s0+s2] =	stream.linear.scatter [tilespmem:s6], [sflag:$0x4], $0x7D00, $0x38;
	[tilespmem:$0x12110] =	vst v63  }
0x80: {  	_ =	swait.ge [sflag:s7], $0x7D00  }
0x81: {  	[sflag:s7] =	ssyncset.done $0x0  }
0x82: {  	s0 =	rddreg [dreg:$0xf];
	[sflag:s7] =	ssyncadd.s32 $0xFFFF8300  }
0x83: {  	[tilespmem:s2], [sflag:$0x5] =	stream.linear.gather [hbm4b:s0+s2], $0x2710, $0x38;
	[tilespmem:$0x12110] =	vst v63  }
0x84: {  	_ =	swait.ge [sflag:s19], $0x2710  }
0x85: {  	[sflag:s19] =	ssyncset.done $0x0  }
0x86: {  	[sflag:s19] =	ssyncadd.s32 $0xFFFFD8F0  }
0x87: {  	[tilespmem:s10], [sflag:$0x1] =	stream.indirect.gather [hbm4b:s3+s9], $0x20, s2, s9, $0xb8;
	[tilespmem:$0x12110] =	vst v63  }
0x88: {  	_ =	swait.ge [sflag:s13], $0x7D00  }
0x89: {  	[sflag:s13] =	ssyncset.done $0x0  }
0x8a: {  	[sflag:s13] =	ssyncadd.s32 $0xFFFF8300  }
0x8b: {  	[tilespmem:s6], [sflag:$0x2] =	stream.indirect.gather [hbm4b:s3+s9], $0x20, s9, s9, $0xb8;
	[tilespmem:$0x12110] =	vst v63  }
0x8c: {  	s0 =	rddreg [dreg:$0x10]  }
0x8d: {  	[hbm4b:s0+s2] =	stream.linear.scatter [tilespmem:s10], [sflag:$0x3], $0x7D00, $0x38;
	[tilespmem:$0x12110] =	vst v63  }
0x8e: {  	_ =	swait.ge [sflag:s11], $0x7D00  }
0x8f: {  	[sflag:s11] =	ssyncset.done $0x0  }
0x90: {  	[sflag:s11] =	ssyncadd.s32 $0xFFFF8300  }
0x91: {  	_ =	swait.ge [sflag:s8], $0x7D00  }
0x92: {  	[sflag:s8] =	ssyncset.done $0x0  }
0x93: {  	[sflag:s8] =	ssyncadd.s32 $0xFFFF8300  }
0x94: {  	[tilespmem:s10], [sflag:$0x1] =	stream.indirect.gather [hbm4b:s3+s9], $0x20, s16, s9, $0xb8;
	[tilespmem:$0x12110] =	vst v63  }
0x95: {  	s0 =	rddreg [dreg:$0x11]  }
0x96: {  	[hbm4b:s0+s2] =	stream.linear.scatter [tilespmem:s6], [sflag:$0x4], $0x7D00, $0x38;
	[tilespmem:$0x12110] =	vst v63  }
0x97: {  	_ =	swait.ge [sflag:s13], $0x7D00  }
0x98: {  	[sflag:s13] =	ssyncset.done $0x0  }
0x99: {  	[sflag:s13] =	ssyncadd.s32 $0xFFFF8300  }
0x9a: {  	_ =	swait.ge [sflag:s7], $0x7D00  }
0x9b: {  	[sflag:s7] =	ssyncset.done $0x0  }
0x9c: {  	[sflag:s7] =	ssyncadd.s32 $0xFFFF8300  }
0x9d: {  	[tilespmem:s6], [sflag:$0x2] =	stream.indirect.gather [hbm4b:s3+s9], $0x20, s15, s9, $0xb8;
	[tilespmem:$0x12110] =	vst v63  }
0x9e: {  	s0 =	rddreg [dreg:$0x12]  }
0x9f: {  	[hbm4b:s0+s2] =	stream.linear.scatter [tilespmem:s10], [sflag:$0x3], $0x7D00, $0x38;
	[tilespmem:$0x12110] =	vst v63  }
0xa0: {  	_ =	swait.ge [sflag:s11], $0x7D00  }
0xa1: {  	[sflag:s11] =	ssyncset.done $0x0  }
0xa2: {  	[sflag:s11] =	ssyncadd.s32 $0xFFFF8300  }
0xa3: {  	_ =	swait.ge [sflag:s8], $0x7D00  }
0xa4: {  	[sflag:s8] =	ssyncset.done $0x0  }
0xa5: {  	[sflag:s8] =	ssyncadd.s32 $0xFFFF8300  }
0xa6: {  	[tilespmem:s10], [sflag:$0x1] =	stream.indirect.gather [hbm4b:s3+s9], $0x20, s31, s9, $0xb8;
	[tilespmem:$0x12110] =	vst v63  }
0xa7: {  	s0 =	rddreg [dreg:$0x13]  }
0xa8: {  	[hbm4b:s0+s2] =	stream.linear.scatter [tilespmem:s6], [sflag:$0x4], $0x7D00, $0x38;
	[tilespmem:$0x12110] =	vst v63  }
0xa9: {  	_ =	swait.ge [sflag:s13], $0x7D00  }
0xaa: {  	[sflag:s13] =	ssyncset.done $0x0  }
0xab: {  	[sflag:s13] =	ssyncadd.s32 $0xFFFF8300  }
0xac: {  	_ =	swait.ge [sflag:s7], $0x7D00  }
0xad: {  	[sflag:s7] =	ssyncset.done $0x0  }
0xae: {  	[sflag:s7] =	ssyncadd.s32 $0xFFFF8300  }
0xaf: {  	[tilespmem:s6], [sflag:$0x2] =	stream.indirect.gather [hbm4b:s3+s9], $0x20, s29, s9, $0xb8;
	[tilespmem:$0x12110] =	vst v63  }
0xb0: {  	s0 =	rddreg [dreg:$0x14]  }
0xb1: {  	[hbm4b:s0+s2] =	stream.linear.scatter [tilespmem:s10], [sflag:$0x3], $0x7D00, $0x38;
	[tilespmem:$0x12110] =	vst v63  }
0xb2: {  	_ =	swait.ge [sflag:s11], $0x7D00  }
0xb3: {  	[sflag:s11] =	ssyncset.done $0x0  }
0xb4: {  	[sflag:s11] =	ssyncadd.s32 $0xFFFF8300  }
0xb5: {  	_ =	swait.ge [sflag:s8], $0x7D00  }
0xb6: {  	[sflag:s8] =	ssyncset.done $0x0  }
0xb7: {  	[sflag:s8] =	ssyncadd.s32 $0xFFFF8300  }
0xb8: {  	[tilespmem:s10], [sflag:$0x1] =	stream.indirect.gather [hbm4b:s3+s9], $0x20, s28, s9, $0xb8;
	[tilespmem:$0x12110] =	vst v63  }
0xb9: {  	s0 =	rddreg [dreg:$0x15]  }
0xba: {  	[hbm4b:s0+s2] =	stream.linear.scatter [tilespmem:s6], [sflag:$0x4], $0x7D00, $0x38;
	[tilespmem:$0x12110] =	vst v63  }
0xbb: {  	_ =	swait.ge [sflag:s13], $0x7D00  }
0xbc: {  	[sflag:s13] =	ssyncset.done $0x0  }
0xbd: {  	[sflag:s13] =	ssyncadd.s32 $0xFFFF8300  }
0xbe: {  	_ =	swait.ge [sflag:s7], $0x7D00  }
0xbf: {  	[sflag:s7] =	ssyncset.done $0x0  }
0xc0: {  	[sflag:s7] =	ssyncadd.s32 $0xFFFF8300  }
0xc1: {  	[tilespmem:s6], [sflag:$0x2] =	stream.indirect.gather [hbm4b:s3+s9], $0x20, s26, s9, $0xb8;
	[tilespmem:$0x12110] =	vst v63  }
0xc2: {  	s0 =	rddreg [dreg:$0x16]  }
0xc3: {  	[hbm4b:s0+s2] =	stream.linear.scatter [tilespmem:s10], [sflag:$0x3], $0x7D00, $0x38;
	[tilespmem:$0x12110] =	vst v63  }
0xc4: {  	_ =	swait.ge [sflag:s11], $0x7D00  }
0xc5: {  	[sflag:s11] =	ssyncset.done $0x0  }
0xc6: {  	[sflag:s11] =	ssyncadd.s32 $0xFFFF8300  }
0xc7: {  	_ =	swait.ge [sflag:s8], $0x7D00  }
0xc8: {  	[sflag:s8] =	ssyncset.done $0x0  }
0xc9: {  	[sflag:s8] =	ssyncadd.s32 $0xFFFF8300  }
0xca: {  	[tilespmem:s10], [sflag:$0x1] =	stream.indirect.gather [hbm4b:s3+s9], $0x20, s25, s9, $0xb8;
	[tilespmem:$0x12110] =	vst v63  }
0xcb: {  	s0 =	rddreg [dreg:$0x17]  }
0xcc: {  	[hbm4b:s0+s2] =	stream.linear.scatter [tilespmem:s6], [sflag:$0x4], $0x7D00, $0x38;
	[tilespmem:$0x12110] =	vst v63  }
0xcd: {  	_ =	swait.ge [sflag:s13], $0x7D00  }
0xce: {  	[sflag:s13] =	ssyncset.done $0x0  }
0xcf: {  	[sflag:s13] =	ssyncadd.s32 $0xFFFF8300  }
0xd0: {  	_ =	swait.ge [sflag:s7], $0x7D00  }
0xd1: {  	[sflag:s7] =	ssyncset.done $0x0  }
0xd2: {  	[sflag:s7] =	ssyncadd.s32 $0xFFFF8300  }
0xd3: {  	[tilespmem:s6], [sflag:$0x2] =	stream.indirect.gather [hbm4b:s3+s9], $0x20, s24, s9, $0xb8;
	[tilespmem:$0x12110] =	vst v63  }
0xd4: {  	s0 =	rddreg [dreg:$0x18]  }
0xd5: {  	[hbm4b:s0+s2] =	stream.linear.scatter [tilespmem:s10], [sflag:$0x3], $0x7D00, $0x38;
	[tilespmem:$0x12110] =	vst v63  }
0xd6: {  	_ =	swait.ge [sflag:s11], $0x7D00  }
0xd7: {  	[sflag:s11] =	ssyncset.done $0x0  }
0xd8: {  	[sflag:s11] =	ssyncadd.s32 $0xFFFF8300  }
0xd9: {  	_ =	swait.ge [sflag:s8], $0x7D00  }
0xda: {  	[sflag:s8] =	ssyncset.done $0x0  }
0xdb: {  	s0 =	rddreg [dreg:$0x19];
	[sflag:s8] =	ssyncadd.s32 $0xFFFF8300  }
0xdc: {  	[hbm4b:s0+s2] =	stream.linear.scatter [tilespmem:s6], [sflag:$0x4], $0x7D00, $0x38;
	[tilespmem:$0x12110] =	vst v63  }
0xdd: {  	_ =	swait.ge [sflag:s7], $0x7D00  }
0xde: {  	[sflag:s7] =	ssyncset.done $0x0  }
0xdf: {  	[sflag:s7] =	ssyncadd.s32 $0xFFFF8300  }
0xe0: {  	[tilespmem:s2], [sflag:$0x5] =	stream.linear.gather [hbm4b:s23+s2], $0xFA0, $0x38;
	[tilespmem:$0x12110] =	vst v63  }
0xe1: {  	_ =	swait.ge [sflag:s19], $0xFA0  }
0xe2: {  	[sflag:s19] =	ssyncset.done $0x0  }
0xe3: {  	[sflag:s19] =	ssyncadd.s32 $0xFFFFF060  }
0xe4: {  	[tilespmem:s10], [sflag:$0x1] =	stream.indirect.gather [hbm4b:s3+s9], $0x20, s2, s9, $0xb8;
	[tilespmem:$0x12110] =	vst v63  }
0xe5: {  	_ =	swait.ge [sflag:s13], $0x7D00  }
0xe6: {  	[sflag:s13] =	ssyncset.done $0x0  }
0xe7: {  	[sflag:s13] =	ssyncadd.s32 $0xFFFF8300  }
0xe8: {  	[tilespmem:s6], [sflag:$0x2] =	stream.indirect.gather [hbm4b:s3+s9], $0x20, s9, s9, $0xb8;
	[tilespmem:$0x12110] =	vst v63  }
0xe9: {  	_ = 	snop  }
0xea: {  	[hbm4b:s22+s2] =	stream.linear.scatter [tilespmem:s10], [sflag:$0x3], $0x7D00, $0x38;
	[tilespmem:$0x12110] =	vst v63  }
0xeb: {  	_ =	swait.ge [sflag:s11], $0x7D00  }
0xec: {  	[sflag:s11] =	ssyncset.done $0x0  }
0xed: {  	[sflag:s11] =	ssyncadd.s32 $0xFFFF8300  }
0xee: {  	_ =	swait.ge [sflag:s8], $0x7D00  }
0xef: {  	[sflag:s8] =	ssyncset.done $0x0  }
0xf0: {  	[sflag:s8] =	ssyncadd.s32 $0xFFFF8300  }
0xf1: {  	[tilespmem:s10], [sflag:$0x1] =	stream.indirect.gather [hbm4b:s3+s9], $0x20, s16, s9, $0xb8;
	[tilespmem:$0x12110] =	vst v63  }
0xf2: {  	_ = 	snop  }
0xf3: {  	[hbm4b:s21+s2] =	stream.linear.scatter [tilespmem:s6], [sflag:$0x4], $0x7D00, $0x38;
	[tilespmem:$0x12110] =	vst v63  }
0xf4: {  	_ =	swait.ge [sflag:s13], $0x7D00  }
0xf5: {  	[sflag:s13] =	ssyncset.done $0x0  }
0xf6: {  	[sflag:s13] =	ssyncadd.s32 $0xFFFF8300  }
0xf7: {  	_ =	swait.ge [sflag:s7], $0x7D00  }
0xf8: {  	[sflag:s7] =	ssyncset.done $0x0  }
0xf9: {  	[sflag:s7] =	ssyncadd.s32 $0xFFFF8300  }
0xfa: {  	[tilespmem:s6], [sflag:$0x2] =	stream.indirect.gather [hbm4b:s3+s9], $0x20, s15, s9, $0xb8;
	[tilespmem:$0x12110] =	vst v63  }
0xfb: {  	_ = 	snop  }
0xfc: {  	[hbm4b:s20+s2] =	stream.linear.scatter [tilespmem:s10], [sflag:$0x3], $0x7D00, $0x38;
	[tilespmem:$0x12110] =	vst v63  }
0xfd: {  	_ =	swait.ge [sflag:s11], $0x7D00  }
0xfe: {  	[sflag:s11] =	ssyncset.done $0x0  }
0xff: {  	[sflag:s11] =	ssyncadd.s32 $0xFFFF8300  }
0x100: {  	_ =	swait.ge [sflag:s8], $0x7D00  }
0x101: {  	[sflag:s8] =	ssyncset.done $0x0  }
0x102: {  	[sflag:s8] =	ssyncadd.s32 $0xFFFF8300  }
0x103: {  	[hbm4b:s18+s2] =	stream.linear.scatter [tilespmem:s6], [sflag:$0x4], $0x7D00, $0x38;
	[tilespmem:$0x12110] =	vst v63  }
0x104: {  	_ =	swait.ge [sflag:s7], $0x7D00  }
0x105: {  	[sflag:s7] =	ssyncset.done $0x0  }
0x106: {  	[sflag:s7] =	ssyncadd.s32 $0xFFFF8300  }
0x107: {  	[tilespmem:s2], [sflag:$0x5] =	stream.linear.gather [hbm4b:s17+s2], $0xFA0, $0x38;
	[tilespmem:$0x12110] =	vst v63  }
0x108: {  	_ =	swait.ge [sflag:s19], $0xFA0  }
0x109: {  	[sflag:s19] =	ssyncset.done $0x0  }
0x10a: {  	[sflag:s19] =	ssyncadd.s32 $0xFFFFF060  }
0x10b: {  	[tilespmem:s10], [sflag:$0x1] =	stream.indirect.gather [hbm4b:s3+s9], $0x20, s2, s9, $0xb8;
	[tilespmem:$0x12110] =	vst v63  }
0x10c: {  	_ =	swait.ge [sflag:s13], $0x7D00  }
0x10d: {  	[sflag:s13] =	ssyncset.done $0x0  }
0x10e: {  	[sflag:s13] =	ssyncadd.s32 $0xFFFF8300  }
0x10f: {  	[tilespmem:s6], [sflag:$0x2] =	stream.indirect.gather [hbm4b:s3+s9], $0x20, s9, s9, $0xb8;
	[tilespmem:$0x12110] =	vst v63  }
0x110: {  	_ = 	snop  }
0x111: {  	[hbm4b:s14+s2] =	stream.linear.scatter [tilespmem:s10], [sflag:$0x3], $0x7D00, $0x38;
	[tilespmem:$0x12110] =	vst v63  }
0x112: {  	_ =	swait.ge [sflag:s11], $0x7D00  }
0x113: {  	[sflag:s11] =	ssyncset.done $0x0  }
0x114: {  	[sflag:s11] =	ssyncadd.s32 $0xFFFF8300  }
0x115: {  	_ =	swait.ge [sflag:s8], $0x7D00  }
0x116: {  	[sflag:s8] =	ssyncset.done $0x0  }
0x117: {  	[sflag:s8] =	ssyncadd.s32 $0xFFFF8300  }
0x118: {  	[tilespmem:s10], [sflag:$0x1] =	stream.indirect.gather [hbm4b:s3+s9], $0x20, s16, s9, $0xb8;
	[tilespmem:$0x12110] =	vst v63  }
0x119: {  	_ = 	snop  }
0x11a: {  	[hbm4b:s12+s2] =	stream.linear.scatter [tilespmem:s6], [sflag:$0x4], $0x7D00, $0x38;
	[tilespmem:$0x12110] =	vst v63  }
0x11b: {  	_ =	swait.ge [sflag:s13], $0x7D00  }
0x11c: {  	[sflag:s13] =	ssyncset.done $0x0  }
0x11d: {  	[sflag:s13] =	ssyncadd.s32 $0xFFFF8300  }
0x11e: {  	_ =	swait.ge [sflag:s7], $0x7D00  }
0x11f: {  	[sflag:s7] =	ssyncset.done $0x0  }
0x120: {  	[sflag:s7] =	ssyncadd.s32 $0xFFFF8300  }
0x121: {  	[tilespmem:s6], [sflag:$0x2] =	stream.indirect.gather [hbm4b:s3+s9], $0x20, s15, s9, $0xb8;
	[tilespmem:$0x12110] =	vst v63  }
0x122: {  	_ = 	snop  }
0x123: {  	[hbm4b:s5+s2] =	stream.linear.scatter [tilespmem:s10], [sflag:$0x3], $0x7D00, $0x38;
	[tilespmem:$0x12110] =	vst v63  }
0x124: {  	_ =	swait.ge [sflag:s11], $0x7D00  }
0x125: {  	[sflag:s11] =	ssyncset.done $0x0  }
0x126: {  	[sflag:s11] =	ssyncadd.s32 $0xFFFF8300  }
0x127: {  	p1 =	sne.s32 s1, $0x1;
	_ =	swait.ge [sflag:s8], $0x7D00  }
.Ltmp1:
0x128: {  	[sflag:s8] =	ssyncset.done $0x0;
	(pc) =	sbr.rel @!p1 .LBB2_3-.Ltmp1, $4  }
0x129: {  	[sflag:s8] =	ssyncadd.s32 $0xFFFF8300  }
0x12a: {  	[hbm4b:s4+s2] =	stream.linear.scatter [tilespmem:s6], [sflag:$0x4], $0x7D00, $0x38;
	[tilespmem:$0x12110] =	vst v63  }
0x12b: {  	s1 =	sadd.s32 $0xFFFFFFFF, s1;
	_ =	swait.ge [sflag:s7], $0x7D00  }
0x12c: {  	p0 =	por $0x1, $0x1;
	s0 =	rddreg [dreg:$0x4];
	[sflag:s7] =	ssyncset.done $0x0  }
.LBB2_2:
0x12d: {  	[sflag:s7] =	ssyncadd.s32 $0xFFFF8300  }
0x12e: {  	[tilespmem:s2], [sflag:$0x5] =	stream.linear.gather [hbm4b:s0+s2], $0x2710, $0x38;
	[tilespmem:$0x12110] =	vst v63  }
0x12f: {  	_ =	swait.ge [sflag:s19], $0x2710  }
0x130: {  	[sflag:s19] =	ssyncset.done $0x0  }
0x131: {  	[sflag:s19] =	ssyncadd.s32 $0xFFFFD8F0  }
0x132: {  	[tilespmem:s10], [sflag:$0x1] =	stream.indirect.gather [hbm4b:s30+s9], $0x20, s2, s9, $0xb8;
	[tilespmem:$0x12110] =	vst v63  }
0x133: {  	_ =	swait.ge [sflag:s13], $0x7D00  }
0x134: {  	[sflag:s13] =	ssyncset.done $0x0  }
0x135: {  	[sflag:s13] =	ssyncadd.s32 $0xFFFF8300  }
0x136: {  	[tilespmem:s6], [sflag:$0x2] =	stream.indirect.gather [hbm4b:s30+s9], $0x20, s9, s9, $0xb8;
	[tilespmem:$0x12110] =	vst v63  }
0x137: {  	s0 =	rddreg [dreg:$0x5]  }
0x138: {  	[hbm4b:s0+s2] =	stream.linear.scatter [tilespmem:s10], [sflag:$0x3], $0x7D00, $0x38;
	[tilespmem:$0x12110] =	vst v63  }
0x139: {  	_ =	swait.ge [sflag:s11], $0x7D00  }
0x13a: {  	[sflag:s11] =	ssyncset.done $0x0  }
0x13b: {  	[sflag:s11] =	ssyncadd.s32 $0xFFFF8300  }
0x13c: {  	_ =	swait.ge [sflag:s8], $0x7D00  }
0x13d: {  	[sflag:s8] =	ssyncset.done $0x0  }
0x13e: {  	[sflag:s8] =	ssyncadd.s32 $0xFFFF8300  }
0x13f: {  	[tilespmem:s10], [sflag:$0x1] =	stream.indirect.gather [hbm4b:s30+s9], $0x20, s16, s9, $0xb8;
	[tilespmem:$0x12110] =	vst v63  }
0x140: {  	s0 =	rddreg [dreg:$0x6]  }
0x141: {  	[hbm4b:s0+s2] =	stream.linear.scatter [tilespmem:s6], [sflag:$0x4], $0x7D00, $0x38;
	[tilespmem:$0x12110] =	vst v63  }
0x142: {  	_ =	swait.ge [sflag:s13], $0x7D00  }
0x143: {  	[sflag:s13] =	ssyncset.done $0x0  }
0x144: {  	[sflag:s13] =	ssyncadd.s32 $0xFFFF8300  }
0x145: {  	_ =	swait.ge [sflag:s7], $0x7D00  }
0x146: {  	[sflag:s7] =	ssyncset.done $0x0  }
0x147: {  	[sflag:s7] =	ssyncadd.s32 $0xFFFF8300  }
0x148: {  	[tilespmem:s6], [sflag:$0x2] =	stream.indirect.gather [hbm4b:s30+s9], $0x20, s15, s9, $0xb8;
	[tilespmem:$0x12110] =	vst v63  }
0x149: {  	s0 =	rddreg [dreg:$0x7]  }
0x14a: {  	[hbm4b:s0+s2] =	stream.linear.scatter [tilespmem:s10], [sflag:$0x3], $0x7D00, $0x38;
	[tilespmem:$0x12110] =	vst v63  }
0x14b: {  	_ =	swait.ge [sflag:s11], $0x7D00  }
0x14c: {  	[sflag:s11] =	ssyncset.done $0x0  }
0x14d: {  	[sflag:s11] =	ssyncadd.s32 $0xFFFF8300  }
0x14e: {  	_ =	swait.ge [sflag:s8], $0x7D00  }
0x14f: {  	[sflag:s8] =	ssyncset.done $0x0  }
0x150: {  	[sflag:s8] =	ssyncadd.s32 $0xFFFF8300  }
0x151: {  	[tilespmem:s10], [sflag:$0x1] =	stream.indirect.gather [hbm4b:s30+s9], $0x20, s31, s9, $0xb8;
	[tilespmem:$0x12110] =	vst v63  }
0x152: {  	s0 =	rddreg [dreg:$0x8]  }
0x153: {  	[hbm4b:s0+s2] =	stream.linear.scatter [tilespmem:s6], [sflag:$0x4], $0x7D00, $0x38;
	[tilespmem:$0x12110] =	vst v63  }
0x154: {  	_ =	swait.ge [sflag:s13], $0x7D00  }
0x155: {  	[sflag:s13] =	ssyncset.done $0x0  }
0x156: {  	[sflag:s13] =	ssyncadd.s32 $0xFFFF8300  }
0x157: {  	_ =	swait.ge [sflag:s7], $0x7D00  }
0x158: {  	[sflag:s7] =	ssyncset.done $0x0  }
0x159: {  	[sflag:s7] =	ssyncadd.s32 $0xFFFF8300  }
0x15a: {  	[tilespmem:s6], [sflag:$0x2] =	stream.indirect.gather [hbm4b:s30+s9], $0x20, s29, s9, $0xb8;
	[tilespmem:$0x12110] =	vst v63  }
0x15b: {  	s0 =	rddreg [dreg:$0x9]  }
0x15c: {  	[hbm4b:s0+s2] =	stream.linear.scatter [tilespmem:s10], [sflag:$0x3], $0x7D00, $0x38;
	[tilespmem:$0x12110] =	vst v63  }
0x15d: {  	_ =	swait.ge [sflag:s11], $0x7D00  }
0x15e: {  	[sflag:s11] =	ssyncset.done $0x0  }
0x15f: {  	[sflag:s11] =	ssyncadd.s32 $0xFFFF8300  }
0x160: {  	_ =	swait.ge [sflag:s8], $0x7D00  }
0x161: {  	[sflag:s8] =	ssyncset.done $0x0  }
0x162: {  	[sflag:s8] =	ssyncadd.s32 $0xFFFF8300  }
0x163: {  	[tilespmem:s10], [sflag:$0x1] =	stream.indirect.gather [hbm4b:s30+s9], $0x20, s28, s9, $0xb8;
	[tilespmem:$0x12110] =	vst v63  }
0x164: {  	s0 =	rddreg [dreg:$0xa]  }
0x165: {  	[hbm4b:s0+s2] =	stream.linear.scatter [tilespmem:s6], [sflag:$0x4], $0x7D00, $0x38;
	[tilespmem:$0x12110] =	vst v63  }
0x166: {  	_ =	swait.ge [sflag:s13], $0x7D00  }
0x167: {  	[sflag:s13] =	ssyncset.done $0x0  }
0x168: {  	[sflag:s13] =	ssyncadd.s32 $0xFFFF8300  }
0x169: {  	_ =	swait.ge [sflag:s7], $0x7D00  }
0x16a: {  	[sflag:s7] =	ssyncset.done $0x0  }
0x16b: {  	[sflag:s7] =	ssyncadd.s32 $0xFFFF8300  }
0x16c: {  	[tilespmem:s6], [sflag:$0x2] =	stream.indirect.gather [hbm4b:s30+s9], $0x20, s26, s9, $0xb8;
	[tilespmem:$0x12110] =	vst v63  }
0x16d: {  	s0 =	rddreg [dreg:$0xb]  }
0x16e: {  	[hbm4b:s0+s2] =	stream.linear.scatter [tilespmem:s10], [sflag:$0x3], $0x7D00, $0x38;
	[tilespmem:$0x12110] =	vst v63  }
0x16f: {  	_ =	swait.ge [sflag:s11], $0x7D00  }
0x170: {  	[sflag:s11] =	ssyncset.done $0x0  }
0x171: {  	[sflag:s11] =	ssyncadd.s32 $0xFFFF8300  }
0x172: {  	_ =	swait.ge [sflag:s8], $0x7D00  }
0x173: {  	[sflag:s8] =	ssyncset.done $0x0  }
0x174: {  	[sflag:s8] =	ssyncadd.s32 $0xFFFF8300  }
0x175: {  	[tilespmem:s10], [sflag:$0x1] =	stream.indirect.gather [hbm4b:s30+s9], $0x20, s25, s9, $0xb8;
	[tilespmem:$0x12110] =	vst v63  }
0x176: {  	s0 =	rddreg [dreg:$0xc]  }
0x177: {  	[hbm4b:s0+s2] =	stream.linear.scatter [tilespmem:s6], [sflag:$0x4], $0x7D00, $0x38;
	[tilespmem:$0x12110] =	vst v63  }
0x178: {  	_ =	swait.ge [sflag:s13], $0x7D00  }
0x179: {  	[sflag:s13] =	ssyncset.done $0x0  }
0x17a: {  	[sflag:s13] =	ssyncadd.s32 $0xFFFF8300  }
0x17b: {  	_ =	swait.ge [sflag:s7], $0x7D00  }
0x17c: {  	[sflag:s7] =	ssyncset.done $0x0  }
0x17d: {  	[sflag:s7] =	ssyncadd.s32 $0xFFFF8300  }
0x17e: {  	[tilespmem:s6], [sflag:$0x2] =	stream.indirect.gather [hbm4b:s30+s9], $0x20, s24, s9, $0xb8;
	[tilespmem:$0x12110] =	vst v63  }
0x17f: {  	s0 =	rddreg [dreg:$0xd]  }
0x180: {  	[hbm4b:s0+s2] =	stream.linear.scatter [tilespmem:s10], [sflag:$0x3], $0x7D00, $0x38;
	[tilespmem:$0x12110] =	vst v63  }
0x181: {  	_ =	swait.ge [sflag:s11], $0x7D00  }
0x182: {  	[sflag:s11] =	ssyncset.done $0x0  }
0x183: {  	[sflag:s11] =	ssyncadd.s32 $0xFFFF8300  }
0x184: {  	_ =	swait.ge [sflag:s8], $0x7D00  }
0x185: {  	[sflag:s8] =	ssyncset.done $0x0  }
0x186: {  	s0 =	rddreg [dreg:$0xe];
	[sflag:s8] =	ssyncadd.s32 $0xFFFF8300  }
0x187: {  	[hbm4b:s0+s2] =	stream.linear.scatter [tilespmem:s6], [sflag:$0x4], $0x7D00, $0x38;
	[tilespmem:$0x12110] =	vst v63  }
0x188: {  	_ =	swait.ge [sflag:s7], $0x7D00  }
0x189: {  	[sflag:s7] =	ssyncset.done $0x0  }
0x18a: {  	s0 =	rddreg [dreg:$0xf];
	[sflag:s7] =	ssyncadd.s32 $0xFFFF8300  }
0x18b: {  	[tilespmem:s2], [sflag:$0x5] =	stream.linear.gather [hbm4b:s0+s2], $0x2710, $0x38;
	[tilespmem:$0x12110] =	vst v63  }
0x18c: {  	_ =	swait.ge [sflag:s19], $0x2710  }
0x18d: {  	[sflag:s19] =	ssyncset.done $0x0  }
0x18e: {  	[sflag:s19] =	ssyncadd.s32 $0xFFFFD8F0  }
0x18f: {  	[tilespmem:s10], [sflag:$0x1] =	stream.indirect.gather [hbm4b:s3+s9], $0x20, s2, s9, $0xb8;
	[tilespmem:$0x12110] =	vst v63  }
0x190: {  	_ =	swait.ge [sflag:s13], $0x7D00  }
0x191: {  	[sflag:s13] =	ssyncset.done $0x0  }
0x192: {  	[sflag:s13] =	ssyncadd.s32 $0xFFFF8300  }
0x193: {  	[tilespmem:s6], [sflag:$0x2] =	stream.indirect.gather [hbm4b:s3+s9], $0x20, s9, s9, $0xb8;
	[tilespmem:$0x12110] =	vst v63  }
0x194: {  	s0 =	rddreg [dreg:$0x10]  }
0x195: {  	[hbm4b:s0+s2] =	stream.linear.scatter [tilespmem:s10], [sflag:$0x3], $0x7D00, $0x38;
	[tilespmem:$0x12110] =	vst v63  }
0x196: {  	_ =	swait.ge [sflag:s11], $0x7D00  }
0x197: {  	[sflag:s11] =	ssyncset.done $0x0  }
0x198: {  	[sflag:s11] =	ssyncadd.s32 $0xFFFF8300  }
0x199: {  	_ =	swait.ge [sflag:s8], $0x7D00  }
0x19a: {  	[sflag:s8] =	ssyncset.done $0x0  }
0x19b: {  	[sflag:s8] =	ssyncadd.s32 $0xFFFF8300  }
0x19c: {  	[tilespmem:s10], [sflag:$0x1] =	stream.indirect.gather [hbm4b:s3+s9], $0x20, s16, s9, $0xb8;
	[tilespmem:$0x12110] =	vst v63  }
0x19d: {  	s0 =	rddreg [dreg:$0x11]  }
0x19e: {  	[hbm4b:s0+s2] =	stream.linear.scatter [tilespmem:s6], [sflag:$0x4], $0x7D00, $0x38;
	[tilespmem:$0x12110] =	vst v63  }
0x19f: {  	_ =	swait.ge [sflag:s13], $0x7D00  }
0x1a0: {  	[sflag:s13] =	ssyncset.done $0x0  }
0x1a1: {  	[sflag:s13] =	ssyncadd.s32 $0xFFFF8300  }
0x1a2: {  	_ =	swait.ge [sflag:s7], $0x7D00  }
0x1a3: {  	[sflag:s7] =	ssyncset.done $0x0  }
0x1a4: {  	[sflag:s7] =	ssyncadd.s32 $0xFFFF8300  }
0x1a5: {  	[tilespmem:s6], [sflag:$0x2] =	stream.indirect.gather [hbm4b:s3+s9], $0x20, s15, s9, $0xb8;
	[tilespmem:$0x12110] =	vst v63  }
0x1a6: {  	s0 =	rddreg [dreg:$0x12]  }
0x1a7: {  	[hbm4b:s0+s2] =	stream.linear.scatter [tilespmem:s10], [sflag:$0x3], $0x7D00, $0x38;
	[tilespmem:$0x12110] =	vst v63  }
0x1a8: {  	_ =	swait.ge [sflag:s11], $0x7D00  }
0x1a9: {  	[sflag:s11] =	ssyncset.done $0x0  }
0x1aa: {  	[sflag:s11] =	ssyncadd.s32 $0xFFFF8300  }
0x1ab: {  	_ =	swait.ge [sflag:s8], $0x7D00  }
0x1ac: {  	[sflag:s8] =	ssyncset.done $0x0  }
0x1ad: {  	[sflag:s8] =	ssyncadd.s32 $0xFFFF8300  }
0x1ae: {  	[tilespmem:s10], [sflag:$0x1] =	stream.indirect.gather [hbm4b:s3+s9], $0x20, s31, s9, $0xb8;
	[tilespmem:$0x12110] =	vst v63  }
0x1af: {  	s0 =	rddreg [dreg:$0x13]  }
0x1b0: {  	[hbm4b:s0+s2] =	stream.linear.scatter [tilespmem:s6], [sflag:$0x4], $0x7D00, $0x38;
	[tilespmem:$0x12110] =	vst v63  }
0x1b1: {  	_ =	swait.ge [sflag:s13], $0x7D00  }
0x1b2: {  	[sflag:s13] =	ssyncset.done $0x0  }
0x1b3: {  	[sflag:s13] =	ssyncadd.s32 $0xFFFF8300  }
0x1b4: {  	_ =	swait.ge [sflag:s7], $0x7D00  }
0x1b5: {  	[sflag:s7] =	ssyncset.done $0x0  }
0x1b6: {  	[sflag:s7] =	ssyncadd.s32 $0xFFFF8300  }
0x1b7: {  	[tilespmem:s6], [sflag:$0x2] =	stream.indirect.gather [hbm4b:s3+s9], $0x20, s29, s9, $0xb8;
	[tilespmem:$0x12110] =	vst v63  }
0x1b8: {  	s0 =	rddreg [dreg:$0x14]  }
0x1b9: {  	[hbm4b:s0+s2] =	stream.linear.scatter [tilespmem:s10], [sflag:$0x3], $0x7D00, $0x38;
	[tilespmem:$0x12110] =	vst v63  }
0x1ba: {  	_ =	swait.ge [sflag:s11], $0x7D00  }
0x1bb: {  	[sflag:s11] =	ssyncset.done $0x0  }
0x1bc: {  	[sflag:s11] =	ssyncadd.s32 $0xFFFF8300  }
0x1bd: {  	_ =	swait.ge [sflag:s8], $0x7D00  }
0x1be: {  	[sflag:s8] =	ssyncset.done $0x0  }
0x1bf: {  	[sflag:s8] =	ssyncadd.s32 $0xFFFF8300  }
0x1c0: {  	[tilespmem:s10], [sflag:$0x1] =	stream.indirect.gather [hbm4b:s3+s9], $0x20, s28, s9, $0xb8;
	[tilespmem:$0x12110] =	vst v63  }
0x1c1: {  	s0 =	rddreg [dreg:$0x15]  }
0x1c2: {  	[hbm4b:s0+s2] =	stream.linear.scatter [tilespmem:s6], [sflag:$0x4], $0x7D00, $0x38;
	[tilespmem:$0x12110] =	vst v63  }
0x1c3: {  	_ =	swait.ge [sflag:s13], $0x7D00  }
0x1c4: {  	[sflag:s13] =	ssyncset.done $0x0  }
0x1c5: {  	[sflag:s13] =	ssyncadd.s32 $0xFFFF8300  }
0x1c6: {  	_ =	swait.ge [sflag:s7], $0x7D00  }
0x1c7: {  	[sflag:s7] =	ssyncset.done $0x0  }
0x1c8: {  	[sflag:s7] =	ssyncadd.s32 $0xFFFF8300  }
0x1c9: {  	[tilespmem:s6], [sflag:$0x2] =	stream.indirect.gather [hbm4b:s3+s9], $0x20, s26, s9, $0xb8;
	[tilespmem:$0x12110] =	vst v63  }
0x1ca: {  	s0 =	rddreg [dreg:$0x16]  }
0x1cb: {  	[hbm4b:s0+s2] =	stream.linear.scatter [tilespmem:s10], [sflag:$0x3], $0x7D00, $0x38;
	[tilespmem:$0x12110] =	vst v63  }
0x1cc: {  	_ =	swait.ge [sflag:s11], $0x7D00  }
0x1cd: {  	[sflag:s11] =	ssyncset.done $0x0  }
0x1ce: {  	[sflag:s11] =	ssyncadd.s32 $0xFFFF8300  }
0x1cf: {  	_ =	swait.ge [sflag:s8], $0x7D00  }
0x1d0: {  	[sflag:s8] =	ssyncset.done $0x0  }
0x1d1: {  	[sflag:s8] =	ssyncadd.s32 $0xFFFF8300  }
0x1d2: {  	[tilespmem:s10], [sflag:$0x1] =	stream.indirect.gather [hbm4b:s3+s9], $0x20, s25, s9, $0xb8;
	[tilespmem:$0x12110] =	vst v63  }
0x1d3: {  	s0 =	rddreg [dreg:$0x17]  }
0x1d4: {  	[hbm4b:s0+s2] =	stream.linear.scatter [tilespmem:s6], [sflag:$0x4], $0x7D00, $0x38;
	[tilespmem:$0x12110] =	vst v63  }
0x1d5: {  	_ =	swait.ge [sflag:s13], $0x7D00  }
0x1d6: {  	[sflag:s13] =	ssyncset.done $0x0  }
0x1d7: {  	[sflag:s13] =	ssyncadd.s32 $0xFFFF8300  }
0x1d8: {  	_ =	swait.ge [sflag:s7], $0x7D00  }
0x1d9: {  	[sflag:s7] =	ssyncset.done $0x0  }
0x1da: {  	[sflag:s7] =	ssyncadd.s32 $0xFFFF8300  }
0x1db: {  	[tilespmem:s6], [sflag:$0x2] =	stream.indirect.gather [hbm4b:s3+s9], $0x20, s24, s9, $0xb8;
	[tilespmem:$0x12110] =	vst v63  }
0x1dc: {  	s0 =	rddreg [dreg:$0x18]  }
0x1dd: {  	[hbm4b:s0+s2] =	stream.linear.scatter [tilespmem:s10], [sflag:$0x3], $0x7D00, $0x38;
	[tilespmem:$0x12110] =	vst v63  }
0x1de: {  	_ =	swait.ge [sflag:s11], $0x7D00  }
0x1df: {  	[sflag:s11] =	ssyncset.done $0x0  }
0x1e0: {  	[sflag:s11] =	ssyncadd.s32 $0xFFFF8300  }
0x1e1: {  	_ =	swait.ge [sflag:s8], $0x7D00  }
0x1e2: {  	[sflag:s8] =	ssyncset.done $0x0  }
0x1e3: {  	s0 =	rddreg [dreg:$0x19];
	[sflag:s8] =	ssyncadd.s32 $0xFFFF8300  }
0x1e4: {  	[hbm4b:s0+s2] =	stream.linear.scatter [tilespmem:s6], [sflag:$0x4], $0x7D00, $0x38;
	[tilespmem:$0x12110] =	vst v63  }
0x1e5: {  	_ =	swait.ge [sflag:s7], $0x7D00  }
0x1e6: {  	[sflag:s7] =	ssyncset.done $0x0  }
0x1e7: {  	[sflag:s7] =	ssyncadd.s32 $0xFFFF8300  }
0x1e8: {  	[tilespmem:s2], [sflag:$0x5] =	stream.linear.gather [hbm4b:s23+s2], $0xFA0, $0x38;
	[tilespmem:$0x12110] =	vst v63  }
0x1e9: {  	_ =	swait.ge [sflag:s19], $0xFA0  }
0x1ea: {  	[sflag:s19] =	ssyncset.done $0x0  }
0x1eb: {  	[sflag:s19] =	ssyncadd.s32 $0xFFFFF060  }
0x1ec: {  	[tilespmem:s10], [sflag:$0x1] =	stream.indirect.gather [hbm4b:s3+s9], $0x20, s2, s9, $0xb8;
	[tilespmem:$0x12110] =	vst v63  }
0x1ed: {  	_ =	swait.ge [sflag:s13], $0x7D00  }
0x1ee: {  	[sflag:s13] =	ssyncset.done $0x0  }
0x1ef: {  	[sflag:s13] =	ssyncadd.s32 $0xFFFF8300  }
0x1f0: {  	[tilespmem:s6], [sflag:$0x2] =	stream.indirect.gather [hbm4b:s3+s9], $0x20, s9, s9, $0xb8;
	[tilespmem:$0x12110] =	vst v63  }
0x1f1: {  	_ = 	snop  }
0x1f2: {  	[hbm4b:s22+s2] =	stream.linear.scatter [tilespmem:s10], [sflag:$0x3], $0x7D00, $0x38;
	[tilespmem:$0x12110] =	vst v63  }
0x1f3: {  	_ =	swait.ge [sflag:s11], $0x7D00  }
0x1f4: {  	[sflag:s11] =	ssyncset.done $0x0  }
0x1f5: {  	[sflag:s11] =	ssyncadd.s32 $0xFFFF8300  }
0x1f6: {  	_ =	swait.ge [sflag:s8], $0x7D00  }
0x1f7: {  	[sflag:s8] =	ssyncset.done $0x0  }
0x1f8: {  	[sflag:s8] =	ssyncadd.s32 $0xFFFF8300  }
0x1f9: {  	[tilespmem:s10], [sflag:$0x1] =	stream.indirect.gather [hbm4b:s3+s9], $0x20, s16, s9, $0xb8;
	[tilespmem:$0x12110] =	vst v63  }
0x1fa: {  	_ = 	snop  }
0x1fb: {  	[hbm4b:s21+s2] =	stream.linear.scatter [tilespmem:s6], [sflag:$0x4], $0x7D00, $0x38;
	[tilespmem:$0x12110] =	vst v63  }
0x1fc: {  	_ =	swait.ge [sflag:s13], $0x7D00  }
0x1fd: {  	[sflag:s13] =	ssyncset.done $0x0  }
0x1fe: {  	[sflag:s13] =	ssyncadd.s32 $0xFFFF8300  }
0x1ff: {  	_ =	swait.ge [sflag:s7], $0x7D00  }
0x200: {  	[sflag:s7] =	ssyncset.done $0x0  }
0x201: {  	[sflag:s7] =	ssyncadd.s32 $0xFFFF8300  }
0x202: {  	[tilespmem:s6], [sflag:$0x2] =	stream.indirect.gather [hbm4b:s3+s9], $0x20, s15, s9, $0xb8;
	[tilespmem:$0x12110] =	vst v63  }
0x203: {  	_ = 	snop  }
0x204: {  	[hbm4b:s20+s2] =	stream.linear.scatter [tilespmem:s10], [sflag:$0x3], $0x7D00, $0x38;
	[tilespmem:$0x12110] =	vst v63  }
0x205: {  	_ =	swait.ge [sflag:s11], $0x7D00  }
0x206: {  	[sflag:s11] =	ssyncset.done $0x0  }
0x207: {  	[sflag:s11] =	ssyncadd.s32 $0xFFFF8300  }
0x208: {  	_ =	swait.ge [sflag:s8], $0x7D00  }
0x209: {  	[sflag:s8] =	ssyncset.done $0x0  }
0x20a: {  	[sflag:s8] =	ssyncadd.s32 $0xFFFF8300  }
0x20b: {  	[hbm4b:s18+s2] =	stream.linear.scatter [tilespmem:s6], [sflag:$0x4], $0x7D00, $0x38;
	[tilespmem:$0x12110] =	vst v63  }
0x20c: {  	_ =	swait.ge [sflag:s7], $0x7D00  }
0x20d: {  	[sflag:s7] =	ssyncset.done $0x0  }
0x20e: {  	[sflag:s7] =	ssyncadd.s32 $0xFFFF8300  }
0x20f: {  	[tilespmem:s2], [sflag:$0x5] =	stream.linear.gather [hbm4b:s17+s2], $0xFA0, $0x38;
	[tilespmem:$0x12110] =	vst v63  }
0x210: {  	_ =	swait.ge [sflag:s19], $0xFA0  }
0x211: {  	[sflag:s19] =	ssyncset.done $0x0  }
0x212: {  	[sflag:s19] =	ssyncadd.s32 $0xFFFFF060  }
0x213: {  	[tilespmem:s10], [sflag:$0x1] =	stream.indirect.gather [hbm4b:s3+s9], $0x20, s2, s9, $0xb8;
	[tilespmem:$0x12110] =	vst v63  }
0x214: {  	_ =	swait.ge [sflag:s13], $0x7D00  }
0x215: {  	[sflag:s13] =	ssyncset.done $0x0  }
0x216: {  	[sflag:s13] =	ssyncadd.s32 $0xFFFF8300  }
0x217: {  	[tilespmem:s6], [sflag:$0x2] =	stream.indirect.gather [hbm4b:s3+s9], $0x20, s9, s9, $0xb8;
	[tilespmem:$0x12110] =	vst v63  }
0x218: {  	_ = 	snop  }
0x219: {  	[hbm4b:s14+s2] =	stream.linear.scatter [tilespmem:s10], [sflag:$0x3], $0x7D00, $0x38;
	[tilespmem:$0x12110] =	vst v63  }
0x21a: {  	_ =	swait.ge [sflag:s11], $0x7D00  }
0x21b: {  	[sflag:s11] =	ssyncset.done $0x0  }
0x21c: {  	[sflag:s11] =	ssyncadd.s32 $0xFFFF8300  }
0x21d: {  	_ =	swait.ge [sflag:s8], $0x7D00  }
0x21e: {  	[sflag:s8] =	ssyncset.done $0x0  }
0x21f: {  	[sflag:s8] =	ssyncadd.s32 $0xFFFF8300  }
0x220: {  	[tilespmem:s10], [sflag:$0x1] =	stream.indirect.gather [hbm4b:s3+s9], $0x20, s16, s9, $0xb8;
	[tilespmem:$0x12110] =	vst v63  }
0x221: {  	_ = 	snop  }
0x222: {  	[hbm4b:s12+s2] =	stream.linear.scatter [tilespmem:s6], [sflag:$0x4], $0x7D00, $0x38;
	[tilespmem:$0x12110] =	vst v63  }
0x223: {  	_ =	swait.ge [sflag:s13], $0x7D00  }
0x224: {  	[sflag:s13] =	ssyncset.done $0x0  }
0x225: {  	[sflag:s13] =	ssyncadd.s32 $0xFFFF8300  }
0x226: {  	_ =	swait.ge [sflag:s7], $0x7D00  }
0x227: {  	[sflag:s7] =	ssyncset.done $0x0  }
0x228: {  	[sflag:s7] =	ssyncadd.s32 $0xFFFF8300  }
0x229: {  	[tilespmem:s6], [sflag:$0x2] =	stream.indirect.gather [hbm4b:s3+s9], $0x20, s15, s9, $0xb8;
	[tilespmem:$0x12110] =	vst v63  }
0x22a: {  	_ = 	snop  }
0x22b: {  	[hbm4b:s5+s2] =	stream.linear.scatter [tilespmem:s10], [sflag:$0x3], $0x7D00, $0x38;
	[tilespmem:$0x12110] =	vst v63  }
0x22c: {  	_ =	swait.ge [sflag:s11], $0x7D00  }
0x22d: {  	[sflag:s11] =	ssyncset.done $0x0  }
0x22e: {  	[sflag:s11] =	ssyncadd.s32 $0xFFFF8300  }
0x22f: {  	p1 =	sne.s32 s1, $0x1;
	_ =	swait.ge [sflag:s8], $0x7D00  }
.Ltmp2:
0x230: {  	[sflag:s8] =	ssyncset.done $0x0;
	(pc) =	sbr.rel @p1 .LBB2_2-.Ltmp2, $4  }
0x231: {  	[sflag:s8] =	ssyncadd.s32 $0xFFFF8300  }
0x232: {  	[hbm4b:s4+s2] =	stream.linear.scatter [tilespmem:s6], [sflag:$0x4], $0x7D00, $0x38;
	[tilespmem:$0x12110] =	vst v63  }
0x233: {  	_ =	swait.ge [sflag:s7], $0x7D00  }
0x234: {  	s1 =	sadd.s32 $0xFFFFFFFF, s1;
	s0 =	rddreg [dreg:$0x4];
	[sflag:s7] =	ssyncset.done $0x0  }
.LBB2_3:
0x235: {  	[sflag:s7] =	ssyncadd.s32 @p0 $0xFFFF8300  }
0x236: {  	[tilespmem:s2], [sflag:$0x5] =	stream.linear.gather [hbm4b:s0+s2], $0x2710, $0x38;
	[tilespmem:$0x12110] =	vst v63  }
0x237: {  	_ =	swait.ge [sflag:s19], $0x2710  }
0x238: {  	[sflag:s19] =	ssyncset.done $0x0  }
0x239: {  	[sflag:s19] =	ssyncadd.s32 $0xFFFFD8F0  }
0x23a: {  	[tilespmem:s10], [sflag:$0x1] =	stream.indirect.gather [hbm4b:s30+s9], $0x20, s2, s9, $0xb8;
	[tilespmem:$0x12110] =	vst v63  }
0x23b: {  	_ =	swait.ge [sflag:s13], $0x7D00  }
0x23c: {  	[sflag:s13] =	ssyncset.done $0x0  }
0x23d: {  	[sflag:s13] =	ssyncadd.s32 $0xFFFF8300  }
0x23e: {  	[tilespmem:s6], [sflag:$0x2] =	stream.indirect.gather [hbm4b:s30+s9], $0x20, s9, s9, $0xb8;
	[tilespmem:$0x12110] =	vst v63  }
0x23f: {  	s1 =	rddreg [dreg:$0x5]  }
0x240: {  	[hbm4b:s1+s2] =	stream.linear.scatter [tilespmem:s10], [sflag:$0x3], $0x7D00, $0x38;
	[tilespmem:$0x12110] =	vst v63  }
0x241: {  	_ =	swait.ge [sflag:s11], $0x7D00  }
0x242: {  	[sflag:s11] =	ssyncset.done $0x0  }
0x243: {  	[sflag:s11] =	ssyncadd.s32 $0xFFFF8300  }
0x244: {  	_ =	swait.ge [sflag:s8], $0x7D00  }
0x245: {  	[sflag:s8] =	ssyncset.done $0x0  }
0x246: {  	[sflag:s8] =	ssyncadd.s32 $0xFFFF8300  }
0x247: {  	[tilespmem:s10], [sflag:$0x1] =	stream.indirect.gather [hbm4b:s30+s9], $0x20, s16, s9, $0xb8;
	[tilespmem:$0x12110] =	vst v63  }
0x248: {  	s1 =	rddreg [dreg:$0x6]  }
0x249: {  	[hbm4b:s1+s2] =	stream.linear.scatter [tilespmem:s6], [sflag:$0x4], $0x7D00, $0x38;
	[tilespmem:$0x12110] =	vst v63  }
0x24a: {  	_ =	swait.ge [sflag:s13], $0x7D00  }
0x24b: {  	[sflag:s13] =	ssyncset.done $0x0  }
0x24c: {  	[sflag:s13] =	ssyncadd.s32 $0xFFFF8300  }
0x24d: {  	_ =	swait.ge [sflag:s7], $0x7D00  }
0x24e: {  	[sflag:s7] =	ssyncset.done $0x0  }
0x24f: {  	[sflag:s7] =	ssyncadd.s32 $0xFFFF8300  }
0x250: {  	[tilespmem:s6], [sflag:$0x2] =	stream.indirect.gather [hbm4b:s30+s9], $0x20, s15, s9, $0xb8;
	[tilespmem:$0x12110] =	vst v63  }
0x251: {  	s1 =	rddreg [dreg:$0x7]  }
0x252: {  	[hbm4b:s1+s2] =	stream.linear.scatter [tilespmem:s10], [sflag:$0x3], $0x7D00, $0x38;
	[tilespmem:$0x12110] =	vst v63  }
0x253: {  	_ =	swait.ge [sflag:s11], $0x7D00  }
0x254: {  	[sflag:s11] =	ssyncset.done $0x0  }
0x255: {  	[sflag:s11] =	ssyncadd.s32 $0xFFFF8300  }
0x256: {  	_ =	swait.ge [sflag:s8], $0x7D00  }
0x257: {  	[sflag:s8] =	ssyncset.done $0x0  }
0x258: {  	[sflag:s8] =	ssyncadd.s32 $0xFFFF8300  }
0x259: {  	[tilespmem:s10], [sflag:$0x1] =	stream.indirect.gather [hbm4b:s30+s9], $0x20, s31, s9, $0xb8;
	[tilespmem:$0x12110] =	vst v63  }
0x25a: {  	s1 =	rddreg [dreg:$0x8]  }
0x25b: {  	[hbm4b:s1+s2] =	stream.linear.scatter [tilespmem:s6], [sflag:$0x4], $0x7D00, $0x38;
	[tilespmem:$0x12110] =	vst v63  }
0x25c: {  	_ =	swait.ge [sflag:s13], $0x7D00  }
0x25d: {  	[sflag:s13] =	ssyncset.done $0x0  }
0x25e: {  	[sflag:s13] =	ssyncadd.s32 $0xFFFF8300  }
0x25f: {  	_ =	swait.ge [sflag:s7], $0x7D00  }
0x260: {  	[sflag:s7] =	ssyncset.done $0x0  }
0x261: {  	[sflag:s7] =	ssyncadd.s32 $0xFFFF8300  }
0x262: {  	[tilespmem:s6], [sflag:$0x2] =	stream.indirect.gather [hbm4b:s30+s9], $0x20, s29, s9, $0xb8;
	[tilespmem:$0x12110] =	vst v63  }
0x263: {  	s1 =	rddreg [dreg:$0x9]  }
0x264: {  	[hbm4b:s1+s2] =	stream.linear.scatter [tilespmem:s10], [sflag:$0x3], $0x7D00, $0x38;
	[tilespmem:$0x12110] =	vst v63  }
0x265: {  	_ =	swait.ge [sflag:s11], $0x7D00  }
0x266: {  	[sflag:s11] =	ssyncset.done $0x0  }
0x267: {  	[sflag:s11] =	ssyncadd.s32 $0xFFFF8300  }
0x268: {  	_ =	swait.ge [sflag:s8], $0x7D00  }
0x269: {  	[sflag:s8] =	ssyncset.done $0x0  }
0x26a: {  	[sflag:s8] =	ssyncadd.s32 $0xFFFF8300  }
0x26b: {  	[tilespmem:s10], [sflag:$0x1] =	stream.indirect.gather [hbm4b:s30+s9], $0x20, s28, s9, $0xb8;
	[tilespmem:$0x12110] =	vst v63  }
0x26c: {  	s1 =	rddreg [dreg:$0xa]  }
0x26d: {  	[hbm4b:s1+s2] =	stream.linear.scatter [tilespmem:s6], [sflag:$0x4], $0x7D00, $0x38;
	[tilespmem:$0x12110] =	vst v63  }
0x26e: {  	_ =	swait.ge [sflag:s13], $0x7D00  }
0x26f: {  	[sflag:s13] =	ssyncset.done $0x0  }
0x270: {  	[sflag:s13] =	ssyncadd.s32 $0xFFFF8300  }
0x271: {  	_ =	swait.ge [sflag:s7], $0x7D00  }
0x272: {  	[sflag:s7] =	ssyncset.done $0x0  }
0x273: {  	[sflag:s7] =	ssyncadd.s32 $0xFFFF8300  }
0x274: {  	[tilespmem:s6], [sflag:$0x2] =	stream.indirect.gather [hbm4b:s30+s9], $0x20, s26, s9, $0xb8;
	[tilespmem:$0x12110] =	vst v63  }
0x275: {  	s1 =	rddreg [dreg:$0xb]  }
0x276: {  	[hbm4b:s1+s2] =	stream.linear.scatter [tilespmem:s10], [sflag:$0x3], $0x7D00, $0x38;
	[tilespmem:$0x12110] =	vst v63  }
0x277: {  	_ =	swait.ge [sflag:s11], $0x7D00  }
0x278: {  	[sflag:s11] =	ssyncset.done $0x0  }
0x279: {  	[sflag:s11] =	ssyncadd.s32 $0xFFFF8300  }
0x27a: {  	_ =	swait.ge [sflag:s8], $0x7D00  }
0x27b: {  	[sflag:s8] =	ssyncset.done $0x0  }
0x27c: {  	[sflag:s8] =	ssyncadd.s32 $0xFFFF8300  }
0x27d: {  	[tilespmem:s10], [sflag:$0x1] =	stream.indirect.gather [hbm4b:s30+s9], $0x20, s25, s9, $0xb8;
	[tilespmem:$0x12110] =	vst v63  }
0x27e: {  	s1 =	rddreg [dreg:$0xc]  }
0x27f: {  	[hbm4b:s1+s2] =	stream.linear.scatter [tilespmem:s6], [sflag:$0x4], $0x7D00, $0x38;
	[tilespmem:$0x12110] =	vst v63  }
0x280: {  	_ =	swait.ge [sflag:s13], $0x7D00  }
0x281: {  	[sflag:s13] =	ssyncset.done $0x0  }
0x282: {  	[sflag:s13] =	ssyncadd.s32 $0xFFFF8300  }
0x283: {  	_ =	swait.ge [sflag:s7], $0x7D00  }
0x284: {  	[sflag:s7] =	ssyncset.done $0x0  }
0x285: {  	[sflag:s7] =	ssyncadd.s32 $0xFFFF8300  }
0x286: {  	[tilespmem:s6], [sflag:$0x2] =	stream.indirect.gather [hbm4b:s30+s9], $0x20, s24, s9, $0xb8;
	[tilespmem:$0x12110] =	vst v63  }
0x287: {  	s1 =	rddreg [dreg:$0xd]  }
0x288: {  	[hbm4b:s1+s2] =	stream.linear.scatter [tilespmem:s10], [sflag:$0x3], $0x7D00, $0x38;
	[tilespmem:$0x12110] =	vst v63  }
0x289: {  	_ =	swait.ge [sflag:s11], $0x7D00  }
0x28a: {  	[sflag:s11] =	ssyncset.done $0x0  }
0x28b: {  	[sflag:s11] =	ssyncadd.s32 $0xFFFF8300  }
0x28c: {  	_ =	swait.ge [sflag:s8], $0x7D00  }
0x28d: {  	[sflag:s8] =	ssyncset.done $0x0  }
0x28e: {  	s30 =	rddreg [dreg:$0xe];
	[sflag:s8] =	ssyncadd.s32 $0xFFFF8300  }
0x28f: {  	[hbm4b:s30+s2] =	stream.linear.scatter [tilespmem:s6], [sflag:$0x4], $0x7D00, $0x38;
	[tilespmem:$0x12110] =	vst v63  }
0x290: {  	_ =	swait.ge [sflag:s7], $0x7D00  }
0x291: {  	[sflag:s7] =	ssyncset.done $0x0  }
0x292: {  	s1 =	rddreg [dreg:$0xf];
	[sflag:s7] =	ssyncadd.s32 $0xFFFF8300  }
0x293: {  	[tilespmem:s2], [sflag:$0x5] =	stream.linear.gather [hbm4b:s1+s2], $0x2710, $0x38;
	[tilespmem:$0x12110] =	vst v63  }
0x294: {  	_ =	swait.ge [sflag:s19], $0x2710  }
0x295: {  	[sflag:s19] =	ssyncset.done $0x0  }
0x296: {  	[sflag:s19] =	ssyncadd.s32 $0xFFFFD8F0  }
0x297: {  	[tilespmem:s10], [sflag:$0x1] =	stream.indirect.gather [hbm4b:s3+s9], $0x20, s2, s9, $0xb8;
	[tilespmem:$0x12110] =	vst v63  }
0x298: {  	_ =	swait.ge [sflag:s13], $0x7D00  }
0x299: {  	[sflag:s13] =	ssyncset.done $0x0  }
0x29a: {  	[sflag:s13] =	ssyncadd.s32 $0xFFFF8300  }
0x29b: {  	[tilespmem:s6], [sflag:$0x2] =	stream.indirect.gather [hbm4b:s3+s9], $0x20, s9, s9, $0xb8;
	[tilespmem:$0x12110] =	vst v63  }
0x29c: {  	s30 =	rddreg [dreg:$0x10]  }
0x29d: {  	[hbm4b:s30+s2] =	stream.linear.scatter [tilespmem:s10], [sflag:$0x3], $0x7D00, $0x38;
	[tilespmem:$0x12110] =	vst v63  }
0x29e: {  	_ =	swait.ge [sflag:s11], $0x7D00  }
0x29f: {  	[sflag:s11] =	ssyncset.done $0x0  }
0x2a0: {  	[sflag:s11] =	ssyncadd.s32 $0xFFFF8300  }
0x2a1: {  	_ =	swait.ge [sflag:s8], $0x7D00  }
0x2a2: {  	[sflag:s8] =	ssyncset.done $0x0  }
0x2a3: {  	[sflag:s8] =	ssyncadd.s32 $0xFFFF8300  }
0x2a4: {  	[tilespmem:s10], [sflag:$0x1] =	stream.indirect.gather [hbm4b:s3+s9], $0x20, s16, s9, $0xb8;
	[tilespmem:$0x12110] =	vst v63  }
0x2a5: {  	s1 =	rddreg [dreg:$0x11]  }
0x2a6: {  	[hbm4b:s1+s2] =	stream.linear.scatter [tilespmem:s6], [sflag:$0x4], $0x7D00, $0x38;
	[tilespmem:$0x12110] =	vst v63  }
0x2a7: {  	_ =	swait.ge [sflag:s13], $0x7D00  }
0x2a8: {  	[sflag:s13] =	ssyncset.done $0x0  }
0x2a9: {  	[sflag:s13] =	ssyncadd.s32 $0xFFFF8300  }
0x2aa: {  	_ =	swait.ge [sflag:s7], $0x7D00  }
0x2ab: {  	[sflag:s7] =	ssyncset.done $0x0  }
0x2ac: {  	[sflag:s7] =	ssyncadd.s32 $0xFFFF8300  }
0x2ad: {  	[tilespmem:s6], [sflag:$0x2] =	stream.indirect.gather [hbm4b:s3+s9], $0x20, s15, s9, $0xb8;
	[tilespmem:$0x12110] =	vst v63  }
0x2ae: {  	s30 =	rddreg [dreg:$0x12]  }
0x2af: {  	[hbm4b:s30+s2] =	stream.linear.scatter [tilespmem:s10], [sflag:$0x3], $0x7D00, $0x38;
	[tilespmem:$0x12110] =	vst v63  }
0x2b0: {  	_ =	swait.ge [sflag:s11], $0x7D00  }
0x2b1: {  	[sflag:s11] =	ssyncset.done $0x0  }
0x2b2: {  	[sflag:s11] =	ssyncadd.s32 $0xFFFF8300  }
0x2b3: {  	_ =	swait.ge [sflag:s8], $0x7D00  }
0x2b4: {  	[sflag:s8] =	ssyncset.done $0x0  }
0x2b5: {  	[sflag:s8] =	ssyncadd.s32 $0xFFFF8300  }
0x2b6: {  	[tilespmem:s10], [sflag:$0x1] =	stream.indirect.gather [hbm4b:s3+s9], $0x20, s31, s9, $0xb8;
	[tilespmem:$0x12110] =	vst v63  }
0x2b7: {  	s1 =	rddreg [dreg:$0x13]  }
0x2b8: {  	[hbm4b:s1+s2] =	stream.linear.scatter [tilespmem:s6], [sflag:$0x4], $0x7D00, $0x38;
	[tilespmem:$0x12110] =	vst v63  }
0x2b9: {  	_ =	swait.ge [sflag:s13], $0x7D00  }
0x2ba: {  	[sflag:s13] =	ssyncset.done $0x0  }
0x2bb: {  	[sflag:s13] =	ssyncadd.s32 $0xFFFF8300  }
0x2bc: {  	_ =	swait.ge [sflag:s7], $0x7D00  }
0x2bd: {  	[sflag:s7] =	ssyncset.done $0x0  }
0x2be: {  	[sflag:s7] =	ssyncadd.s32 $0xFFFF8300  }
0x2bf: {  	[tilespmem:s6], [sflag:$0x2] =	stream.indirect.gather [hbm4b:s3+s9], $0x20, s29, s9, $0xb8;
	[tilespmem:$0x12110] =	vst v63  }
0x2c0: {  	s30 =	rddreg [dreg:$0x14]  }
0x2c1: {  	[hbm4b:s30+s2] =	stream.linear.scatter [tilespmem:s10], [sflag:$0x3], $0x7D00, $0x38;
	[tilespmem:$0x12110] =	vst v63  }
0x2c2: {  	_ =	swait.ge [sflag:s11], $0x7D00  }
0x2c3: {  	[sflag:s11] =	ssyncset.done $0x0  }
0x2c4: {  	[sflag:s11] =	ssyncadd.s32 $0xFFFF8300  }
0x2c5: {  	_ =	swait.ge [sflag:s8], $0x7D00  }
0x2c6: {  	[sflag:s8] =	ssyncset.done $0x0  }
0x2c7: {  	[sflag:s8] =	ssyncadd.s32 $0xFFFF8300  }
0x2c8: {  	[tilespmem:s10], [sflag:$0x1] =	stream.indirect.gather [hbm4b:s3+s9], $0x20, s28, s9, $0xb8;
	[tilespmem:$0x12110] =	vst v63  }
0x2c9: {  	s31 =	rddreg [dreg:$0x15]  }
0x2ca: {  	[hbm4b:s31+s2] =	stream.linear.scatter [tilespmem:s6], [sflag:$0x4], $0x7D00, $0x38;
	[tilespmem:$0x12110] =	vst v63  }
0x2cb: {  	_ =	swait.ge [sflag:s13], $0x7D00  }
0x2cc: {  	[sflag:s13] =	ssyncset.done $0x0  }
0x2cd: {  	[sflag:s13] =	ssyncadd.s32 $0xFFFF8300  }
0x2ce: {  	_ =	swait.ge [sflag:s7], $0x7D00  }
0x2cf: {  	[sflag:s7] =	ssyncset.done $0x0  }
0x2d0: {  	[sflag:s7] =	ssyncadd.s32 $0xFFFF8300  }
0x2d1: {  	[tilespmem:s6], [sflag:$0x2] =	stream.indirect.gather [hbm4b:s3+s9], $0x20, s26, s9, $0xb8;
	[tilespmem:$0x12110] =	vst v63  }
0x2d2: {  	s1 =	rddreg [dreg:$0x16]  }
0x2d3: {  	[hbm4b:s1+s2] =	stream.linear.scatter [tilespmem:s10], [sflag:$0x3], $0x7D00, $0x38;
	[tilespmem:$0x12110] =	vst v63  }
0x2d4: {  	_ =	swait.ge [sflag:s11], $0x7D00  }
0x2d5: {  	[sflag:s11] =	ssyncset.done $0x0  }
0x2d6: {  	[sflag:s11] =	ssyncadd.s32 $0xFFFF8300  }
0x2d7: {  	_ =	swait.ge [sflag:s8], $0x7D00  }
0x2d8: {  	[sflag:s8] =	ssyncset.done $0x0  }
0x2d9: {  	[sflag:s8] =	ssyncadd.s32 $0xFFFF8300  }
0x2da: {  	[tilespmem:s10], [sflag:$0x1] =	stream.indirect.gather [hbm4b:s3+s9], $0x20, s25, s9, $0xb8;
	[tilespmem:$0x12110] =	vst v63  }
0x2db: {  	s28 =	rddreg [dreg:$0x17]  }
0x2dc: {  	[hbm4b:s28+s2] =	stream.linear.scatter [tilespmem:s6], [sflag:$0x4], $0x7D00, $0x38;
	[tilespmem:$0x12110] =	vst v63  }
0x2dd: {  	_ =	swait.ge [sflag:s13], $0x7D00  }
0x2de: {  	[sflag:s13] =	ssyncset.done $0x0  }
0x2df: {  	[sflag:s13] =	ssyncadd.s32 $0xFFFF8300  }
0x2e0: {  	_ =	swait.ge [sflag:s7], $0x7D00  }
0x2e1: {  	[sflag:s7] =	ssyncset.done $0x0  }
0x2e2: {  	[sflag:s7] =	ssyncadd.s32 $0xFFFF8300  }
0x2e3: {  	[tilespmem:s6], [sflag:$0x2] =	stream.indirect.gather [hbm4b:s3+s9], $0x20, s24, s9, $0xb8;
	[tilespmem:$0x12110] =	vst v63  }
0x2e4: {  	s29 =	rddreg [dreg:$0x18]  }
0x2e5: {  	[hbm4b:s29+s2] =	stream.linear.scatter [tilespmem:s10], [sflag:$0x3], $0x7D00, $0x38;
	[tilespmem:$0x12110] =	vst v63  }
0x2e6: {  	_ =	swait.ge [sflag:s11], $0x7D00  }
0x2e7: {  	[sflag:s11] =	ssyncset.done $0x0  }
0x2e8: {  	[sflag:s11] =	ssyncadd.s32 $0xFFFF8300  }
0x2e9: {  	_ =	swait.ge [sflag:s8], $0x7D00  }
0x2ea: {  	[sflag:s8] =	ssyncset.done $0x0  }
0x2eb: {  	s30 =	rddreg [dreg:$0x19];
	[sflag:s8] =	ssyncadd.s32 $0xFFFF8300  }
0x2ec: {  	[hbm4b:s30+s2] =	stream.linear.scatter [tilespmem:s6], [sflag:$0x4], $0x7D00, $0x38;
	[tilespmem:$0x12110] =	vst v63  }
0x2ed: {  	_ =	swait.ge [sflag:s7], $0x7D00  }
0x2ee: {  	[sflag:s7] =	ssyncset.done $0x0  }
0x2ef: {  	[sflag:s7] =	ssyncadd.s32 $0xFFFF8300  }
0x2f0: {  	[tilespmem:s2], [sflag:$0x5] =	stream.linear.gather [hbm4b:s23+s2], $0xFA0, $0x38;
	[tilespmem:$0x12110] =	vst v63  }
0x2f1: {  	_ =	swait.ge [sflag:s19], $0xFA0  }
0x2f2: {  	[sflag:s19] =	ssyncset.done $0x0  }
0x2f3: {  	[sflag:s19] =	ssyncadd.s32 $0xFFFFF060  }
0x2f4: {  	[tilespmem:s10], [sflag:$0x1] =	stream.indirect.gather [hbm4b:s3+s9], $0x20, s2, s9, $0xb8;
	[tilespmem:$0x12110] =	vst v63  }
0x2f5: {  	_ =	swait.ge [sflag:s13], $0x7D00  }
0x2f6: {  	[sflag:s13] =	ssyncset.done $0x0  }
0x2f7: {  	[sflag:s13] =	ssyncadd.s32 $0xFFFF8300  }
0x2f8: {  	[tilespmem:s6], [sflag:$0x2] =	stream.indirect.gather [hbm4b:s3+s9], $0x20, s9, s9, $0xb8;
	[tilespmem:$0x12110] =	vst v63  }
0x2f9: {  	_ = 	snop  }
0x2fa: {  	[hbm4b:s22+s2] =	stream.linear.scatter [tilespmem:s10], [sflag:$0x3], $0x7D00, $0x38;
	[tilespmem:$0x12110] =	vst v63  }
0x2fb: {  	_ =	swait.ge [sflag:s11], $0x7D00  }
0x2fc: {  	[sflag:s11] =	ssyncset.done $0x0  }
0x2fd: {  	[sflag:s11] =	ssyncadd.s32 $0xFFFF8300  }
0x2fe: {  	_ =	swait.ge [sflag:s8], $0x7D00  }
0x2ff: {  	[sflag:s8] =	ssyncset.done $0x0  }
0x300: {  	[sflag:s8] =	ssyncadd.s32 $0xFFFF8300  }
0x301: {  	[tilespmem:s10], [sflag:$0x1] =	stream.indirect.gather [hbm4b:s3+s9], $0x20, s16, s9, $0xb8;
	[tilespmem:$0x12110] =	vst v63  }
0x302: {  	_ = 	snop  }
0x303: {  	[hbm4b:s21+s2] =	stream.linear.scatter [tilespmem:s6], [sflag:$0x4], $0x7D00, $0x38;
	[tilespmem:$0x12110] =	vst v63  }
0x304: {  	_ =	swait.ge [sflag:s13], $0x7D00  }
0x305: {  	[sflag:s13] =	ssyncset.done $0x0  }
0x306: {  	[sflag:s13] =	ssyncadd.s32 $0xFFFF8300  }
0x307: {  	_ =	swait.ge [sflag:s7], $0x7D00  }
0x308: {  	[sflag:s7] =	ssyncset.done $0x0  }
0x309: {  	[sflag:s7] =	ssyncadd.s32 $0xFFFF8300  }
0x30a: {  	[tilespmem:s6], [sflag:$0x2] =	stream.indirect.gather [hbm4b:s3+s9], $0x20, s15, s9, $0xb8;
	[tilespmem:$0x12110] =	vst v63  }
0x30b: {  	_ = 	snop  }
0x30c: {  	[hbm4b:s20+s2] =	stream.linear.scatter [tilespmem:s10], [sflag:$0x3], $0x7D00, $0x38;
	[tilespmem:$0x12110] =	vst v63  }
0x30d: {  	_ =	swait.ge [sflag:s11], $0x7D00  }
0x30e: {  	[sflag:s11] =	ssyncset.done $0x0  }
0x30f: {  	[sflag:s11] =	ssyncadd.s32 $0xFFFF8300  }
0x310: {  	_ =	swait.ge [sflag:s8], $0x7D00  }
0x311: {  	[sflag:s8] =	ssyncset.done $0x0  }
0x312: {  	[sflag:s8] =	ssyncadd.s32 $0xFFFF8300  }
0x313: {  	[hbm4b:s18+s2] =	stream.linear.scatter [tilespmem:s6], [sflag:$0x4], $0x7D00, $0x38;
	[tilespmem:$0x12110] =	vst v63  }
0x314: {  	_ =	swait.ge [sflag:s7], $0x7D00  }
0x315: {  	[sflag:s7] =	ssyncset.done $0x0  }
0x316: {  	[sflag:s7] =	ssyncadd.s32 $0xFFFF8300  }
0x317: {  	[tilespmem:s2], [sflag:$0x5] =	stream.linear.gather [hbm4b:s17+s2], $0xFA0, $0x38;
	[tilespmem:$0x12110] =	vst v63  }
0x318: {  	_ =	swait.ge [sflag:s19], $0xFA0  }
0x319: {  	[sflag:s19] =	ssyncset.done $0x0  }
0x31a: {  	[sflag:s19] =	ssyncadd.s32 $0xFFFFF060  }
0x31b: {  	[tilespmem:s10], [sflag:$0x1] =	stream.indirect.gather [hbm4b:s3+s9], $0x20, s2, s9, $0xb8;
	[tilespmem:$0x12110] =	vst v63  }
0x31c: {  	_ =	swait.ge [sflag:s13], $0x7D00  }
0x31d: {  	[sflag:s13] =	ssyncset.done $0x0  }
0x31e: {  	[sflag:s13] =	ssyncadd.s32 $0xFFFF8300  }
0x31f: {  	[tilespmem:s6], [sflag:$0x2] =	stream.indirect.gather [hbm4b:s3+s9], $0x20, s9, s9, $0xb8;
	[tilespmem:$0x12110] =	vst v63  }
0x320: {  	_ = 	snop  }
0x321: {  	[hbm4b:s14+s2] =	stream.linear.scatter [tilespmem:s10], [sflag:$0x3], $0x7D00, $0x38;
	[tilespmem:$0x12110] =	vst v63  }
0x322: {  	_ =	swait.ge [sflag:s11], $0x7D00  }
0x323: {  	[sflag:s11] =	ssyncset.done $0x0  }
0x324: {  	[sflag:s11] =	ssyncadd.s32 $0xFFFF8300  }
0x325: {  	_ =	swait.ge [sflag:s8], $0x7D00  }
0x326: {  	[sflag:s8] =	ssyncset.done $0x0  }
0x327: {  	[sflag:s8] =	ssyncadd.s32 $0xFFFF8300  }
0x328: {  	[tilespmem:s10], [sflag:$0x1] =	stream.indirect.gather [hbm4b:s3+s9], $0x20, s16, s9, $0xb8;
	[tilespmem:$0x12110] =	vst v63  }
0x329: {  	_ = 	snop  }
0x32a: {  	[hbm4b:s12+s2] =	stream.linear.scatter [tilespmem:s6], [sflag:$0x4], $0x7D00, $0x38;
	[tilespmem:$0x12110] =	vst v63  }
0x32b: {  	_ =	swait.ge [sflag:s13], $0x7D00  }
0x32c: {  	[sflag:s13] =	ssyncset.done $0x0  }
0x32d: {  	[sflag:s13] =	ssyncadd.s32 $0xFFFF8300  }
0x32e: {  	_ =	swait.ge [sflag:s7], $0x7D00  }
0x32f: {  	[sflag:s7] =	ssyncset.done $0x0  }
0x330: {  	[sflag:s7] =	ssyncadd.s32 $0xFFFF8300  }
0x331: {  	[tilespmem:s6], [sflag:$0x2] =	stream.indirect.gather [hbm4b:s3+s9], $0x20, s15, s9, $0xb8;
	[tilespmem:$0x12110] =	vst v63  }
0x332: {  	_ = 	snop  }
0x333: {  	[hbm4b:s5+s2] =	stream.linear.scatter [tilespmem:s10], [sflag:$0x3], $0x7D00, $0x38;
	[tilespmem:$0x12110] =	vst v63  }
0x334: {  	_ =	swait.ge [sflag:s11], $0x7D00  }
0x335: {  	[sflag:s11] =	ssyncset.done $0x0  }
0x336: {  	[sflag:s11] =	ssyncadd.s32 $0xFFFF8300  }
0x337: {  	_ =	swait.ge [sflag:s8], $0x7D00  }
0x338: {  	[sflag:s8] =	ssyncset.done $0x0  }
0x339: {  	[sflag:s8] =	ssyncadd.s32 $0xFFFF8300  }
0x33a: {  	[hbm4b:s4+s2] =	stream.linear.scatter [tilespmem:s6], [sflag:$0x4], $0x7D00, $0x38;
	[tilespmem:$0x12110] =	vst v63  }
0x33b: {  	_ =	swait.ge [sflag:s7], $0x7D00  }
0x33c: {  	[sflag:s7] =	ssyncset.done $0x0  }
0x33d: {  	[sflag:s7] =	ssyncadd.s32 $0xFFFF8300  }
0x33e: {  	_ =	sfence.sel $0x180000  }
0x33f: {  	[bflag:$0x0] =	sbarrier.arrive $0xFFFF  }
0x340: {  	_ =	strace $0x90000047  }
0x341: {  	s31 =	stileid.u32;
	[bflag:$0x2] =	sbarrier.arrive $0xFFFF  }
0x342: {  	p0 =	sne.s32 s31, $0x0;
	s0 =	rddreg [dreg:$0x3]  }
0x343: {  	s0 =	sadd.s32 @!p0 $0x100000, s0  }
0x344: {  	[sflag:s0] =	ssyncadd.tile.s32 @!p0 $0x1;
	_ =	shalt  }
.Lfunc_end2:
_tile_overlayer_lowered:
.L_overlay_start_2:
0x345: {  	(tag) =	ssettag $0x2  }
0x346: {  	s0 =	rddreg [dreg:$0x0];
	s2 =	stileid.u32  }
0x347: {  	s1 =	rddreg [dreg:$0x1];
	p0 =	sne.s32 s2, $0x0  }
0x348: {  	s3 =	rddreg [dreg:$0x2];
	[bflag:$0x3] =	sbarrier.arrive $0xFFFF;
	s2 =	simm.s32 @!p0 $0x1C05  }
0x349: {  	[timem:s3], [sflag:s2] =	dma.local @!p0 [hbm:s0], s1  }
0x34a: {  	s0 =	simm.s32 @!p0 $0x5  }
0x34b: {  	_ =	swait.ge @!p0 [sflag:s0], s1  }
0x34c: {  	s1 =	ssub.s32 @!p0 $0x0, s1;
	[sflag:s0] =	ssyncset.done @!p0 $0x0  }
0x34d: {  	[sflag:s0] =	ssyncadd.s32 @!p0 s1  }
0x34e: {  	[bflag:$0x3] =	sbarrier.arrive $0xFFFF  }
0x34f: {  	_ =	shalt  }

// kernel: kernel.13.cloned.1.call-start
scs
__scs_entry_jumppad:
0x0: {  	(pc) =	sbr.rel $0x88, $3  }
0x1: {  	(tag) =	ssettag $0x0;
	lr =	simm.s32 $0x1  }
0x2: {  	[smem:$0x3F7F] =	sst lr;
	_ =	strace $0xD0000000  }
0x3: {  	_ = 	snop  }
0x4: {  	_ = 	snop  }
0x5: {  	_ = 	snop  }
0x6: {  	_ = 	snop  }
0x7: {  	_ = 	snop  }
__scs_overlays_trampoline_lowered:
0x8: {  	[smem:$0x3F8E] =	sst s0  }
0x9: {  	[smem:$0x3F8F] =	sst s1  }
0xa: {  	[smem:$0x3F90] =	sst s2  }
0xb: {  	[smem:$0x3F91] =	sst s3  }
0xc: {  	[smem:$0x3F92] =	sst s4  }
0xd: {  	[smem:$0x3F93] =	sst s5  }
0xe: {  	[smem:$0x3F94] =	sst s6  }
0xf: {  	[smem:$0x3F95] =	sst s7  }
0x10: {  	[smem:$0x3F96] =	sst s8  }
0x11: {  	[smem:$0x3F97] =	sst s9;
	s0 =	simm.s32 @!p0 $0x0  }
0x12: {  	s1 =	sld [smem:$0x3F7D];
	s0 =	simm.s32 @p0 $0x1  }
0x13: {  	[smem:$0x3F98] =	sst s0;
	s0 =	simm.s32 @!p1 $0x0  }
0x14: {  	s2 =	sld [smem:$0x3F7C];
	s0 =	simm.s32 @p1 $0x1  }
0x15: {  	[smem:$0x3F99] =	sst s0;
	s0 =	simm.s32 @!p2 $0x0  }
0x16: {  	s3 =	sld [smem:$0x3FDB];
	s0 =	simm.s32 @p2 $0x1  }
0x17: {  	s4 =	simm.s32 $0x1BF5;
	[smem:$0x3F9B] =	sst s0  }
0x18: {  	s0 =	sld [smem:$0x3F7E];
	_ =	swait.ge [sflag:s4], $0x0  }
0x19: {  	s7 =	sld [smem:$0x3F7F]  }
0x1a: {  	s8 =	sadd.s32 $0xFFFFE003, lr  }
0x1b: {  	s9 =	sadd.s32 $0xFFFFFEF7, lr;
	s5 =	simm.s32 $0xFFFFFFFF;
	p2 =	slt.u32 s8, $0xFFFFF086  }
0x1c: {  	p1 =	slt.u32 s9, $0xF7A;
	s5 =	simm.s32 @!p2 $0x0  }
0x1d: {  	s5 =	simm.s32 @p1 $0x1;
	p0 =	seq.s32 s7, s2  }
0x1e: {  	s7 =	smul.u32 @!p0 $0xF7A, s2;
	p2 =	seq.s32 @!p0 s5, $0x0  }
0x1f: {  	s9 =	smul.u32 $0xF7A, s1;
	s8 =	simm.s32 @!p0 $0x1BF5;
	p2 =	por !p2, p0  }
0x20: {  	[sflag:s8] =	ssyncset.s32 @!p0 $0xFFFFF086;
	s6 =	sadd.s32 @!p0 s3, s7;
	s7 =	simm.s32 @!p0 $0x108  }
0x21: {  	s3 =	sadd.s32 s3, s9;
	s6 =	sadd.s32 @!p0 $0x88, s6;
	s7 =	simm.s32 @p2 $0x1082  }
0x22: {  	[simem:s7], [sflag:s8] =	dma.local @!p0 [hbm:s6], $0xF7A  }
0x23: {  	s9 =	sor.u32 $0xD0000000, s2;
	s6 =	simm.s32 $0x108;
	_ =	swait.ge @!p0 [sflag:s8], $0x0  }
0x24: {  	s3 =	sadd.s32 $0x88, s3;
	s6 =	simm.s32 @!p1 $0x1082;
	[sflag:s4] =	ssyncset.s32 $0xFFFFF086  }
0x25: {  	[simem:s6], [sflag:s4] =	dma.local [hbm:s3], $0xF7A  }
0x26: {  	[smem:$0x3F7F] =	sst s1;
	(tag) =	ssettag s2;
	_ =	strace s9  }
0x27: {  	s1 =	sld [smem:$0x3F8F]  }
0x28: {  	s2 =	sld [smem:$0x3F90]  }
0x29: {  	s4 =	sld [smem:$0x3F92]  }
0x2a: {  	p0 =	seq.s32 s5, $0x0;
	s5 =	sld [smem:$0x3F93]  }
0x2b: {  	s6 =	sld [smem:$0x3F94]  }
0x2c: {  	s7 =	sld [smem:$0x3F95]  }
0x2d: {  	s3 =	simm.s32 $0x108;
	s8 =	sld [smem:$0x3F96]  }
0x2e: {  	s3 =	simm.s32 @!p0 $0x1082;
	s9 =	sld [smem:$0x3F97]  }
0x2f: {  	lr =	sadd.s32 s0, s3;
	s0 =	sld [smem:$0x3F8E]  }
0x30: {  	s3 =	sld [smem:$0x3F91]  }
0x31: {  	[smem:$0x3F9A] =	sst s10  }
0x32: {  	s10 =	sld [smem:$0x3F98];
	_ =	sdelay $0x3  }
0x33: {  	p0 =	seq.s32 s10, $0x1;
	s10 =	sld [smem:$0x3F9A];
	_ =	sdelay $0x3  }
0x34: {  	[smem:$0x3F9A] =	sst s10  }
0x35: {  	s10 =	sld [smem:$0x3F99];
	_ =	sdelay $0x3  }
0x36: {  	p1 =	seq.s32 s10, $0x1;
	s10 =	sld [smem:$0x3F9A];
	_ =	sdelay $0x3  }
0x37: {  	[smem:$0x3F9A] =	sst s10  }
0x38: {  	s10 =	sld [smem:$0x3F9B]  }
0x39: {  	_ = 	snop;
	(pc) =	sbr.ind lr, $3  }
0x3a: {  	_ = 	snop  }
0x3b: {  	_ = 	snop  }
0x3c: {  	p2 =	seq.s32 s10, $0x1;
	s10 =	sld [smem:$0x3F9A]  }
0x3d: {  	_ =	shalt  }
0x3e: {  	_ =	shalt  }
0x3f: {  	_ =	shalt  }
0x40: {  	_ =	shalt  }
0x41: {  	_ =	shalt  }
0x42: {  	_ =	shalt  }
0x43: {  	_ =	shalt  }
0x44: {  	_ =	shalt  }
0x45: {  	_ =	shalt  }
0x46: {  	_ =	shalt  }
0x47: {  	_ =	shalt  }
0x48: {  	_ =	shalt  }
0x49: {  	_ =	shalt  }
0x4a: {  	_ =	shalt  }
0x4b: {  	_ =	shalt  }
0x4c: {  	_ =	shalt  }
0x4d: {  	_ =	shalt  }
0x4e: {  	_ =	shalt  }
0x4f: {  	_ =	shalt  }
0x50: {  	_ =	shalt  }
0x51: {  	_ =	shalt  }
0x52: {  	_ =	shalt  }
0x53: {  	_ =	shalt  }
0x54: {  	_ =	shalt  }
0x55: {  	_ =	shalt  }
0x56: {  	_ =	shalt  }
0x57: {  	_ =	shalt  }
0x58: {  	_ =	shalt  }
0x59: {  	_ =	shalt  }
0x5a: {  	_ =	shalt  }
0x5b: {  	_ =	shalt  }
0x5c: {  	_ =	shalt  }
0x5d: {  	_ =	shalt  }
0x5e: {  	_ =	shalt  }
0x5f: {  	_ =	shalt  }
0x60: {  	_ =	shalt  }
0x61: {  	_ =	shalt  }
0x62: {  	_ =	shalt  }
0x63: {  	_ =	shalt  }
0x64: {  	_ =	shalt  }
0x65: {  	_ =	shalt  }
0x66: {  	_ =	shalt  }
0x67: {  	_ =	shalt  }
0x68: {  	_ =	shalt  }
0x69: {  	_ =	shalt  }
0x6a: {  	_ =	shalt  }
0x6b: {  	_ =	shalt  }
0x6c: {  	_ =	shalt  }
0x6d: {  	_ =	shalt  }
0x6e: {  	_ =	shalt  }
0x6f: {  	_ =	shalt  }
0x70: {  	_ =	shalt  }
0x71: {  	_ =	shalt  }
0x72: {  	_ =	shalt  }
0x73: {  	_ =	shalt  }
0x74: {  	_ =	shalt  }
0x75: {  	_ =	shalt  }
0x76: {  	_ =	shalt  }
0x77: {  	_ =	shalt  }
0x78: {  	_ =	shalt  }
0x79: {  	_ =	shalt  }
0x7a: {  	_ =	shalt  }
0x7b: {  	_ =	shalt  }
0x7c: {  	_ =	shalt  }
0x7d: {  	_ =	shalt  }
0x7e: {  	_ =	shalt  }
0x7f: {  	_ =	shalt  }
0x80: {  	_ =	shalt  }
0x81: {  	_ =	shalt  }
0x82: {  	_ =	shalt  }
0x83: {  	_ =	shalt  }
0x84: {  	_ =	shalt  }
0x85: {  	_ =	shalt  }
0x86: {  	_ =	shalt  }
0x87: {  	_ =	shalt  }
.Lfunc_end0:
.L_simem_size_0:
called_computation.1_lowered:
.L_overlay_start_0:
0x88: {  	s2 =	sld [smem:$0x3FD9]  }
0x89: {  	s3 =	sld [smem:$0x3FFE];
	_ =	sdelay $0x1  }
0x8a: {  	s1 =	srdreg.scid  }
0x8b: {  	s0 =	sand.u32 $0x1, s1  }
0x8c: {  	s17 =	sshll.u32 s0, $0xA;
	s2 =	sadd.s32 s3, s2  }
0x8d: {  	s2 =	sadd.s32 s2, s17  }
0x8e: {  	[smem:$0x3FA6] =	sst s2  }
0x8f: {  	_ = 	snop  }
0x90: {  	s18 =	sld [smem:$0x3FC6];
	(tm) =	ssettm $0x1  }
0x91: {  	s19 =	sld [smem:$0x3FFB];
	_ =	sdelay $0x3  }
0x92: {  	_ =	strace s19  }
0x93: {  	s2 =	sld [smem:$0x3FFC];
	_ =	sdelay $0x3  }
0x94: {  	_ =	strace s2  }
0x95: {  	s2 =	sld [smem:$0x3FFD];
	_ =	sdelay $0x3  }
0x96: {  	_ =	strace s2  }
0x97: {  	_ =	strace $0x8FFFFFFF  }
0x98: {  	s20 =	sld [smem:$0x3FDB];
	_ =	sdelay $0x1  }
0x99: {  	s4 =	simm.s32 $_scs_section_size  }
0x9a: {  	s5 =	simm.s32 $_size__tile_overlayer_lowered;
	s6 =	simm.s32 $_tile_overlayer_lowered  }
0x9b: {  	s7 =	simm.s32 $0x1BFF;
	s21 =	sshll.u32 s6, $0x1;
	s4 =	sadd.s32 s4, s20  }
0x9c: {  	s22 =	simm.s32 $0x0;
	s5 =	sshll.u32 s5, $0x1;
	s6 =	sadd.s32 s21, s4  }
0x9d: {  	[timem:s22], [sflag:s7] =	dma.local [hbm:s6], s5  }
0x9e: {  	_ =	swait.ge [sflag:s7], s5  }
0x9f: {  	s5 =	ssub.s32 $0x0, s5;
	[sflag:s7] =	ssyncset.done $0x0  }
0xa0: {  	[sflag:s7] =	ssyncadd.s32 s5;
	_ =	sdelay $0x1  }
0xa1: {  	s23 =	simm.s32 $0x1B8B  }
0xa2: {  	_ =	swait.ge [sflag:s23], $0x1  }
0xa3: {  	[sflag:s23] =	ssyncset.done $0x0  }
0xa4: {  	[sflag:s23] =	ssyncadd.s32 $0xFFFFFFFF  }
0xa5: {  	s5 =	sld [smem:$0x0]  }
0xa6: {  	s6 =	sand.u32 $0xFFFFFFFE, s1  }
0xa7: {  	p0 =	sne.s32 s1, s6  }
0xa8: {  	s6 =	sshll.u32 @p0 s6, $0xE  }
0xa9: {  	s6 =	sadd.s32 @p0 $0x11B8D, s6;
	s7 =	sshll.u32 @p0 s5, $0x11  }
0xaa: {  	s6 =	sor.u32 @p0 s7, s6  }
0xab: {  	[sflag:s6] =	ssyncadd.remote.s32 @p0 $0x1;
	_ =	sdelay $0x1  }
0xac: {  	s6 =	simm.s32 @p0 $0x1B8D  }
0xad: {  	_ =	swait.eq @p0 [sflag:s6], $0x1  }
0xae: {  	[sflag:s6] =	ssyncadd.s32 @p0 $0xFFFFFFFF  }
0xaf: {  	s7 =	sshll.u32 @!p0 s1, $0xE  }
0xb0: {  	s7 =	sor.u32 @!p0 $0x4000, s7;
	s6 =	simm.s32 @!p0 $0x1B8D  }
0xb1: {  	s5 =	sshll.u32 @!p0 s5, $0x11;
	s7 =	sadd.s32 @!p0 $0x11B8D, s7;
	_ =	swait.eq @!p0 [sflag:s6], $0x1  }
0xb2: {  	s5 =	sor.u32 @!p0 s5, s7;
	[sflag:s6] =	ssyncadd.s32 @!p0 $0xFFFFFFFF  }
0xb3: {  	s25 =	simm.s32 $0x1B8E;
	s24 =	sld [smem:$0x3FFE];
	[sflag:s5] =	ssyncadd.remote.s32 @!p0 $0x1  }
0xb4: {  	s26 =	simm.s32 $execute0_lowered;
	[smem:$0x3FD2] =	sst s25  }
0xb5: {  	s6 =	sshll.u32 s26, $0x1;
	_ =	strace $0x8000004C;
	[dreg:$0x1] =	wrdreg $0xFFFFFFFF  }
0xb6: {  	s28 =	simm.s32 $_size_execute0_lowered;
	s4 =	sadd.s32 s4, s6;
	[dreg:$0x0] =	wrdreg $0x0  }
0xb7: {  	s6 =	sshll.u32 s28, $0x1;
	[dreg:$0x2] =	wrdreg s4  }
0xb8: {  	[dreg:$0x3] =	wrdreg s6  }
0xb9: {  	[dreg:$0x4] =	wrdreg $0xC0  }
0xba: {  	_ =	task [dreg:s22], $0x5FFFF  }
0xbb: {  	[dreg:$0x1] =	wrdreg $0xFFFFFFFF  }
0xbc: {  	[dreg:$0x0] =	wrdreg $0x60  }
0xbd: {  	[dreg:$0x2] =	wrdreg s24  }
0xbe: {  	[dreg:$0x3] =	wrdreg s18  }
0xbf: {  	[dreg:$0x4] =	wrdreg $0x0  }
0xc0: {  	[dreg:$0x5] =	wrdreg $0x9  }
0xc1: {  	_ =	task.clear_ibuf [dreg:s22], $0x6FFFF;
	_ =	strace $0x9000004C  }
0xc2: {  	s29 =	simm.s32 $0x9;
	_ =	strace $0x8000004E  }
0xc3: {  	_ =	swait.ge [sflag:s29], $0x1  }
0xc4: {  	[sflag:s29] =	ssyncadd.s32 $0xFFFFFFFF  }
0xc5: {  	_ =	strace $0x9000004E  }
0xc6: {  	_ =	sfence  }
0xc7: {  	s30 =	sld [smem:$0x0];
	_ =	sdelay $0x2  }
0xc8: {  	s31 =	sshll.u32 s1, $0xD;
	s1 =	sshrl.u32 s1, $0x2  }
0xc9: {  	s4 =	sand.u32 $0x4000, s31;
	s1 =	sadd.s32 s1, s30  }
0xca: {  	s0 =	sor.u32 s4, s0;
	s1 =	sshll.u32 s1, $0x11  }
0xcb: {  	s0 =	sor.u32 s1, s0  }
0xcc: {  	s0 =	sadd.s32 $0x8F2B, s0  }
0xcd: {  	[sflag:s0] =	ssyncadd.remote.s32 $0x1  }
0xce: {  	_ =	sfence.sel $0xFFFF  }
0xcf: {  	[dreg:$0x0] =	wrdreg $0xFFFFFFFF;
	(pc) =	sbr.abs _section_cstart, $3  }
0xd0: {  	[dreg:$0x1] =	wrdreg $0xFFFFFFFF  }
0xd1: {  	_ =	task.clear_ibuf [dreg:s22], $0x2FFFF;
	_ =	strace $0x9FFFFFFF  }
0xd2: {  	(tm) =	ssettm $0x7FFFFFFF  }
0xd3: {  	_ =	shalt  }
tec
execute0_lowered:
.L_overlay_start_1:
0x0: {  	(tag) =	ssettag $0x1  }
0x1: {  	s0 =	rddreg [dreg:$0x0]  }
0x2: {  	s1 =	rddreg [dreg:$0x1];
	s12 =	stileid.u32  }
0x3: {  	s3 =	srdreg.scid;
	s2 =	rddreg [dreg:$0x2];
	s31 =	simm.s32 $0x4E20  }
0x4: {  	s30 =	simm.s32 $0x5208;
	s29 =	simm.s32 $0x55F0;
	s28 =	simm.s32 $0x59D8  }
0x5: {  	p0 =	por $0x0, $0x0;
	s4 =	smul.u32 $0x4E20, s12;
	s8 =	sand.u32 $0x1, s3  }
0x6: {  	s3 =	simm.s32 $0x0;
	s6 =	sshll.u32 s12, $0x1;
	s5 =	smul.u32 $0x4E200, s8  }
0x7: {  	[smem:$0x7FF] =	sst s3;
	s9 =	sor.u32 s8, s6;
	s8 =	ssub.s32 $0x2, s8  }
0x8: {  	_ =	strace $0x8000004D;
	s18 =	sshrl.u32 s4, $0x3;
	s7 =	smul.u32 $0x2710, s9  }
0x9: {  	s9 =	smul.u32 $0x9C40, s9;
	s24 =	sshrl.u32 s8, $0x1;
	s5 =	sadd.s32 s4, s5  }
0xa: {  	s11 =	sadd.s32 s18, s0;
	s8 =	ssub.s32 s8, s24;
	s10 =	sshrl.u32 s5, $0x3  }
0xb: {  	s5 =	sadd.s32 $0x35400, s0;
	s19 =	sadd.s32 $0x2A6400, s11;
	s20 =	sshrl.u32 s7, $0x3  }
0xc: {  	s23 =	sadd.s32 $0x3E8, s7;
	s26 =	sadd.s32 $0x7D0, s7;
	s18 =	sadd.s32 $0xBB8, s7  }
0xd: {  	s11 =	sadd.s32 s4, s2;
	s6 =	sadd.s32 s10, s0;
	[dreg:$0x4] =	wrdreg s19  }
0xe: {  	s21 =	sadd.s32 s1, s20;
	s22 =	sadd.s32 s5, s9;
	s25 =	sshrl.u32 s23, $0x3  }
0xf: {  	s9 =	sshll.u32 s23, $0x2;
	s14 =	sshrl.u32 s26, $0x3;
	s16 =	sshll.u32 s26, $0x2  }
0x10: {  	s19 =	sshrl.u32 s18, $0x3;
	s20 =	sadd.s32 $0xFA0, s7;
	[dreg:$0x5] =	wrdreg s21  }
0x11: {  	s26 =	sadd.s32 $0x1388, s7;
	[dreg:$0x6] =	wrdreg s22;
	s0 =	sadd.s32 s1, s25  }
0x12: {  	s13 =	sadd.s32 s5, s9;
	s15 =	sadd.s32 s1, s14;
	s17 =	sadd.s32 s5, s16  }
0x13: {  	s9 =	sshll.u32 s18, $0x2;
	s22 =	sshrl.u32 s20, $0x3;
	s24 =	sshll.u32 s20, $0x2  }
0x14: {  	s4 =	sshrl.u32 s26, $0x3;
	s10 =	sshll.u32 s26, $0x2;
	[dreg:$0x7] =	wrdreg s0  }
0x15: {  	s18 =	sshll.u32 s12, $0x6;
	s20 =	sadd.s32 $0x1B58, s7;
	[dreg:$0x8] =	wrdreg s13  }
0x16: {  	s26 =	smax.u32 s8, $0x1;
	s8 =	simm.s32 $0xF230;
	[dreg:$0x9] =	wrdreg s15  }
0x17: {  	s12 =	simm.s32 $0x4;
	[dreg:$0xa] =	wrdreg s17;
	s0 =	sadd.s32 s1, s19  }
0x18: {  	s21 =	sadd.s32 s5, s9;
	s23 =	sadd.s32 s1, s22;
	[dreg:$0xb] =	wrdreg s0  }
0x19: {  	s25 =	sadd.s32 s5, s24;
	s13 =	sadd.s32 $0x1770, s7;
	[dreg:$0xc] =	wrdreg s21  }
0x1a: {  	s14 =	sadd.s32 s5, s10;
	s22 =	sadd.s32 $0x1F40, s7;
	[dreg:$0xd] =	wrdreg s23  }
0x1b: {  	s7 =	sadd.s32 $0x2328, s7;
	p1 =	sne.s32 s26, $0x1;
	[dreg:$0xe] =	wrdreg s25  }
0x1c: {  	s0 =	sadd.s32 s1, s4;
	s15 =	sshrl.u32 s13, $0x3;
	[dreg:$0x10] =	wrdreg s14  }
0x1d: {  	s17 =	sshll.u32 s13, $0x2;
	s4 =	sor.u32 $0x1C05, s18;
	s21 =	sshrl.u32 s20, $0x3  }
0x1e: {  	s23 =	sshrl.u32 s22, $0x3;
	s24 =	sshll.u32 s22, $0x2;
	s25 =	sshrl.u32 s7, $0x3  }
0x1f: {  	s7 =	sshll.u32 s7, $0x2;
	s13 =	simm.s32 $0x7530;
	s18 =	simm.s32 $0x1  }
0x20: {  	s14 =	simm.s32 $0x2;
	s22 =	simm.s32 $0x6D60;
	[dreg:$0xf] =	wrdreg s0  }
0x21: {  	s16 =	sadd.s32 s1, s15;
	s19 =	sadd.s32 s5, s17;
	s0 =	sshll.u32 s20, $0x2  }
0x22: {  	s20 =	sadd.s32 s1, s21;
	s15 =	sadd.s32 s1, s23;
	s9 =	sadd.s32 s1, s25  }
0x23: {  	s10 =	sadd.s32 s5, s7;
	s7 =	sshrl.u32 s11, $0x3;
	s17 =	simm.s32 $0x3  }
.Ltmp0:
0x24: {  	s11 =	simm.s32 $0x3E8;
	s1 =	sadd.s32 $0xFFFFFFFF, s26;
	(pc) =	sbr.rel @!p1 .LBB2_3-.Ltmp0, $4  }
0x25: {  	s26 =	simm.s32 $0x5DC0;
	s25 =	simm.s32 $0x61A8;
	[dreg:$0x11] =	wrdreg s16  }
0x26: {  	s23 =	simm.s32 $0x6978;
	[dreg:$0x12] =	wrdreg s19;
	s21 =	sadd.s32 s5, s0  }
0x27: {  	s16 =	sadd.s32 s5, s24;
	s5 =	sadd.s32 $0x16DC00, s6;
	s6 =	simm.s32 $0x5  }
0x28: {  	s24 =	simm.s32 $0x6590;
	s19 =	simm.s32 $0x7148;
	s0 =	rddreg [dreg:$0x4]  }
0x29: {  	[spmem:s7], [sflag:s4] =	dma.local [hbm:s0], $0x9C4  }
0x2a: {  	_ =	swait.ge [sflag:s6], $0x9C4  }
0x2b: {  	[sflag:s6] =	ssyncset.done $0x0  }
0x2c: {  	[sflag:s6] =	ssyncadd.s32 $0xFFFFF63C  }
0x2d: {  	[bflag:$0x0] =	sbarrier.arrive $0xFFFF  }
0x2e: {  	s0 =	rddreg [dreg:$0x5]  }
0x2f: {  	[dreg:$0x13] =	wrdreg s1  }
0x30: {  	[tilespmem:s31], [sflag:$0x1] =	stream.linear.gather [hbm4b:s0+s3], $0x3E8, $0x38;
	[tilespmem:$0x16F30] =	vst v63  }
0x31: {  	s1 =	rddreg [dreg:$0x6]  }
0x32: {  	[tilespmem:s13], [sflag:$0x3] =	stream.linear.gather [hbm4b:s1+s3], $0x7D00, $0x38;
	[tilespmem:$0x16F30] =	vst v63  }
0x33: {  	_ =	swait.ge [sflag:s18], $0x3E8  }
0x34: {  	[sflag:s18] =	ssyncset.done $0x0  }
0x35: {  	[sflag:s18] =	ssyncadd.s32 $0xFFFFFC18  }
0x36: {  	_ =	swait.ge [sflag:s17], $0x7D00  }
0x37: {  	[sflag:s17] =	ssyncset.done $0x0  }
0x38: {  	s0 =	rddreg [dreg:$0x7];
	[sflag:s17] =	ssyncadd.s32 $0xFFFF8300  }
0x39: {  	[tilespmem:s30], [sflag:$0x2] =	stream.linear.gather [hbm4b:s0+s3], $0x3E8, $0x38;
	[tilespmem:$0x16F30] =	vst v63  }
0x3a: {  	s1 =	rddreg [dreg:$0x8]  }
0x3b: {  	[tilespmem:s8], [sflag:$0x4] =	stream.linear.gather [hbm4b:s1+s3], $0x7D00, $0x38;
	[tilespmem:$0x16F30] =	vst v63  }
0x3c: {  	_ = 	snop  }
0x3d: {  	[spmem:s2] =	stream.indirect.scatter.add.f32 [tilespmem:s13], [sflag:$0x5], $0x20, s31, s11, $0xb8;
	[tilespmem:$0x16F30] =	vst v63  }
0x3e: {  	_ =	swait.ge [sflag:s6], $0x7D00  }
0x3f: {  	[sflag:s6] =	ssyncset.done $0x0  }
0x40: {  	[sflag:s6] =	ssyncadd.s32 $0xFFFF8300  }
0x41: {  	_ =	swait.ge [sflag:s14], $0x3E8  }
0x42: {  	[sflag:s14] =	ssyncset.done $0x0  }
0x43: {  	[sflag:s14] =	ssyncadd.s32 $0xFFFFFC18  }
0x44: {  	_ =	swait.ge [sflag:s12], $0x7D00  }
0x45: {  	[sflag:s12] =	ssyncset.done $0x0  }
0x46: {  	s0 =	rddreg [dreg:$0x9];
	[sflag:s12] =	ssyncadd.s32 $0xFFFF8300  }
0x47: {  	[tilespmem:s29], [sflag:$0x1] =	stream.linear.gather [hbm4b:s0+s3], $0x3E8, $0x38;
	[tilespmem:$0x16F30] =	vst v63  }
0x48: {  	s1 =	rddreg [dreg:$0xa]  }
0x49: {  	[tilespmem:s13], [sflag:$0x3] =	stream.linear.gather [hbm4b:s1+s3], $0x7D00, $0x38;
	[tilespmem:$0x16F30] =	vst v63  }
0x4a: {  	_ = 	snop  }
0x4b: {  	[spmem:s2] =	stream.indirect.scatter.add.f32 [tilespmem:s8], [sflag:$0x5], $0x20, s30, s11, $0xb8;
	[tilespmem:$0x16F30] =	vst v63  }
0x4c: {  	_ =	swait.ge [sflag:s6], $0x7D00  }
0x4d: {  	[sflag:s6] =	ssyncset.done $0x0  }
0x4e: {  	[sflag:s6] =	ssyncadd.s32 $0xFFFF8300  }
0x4f: {  	_ =	swait.ge [sflag:s18], $0x3E8  }
0x50: {  	[sflag:s18] =	ssyncset.done $0x0  }
0x51: {  	[sflag:s18] =	ssyncadd.s32 $0xFFFFFC18  }
0x52: {  	_ =	swait.ge [sflag:s17], $0x7D00  }
0x53: {  	[sflag:s17] =	ssyncset.done $0x0  }
0x54: {  	s0 =	rddreg [dreg:$0xb];
	[sflag:s17] =	ssyncadd.s32 $0xFFFF8300  }
0x55: {  	[tilespmem:s28], [sflag:$0x2] =	stream.linear.gather [hbm4b:s0+s3], $0x3E8, $0x38;
	[tilespmem:$0x16F30] =	vst v63  }
0x56: {  	s1 =	rddreg [dreg:$0xc]  }
0x57: {  	[tilespmem:s8], [sflag:$0x4] =	stream.linear.gather [hbm4b:s1+s3], $0x7D00, $0x38;
	[tilespmem:$0x16F30] =	vst v63  }
0x58: {  	_ = 	snop  }
0x59: {  	[spmem:s2] =	stream.indirect.scatter.add.f32 [tilespmem:s13], [sflag:$0x5], $0x20, s29, s11, $0xb8;
	[tilespmem:$0x16F30] =	vst v63  }
0x5a: {  	_ =	swait.ge [sflag:s6], $0x7D00  }
0x5b: {  	[sflag:s6] =	ssyncset.done $0x0  }
0x5c: {  	[sflag:s6] =	ssyncadd.s32 $0xFFFF8300  }
0x5d: {  	_ =	swait.ge [sflag:s14], $0x3E8  }
0x5e: {  	[sflag:s14] =	ssyncset.done $0x0  }
0x5f: {  	[sflag:s14] =	ssyncadd.s32 $0xFFFFFC18  }
0x60: {  	_ =	swait.ge [sflag:s12], $0x7D00  }
0x61: {  	[sflag:s12] =	ssyncset.done $0x0  }
0x62: {  	s0 =	rddreg [dreg:$0xd];
	[sflag:s12] =	ssyncadd.s32 $0xFFFF8300  }
0x63: {  	[tilespmem:s26], [sflag:$0x1] =	stream.linear.gather [hbm4b:s0+s3], $0x3E8, $0x38;
	[tilespmem:$0x16F30] =	vst v63  }
0x64: {  	s1 =	rddreg [dreg:$0xe]  }
0x65: {  	[tilespmem:s13], [sflag:$0x3] =	stream.linear.gather [hbm4b:s1+s3], $0x7D00, $0x38;
	[tilespmem:$0x16F30] =	vst v63  }
0x66: {  	_ = 	snop  }
0x67: {  	[spmem:s2] =	stream.indirect.scatter.add.f32 [tilespmem:s8], [sflag:$0x5], $0x20, s28, s11, $0xb8;
	[tilespmem:$0x16F30] =	vst v63  }
0x68: {  	_ =	swait.ge [sflag:s6], $0x7D00  }
0x69: {  	[sflag:s6] =	ssyncset.done $0x0  }
0x6a: {  	[sflag:s6] =	ssyncadd.s32 $0xFFFF8300  }
0x6b: {  	_ =	swait.ge [sflag:s18], $0x3E8  }
0x6c: {  	[sflag:s18] =	ssyncset.done $0x0  }
0x6d: {  	[sflag:s18] =	ssyncadd.s32 $0xFFFFFC18  }
0x6e: {  	_ =	swait.ge [sflag:s17], $0x7D00  }
0x6f: {  	[sflag:s17] =	ssyncset.done $0x0  }
0x70: {  	s0 =	rddreg [dreg:$0xf];
	[sflag:s17] =	ssyncadd.s32 $0xFFFF8300  }
0x71: {  	[tilespmem:s25], [sflag:$0x2] =	stream.linear.gather [hbm4b:s0+s3], $0x3E8, $0x38;
	[tilespmem:$0x16F30] =	vst v63  }
0x72: {  	s1 =	rddreg [dreg:$0x10]  }
0x73: {  	[tilespmem:s8], [sflag:$0x4] =	stream.linear.gather [hbm4b:s1+s3], $0x7D00, $0x38;
	[tilespmem:$0x16F30] =	vst v63  }
0x74: {  	_ = 	snop  }
0x75: {  	[spmem:s2] =	stream.indirect.scatter.add.f32 [tilespmem:s13], [sflag:$0x5], $0x20, s26, s11, $0xb8;
	[tilespmem:$0x16F30] =	vst v63  }
0x76: {  	_ =	swait.ge [sflag:s6], $0x7D00  }
0x77: {  	[sflag:s6] =	ssyncset.done $0x0  }
0x78: {  	[sflag:s6] =	ssyncadd.s32 $0xFFFF8300  }
0x79: {  	_ =	swait.ge [sflag:s14], $0x3E8  }
0x7a: {  	[sflag:s14] =	ssyncset.done $0x0  }
0x7b: {  	[sflag:s14] =	ssyncadd.s32 $0xFFFFFC18  }
0x7c: {  	_ =	swait.ge [sflag:s12], $0x7D00  }
0x7d: {  	[sflag:s12] =	ssyncset.done $0x0  }
0x7e: {  	s0 =	rddreg [dreg:$0x11];
	[sflag:s12] =	ssyncadd.s32 $0xFFFF8300  }
0x7f: {  	[tilespmem:s24], [sflag:$0x1] =	stream.linear.gather [hbm4b:s0+s3], $0x3E8, $0x38;
	[tilespmem:$0x16F30] =	vst v63  }
0x80: {  	s1 =	rddreg [dreg:$0x12]  }
0x81: {  	[tilespmem:s13], [sflag:$0x3] =	stream.linear.gather [hbm4b:s1+s3], $0x7D00, $0x38;
	[tilespmem:$0x16F30] =	vst v63  }
0x82: {  	_ = 	snop  }
0x83: {  	[spmem:s2] =	stream.indirect.scatter.add.f32 [tilespmem:s8], [sflag:$0x5], $0x20, s25, s11, $0xb8;
	[tilespmem:$0x16F30] =	vst v63  }
0x84: {  	_ =	swait.ge [sflag:s6], $0x7D00  }
0x85: {  	[sflag:s6] =	ssyncset.done $0x0  }
0x86: {  	[sflag:s6] =	ssyncadd.s32 $0xFFFF8300  }
0x87: {  	_ =	swait.ge [sflag:s18], $0x3E8  }
0x88: {  	[sflag:s18] =	ssyncset.done $0x0  }
0x89: {  	[sflag:s18] =	ssyncadd.s32 $0xFFFFFC18  }
0x8a: {  	_ =	swait.ge [sflag:s17], $0x7D00  }
0x8b: {  	[sflag:s17] =	ssyncset.done $0x0  }
0x8c: {  	[sflag:s17] =	ssyncadd.s32 $0xFFFF8300  }
0x8d: {  	[tilespmem:s23], [sflag:$0x2] =	stream.linear.gather [hbm4b:s20+s3], $0x3E8, $0x38;
	[tilespmem:$0x16F30] =	vst v63  }
0x8e: {  	_ = 	snop  }
0x8f: {  	[tilespmem:s8], [sflag:$0x4] =	stream.linear.gather [hbm4b:s21+s3], $0x7D00, $0x38;
	[tilespmem:$0x16F30] =	vst v63  }
0x90: {  	_ = 	snop  }
0x91: {  	[spmem:s2] =	stream.indirect.scatter.add.f32 [tilespmem:s13], [sflag:$0x5], $0x20, s24, s11, $0xb8;
	[tilespmem:$0x16F30] =	vst v63  }
0x92: {  	_ =	swait.ge [sflag:s6], $0x7D00  }
0x93: {  	[sflag:s6] =	ssyncset.done $0x0  }
0x94: {  	[sflag:s6] =	ssyncadd.s32 $0xFFFF8300  }
0x95: {  	_ =	swait.ge [sflag:s14], $0x3E8  }
0x96: {  	[sflag:s14] =	ssyncset.done $0x0  }
0x97: {  	[sflag:s14] =	ssyncadd.s32 $0xFFFFFC18  }
0x98: {  	_ =	swait.ge [sflag:s12], $0x7D00  }
0x99: {  	[sflag:s12] =	ssyncset.done $0x0  }
0x9a: {  	[sflag:s12] =	ssyncadd.s32 $0xFFFF8300  }
0x9b: {  	[tilespmem:s22], [sflag:$0x1] =	stream.linear.gather [hbm4b:s15+s3], $0x3E8, $0x38;
	[tilespmem:$0x16F30] =	vst v63  }
0x9c: {  	_ = 	snop  }
0x9d: {  	[tilespmem:s13], [sflag:$0x3] =	stream.linear.gather [hbm4b:s16+s3], $0x7D00, $0x38;
	[tilespmem:$0x16F30] =	vst v63  }
0x9e: {  	_ = 	snop  }
0x9f: {  	[spmem:s2] =	stream.indirect.scatter.add.f32 [tilespmem:s8], [sflag:$0x5], $0x20, s23, s11, $0xb8;
	[tilespmem:$0x16F30] =	vst v63  }
0xa0: {  	_ =	swait.ge [sflag:s6], $0x7D00  }
0xa1: {  	[sflag:s6] =	ssyncset.done $0x0  }
0xa2: {  	[sflag:s6] =	ssyncadd.s32 $0xFFFF8300  }
0xa3: {  	_ =	swait.ge [sflag:s18], $0x3E8  }
0xa4: {  	[sflag:s18] =	ssyncset.done $0x0  }
0xa5: {  	[sflag:s18] =	ssyncadd.s32 $0xFFFFFC18  }
0xa6: {  	_ =	swait.ge [sflag:s17], $0x7D00  }
0xa7: {  	[sflag:s17] =	ssyncset.done $0x0  }
0xa8: {  	[sflag:s17] =	ssyncadd.s32 $0xFFFF8300  }
0xa9: {  	[tilespmem:s19], [sflag:$0x2] =	stream.linear.gather [hbm4b:s9+s3], $0x3E8, $0x38;
	[tilespmem:$0x16F30] =	vst v63  }
0xaa: {  	_ = 	snop  }
0xab: {  	[tilespmem:s8], [sflag:$0x4] =	stream.linear.gather [hbm4b:s10+s3], $0x7D00, $0x38;
	[tilespmem:$0x16F30] =	vst v63  }
0xac: {  	_ = 	snop  }
0xad: {  	[spmem:s2] =	stream.indirect.scatter.add.f32 [tilespmem:s13], [sflag:$0x5], $0x20, s22, s11, $0xb8;
	[tilespmem:$0x16F30] =	vst v63  }
0xae: {  	_ =	swait.ge [sflag:s6], $0x7D00  }
0xaf: {  	[sflag:s6] =	ssyncset.done $0x0  }
0xb0: {  	[sflag:s6] =	ssyncadd.s32 $0xFFFF8300  }
0xb1: {  	_ =	swait.ge [sflag:s14], $0x3E8  }
0xb2: {  	[sflag:s14] =	ssyncset.done $0x0  }
0xb3: {  	[sflag:s14] =	ssyncadd.s32 $0xFFFFFC18  }
0xb4: {  	_ =	swait.ge [sflag:s12], $0x7D00  }
0xb5: {  	[sflag:s12] =	ssyncset.done $0x0  }
0xb6: {  	[sflag:s12] =	ssyncadd.s32 $0xFFFF8300  }
0xb7: {  	[spmem:s2] =	stream.indirect.scatter.add.f32 [tilespmem:s8], [sflag:$0x5], $0x20, s19, s11, $0xb8;
	[tilespmem:$0x16F30] =	vst v63  }
0xb8: {  	_ =	swait.ge [sflag:s6], $0x7D00  }
0xb9: {  	[sflag:s6] =	ssyncset.done $0x0  }
0xba: {  	[sflag:s6] =	ssyncadd.s32 $0xFFFF8300  }
0xbb: {  	[bflag:$0x0] =	sbarrier.arrive $0xFFFF  }
0xbc: {  	[hbm:s5], [sflag:s4] =	dma.local [spmem:s7], $0x9C4  }
0xbd: {  	s1 =	rddreg [dreg:$0x13]  }
0xbe: {  	p1 =	sne.s32 s1, $0x1  }
.Ltmp1:
0xbf: {  	_ = 	snop;
	(pc) =	sbr.rel @!p1 .LBB2_3-.Ltmp1, $3  }
0xc0: {  	_ =	sdelay $0x1  }
0xc1: {  	p0 =	por $0x1, $0x1;
	_ =	swait.ge [sflag:s6], $0x9C4  }
0xc2: {  	s1 =	sadd.s32 $0xFFFFFFFF, s1;
	s0 =	rddreg [dreg:$0x4];
	[sflag:s6] =	ssyncset.done $0x0  }
.LBB2_2:
0xc3: {  	[sflag:s6] =	ssyncadd.s32 $0xFFFFF63C  }
0xc4: {  	[spmem:s7], [sflag:s4] =	dma.local [hbm:s0], $0x9C4  }
0xc5: {  	_ =	swait.ge [sflag:s6], $0x9C4  }
0xc6: {  	[sflag:s6] =	ssyncset.done $0x0  }
0xc7: {  	[sflag:s6] =	ssyncadd.s32 $0xFFFFF63C  }
0xc8: {  	s19 =	smov.u32 s16;
	[bflag:$0x0] =	sbarrier.arrive $0xFFFF  }
0xc9: {  	s16 =	smov.u32 s15;
	s15 =	smov.u32 s10;
	s0 =	rddreg [dreg:$0x5]  }
0xca: {  	[tilespmem:s31], [sflag:$0x1] =	stream.linear.gather [hbm4b:s0+s3], $0x3E8, $0x38;
	[tilespmem:$0x16F30] =	vst v63  }
0xcb: {  	s10 =	smov.u32 s9;
	s9 =	smov.u32 s5;
	s5 =	rddreg [dreg:$0x6]  }
0xcc: {  	[tilespmem:s13], [sflag:$0x3] =	stream.linear.gather [hbm4b:s5+s3], $0x7D00, $0x38;
	[tilespmem:$0x16F30] =	vst v63  }
0xcd: {  	_ =	swait.ge [sflag:s18], $0x3E8  }
0xce: {  	[sflag:s18] =	ssyncset.done $0x0  }
0xcf: {  	[sflag:s18] =	ssyncadd.s32 $0xFFFFFC18  }
0xd0: {  	_ =	swait.ge [sflag:s17], $0x7D00  }
0xd1: {  	[sflag:s17] =	ssyncset.done $0x0  }
0xd2: {  	s0 =	rddreg [dreg:$0x7];
	[sflag:s17] =	ssyncadd.s32 $0xFFFF8300  }
0xd3: {  	[tilespmem:s30], [sflag:$0x2] =	stream.linear.gather [hbm4b:s0+s3], $0x3E8, $0x38;
	[tilespmem:$0x16F30] =	vst v63  }
0xd4: {  	s5 =	rddreg [dreg:$0x8]  }
0xd5: {  	[tilespmem:s8], [sflag:$0x4] =	stream.linear.gather [hbm4b:s5+s3], $0x7D00, $0x38;
	[tilespmem:$0x16F30] =	vst v63  }
0xd6: {  	_ = 	snop  }
0xd7: {  	[spmem:s2] =	stream.indirect.scatter.add.f32 [tilespmem:s13], [sflag:$0x5], $0x20, s31, s11, $0xb8;
	[tilespmem:$0x16F30] =	vst v63  }
0xd8: {  	_ =	swait.ge [sflag:s6], $0x7D00  }
0xd9: {  	[sflag:s6] =	ssyncset.done $0x0  }
0xda: {  	[sflag:s6] =	ssyncadd.s32 $0xFFFF8300  }
0xdb: {  	_ =	swait.ge [sflag:s14], $0x3E8  }
0xdc: {  	[sflag:s14] =	ssyncset.done $0x0  }
0xdd: {  	[sflag:s14] =	ssyncadd.s32 $0xFFFFFC18  }
0xde: {  	_ =	swait.ge [sflag:s12], $0x7D00  }
0xdf: {  	[sflag:s12] =	ssyncset.done $0x0  }
0xe0: {  	s0 =	rddreg [dreg:$0x9];
	[sflag:s12] =	ssyncadd.s32 $0xFFFF8300  }
0xe1: {  	[tilespmem:s29], [sflag:$0x1] =	stream.linear.gather [hbm4b:s0+s3], $0x3E8, $0x38;
	[tilespmem:$0x16F30] =	vst v63  }
0xe2: {  	s5 =	rddreg [dreg:$0xa]  }
0xe3: {  	[tilespmem:s13], [sflag:$0x3] =	stream.linear.gather [hbm4b:s5+s3], $0x7D00, $0x38;
	[tilespmem:$0x16F30] =	vst v63  }
0xe4: {  	_ = 	snop  }
0xe5: {  	[spmem:s2] =	stream.indirect.scatter.add.f32 [tilespmem:s8], [sflag:$0x5], $0x20, s30, s11, $0xb8;
	[tilespmem:$0x16F30] =	vst v63  }
0xe6: {  	_ =	swait.ge [sflag:s6], $0x7D00  }
0xe7: {  	[sflag:s6] =	ssyncset.done $0x0  }
0xe8: {  	[sflag:s6] =	ssyncadd.s32 $0xFFFF8300  }
0xe9: {  	_ =	swait.ge [sflag:s18], $0x3E8  }
0xea: {  	[sflag:s18] =	ssyncset.done $0x0  }
0xeb: {  	[sflag:s18] =	ssyncadd.s32 $0xFFFFFC18  }
0xec: {  	_ =	swait.ge [sflag:s17], $0x7D00  }
0xed: {  	[sflag:s17] =	ssyncset.done $0x0  }
0xee: {  	s0 =	rddreg [dreg:$0xb];
	[sflag:s17] =	ssyncadd.s32 $0xFFFF8300  }
0xef: {  	[tilespmem:s28], [sflag:$0x2] =	stream.linear.gather [hbm4b:s0+s3], $0x3E8, $0x38;
	[tilespmem:$0x16F30] =	vst v63  }
0xf0: {  	s5 =	rddreg [dreg:$0xc]  }
0xf1: {  	[tilespmem:s8], [sflag:$0x4] =	stream.linear.gather [hbm4b:s5+s3], $0x7D00, $0x38;
	[tilespmem:$0x16F30] =	vst v63  }
0xf2: {  	_ = 	snop  }
0xf3: {  	[spmem:s2] =	stream.indirect.scatter.add.f32 [tilespmem:s13], [sflag:$0x5], $0x20, s29, s11, $0xb8;
	[tilespmem:$0x16F30] =	vst v63  }
0xf4: {  	_ =	swait.ge [sflag:s6], $0x7D00  }
0xf5: {  	[sflag:s6] =	ssyncset.done $0x0  }
0xf6: {  	[sflag:s6] =	ssyncadd.s32 $0xFFFF8300  }
0xf7: {  	_ =	swait.ge [sflag:s14], $0x3E8  }
0xf8: {  	[sflag:s14] =	ssyncset.done $0x0  }
0xf9: {  	[sflag:s14] =	ssyncadd.s32 $0xFFFFFC18  }
0xfa: {  	_ =	swait.ge [sflag:s12], $0x7D00  }
0xfb: {  	[sflag:s12] =	ssyncset.done $0x0  }
0xfc: {  	s0 =	rddreg [dreg:$0xd];
	[sflag:s12] =	ssyncadd.s32 $0xFFFF8300  }
0xfd: {  	[tilespmem:s26], [sflag:$0x1] =	stream.linear.gather [hbm4b:s0+s3], $0x3E8, $0x38;
	[tilespmem:$0x16F30] =	vst v63  }
0xfe: {  	s5 =	rddreg [dreg:$0xe]  }
0xff: {  	[tilespmem:s13], [sflag:$0x3] =	stream.linear.gather [hbm4b:s5+s3], $0x7D00, $0x38;
	[tilespmem:$0x16F30] =	vst v63  }
0x100: {  	_ = 	snop  }
0x101: {  	[spmem:s2] =	stream.indirect.scatter.add.f32 [tilespmem:s8], [sflag:$0x5], $0x20, s28, s11, $0xb8;
	[tilespmem:$0x16F30] =	vst v63  }
0x102: {  	_ =	swait.ge [sflag:s6], $0x7D00  }
0x103: {  	[sflag:s6] =	ssyncset.done $0x0  }
0x104: {  	[sflag:s6] =	ssyncadd.s32 $0xFFFF8300  }
0x105: {  	_ =	swait.ge [sflag:s18], $0x3E8  }
0x106: {  	[sflag:s18] =	ssyncset.done $0x0  }
0x107: {  	[sflag:s18] =	ssyncadd.s32 $0xFFFFFC18  }
0x108: {  	_ =	swait.ge [sflag:s17], $0x7D00  }
0x109: {  	[sflag:s17] =	ssyncset.done $0x0  }
0x10a: {  	s0 =	rddreg [dreg:$0xf];
	[sflag:s17] =	ssyncadd.s32 $0xFFFF8300  }
0x10b: {  	[tilespmem:s25], [sflag:$0x2] =	stream.linear.gather [hbm4b:s0+s3], $0x3E8, $0x38;
	[tilespmem:$0x16F30] =	vst v63  }
0x10c: {  	s5 =	rddreg [dreg:$0x10]  }
0x10d: {  	[tilespmem:s8], [sflag:$0x4] =	stream.linear.gather [hbm4b:s5+s3], $0x7D00, $0x38;
	[tilespmem:$0x16F30] =	vst v63  }
0x10e: {  	_ = 	snop  }
0x10f: {  	[spmem:s2] =	stream.indirect.scatter.add.f32 [tilespmem:s13], [sflag:$0x5], $0x20, s26, s11, $0xb8;
	[tilespmem:$0x16F30] =	vst v63  }
0x110: {  	_ =	swait.ge [sflag:s6], $0x7D00  }
0x111: {  	[sflag:s6] =	ssyncset.done $0x0  }
0x112: {  	[sflag:s6] =	ssyncadd.s32 $0xFFFF8300  }
0x113: {  	_ =	swait.ge [sflag:s14], $0x3E8  }
0x114: {  	[sflag:s14] =	ssyncset.done $0x0  }
0x115: {  	[sflag:s14] =	ssyncadd.s32 $0xFFFFFC18  }
0x116: {  	_ =	swait.ge [sflag:s12], $0x7D00  }
0x117: {  	[sflag:s12] =	ssyncset.done $0x0  }
0x118: {  	s0 =	rddreg [dreg:$0x11];
	[sflag:s12] =	ssyncadd.s32 $0xFFFF8300  }
0x119: {  	[tilespmem:s24], [sflag:$0x1] =	stream.linear.gather [hbm4b:s0+s3], $0x3E8, $0x38;
	[tilespmem:$0x16F30] =	vst v63  }
0x11a: {  	s5 =	rddreg [dreg:$0x12]  }
0x11b: {  	[tilespmem:s13], [sflag:$0x3] =	stream.linear.gather [hbm4b:s5+s3], $0x7D00, $0x38;
	[tilespmem:$0x16F30] =	vst v63  }
0x11c: {  	_ = 	snop  }
0x11d: {  	[spmem:s2] =	stream.indirect.scatter.add.f32 [tilespmem:s8], [sflag:$0x5], $0x20, s25, s11, $0xb8;
	[tilespmem:$0x16F30] =	vst v63  }
0x11e: {  	_ =	swait.ge [sflag:s6], $0x7D00  }
0x11f: {  	[sflag:s6] =	ssyncset.done $0x0  }
0x120: {  	[sflag:s6] =	ssyncadd.s32 $0xFFFF8300  }
0x121: {  	_ =	swait.ge [sflag:s18], $0x3E8  }
0x122: {  	[sflag:s18] =	ssyncset.done $0x0  }
0x123: {  	[sflag:s18] =	ssyncadd.s32 $0xFFFFFC18  }
0x124: {  	_ =	swait.ge [sflag:s17], $0x7D00  }
0x125: {  	[sflag:s17] =	ssyncset.done $0x0  }
0x126: {  	[sflag:s17] =	ssyncadd.s32 $0xFFFF8300  }
0x127: {  	[tilespmem:s23], [sflag:$0x2] =	stream.linear.gather [hbm4b:s20+s3], $0x3E8, $0x38;
	[tilespmem:$0x16F30] =	vst v63  }
0x128: {  	_ = 	snop  }
0x129: {  	[tilespmem:s8], [sflag:$0x4] =	stream.linear.gather [hbm4b:s21+s3], $0x7D00, $0x38;
	[tilespmem:$0x16F30] =	vst v63  }
0x12a: {  	_ = 	snop  }
0x12b: {  	[spmem:s2] =	stream.indirect.scatter.add.f32 [tilespmem:s13], [sflag:$0x5], $0x20, s24, s11, $0xb8;
	[tilespmem:$0x16F30] =	vst v63  }
0x12c: {  	_ =	swait.ge [sflag:s6], $0x7D00  }
0x12d: {  	[sflag:s6] =	ssyncset.done $0x0  }
0x12e: {  	[sflag:s6] =	ssyncadd.s32 $0xFFFF8300  }
0x12f: {  	_ =	swait.ge [sflag:s14], $0x3E8  }
0x130: {  	[sflag:s14] =	ssyncset.done $0x0  }
0x131: {  	[sflag:s14] =	ssyncadd.s32 $0xFFFFFC18  }
0x132: {  	_ =	swait.ge [sflag:s12], $0x7D00  }
0x133: {  	s5 =	smov.u32 s9;
	s9 =	smov.u32 s10;
	[sflag:s12] =	ssyncset.done $0x0  }
0x134: {  	s10 =	smov.u32 s15;
	s15 =	smov.u32 s16;
	[sflag:s12] =	ssyncadd.s32 $0xFFFF8300  }
0x135: {  	[tilespmem:s22], [sflag:$0x1] =	stream.linear.gather [hbm4b:s15+s3], $0x3E8, $0x38;
	[tilespmem:$0x16F30] =	vst v63  }
0x136: {  	s16 =	smov.u32 s19  }
0x137: {  	[tilespmem:s13], [sflag:$0x3] =	stream.linear.gather [hbm4b:s16+s3], $0x7D00, $0x38;
	[tilespmem:$0x16F30] =	vst v63  }
0x138: {  	_ = 	snop  }
0x139: {  	[spmem:s2] =	stream.indirect.scatter.add.f32 [tilespmem:s8], [sflag:$0x5], $0x20, s23, s11, $0xb8;
	[tilespmem:$0x16F30] =	vst v63  }
0x13a: {  	_ =	swait.ge [sflag:s6], $0x7D00  }
0x13b: {  	[sflag:s6] =	ssyncset.done $0x0  }
0x13c: {  	[sflag:s6] =	ssyncadd.s32 $0xFFFF8300  }
0x13d: {  	_ =	swait.ge [sflag:s18], $0x3E8  }
0x13e: {  	[sflag:s18] =	ssyncset.done $0x0  }
0x13f: {  	[sflag:s18] =	ssyncadd.s32 $0xFFFFFC18  }
0x140: {  	_ =	swait.ge [sflag:s17], $0x7D00  }
0x141: {  	[sflag:s17] =	ssyncset.done $0x0  }
0x142: {  	s19 =	simm.s32 $0x7148;
	[sflag:s17] =	ssyncadd.s32 $0xFFFF8300  }
0x143: {  	[tilespmem:s19], [sflag:$0x2] =	stream.linear.gather [hbm4b:s9+s3], $0x3E8, $0x38;
	[tilespmem:$0x16F30] =	vst v63  }
0x144: {  	_ = 	snop  }
0x145: {  	[tilespmem:s8], [sflag:$0x4] =	stream.linear.gather [hbm4b:s10+s3], $0x7D00, $0x38;
	[tilespmem:$0x16F30] =	vst v63  }
0x146: {  	_ = 	snop  }
0x147: {  	[spmem:s2] =	stream.indirect.scatter.add.f32 [tilespmem:s13], [sflag:$0x5], $0x20, s22, s11, $0xb8;
	[tilespmem:$0x16F30] =	vst v63  }
0x148: {  	_ =	swait.ge [sflag:s6], $0x7D00  }
0x149: {  	[sflag:s6] =	ssyncset.done $0x0  }
0x14a: {  	[sflag:s6] =	ssyncadd.s32 $0xFFFF8300  }
0x14b: {  	_ =	swait.ge [sflag:s14], $0x3E8  }
0x14c: {  	[sflag:s14] =	ssyncset.done $0x0  }
0x14d: {  	[sflag:s14] =	ssyncadd.s32 $0xFFFFFC18  }
0x14e: {  	_ =	swait.ge [sflag:s12], $0x7D00  }
0x14f: {  	[sflag:s12] =	ssyncset.done $0x0  }
0x150: {  	[sflag:s12] =	ssyncadd.s32 $0xFFFF8300  }
0x151: {  	[spmem:s2] =	stream.indirect.scatter.add.f32 [tilespmem:s8], [sflag:$0x5], $0x20, s19, s11, $0xb8;
	[tilespmem:$0x16F30] =	vst v63  }
0x152: {  	_ =	swait.ge [sflag:s6], $0x7D00  }
0x153: {  	p1 =	sne.s32 s1, $0x1;
	[sflag:s6] =	ssyncset.done $0x0  }
.Ltmp2:
0x154: {  	[sflag:s6] =	ssyncadd.s32 $0xFFFF8300;
	(pc) =	sbr.rel @p1 .LBB2_2-.Ltmp2, $4  }
0x155: {  	[bflag:$0x0] =	sbarrier.arrive $0xFFFF  }
0x156: {  	[hbm:s5], [sflag:s4] =	dma.local [spmem:s7], $0x9C4  }
0x157: {  	_ =	swait.ge [sflag:s6], $0x9C4  }
0x158: {  	s1 =	sadd.s32 $0xFFFFFFFF, s1;
	s0 =	rddreg [dreg:$0x4];
	[sflag:s6] =	ssyncset.done $0x0  }
.LBB2_3:
0x159: {  	[sflag:s6] =	ssyncadd.s32 @p0 $0xFFFFF63C  }
0x15a: {  	[spmem:s7], [sflag:s4] =	dma.local [hbm:s0], $0x9C4  }
0x15b: {  	_ =	swait.ge [sflag:s6], $0x9C4  }
0x15c: {  	[sflag:s6] =	ssyncset.done $0x0  }
0x15d: {  	[sflag:s6] =	ssyncadd.s32 $0xFFFFF63C  }
0x15e: {  	[bflag:$0x0] =	sbarrier.arrive $0xFFFF  }
0x15f: {  	s0 =	rddreg [dreg:$0x5]  }
0x160: {  	[tilespmem:s31], [sflag:$0x1] =	stream.linear.gather [hbm4b:s0+s3], $0x3E8, $0x38;
	[tilespmem:$0x16F30] =	vst v63  }
0x161: {  	s1 =	rddreg [dreg:$0x6]  }
0x162: {  	[tilespmem:s13], [sflag:$0x3] =	stream.linear.gather [hbm4b:s1+s3], $0x7D00, $0x38;
	[tilespmem:$0x16F30] =	vst v63  }
0x163: {  	_ =	swait.ge [sflag:s18], $0x3E8  }
0x164: {  	[sflag:s18] =	ssyncset.done $0x0  }
0x165: {  	[sflag:s18] =	ssyncadd.s32 $0xFFFFFC18  }
0x166: {  	_ =	swait.ge [sflag:s17], $0x7D00  }
0x167: {  	[sflag:s17] =	ssyncset.done $0x0  }
0x168: {  	s0 =	rddreg [dreg:$0x7];
	[sflag:s17] =	ssyncadd.s32 $0xFFFF8300  }
0x169: {  	[tilespmem:s30], [sflag:$0x2] =	stream.linear.gather [hbm4b:s0+s3], $0x3E8, $0x38;
	[tilespmem:$0x16F30] =	vst v63  }
0x16a: {  	s1 =	rddreg [dreg:$0x8]  }
0x16b: {  	[tilespmem:s8], [sflag:$0x4] =	stream.linear.gather [hbm4b:s1+s3], $0x7D00, $0x38;
	[tilespmem:$0x16F30] =	vst v63  }
0x16c: {  	_ = 	snop  }
0x16d: {  	[spmem:s2] =	stream.indirect.scatter.add.f32 [tilespmem:s13], [sflag:$0x5], $0x20, s31, s11, $0xb8;
	[tilespmem:$0x16F30] =	vst v63  }
0x16e: {  	_ =	swait.ge [sflag:s6], $0x7D00  }
0x16f: {  	[sflag:s6] =	ssyncset.done $0x0  }
0x170: {  	[sflag:s6] =	ssyncadd.s32 $0xFFFF8300  }
0x171: {  	_ =	swait.ge [sflag:s14], $0x3E8  }
0x172: {  	[sflag:s14] =	ssyncset.done $0x0  }
0x173: {  	[sflag:s14] =	ssyncadd.s32 $0xFFFFFC18  }
0x174: {  	_ =	swait.ge [sflag:s12], $0x7D00  }
0x175: {  	[sflag:s12] =	ssyncset.done $0x0  }
0x176: {  	s1 =	rddreg [dreg:$0x9];
	[sflag:s12] =	ssyncadd.s32 $0xFFFF8300  }
0x177: {  	[tilespmem:s29], [sflag:$0x1] =	stream.linear.gather [hbm4b:s1+s3], $0x3E8, $0x38;
	[tilespmem:$0x16F30] =	vst v63  }
0x178: {  	s31 =	rddreg [dreg:$0xa]  }
0x179: {  	[tilespmem:s13], [sflag:$0x3] =	stream.linear.gather [hbm4b:s31+s3], $0x7D00, $0x38;
	[tilespmem:$0x16F30] =	vst v63  }
0x17a: {  	_ = 	snop  }
0x17b: {  	[spmem:s2] =	stream.indirect.scatter.add.f32 [tilespmem:s8], [sflag:$0x5], $0x20, s30, s11, $0xb8;
	[tilespmem:$0x16F30] =	vst v63  }
0x17c: {  	_ =	swait.ge [sflag:s6], $0x7D00  }
0x17d: {  	[sflag:s6] =	ssyncset.done $0x0  }
0x17e: {  	[sflag:s6] =	ssyncadd.s32 $0xFFFF8300  }
0x17f: {  	_ =	swait.ge [sflag:s18], $0x3E8  }
0x180: {  	[sflag:s18] =	ssyncset.done $0x0  }
0x181: {  	[sflag:s18] =	ssyncadd.s32 $0xFFFFFC18  }
0x182: {  	_ =	swait.ge [sflag:s17], $0x7D00  }
0x183: {  	[sflag:s17] =	ssyncset.done $0x0  }
0x184: {  	s30 =	rddreg [dreg:$0xb];
	[sflag:s17] =	ssyncadd.s32 $0xFFFF8300  }
0x185: {  	[tilespmem:s28], [sflag:$0x2] =	stream.linear.gather [hbm4b:s30+s3], $0x3E8, $0x38;
	[tilespmem:$0x16F30] =	vst v63  }
0x186: {  	s31 =	rddreg [dreg:$0xc]  }
0x187: {  	[tilespmem:s8], [sflag:$0x4] =	stream.linear.gather [hbm4b:s31+s3], $0x7D00, $0x38;
	[tilespmem:$0x16F30] =	vst v63  }
0x188: {  	_ = 	snop  }
0x189: {  	[spmem:s2] =	stream.indirect.scatter.add.f32 [tilespmem:s13], [sflag:$0x5], $0x20, s29, s11, $0xb8;
	[tilespmem:$0x16F30] =	vst v63  }
0x18a: {  	_ =	swait.ge [sflag:s6], $0x7D00  }
0x18b: {  	[sflag:s6] =	ssyncset.done $0x0  }
0x18c: {  	[sflag:s6] =	ssyncadd.s32 $0xFFFF8300  }
0x18d: {  	_ =	swait.ge [sflag:s14], $0x3E8  }
0x18e: {  	[sflag:s14] =	ssyncset.done $0x0  }
0x18f: {  	[sflag:s14] =	ssyncadd.s32 $0xFFFFFC18  }
0x190: {  	_ =	swait.ge [sflag:s12], $0x7D00  }
0x191: {  	[sflag:s12] =	ssyncset.done $0x0  }
0x192: {  	s30 =	rddreg [dreg:$0xd];
	[sflag:s12] =	ssyncadd.s32 $0xFFFF8300  }
0x193: {  	[tilespmem:s26], [sflag:$0x1] =	stream.linear.gather [hbm4b:s30+s3], $0x3E8, $0x38;
	[tilespmem:$0x16F30] =	vst v63  }
0x194: {  	s31 =	rddreg [dreg:$0xe]  }
0x195: {  	[tilespmem:s13], [sflag:$0x3] =	stream.linear.gather [hbm4b:s31+s3], $0x7D00, $0x38;
	[tilespmem:$0x16F30] =	vst v63  }
0x196: {  	_ = 	snop  }
0x197: {  	[spmem:s2] =	stream.indirect.scatter.add.f32 [tilespmem:s8], [sflag:$0x5], $0x20, s28, s11, $0xb8;
	[tilespmem:$0x16F30] =	vst v63  }
0x198: {  	_ =	swait.ge [sflag:s6], $0x7D00  }
0x199: {  	[sflag:s6] =	ssyncset.done $0x0  }
0x19a: {  	[sflag:s6] =	ssyncadd.s32 $0xFFFF8300  }
0x19b: {  	_ =	swait.ge [sflag:s18], $0x3E8  }
0x19c: {  	[sflag:s18] =	ssyncset.done $0x0  }
0x19d: {  	[sflag:s18] =	ssyncadd.s32 $0xFFFFFC18  }
0x19e: {  	_ =	swait.ge [sflag:s17], $0x7D00  }
0x19f: {  	[sflag:s17] =	ssyncset.done $0x0  }
0x1a0: {  	s1 =	rddreg [dreg:$0xf];
	[sflag:s17] =	ssyncadd.s32 $0xFFFF8300  }
0x1a1: {  	[tilespmem:s25], [sflag:$0x2] =	stream.linear.gather [hbm4b:s1+s3], $0x3E8, $0x38;
	[tilespmem:$0x16F30] =	vst v63  }
0x1a2: {  	s28 =	rddreg [dreg:$0x10]  }
0x1a3: {  	[tilespmem:s8], [sflag:$0x4] =	stream.linear.gather [hbm4b:s28+s3], $0x7D00, $0x38;
	[tilespmem:$0x16F30] =	vst v63  }
0x1a4: {  	_ = 	snop  }
0x1a5: {  	[spmem:s2] =	stream.indirect.scatter.add.f32 [tilespmem:s13], [sflag:$0x5], $0x20, s26, s11, $0xb8;
	[tilespmem:$0x16F30] =	vst v63  }
0x1a6: {  	_ =	swait.ge [sflag:s6], $0x7D00  }
0x1a7: {  	[sflag:s6] =	ssyncset.done $0x0  }
0x1a8: {  	[sflag:s6] =	ssyncadd.s32 $0xFFFF8300  }
0x1a9: {  	_ =	swait.ge [sflag:s14], $0x3E8  }
0x1aa: {  	[sflag:s14] =	ssyncset.done $0x0  }
0x1ab: {  	[sflag:s14] =	ssyncadd.s32 $0xFFFFFC18  }
0x1ac: {  	_ =	swait.ge [sflag:s12], $0x7D00  }
0x1ad: {  	[sflag:s12] =	ssyncset.done $0x0  }
0x1ae: {  	s29 =	rddreg [dreg:$0x11];
	[sflag:s12] =	ssyncadd.s32 $0xFFFF8300  }
0x1af: {  	[tilespmem:s24], [sflag:$0x1] =	stream.linear.gather [hbm4b:s29+s3], $0x3E8, $0x38;
	[tilespmem:$0x16F30] =	vst v63  }
0x1b0: {  	s30 =	rddreg [dreg:$0x12]  }
0x1b1: {  	[tilespmem:s13], [sflag:$0x3] =	stream.linear.gather [hbm4b:s30+s3], $0x7D00, $0x38;
	[tilespmem:$0x16F30] =	vst v63  }
0x1b2: {  	_ = 	snop  }
0x1b3: {  	[spmem:s2] =	stream.indirect.scatter.add.f32 [tilespmem:s8], [sflag:$0x5], $0x20, s25, s11, $0xb8;
	[tilespmem:$0x16F30] =	vst v63  }
0x1b4: {  	_ =	swait.ge [sflag:s6], $0x7D00  }
0x1b5: {  	[sflag:s6] =	ssyncset.done $0x0  }
0x1b6: {  	[sflag:s6] =	ssyncadd.s32 $0xFFFF8300  }
0x1b7: {  	_ =	swait.ge [sflag:s18], $0x3E8  }
0x1b8: {  	[sflag:s18] =	ssyncset.done $0x0  }
0x1b9: {  	[sflag:s18] =	ssyncadd.s32 $0xFFFFFC18  }
0x1ba: {  	_ =	swait.ge [sflag:s17], $0x7D00  }
0x1bb: {  	[sflag:s17] =	ssyncset.done $0x0  }
0x1bc: {  	[sflag:s17] =	ssyncadd.s32 $0xFFFF8300  }
0x1bd: {  	[tilespmem:s23], [sflag:$0x2] =	stream.linear.gather [hbm4b:s20+s3], $0x3E8, $0x38;
	[tilespmem:$0x16F30] =	vst v63  }
0x1be: {  	_ = 	snop  }
0x1bf: {  	[tilespmem:s8], [sflag:$0x4] =	stream.linear.gather [hbm4b:s21+s3], $0x7D00, $0x38;
	[tilespmem:$0x16F30] =	vst v63  }
0x1c0: {  	_ = 	snop  }
0x1c1: {  	[spmem:s2] =	stream.indirect.scatter.add.f32 [tilespmem:s13], [sflag:$0x5], $0x20, s24, s11, $0xb8;
	[tilespmem:$0x16F30] =	vst v63  }
0x1c2: {  	_ =	swait.ge [sflag:s6], $0x7D00  }
0x1c3: {  	[sflag:s6] =	ssyncset.done $0x0  }
0x1c4: {  	[sflag:s6] =	ssyncadd.s32 $0xFFFF8300  }
0x1c5: {  	_ =	swait.ge [sflag:s14], $0x3E8  }
0x1c6: {  	[sflag:s14] =	ssyncset.done $0x0  }
0x1c7: {  	[sflag:s14] =	ssyncadd.s32 $0xFFFFFC18  }
0x1c8: {  	_ =	swait.ge [sflag:s12], $0x7D00  }
0x1c9: {  	[sflag:s12] =	ssyncset.done $0x0  }
0x1ca: {  	[sflag:s12] =	ssyncadd.s32 $0xFFFF8300  }
0x1cb: {  	[tilespmem:s22], [sflag:$0x1] =	stream.linear.gather [hbm4b:s15+s3], $0x3E8, $0x38;
	[tilespmem:$0x16F30] =	vst v63  }
0x1cc: {  	_ = 	snop  }
0x1cd: {  	[tilespmem:s13], [sflag:$0x3] =	stream.linear.gather [hbm4b:s16+s3], $0x7D00, $0x38;
	[tilespmem:$0x16F30] =	vst v63  }
0x1ce: {  	_ = 	snop  }
0x1cf: {  	[spmem:s2] =	stream.indirect.scatter.add.f32 [tilespmem:s8], [sflag:$0x5], $0x20, s23, s11, $0xb8;
	[tilespmem:$0x16F30] =	vst v63  }
0x1d0: {  	_ =	swait.ge [sflag:s6], $0x7D00  }
0x1d1: {  	[sflag:s6] =	ssyncset.done $0x0  }
0x1d2: {  	[sflag:s6] =	ssyncadd.s32 $0xFFFF8300  }
0x1d3: {  	_ =	swait.ge [sflag:s18], $0x3E8  }
0x1d4: {  	[sflag:s18] =	ssyncset.done $0x0  }
0x1d5: {  	[sflag:s18] =	ssyncadd.s32 $0xFFFFFC18  }
0x1d6: {  	_ =	swait.ge [sflag:s17], $0x7D00  }
0x1d7: {  	[sflag:s17] =	ssyncset.done $0x0  }
0x1d8: {  	[sflag:s17] =	ssyncadd.s32 $0xFFFF8300  }
0x1d9: {  	[tilespmem:s19], [sflag:$0x2] =	stream.linear.gather [hbm4b:s9+s3], $0x3E8, $0x38;
	[tilespmem:$0x16F30] =	vst v63  }
0x1da: {  	_ = 	snop  }
0x1db: {  	[tilespmem:s8], [sflag:$0x4] =	stream.linear.gather [hbm4b:s10+s3], $0x7D00, $0x38;
	[tilespmem:$0x16F30] =	vst v63  }
0x1dc: {  	_ = 	snop  }
0x1dd: {  	[spmem:s2] =	stream.indirect.scatter.add.f32 [tilespmem:s13], [sflag:$0x5], $0x20, s22, s11, $0xb8;
	[tilespmem:$0x16F30] =	vst v63  }
0x1de: {  	_ =	swait.ge [sflag:s6], $0x7D00  }
0x1df: {  	[sflag:s6] =	ssyncset.done $0x0  }
0x1e0: {  	[sflag:s6] =	ssyncadd.s32 $0xFFFF8300  }
0x1e1: {  	_ =	swait.ge [sflag:s14], $0x3E8  }
0x1e2: {  	[sflag:s14] =	ssyncset.done $0x0  }
0x1e3: {  	[sflag:s14] =	ssyncadd.s32 $0xFFFFFC18  }
0x1e4: {  	_ =	swait.ge [sflag:s12], $0x7D00  }
0x1e5: {  	[sflag:s12] =	ssyncset.done $0x0  }
0x1e6: {  	[sflag:s12] =	ssyncadd.s32 $0xFFFF8300  }
0x1e7: {  	[spmem:s2] =	stream.indirect.scatter.add.f32 [tilespmem:s8], [sflag:$0x5], $0x20, s19, s11, $0xb8;
	[tilespmem:$0x16F30] =	vst v63  }
0x1e8: {  	_ =	swait.ge [sflag:s6], $0x7D00  }
0x1e9: {  	[sflag:s6] =	ssyncset.done $0x0  }
0x1ea: {  	[sflag:s6] =	ssyncadd.s32 $0xFFFF8300  }
0x1eb: {  	[bflag:$0x0] =	sbarrier.arrive $0xFFFF  }
0x1ec: {  	[hbm:s5], [sflag:s4] =	dma.local [spmem:s7], $0x9C4  }
0x1ed: {  	_ =	swait.ge [sflag:s6], $0x9C4  }
0x1ee: {  	[sflag:s6] =	ssyncset.done $0x0  }
0x1ef: {  	[sflag:s6] =	ssyncadd.s32 $0xFFFFF63C  }
0x1f0: {  	_ =	sfence.sel $0x180000  }
0x1f1: {  	[bflag:$0x0] =	sbarrier.arrive $0xFFFF  }
0x1f2: {  	_ =	strace $0x9000004D  }
0x1f3: {  	s31 =	stileid.u32;
	[bflag:$0x2] =	sbarrier.arrive $0xFFFF  }
0x1f4: {  	p0 =	sne.s32 s31, $0x0;
	s0 =	rddreg [dreg:$0x3]  }
0x1f5: {  	s0 =	sadd.s32 @!p0 $0x100000, s0  }
0x1f6: {  	[sflag:s0] =	ssyncadd.tile.s32 @!p0 $0x1;
	_ =	shalt  }
.Lfunc_end2:
_tile_overlayer_lowered:
.L_overlay_start_2:
0x1f7: {  	(tag) =	ssettag $0x2  }
0x1f8: {  	s0 =	rddreg [dreg:$0x0];
	s2 =	stileid.u32  }
0x1f9: {  	s1 =	rddreg [dreg:$0x1];
	p0 =	sne.s32 s2, $0x0  }
0x1fa: {  	s3 =	rddreg [dreg:$0x2];
	[bflag:$0x3] =	sbarrier.arrive $0xFFFF;
	s2 =	simm.s32 @!p0 $0x1C05  }
0x1fb: {  	[timem:s3], [sflag:s2] =	dma.local @!p0 [hbm:s0], s1  }
0x1fc: {  	s0 =	simm.s32 @!p0 $0x5  }
0x1fd: {  	_ =	swait.ge @!p0 [sflag:s0], s1  }
0x1fe: {  	s1 =	ssub.s32 @!p0 $0x0, s1;
	[sflag:s0] =	ssyncset.done @!p0 $0x0  }
0x1ff: {  	[sflag:s0] =	ssyncadd.s32 @!p0 s1  }
0x200: {  	[bflag:$0x3] =	sbarrier.arrive $0xFFFF  }
0x201: {  	_ =	shalt  }

// kernel: kernel.16.cloned.1.call-start
scs
__scs_entry_jumppad:
0x0: {  	(pc) =	sbr.rel $0x88, $3  }
0x1: {  	(tag) =	ssettag $0x0;
	lr =	simm.s32 $0x1  }
0x2: {  	[smem:$0x3F7F] =	sst lr;
	_ =	strace $0xD0000000  }
0x3: {  	_ = 	snop  }
0x4: {  	_ = 	snop  }
0x5: {  	_ = 	snop  }
0x6: {  	_ = 	snop  }
0x7: {  	_ = 	snop  }
__scs_overlays_trampoline_lowered:
0x8: {  	[smem:$0x3F8E] =	sst s0  }
0x9: {  	[smem:$0x3F8F] =	sst s1  }
0xa: {  	[smem:$0x3F90] =	sst s2  }
0xb: {  	[smem:$0x3F91] =	sst s3  }
0xc: {  	[smem:$0x3F92] =	sst s4  }
0xd: {  	[smem:$0x3F93] =	sst s5  }
0xe: {  	[smem:$0x3F94] =	sst s6  }
0xf: {  	[smem:$0x3F95] =	sst s7  }
0x10: {  	[smem:$0x3F96] =	sst s8  }
0x11: {  	[smem:$0x3F97] =	sst s9;
	s0 =	simm.s32 @!p0 $0x0  }
0x12: {  	s1 =	sld [smem:$0x3F7D];
	s0 =	simm.s32 @p0 $0x1  }
0x13: {  	[smem:$0x3F98] =	sst s0;
	s0 =	simm.s32 @!p1 $0x0  }
0x14: {  	s2 =	sld [smem:$0x3F7C];
	s0 =	simm.s32 @p1 $0x1  }
0x15: {  	[smem:$0x3F99] =	sst s0;
	s0 =	simm.s32 @!p2 $0x0  }
0x16: {  	s3 =	sld [smem:$0x3FDB];
	s0 =	simm.s32 @p2 $0x1  }
0x17: {  	s4 =	simm.s32 $0x1BF5;
	[smem:$0x3F9B] =	sst s0  }
0x18: {  	s0 =	sld [smem:$0x3F7E];
	_ =	swait.ge [sflag:s4], $0x0  }
0x19: {  	s7 =	sld [smem:$0x3F7F]  }
0x1a: {  	s8 =	sadd.s32 $0xFFFFE003, lr  }
0x1b: {  	s9 =	sadd.s32 $0xFFFFFEF7, lr;
	s5 =	simm.s32 $0xFFFFFFFF;
	p2 =	slt.u32 s8, $0xFFFFF086  }
0x1c: {  	p1 =	slt.u32 s9, $0xF7A;
	s5 =	simm.s32 @!p2 $0x0  }
0x1d: {  	s5 =	simm.s32 @p1 $0x1;
	p0 =	seq.s32 s7, s2  }
0x1e: {  	s7 =	smul.u32 @!p0 $0xF7A, s2;
	p2 =	seq.s32 @!p0 s5, $0x0  }
0x1f: {  	s9 =	smul.u32 $0xF7A, s1;
	s8 =	simm.s32 @!p0 $0x1BF5;
	p2 =	por !p2, p0  }
0x20: {  	[sflag:s8] =	ssyncset.s32 @!p0 $0xFFFFF086;
	s6 =	sadd.s32 @!p0 s3, s7;
	s7 =	simm.s32 @!p0 $0x108  }
0x21: {  	s3 =	sadd.s32 s3, s9;
	s6 =	sadd.s32 @!p0 $0x88, s6;
	s7 =	simm.s32 @p2 $0x1082  }
0x22: {  	[simem:s7], [sflag:s8] =	dma.local @!p0 [hbm:s6], $0xF7A  }
0x23: {  	s9 =	sor.u32 $0xD0000000, s2;
	s6 =	simm.s32 $0x108;
	_ =	swait.ge @!p0 [sflag:s8], $0x0  }
0x24: {  	s3 =	sadd.s32 $0x88, s3;
	s6 =	simm.s32 @!p1 $0x1082;
	[sflag:s4] =	ssyncset.s32 $0xFFFFF086  }
0x25: {  	[simem:s6], [sflag:s4] =	dma.local [hbm:s3], $0xF7A  }
0x26: {  	[smem:$0x3F7F] =	sst s1;
	(tag) =	ssettag s2;
	_ =	strace s9  }
0x27: {  	s1 =	sld [smem:$0x3F8F]  }
0x28: {  	s2 =	sld [smem:$0x3F90]  }
0x29: {  	s4 =	sld [smem:$0x3F92]  }
0x2a: {  	p0 =	seq.s32 s5, $0x0;
	s5 =	sld [smem:$0x3F93]  }
0x2b: {  	s6 =	sld [smem:$0x3F94]  }
0x2c: {  	s7 =	sld [smem:$0x3F95]  }
0x2d: {  	s3 =	simm.s32 $0x108;
	s8 =	sld [smem:$0x3F96]  }
0x2e: {  	s3 =	simm.s32 @!p0 $0x1082;
	s9 =	sld [smem:$0x3F97]  }
0x2f: {  	lr =	sadd.s32 s0, s3;
	s0 =	sld [smem:$0x3F8E]  }
0x30: {  	s3 =	sld [smem:$0x3F91]  }
0x31: {  	[smem:$0x3F9A] =	sst s10  }
0x32: {  	s10 =	sld [smem:$0x3F98];
	_ =	sdelay $0x3  }
0x33: {  	p0 =	seq.s32 s10, $0x1;
	s10 =	sld [smem:$0x3F9A];
	_ =	sdelay $0x3  }
0x34: {  	[smem:$0x3F9A] =	sst s10  }
0x35: {  	s10 =	sld [smem:$0x3F99];
	_ =	sdelay $0x3  }
0x36: {  	p1 =	seq.s32 s10, $0x1;
	s10 =	sld [smem:$0x3F9A];
	_ =	sdelay $0x3  }
0x37: {  	[smem:$0x3F9A] =	sst s10  }
0x38: {  	s10 =	sld [smem:$0x3F9B]  }
0x39: {  	_ = 	snop;
	(pc) =	sbr.ind lr, $3  }
0x3a: {  	_ = 	snop  }
0x3b: {  	_ = 	snop  }
0x3c: {  	p2 =	seq.s32 s10, $0x1;
	s10 =	sld [smem:$0x3F9A]  }
0x3d: {  	_ =	shalt  }
0x3e: {  	_ =	shalt  }
0x3f: {  	_ =	shalt  }
0x40: {  	_ =	shalt  }
0x41: {  	_ =	shalt  }
0x42: {  	_ =	shalt  }
0x43: {  	_ =	shalt  }
0x44: {  	_ =	shalt  }
0x45: {  	_ =	shalt  }
0x46: {  	_ =	shalt  }
0x47: {  	_ =	shalt  }
0x48: {  	_ =	shalt  }
0x49: {  	_ =	shalt  }
0x4a: {  	_ =	shalt  }
0x4b: {  	_ =	shalt  }
0x4c: {  	_ =	shalt  }
0x4d: {  	_ =	shalt  }
0x4e: {  	_ =	shalt  }
0x4f: {  	_ =	shalt  }
0x50: {  	_ =	shalt  }
0x51: {  	_ =	shalt  }
0x52: {  	_ =	shalt  }
0x53: {  	_ =	shalt  }
0x54: {  	_ =	shalt  }
0x55: {  	_ =	shalt  }
0x56: {  	_ =	shalt  }
0x57: {  	_ =	shalt  }
0x58: {  	_ =	shalt  }
0x59: {  	_ =	shalt  }
0x5a: {  	_ =	shalt  }
0x5b: {  	_ =	shalt  }
0x5c: {  	_ =	shalt  }
0x5d: {  	_ =	shalt  }
0x5e: {  	_ =	shalt  }
0x5f: {  	_ =	shalt  }
0x60: {  	_ =	shalt  }
0x61: {  	_ =	shalt  }
0x62: {  	_ =	shalt  }
0x63: {  	_ =	shalt  }
0x64: {  	_ =	shalt  }
0x65: {  	_ =	shalt  }
0x66: {  	_ =	shalt  }
0x67: {  	_ =	shalt  }
0x68: {  	_ =	shalt  }
0x69: {  	_ =	shalt  }
0x6a: {  	_ =	shalt  }
0x6b: {  	_ =	shalt  }
0x6c: {  	_ =	shalt  }
0x6d: {  	_ =	shalt  }
0x6e: {  	_ =	shalt  }
0x6f: {  	_ =	shalt  }
0x70: {  	_ =	shalt  }
0x71: {  	_ =	shalt  }
0x72: {  	_ =	shalt  }
0x73: {  	_ =	shalt  }
0x74: {  	_ =	shalt  }
0x75: {  	_ =	shalt  }
0x76: {  	_ =	shalt  }
0x77: {  	_ =	shalt  }
0x78: {  	_ =	shalt  }
0x79: {  	_ =	shalt  }
0x7a: {  	_ =	shalt  }
0x7b: {  	_ =	shalt  }
0x7c: {  	_ =	shalt  }
0x7d: {  	_ =	shalt  }
0x7e: {  	_ =	shalt  }
0x7f: {  	_ =	shalt  }
0x80: {  	_ =	shalt  }
0x81: {  	_ =	shalt  }
0x82: {  	_ =	shalt  }
0x83: {  	_ =	shalt  }
0x84: {  	_ =	shalt  }
0x85: {  	_ =	shalt  }
0x86: {  	_ =	shalt  }
0x87: {  	_ =	shalt  }
.Lfunc_end0:
.L_simem_size_0:
called_computation.2_lowered:
.L_overlay_start_0:
0x88: {  	s2 =	sld [smem:$0x3FD9]  }
0x89: {  	s3 =	sld [smem:$0x3FFE];
	_ =	sdelay $0x1  }
0x8a: {  	s1 =	srdreg.scid  }
0x8b: {  	s0 =	sand.u32 $0x1, s1  }
0x8c: {  	s16 =	sshll.u32 s0, $0xA;
	s2 =	sadd.s32 s3, s2  }
0x8d: {  	s2 =	sadd.s32 s2, s16  }
0x8e: {  	[smem:$0x3FA6] =	sst s2  }
0x8f: {  	_ = 	snop  }
0x90: {  	(tm) =	ssettm $0x1  }
0x91: {  	s17 =	sld [smem:$0x3FFB];
	_ =	sdelay $0x3  }
0x92: {  	_ =	strace s17  }
0x93: {  	s2 =	sld [smem:$0x3FFC];
	_ =	sdelay $0x3  }
0x94: {  	_ =	strace s2  }
0x95: {  	s2 =	sld [smem:$0x3FFD];
	_ =	sdelay $0x3  }
0x96: {  	_ =	strace s2  }
0x97: {  	_ =	strace $0x8FFFFFFF  }
0x98: {  	s18 =	sld [smem:$0x3FDB];
	_ =	sdelay $0x1  }
0x99: {  	s19 =	simm.s32 $_scs_section_size  }
0x9a: {  	s4 =	simm.s32 $_size__tile_overlayer_lowered;
	s5 =	simm.s32 $_tile_overlayer_lowered  }
0x9b: {  	s22 =	simm.s32 $0x1BFF;
	s21 =	sshll.u32 s5, $0x1;
	s2 =	sadd.s32 s19, s18  }
0x9c: {  	s6 =	simm.s32 $0x0;
	s20 =	sshll.u32 s4, $0x1;
	s4 =	sadd.s32 s21, s2  }
0x9d: {  	[timem:s6], [sflag:s22] =	dma.local [hbm:s4], s20  }
0x9e: {  	_ =	swait.ge [sflag:s22], s20  }
0x9f: {  	s3 =	ssub.s32 $0x0, s20;
	[sflag:s22] =	ssyncset.done $0x0  }
0xa0: {  	[sflag:s22] =	ssyncadd.s32 s3;
	_ =	sdelay $0x1  }
0xa1: {  	s23 =	simm.s32 $0x1B8B  }
0xa2: {  	_ =	swait.ge [sflag:s23], $0x1  }
0xa3: {  	[sflag:s23] =	ssyncset.done $0x0  }
0xa4: {  	s25 =	simm.s32 $0x1B8E;
	s24 =	sld [smem:$0x3FFE];
	[sflag:s23] =	ssyncadd.s32 $0xFFFFFFFF  }
0xa5: {  	s26 =	simm.s32 $execute0_lowered;
	[smem:$0x3FD2] =	sst s25  }
0xa6: {  	s4 =	sshll.u32 s26, $0x1;
	_ =	strace $0x80000049;
	[dreg:$0x1] =	wrdreg $0xFFFFFFFF  }
0xa7: {  	s28 =	simm.s32 $_size_execute0_lowered;
	s2 =	sadd.s32 s2, s4;
	[dreg:$0x0] =	wrdreg $0x0  }
0xa8: {  	s4 =	sshll.u32 s28, $0x1;
	[dreg:$0x2] =	wrdreg s2  }
0xa9: {  	[dreg:$0x3] =	wrdreg s4  }
0xaa: {  	[dreg:$0x4] =	wrdreg $0xC0  }
0xab: {  	_ =	task [dreg:s6], $0x5FFFF  }
0xac: {  	[dreg:$0x1] =	wrdreg $0xFFFFFFFF  }
0xad: {  	[dreg:$0x0] =	wrdreg $0x60  }
0xae: {  	[dreg:$0x2] =	wrdreg s24  }
0xaf: {  	[dreg:$0x3] =	wrdreg $0x0  }
0xb0: {  	[dreg:$0x4] =	wrdreg $0xA  }
0xb1: {  	_ =	task.clear_ibuf [dreg:s6], $0x5FFFF;
	_ =	strace $0x90000049  }
0xb2: {  	s29 =	simm.s32 $0xA;
	_ =	strace $0x8000004B  }
0xb3: {  	_ =	swait.ge [sflag:s29], $0x1  }
0xb4: {  	[sflag:s29] =	ssyncadd.s32 $0xFFFFFFFF  }
0xb5: {  	_ =	strace $0x9000004B  }
0xb6: {  	_ =	sfence  }
0xb7: {  	s30 =	sld [smem:$0x0];
	_ =	sdelay $0x2  }
0xb8: {  	s31 =	sshll.u32 s1, $0xD;
	s1 =	sshrl.u32 s1, $0x2  }
0xb9: {  	s3 =	sand.u32 $0x4000, s31;
	s1 =	sadd.s32 s1, s30  }
0xba: {  	s0 =	sor.u32 s3, s0;
	s1 =	sshll.u32 s1, $0x11  }
0xbb: {  	s0 =	sor.u32 s1, s0  }
0xbc: {  	s0 =	sadd.s32 $0x8F2B, s0  }
0xbd: {  	[sflag:s0] =	ssyncadd.remote.s32 $0x1  }
0xbe: {  	_ =	sfence.sel $0xFFFF  }
0xbf: {  	[dreg:$0x0] =	wrdreg $0xFFFFFFFF;
	(pc) =	sbr.abs _section_cstart, $3  }
0xc0: {  	[dreg:$0x1] =	wrdreg $0xFFFFFFFF  }
0xc1: {  	_ =	task.clear_ibuf [dreg:s6], $0x2FFFF;
	_ =	strace $0x9FFFFFFF  }
0xc2: {  	(tm) =	ssettm $0x7FFFFFFF  }
0xc3: {  	_ =	shalt  }
tec
execute0_lowered:
.L_overlay_start_1:
0x0: {  	(tag) =	ssettag $0x1  }
0x1: {  	s28 =	rddreg [dreg:$0x0]  }
0x2: {  	s2 =	rddreg [dreg:$0x1]  }
0x3: {  	s0 =	rddreg [dreg:$0x2]  }
0x4: {  	s3 =	simm.s32 $0x0;
	s1 =	stileid.u32;
	s4 =	srdreg.scid  }
0x5: {  	[smem:$0x7FF] =	sst s3;
	s29 =	smul.u32 $0x4E20, s1  }
0x6: {  	s30 =	sand.u32 $0x1, s4;
	s31 =	sshll.u32 s1, $0x1;
	s6 =	sshll.u32 s1, $0x6  }
0x7: {  	_ =	strace $0x8000004A;
	s5 =	sshrl.u32 s29, $0x3;
	s7 =	sadd.s32 s29, s2  }
0x8: {  	s9 =	sor.u32 s30, s31;
	s5 =	sadd.s32 s5, s28;
	s7 =	sshrl.u32 s7, $0x3  }
0x9: {  	s4 =	sadd.s32 $0x2A6400, s5;
	s5 =	sor.u32 $0x1C05, s6;
	s6 =	simm.s32 $0x5  }
0xa: {  	[spmem:s7], [sflag:s5] =	dma.local [hbm:s4], $0x9C4  }
0xb: {  	s24 =	smul.u32 $0xFA0, s9;
	_ =	swait.ge [sflag:s6], $0x9C4  }
0xc: {  	s25 =	sadd.s32 $0xA200, s28;
	s26 =	sadd.s32 $0x229400, s28;
	[sflag:s6] =	ssyncset.done $0x0  }
0xd: {  	s10 =	smul.u32 $0x3E80, s9;
	s8 =	sshrl.u32 s24, $0x3;
	[sflag:s6] =	ssyncadd.s32 $0xFFFFF63C  }
0xe: {  	s9 =	simm.s32 $0x4E20;
	s8 =	sadd.s32 s25, s8;
	[bflag:$0x0] =	sbarrier.arrive $0xFFFF  }
0xf: {  	[tilespmem:s9], [sflag:$0x1] =	stream.linear.gather [hbm4b:s8+s3], $0x3E8, $0x38;
	[tilespmem:$0x157C0] =	vst v63  }
0x10: {  	s11 =	simm.s32 $0x5DC0;
	s12 =	simm.s32 $0x1;
	s10 =	sadd.s32 s26, s10  }
0x11: {  	[tilespmem:s11], [sflag:$0x3] =	stream.linear.gather [hbm4b:s10+s3], $0x7D00, $0x38;
	[tilespmem:$0x157C0] =	vst v63  }
0x12: {  	_ =	swait.ge [sflag:s12], $0x3E8  }
0x13: {  	[sflag:s12] =	ssyncset.done $0x0  }
0x14: {  	s13 =	simm.s32 $0x3;
	[sflag:s12] =	ssyncadd.s32 $0xFFFFFC18  }
0x15: {  	s15 =	sadd.s32 $0x3E8, s24;
	_ =	swait.ge [sflag:s13], $0x7D00  }
0x16: {  	s14 =	sshrl.u32 s15, $0x3;
	s16 =	sshll.u32 s15, $0x2;
	[sflag:s13] =	ssyncset.done $0x0  }
0x17: {  	s15 =	simm.s32 $0x5208;
	s14 =	sadd.s32 s25, s14;
	[sflag:s13] =	ssyncadd.s32 $0xFFFF8300  }
0x18: {  	[tilespmem:s15], [sflag:$0x2] =	stream.linear.gather [hbm4b:s14+s3], $0x3E8, $0x38;
	[tilespmem:$0x157C0] =	vst v63  }
0x19: {  	s17 =	simm.s32 $0xDAC0;
	s16 =	sadd.s32 s26, s16  }
0x1a: {  	[tilespmem:s17], [sflag:$0x4] =	stream.linear.gather [hbm4b:s16+s3], $0x7D00, $0x38;
	[tilespmem:$0x157C0] =	vst v63  }
0x1b: {  	s18 =	simm.s32 $0x3E8  }
0x1c: {  	[spmem:s2] =	stream.indirect.scatter.add.f32 [tilespmem:s11], [sflag:$0x5], $0x20, s9, s18, $0xb8;
	[tilespmem:$0x157C0] =	vst v63  }
0x1d: {  	_ =	swait.ge [sflag:s6], $0x7D00  }
0x1e: {  	[sflag:s6] =	ssyncset.done $0x0  }
0x1f: {  	s19 =	simm.s32 $0x2;
	[sflag:s6] =	ssyncadd.s32 $0xFFFF8300  }
0x20: {  	_ =	swait.ge [sflag:s19], $0x3E8  }
0x21: {  	[sflag:s19] =	ssyncset.done $0x0  }
0x22: {  	s20 =	simm.s32 $0x4;
	[sflag:s19] =	ssyncadd.s32 $0xFFFFFC18  }
0x23: {  	s22 =	sadd.s32 $0x7D0, s24;
	_ =	swait.ge [sflag:s20], $0x7D00  }
0x24: {  	s21 =	sshrl.u32 s22, $0x3;
	s23 =	sshll.u32 s22, $0x2;
	[sflag:s20] =	ssyncset.done $0x0  }
0x25: {  	s22 =	simm.s32 $0x55F0;
	s21 =	sadd.s32 s25, s21;
	[sflag:s20] =	ssyncadd.s32 $0xFFFF8300  }
0x26: {  	[tilespmem:s22], [sflag:$0x1] =	stream.linear.gather [hbm4b:s21+s3], $0x3E8, $0x38;
	[tilespmem:$0x157C0] =	vst v63  }
0x27: {  	s23 =	sadd.s32 s26, s23  }
0x28: {  	[tilespmem:s11], [sflag:$0x3] =	stream.linear.gather [hbm4b:s23+s3], $0x7D00, $0x38;
	[tilespmem:$0x157C0] =	vst v63  }
0x29: {  	_ = 	snop  }
0x2a: {  	[spmem:s2] =	stream.indirect.scatter.add.f32 [tilespmem:s17], [sflag:$0x5], $0x20, s15, s18, $0xb8;
	[tilespmem:$0x157C0] =	vst v63  }
0x2b: {  	_ =	swait.ge [sflag:s6], $0x7D00  }
0x2c: {  	[sflag:s6] =	ssyncset.done $0x0  }
0x2d: {  	[sflag:s6] =	ssyncadd.s32 $0xFFFF8300  }
0x2e: {  	_ =	swait.ge [sflag:s12], $0x3E8  }
0x2f: {  	[sflag:s12] =	ssyncset.done $0x0  }
0x30: {  	[sflag:s12] =	ssyncadd.s32 $0xFFFFFC18  }
0x31: {  	s31 =	sadd.s32 $0xBB8, s24;
	_ =	swait.ge [sflag:s13], $0x7D00  }
0x32: {  	s24 =	sshrl.u32 s31, $0x3;
	s31 =	sshll.u32 s31, $0x2;
	[sflag:s13] =	ssyncset.done $0x0  }
0x33: {  	s24 =	sadd.s32 s25, s24;
	s25 =	simm.s32 $0x59D8;
	[sflag:s13] =	ssyncadd.s32 $0xFFFF8300  }
0x34: {  	[tilespmem:s25], [sflag:$0x2] =	stream.linear.gather [hbm4b:s24+s3], $0x3E8, $0x38;
	[tilespmem:$0x157C0] =	vst v63  }
0x35: {  	s26 =	sadd.s32 s26, s31  }
0x36: {  	[tilespmem:s17], [sflag:$0x4] =	stream.linear.gather [hbm4b:s26+s3], $0x7D00, $0x38;
	[tilespmem:$0x157C0] =	vst v63  }
0x37: {  	_ = 	snop  }
0x38: {  	[spmem:s2] =	stream.indirect.scatter.add.f32 [tilespmem:s11], [sflag:$0x5], $0x20, s22, s18, $0xb8;
	[tilespmem:$0x157C0] =	vst v63  }
0x39: {  	_ =	swait.ge [sflag:s6], $0x7D00  }
0x3a: {  	[sflag:s6] =	ssyncset.done $0x0  }
0x3b: {  	[sflag:s6] =	ssyncadd.s32 $0xFFFF8300  }
0x3c: {  	_ =	swait.ge [sflag:s19], $0x3E8  }
0x3d: {  	s31 =	smul.u32 $0x4E200, s30;
	[sflag:s19] =	ssyncset.done $0x0  }
0x3e: {  	[sflag:s19] =	ssyncadd.s32 $0xFFFFFC18  }
0x3f: {  	s30 =	ssub.s32 $0x2, s30;
	s29 =	sadd.s32 s29, s31;
	_ =	swait.ge [sflag:s20], $0x7D00  }
0x40: {  	s31 =	sshrl.u32 s30, $0x1;
	s29 =	sshrl.u32 s29, $0x3;
	[sflag:s20] =	ssyncset.done $0x0  }
0x41: {  	s28 =	sadd.s32 s29, s28;
	s29 =	ssub.s32 s30, s31;
	[sflag:s20] =	ssyncadd.s32 $0xFFFF8300  }
0x42: {  	[spmem:s2] =	stream.indirect.scatter.add.f32 [tilespmem:s17], [sflag:$0x5], $0x20, s25, s18, $0xb8;
	[tilespmem:$0x157C0] =	vst v63  }
0x43: {  	s29 =	smax.u32 s29, $0x1;
	_ =	swait.ge [sflag:s6], $0x7D00  }
0x44: {  	p0 =	sne.s32 s29, $0x1;
	[sflag:s6] =	ssyncset.done $0x0  }
.Ltmp0:
0x45: {  	[sflag:s6] =	ssyncadd.s32 $0xFFFF8300;
	(pc) =	sbr.rel @!p0 .LBB2_2-.Ltmp0, $4  }
0x46: {  	s28 =	sadd.s32 $0x2B0200, s28;
	[bflag:$0x0] =	sbarrier.arrive $0xFFFF  }
0x47: {  	[hbm:s28], [sflag:s5] =	dma.local [spmem:s7], $0x9C4  }
0x48: {  	_ =	swait.ge [sflag:s6], $0x9C4  }
0x49: {  	s29 =	sadd.s32 $0xFFFFFFFF, s29;
	[sflag:s6] =	ssyncset.done $0x0  }
.LBB2_1:
0x4a: {  	p0 =	sne.s32 s29, $0x1;
	s29 =	sadd.s32 $0xFFFFFFFF, s29;
	[sflag:s6] =	ssyncadd.s32 $0xFFFFF63C  }
0x4b: {  	[spmem:s7], [sflag:s5] =	dma.local [hbm:s4], $0x9C4  }
0x4c: {  	_ =	swait.ge [sflag:s6], $0x9C4  }
0x4d: {  	[sflag:s6] =	ssyncset.done $0x0  }
0x4e: {  	[sflag:s6] =	ssyncadd.s32 $0xFFFFF63C  }
0x4f: {  	[bflag:$0x0] =	sbarrier.arrive $0xFFFF  }
0x50: {  	[tilespmem:s9], [sflag:$0x1] =	stream.linear.gather [hbm4b:s8+s3], $0x3E8, $0x38;
	[tilespmem:$0x157C0] =	vst v63  }
0x51: {  	_ = 	snop  }
0x52: {  	[tilespmem:s11], [sflag:$0x3] =	stream.linear.gather [hbm4b:s10+s3], $0x7D00, $0x38;
	[tilespmem:$0x157C0] =	vst v63  }
0x53: {  	_ =	swait.ge [sflag:s12], $0x3E8  }
0x54: {  	[sflag:s12] =	ssyncset.done $0x0  }
0x55: {  	[sflag:s12] =	ssyncadd.s32 $0xFFFFFC18  }
0x56: {  	_ =	swait.ge [sflag:s13], $0x7D00  }
0x57: {  	[sflag:s13] =	ssyncset.done $0x0  }
0x58: {  	[sflag:s13] =	ssyncadd.s32 $0xFFFF8300  }
0x59: {  	[tilespmem:s15], [sflag:$0x2] =	stream.linear.gather [hbm4b:s14+s3], $0x3E8, $0x38;
	[tilespmem:$0x157C0] =	vst v63  }
0x5a: {  	_ = 	snop  }
0x5b: {  	[tilespmem:s17], [sflag:$0x4] =	stream.linear.gather [hbm4b:s16+s3], $0x7D00, $0x38;
	[tilespmem:$0x157C0] =	vst v63  }
0x5c: {  	_ = 	snop  }
0x5d: {  	[spmem:s2] =	stream.indirect.scatter.add.f32 [tilespmem:s11], [sflag:$0x5], $0x20, s9, s18, $0xb8;
	[tilespmem:$0x157C0] =	vst v63  }
0x5e: {  	_ =	swait.ge [sflag:s6], $0x7D00  }
0x5f: {  	[sflag:s6] =	ssyncset.done $0x0  }
0x60: {  	[sflag:s6] =	ssyncadd.s32 $0xFFFF8300  }
0x61: {  	_ =	swait.ge [sflag:s19], $0x3E8  }
0x62: {  	[sflag:s19] =	ssyncset.done $0x0  }
0x63: {  	[sflag:s19] =	ssyncadd.s32 $0xFFFFFC18  }
0x64: {  	_ =	swait.ge [sflag:s20], $0x7D00  }
0x65: {  	[sflag:s20] =	ssyncset.done $0x0  }
0x66: {  	[sflag:s20] =	ssyncadd.s32 $0xFFFF8300  }
0x67: {  	[tilespmem:s22], [sflag:$0x1] =	stream.linear.gather [hbm4b:s21+s3], $0x3E8, $0x38;
	[tilespmem:$0x157C0] =	vst v63  }
0x68: {  	_ = 	snop  }
0x69: {  	[tilespmem:s11], [sflag:$0x3] =	stream.linear.gather [hbm4b:s23+s3], $0x7D00, $0x38;
	[tilespmem:$0x157C0] =	vst v63  }
0x6a: {  	_ = 	snop  }
0x6b: {  	[spmem:s2] =	stream.indirect.scatter.add.f32 [tilespmem:s17], [sflag:$0x5], $0x20, s15, s18, $0xb8;
	[tilespmem:$0x157C0] =	vst v63  }
0x6c: {  	_ =	swait.ge [sflag:s6], $0x7D00  }
0x6d: {  	[sflag:s6] =	ssyncset.done $0x0  }
0x6e: {  	[sflag:s6] =	ssyncadd.s32 $0xFFFF8300  }
0x6f: {  	_ =	swait.ge [sflag:s12], $0x3E8  }
0x70: {  	[sflag:s12] =	ssyncset.done $0x0  }
0x71: {  	[sflag:s12] =	ssyncadd.s32 $0xFFFFFC18  }
0x72: {  	_ =	swait.ge [sflag:s13], $0x7D00  }
0x73: {  	[sflag:s13] =	ssyncset.done $0x0  }
0x74: {  	[sflag:s13] =	ssyncadd.s32 $0xFFFF8300  }
0x75: {  	[tilespmem:s25], [sflag:$0x2] =	stream.linear.gather [hbm4b:s24+s3], $0x3E8, $0x38;
	[tilespmem:$0x157C0] =	vst v63  }
0x76: {  	_ = 	snop  }
0x77: {  	[tilespmem:s17], [sflag:$0x4] =	stream.linear.gather [hbm4b:s26+s3], $0x7D00, $0x38;
	[tilespmem:$0x157C0] =	vst v63  }
0x78: {  	_ = 	snop  }
0x79: {  	[spmem:s2] =	stream.indirect.scatter.add.f32 [tilespmem:s11], [sflag:$0x5], $0x20, s22, s18, $0xb8;
	[tilespmem:$0x157C0] =	vst v63  }
0x7a: {  	_ =	swait.ge [sflag:s6], $0x7D00  }
0x7b: {  	[sflag:s6] =	ssyncset.done $0x0  }
0x7c: {  	[sflag:s6] =	ssyncadd.s32 $0xFFFF8300  }
0x7d: {  	_ =	swait.ge [sflag:s19], $0x3E8  }
0x7e: {  	[sflag:s19] =	ssyncset.done $0x0  }
0x7f: {  	[sflag:s19] =	ssyncadd.s32 $0xFFFFFC18  }
0x80: {  	_ =	swait.ge [sflag:s20], $0x7D00  }
0x81: {  	[sflag:s20] =	ssyncset.done $0x0  }
0x82: {  	[sflag:s20] =	ssyncadd.s32 $0xFFFF8300  }
0x83: {  	[spmem:s2] =	stream.indirect.scatter.add.f32 [tilespmem:s17], [sflag:$0x5], $0x20, s25, s18, $0xb8;
	[tilespmem:$0x157C0] =	vst v63  }
0x84: {  	_ =	swait.ge [sflag:s6], $0x7D00  }
0x85: {  	[sflag:s6] =	ssyncset.done $0x0  }
.Ltmp1:
0x86: {  	[sflag:s6] =	ssyncadd.s32 $0xFFFF8300;
	(pc) =	sbr.rel @p0 .LBB2_1-.Ltmp1, $4  }
0x87: {  	[bflag:$0x0] =	sbarrier.arrive $0xFFFF  }
0x88: {  	[hbm:s28], [sflag:s5] =	dma.local [spmem:s7], $0x9C4  }
0x89: {  	_ =	swait.ge [sflag:s6], $0x9C4  }
0x8a: {  	[sflag:s6] =	ssyncset.done $0x0  }
.LBB2_2:
0x8b: {  	[sflag:s6] =	ssyncadd.s32 $0xFFFFF63C  }
0x8c: {  	_ =	sfence.sel $0x180000  }
0x8d: {  	[bflag:$0x0] =	sbarrier.arrive $0xFFFF  }
0x8e: {  	p0 =	sne.s32 s1, $0x0;
	_ =	strace $0x9000004A  }
0x8f: {  	s0 =	sadd.s32 @!p0 $0x100000, s0;
	[bflag:$0x2] =	sbarrier.arrive $0xFFFF  }
0x90: {  	[sflag:s0] =	ssyncadd.tile.s32 @!p0 $0x1;
	_ =	shalt  }
.Lfunc_end2:
_tile_overlayer_lowered:
.L_overlay_start_2:
0x91: {  	(tag) =	ssettag $0x2  }
0x92: {  	s0 =	rddreg [dreg:$0x0];
	s2 =	stileid.u32  }
0x93: {  	s1 =	rddreg [dreg:$0x1];
	p0 =	sne.s32 s2, $0x0  }
0x94: {  	s3 =	rddreg [dreg:$0x2];
	[bflag:$0x3] =	sbarrier.arrive $0xFFFF;
	s2 =	simm.s32 @!p0 $0x1C05  }
0x95: {  	[timem:s3], [sflag:s2] =	dma.local @!p0 [hbm:s0], s1  }
0x96: {  	s0 =	simm.s32 @!p0 $0x5  }
0x97: {  	_ =	swait.ge @!p0 [sflag:s0], s1  }
0x98: {  	s1 =	ssub.s32 @!p0 $0x0, s1;
	[sflag:s0] =	ssyncset.done @!p0 $0x0  }
0x99: {  	[sflag:s0] =	ssyncadd.s32 @!p0 s1  }
0x9a: {  	[bflag:$0x3] =	sbarrier.arrive $0xFFFF  }
0x9b: {  	_ =	shalt  }

</sc_bundles>
